<compile_context>
chip_gen: v7x
topology: tpu7x:2x2x1
jax: 0.10.2.dev20260603
libtpu: 0.0.44.dev20260713+nightly
codegen_flags: <defaults>
</compile_context>

<pallas_src>
import functools

import jax
import jax.numpy as jnp
from jax import lax
from jax.experimental import pallas as pl
from jax.experimental.pallas import tpu as pltpu
from jax.experimental.pallas import tpu_sc as plsc

NC = 2
NS = 16
NW = NC * NS


@functools.lru_cache(maxsize=None)
def _build(B, D):
    b_per_w = B // NW
    mesh = plsc.VectorSubcoreMesh(core_axis_name="c", subcore_axis_name="s")

    @functools.partial(
        pl.kernel,
        mesh=mesh,
        out_type=(
            jax.ShapeDtypeStruct((B, D), jnp.float32),
            jax.ShapeDtypeStruct((B, D), jnp.float32),
        ),
        scratch_types=[
            pltpu.VMEM((b_per_w,), jnp.int32),
            pltpu.VMEM((b_per_w,), jnp.int32),
            pltpu.VMEM((b_per_w, D), jnp.float32),
            pltpu.SemaphoreType.DMA,
        ],
        compiler_params=pltpu.CompilerParams(
            use_tc_tiling_on_sc=True, needs_layout_passes=False),
    )
    def k(ori_hbm, dest_hbm, table_hbm, out_o_hbm, out_d_hbm,
          idx_o, idx_d, rows, sem):
        wid = lax.axis_index("s") * NC + lax.axis_index("c")
        base = wid * b_per_w
        pltpu.sync_copy(ori_hbm.at[pl.ds(base, b_per_w)], idx_o)
        pltpu.sync_copy(dest_hbm.at[pl.ds(base, b_per_w)], idx_d)

        def run(idx, out_hbm):
            def body(g, c):
                for h in range(4):
                    v = idx[pl.ds(g * 64 + h * 16, 16)]
                    for kk in range(16):
                        pltpu.make_async_copy(
                            table_hbm.at[pl.ds(v[kk], 1)],
                            rows.at[pl.ds(g * 64 + h * 16 + kk, 1)],
                            sem).start()
                return c
            lax.fori_loop(0, b_per_w // 64, body, 0)
            pltpu.make_async_copy(
                table_hbm.at[pl.ds(0, b_per_w)], rows, sem).wait()
            pltpu.sync_copy(rows, out_hbm.at[pl.ds(base, b_per_w)])

        run(idx_o, out_o_hbm)
        run(idx_d, out_d_hbm)

    return k


def kernel(ori, dest, table):
    B = ori.shape[0]
    D = table.shape[1]
    return _build(B, D)(ori.astype(jnp.int32), dest.astype(jnp.int32), table)

# --- scband reference (transcript-rebuilt; emitter-appended) ---
"""Pipeline reference for scband-odencoder-59691455480187 (READ-ONLY COPY).

The authoritative reference and input builder live on the scoring server;
editing this copy changes nothing except your own understanding.
"""

import jax, jax.numpy as jnp
import numpy as np

NODE_NUM = 1000000
D_NODE = 64
BATCH = 16384

def setup_inputs(seed: int = 0) -> dict:
    key = jax.random.key(seed)
    k1, k2, k3 = jax.random.split(key, 3)
    ori = jax.random.randint(k1, (BATCH,), 0, NODE_NUM, dtype=jnp.int64 if jax.config.jax_enable_x64 else jnp.int32)
    dest = jax.random.randint(k2, (BATCH,), 0, NODE_NUM, dtype=jnp.int64 if jax.config.jax_enable_x64 else jnp.int32)
    table = jax.random.normal(k3, (NODE_NUM, D_NODE), dtype=jnp.float32)
    return {"ori": ori, "dest": dest, "table": table}

def reference(ori, dest, table):
    # ODEncoder.forward: embedding lookup for origin and destination node ids
    emb_o = jnp.take(table, ori, axis=0)
    emb_d = jnp.take(table, dest, axis=0)
    return (emb_o, emb_d)

if __name__ == "__main__":
    import jax
    _d = setup_inputs()
    print(jax.jit(kernel)(*tuple(_d.values())))

</pallas_src>

<mosaic_0001>
#map = affine_map<(d0, d1) -> (0)>
#map1 = affine_map<(d0, d1) -> (0, 0)>
module attributes {stable_mosaic.version = 14 : i64} {
  func.func @k(%arg0: i32, %arg1: i32, %arg2: memref<16384xi32, #tpu.memory_space<hbm>>, %arg3: memref<16384xi32, #tpu.memory_space<hbm>>, %arg4: memref<1000000x64xf32, #tpu.memory_space<hbm>>, %arg5: memref<16384x64xf32, #tpu.memory_space<hbm>>, %arg6: memref<16384x64xf32, #tpu.memory_space<hbm>>, %arg7: memref<512xi32, #tpu.memory_space<vmem>>, %arg8: memref<512xi32, #tpu.memory_space<vmem>>, %arg9: memref<512x64xf32, #tpu.memory_space<vmem>>, %arg10: memref<!tpu.dma_semaphore, #tpu.memory_space<semaphore_mem>>) attributes {dimension_semantics = [#tpu.dimension_semantics<core_parallel>, #tpu.dimension_semantics<subcore_parallel>], iteration_bounds = array<i64: 2, 16>, scalar_prefetch = 0 : i64, scratch_operands = 4 : i64, tpu.core_type = #tpu.core_type<sc_vector_subcore>, window_params = [{transform_indices = #map}, {transform_indices = #map}, {transform_indices = #map1}, {transform_indices = #map1}, {transform_indices = #map1}]} {
    %mul3A = arith.constant 2 : i32
    %mul3A_0 = arith.muli %arg1, %mul3A : i32
    %add3A = arith.addi %mul3A_0, %arg0 : i32
    %mul3A_1 = arith.constant 512 : i32
    %mul3A_2 = arith.muli %add3A, %mul3A_1 : i32
    "tpu.region"() ({
      %run_scoped3A = tpu.sem_alloc : memref<!tpu.dma_semaphore, #tpu.memory_space<semaphore_mem>>
      %dma_start3A = tpu.memref_slice %arg2[%mul3A_2] : memref<16384xi32, #tpu.memory_space<hbm>> -> memref<512xi32, #tpu.memory_space<hbm>>
      %dma_start3A_25 = tpu.memref_slice %arg2[%mul3A_2] : memref<16384xi32, #tpu.memory_space<hbm>> -> memref<512xi32, #tpu.memory_space<hbm>>
      tpu.enqueue_dma source(%dma_start3A_25 : memref<512xi32, #tpu.memory_space<hbm>>) target(%arg7 : memref<512xi32, #tpu.memory_space<vmem>>) target_semaphore(%run_scoped3A : memref<!tpu.dma_semaphore, #tpu.memory_space<semaphore_mem>>)
      %dma_wait3A_26 = tpu.memref_slice %arg2[%mul3A_2] : memref<16384xi32, #tpu.memory_space<hbm>> -> memref<512xi32, #tpu.memory_space<hbm>>
      %dma_wait3A_27 = tpu.memref_slice %arg2[%mul3A_2] : memref<16384xi32, #tpu.memory_space<hbm>> -> memref<512xi32, #tpu.memory_space<hbm>>
      tpu.wait_dma2 semaphore(%run_scoped3A : memref<!tpu.dma_semaphore, #tpu.memory_space<semaphore_mem>>) src(%dma_wait3A_27 : memref<512xi32, #tpu.memory_space<hbm>>) dst(%arg7 : memref<512xi32, #tpu.memory_space<vmem>>)
      tpu.yield
    }) : () -> ()
    "tpu.region"() ({
      %run_scoped3A = tpu.sem_alloc : memref<!tpu.dma_semaphore, #tpu.memory_space<semaphore_mem>>
      %dma_start3A = tpu.memref_slice %arg3[%mul3A_2] : memref<16384xi32, #tpu.memory_space<hbm>> -> memref<512xi32, #tpu.memory_space<hbm>>
      %dma_start3A_25 = tpu.memref_slice %arg3[%mul3A_2] : memref<16384xi32, #tpu.memory_space<hbm>> -> memref<512xi32, #tpu.memory_space<hbm>>
      tpu.enqueue_dma source(%dma_start3A_25 : memref<512xi32, #tpu.memory_space<hbm>>) target(%arg8 : memref<512xi32, #tpu.memory_space<vmem>>) target_semaphore(%run_scoped3A : memref<!tpu.dma_semaphore, #tpu.memory_space<semaphore_mem>>)
      %dma_wait3A_26 = tpu.memref_slice %arg3[%mul3A_2] : memref<16384xi32, #tpu.memory_space<hbm>> -> memref<512xi32, #tpu.memory_space<hbm>>
      %dma_wait3A_27 = tpu.memref_slice %arg3[%mul3A_2] : memref<16384xi32, #tpu.memory_space<hbm>> -> memref<512xi32, #tpu.memory_space<hbm>>
      tpu.wait_dma2 semaphore(%run_scoped3A : memref<!tpu.dma_semaphore, #tpu.memory_space<semaphore_mem>>) src(%dma_wait3A_27 : memref<512xi32, #tpu.memory_space<hbm>>) dst(%arg8 : memref<512xi32, #tpu.memory_space<vmem>>)
      tpu.yield
    }) : () -> ()
    %scan3A = arith.constant 0 : i32
    %scan3A_3 = arith.constant 0 : i32
    %scan3A_4 = arith.constant 8 : i32
    %scan3A_5 = arith.addi %scan3A_3, %scan3A_4 : i32
    %scan3A_6 = arith.constant 1 : i32
    scf.for %scan3A_25 = %scan3A_3 to %scan3A_5 step %scan3A_6  : i32 {
      %mul3A_26 = arith.constant 64 : i32
      %mul3A_27 = arith.muli %scan3A_25, %mul3A_26 : i32
      %add3A_28 = arith.constant 0 : i32
      %add3A_29 = arith.addi %mul3A_27, %add3A_28 : i32
      %get3A = arith.index_cast %add3A_29 : i32 to index
      %get3A_30 = tpu.vector_load %arg7[%get3A] {strides = array<i32>} : memref<512xi32, #tpu.memory_space<vmem>>, vector<16xi32>,
      %slice3A = vector.extract_strided_slice %get3A_30 {offsets = [0], sizes = [1], strides = [1]} : vector<16xi32> to vector<1xi32>
      %squeeze3A = vector.extract %slice3A[0] : i32 from vector<1xi32>
      %mul3A_31 = arith.constant 64 : i32
      %mul3A_32 = arith.muli %scan3A_25, %mul3A_31 : i32
      %add3A_33 = arith.constant 0 : i32
      %add3A_34 = arith.addi %mul3A_32, %add3A_33 : i32
      %add3A_35 = arith.constant 0 : i32
      %add3A_36 = arith.addi %add3A_34, %add3A_35 : i32
      %dma_start3A = arith.constant 0 : i32
      %dma_start3A_37 = tpu.memref_slice %arg9[%add3A_36, %dma_start3A] : memref<512x64xf32, #tpu.memory_space<vmem>> -> memref<1x64xf32, #tpu.memory_space<vmem>>
      %dma_start3A_38 = arith.constant 0 : i32
      %dma_start3A_39 = tpu.memref_slice %arg4[%squeeze3A, %dma_start3A_38] : memref<1000000x64xf32, #tpu.memory_space<hbm>> -> memref<1x64xf32, #tpu.memory_space<hbm>>
      %dma_start3A_40 = arith.constant 0 : i32
      %dma_start3A_41 = tpu.memref_slice %arg9[%add3A_36, %dma_start3A_40] : memref<512x64xf32, #tpu.memory_space<vmem>> -> memref<1x64xf32, #tpu.memory_space<vmem>>
      %dma_start3A_42 = arith.constant 0 : i32
      %dma_start3A_43 = tpu.memref_slice %arg4[%squeeze3A, %dma_start3A_42] : memref<1000000x64xf32, #tpu.memory_space<hbm>> -> memref<1x64xf32, #tpu.memory_space<hbm>>
      tpu.enqueue_dma source(%dma_start3A_43 : memref<1x64xf32, #tpu.memory_space<hbm>>) target(%dma_start3A_41 : memref<1x64xf32, #tpu.memory_space<vmem>>) target_semaphore(%arg10 : memref<!tpu.dma_semaphore, #tpu.memory_space<semaphore_mem>>)
      %slice3A_44 = vector.extract_strided_slice %get3A_30 {offsets = [1], sizes = [1], strides = [1]} : vector<16xi32> to vector<1xi32>
      %squeeze3A_45 = vector.extract %slice3A_44[0] : i32 from vector<1xi32>
      %mul3A_46 = arith.constant 64 : i32
      %mul3A_47 = arith.muli %scan3A_25, %mul3A_46 : i32
      %add3A_48 = arith.constant 0 : i32
      %add3A_49 = arith.addi %mul3A_47, %add3A_48 : i32
      %add3A_50 = arith.constant 1 : i32
      %add3A_51 = arith.addi %add3A_49, %add3A_50 : i32
      %dma_start3A_52 = arith.constant 0 : i32
      %dma_start3A_53 = tpu.memref_slice %arg9[%add3A_51, %dma_start3A_52] : memref<512x64xf32, #tpu.memory_space<vmem>> -> memref<1x64xf32, #tpu.memory_space<vmem>>
      %dma_start3A_54 = arith.constant 0 : i32
      %dma_start3A_55 = tpu.memref_slice %arg4[%squeeze3A_45, %dma_start3A_54] : memref<1000000x64xf32, #tpu.memory_space<hbm>> -> memref<1x64xf32, #tpu.memory_space<hbm>>
      %dma_start3A_56 = arith.constant 0 : i32
      %dma_start3A_57 = tpu.memref_slice %arg9[%add3A_51, %dma_start3A_56] : memref<512x64xf32, #tpu.memory_space<vmem>> -> memref<1x64xf32, #tpu.memory_space<vmem>>
      %dma_start3A_58 = arith.constant 0 : i32
      %dma_start3A_59 = tpu.memref_slice %arg4[%squeeze3A_45, %dma_start3A_58] : memref<1000000x64xf32, #tpu.memory_space<hbm>> -> memref<1x64xf32, #tpu.memory_space<hbm>>
      tpu.enqueue_dma source(%dma_start3A_59 : memref<1x64xf32, #tpu.memory_space<hbm>>) target(%dma_start3A_57 : memref<1x64xf32, #tpu.memory_space<vmem>>) target_semaphore(%arg10 : memref<!tpu.dma_semaphore, #tpu.memory_space<semaphore_mem>>)
      %slice3A_60 = vector.extract_strided_slice %get3A_30 {offsets = [2], sizes = [1], strides = [1]} : vector<16xi32> to vector<1xi32>
      %squeeze3A_61 = vector.extract %slice3A_60[0] : i32 from vector<1xi32>
      %mul3A_62 = arith.constant 64 : i32
      %mul3A_63 = arith.muli %scan3A_25, %mul3A_62 : i32
      %add3A_64 = arith.constant 0 : i32
      %add3A_65 = arith.addi %mul3A_63, %add3A_64 : i32
      %add3A_66 = arith.constant 2 : i32
      %add3A_67 = arith.addi %add3A_65, %add3A_66 : i32
      %dma_start3A_68 = arith.constant 0 : i32
      %dma_start3A_69 = tpu.memref_slice %arg9[%add3A_67, %dma_start3A_68] : memref<512x64xf32, #tpu.memory_space<vmem>> -> memref<1x64xf32, #tpu.memory_space<vmem>>
      %dma_start3A_70 = arith.constant 0 : i32
      %dma_start3A_71 = tpu.memref_slice %arg4[%squeeze3A_61, %dma_start3A_70] : memref<1000000x64xf32, #tpu.memory_space<hbm>> -> memref<1x64xf32, #tpu.memory_space<hbm>>
      %dma_start3A_72 = arith.constant 0 : i32
      %dma_start3A_73 = tpu.memref_slice %arg9[%add3A_67, %dma_start3A_72] : memref<512x64xf32, #tpu.memory_space<vmem>> -> memref<1x64xf32, #tpu.memory_space<vmem>>
      %dma_start3A_74 = arith.constant 0 : i32
      %dma_start3A_75 = tpu.memref_slice %arg4[%squeeze3A_61, %dma_start3A_74] : memref<1000000x64xf32, #tpu.memory_space<hbm>> -> memref<1x64xf32, #tpu.memory_space<hbm>>
      tpu.enqueue_dma source(%dma_start3A_75 : memref<1x64xf32, #tpu.memory_space<hbm>>) target(%dma_start3A_73 : memref<1x64xf32, #tpu.memory_space<vmem>>) target_semaphore(%arg10 : memref<!tpu.dma_semaphore, #tpu.memory_space<semaphore_mem>>)
      %slice3A_76 = vector.extract_strided_slice %get3A_30 {offsets = [3], sizes = [1], strides = [1]} : vector<16xi32> to vector<1xi32>
      %squeeze3A_77 = vector.extract %slice3A_76[0] : i32 from vector<1xi32>
      %mul3A_78 = arith.constant 64 : i32
      %mul3A_79 = arith.muli %scan3A_25, %mul3A_78 : i32
      %add3A_80 = arith.constant 0 : i32
      %add3A_81 = arith.addi %mul3A_79, %add3A_80 : i32
      %add3A_82 = arith.constant 3 : i32
      %add3A_83 = arith.addi %add3A_81, %add3A_82 : i32
      %dma_start3A_84 = arith.constant 0 : i32
      %dma_start3A_85 = tpu.memref_slice %arg9[%add3A_83, %dma_start3A_84] : memref<512x64xf32, #tpu.memory_space<vmem>> -> memref<1x64xf32, #tpu.memory_space<vmem>>
      %dma_start3A_86 = arith.constant 0 : i32
      %dma_start3A_87 = tpu.memref_slice %arg4[%squeeze3A_77, %dma_start3A_86] : memref<1000000x64xf32, #tpu.memory_space<hbm>> -> memref<1x64xf32, #tpu.memory_space<hbm>>
      %dma_start3A_88 = arith.constant 0 : i32
      %dma_start3A_89 = tpu.memref_slice %arg9[%add3A_83, %dma_start3A_88] : memref<512x64xf32, #tpu.memory_space<vmem>> -> memref<1x64xf32, #tpu.memory_space<vmem>>
      %dma_start3A_90 = arith.constant 0 : i32
      %dma_start3A_91 = tpu.memref_slice %arg4[%squeeze3A_77, %dma_start3A_90] : memref<1000000x64xf32, #tpu.memory_space<hbm>> -> memref<1x64xf32, #tpu.memory_space<hbm>>
      tpu.enqueue_dma source(%dma_start3A_91 : memref<1x64xf32, #tpu.memory_space<hbm>>) target(%dma_start3A_89 : memref<1x64xf32, #tpu.memory_space<vmem>>) target_semaphore(%arg10 : memref<!tpu.dma_semaphore, #tpu.memory_space<semaphore_mem>>)
      %slice3A_92 = vector.extract_strided_slice %get3A_30 {offsets = [4], sizes = [1], strides = [1]} : vector<16xi32> to vector<1xi32>
      %squeeze3A_93 = vector.extract %slice3A_92[0] : i32 from vector<1xi32>
      %mul3A_94 = arith.constant 64 : i32
      %mul3A_95 = arith.muli %scan3A_25, %mul3A_94 : i32
      %add3A_96 = arith.constant 0 : i32
      %add3A_97 = arith.addi %mul3A_95, %add3A_96 : i32
      %add3A_98 = arith.constant 4 : i32
      %add3A_99 = arith.addi %add3A_97, %add3A_98 : i32
      %dma_start3A_100 = arith.constant 0 : i32
      %dma_start3A_101 = tpu.memref_slice %arg9[%add3A_99, %dma_start3A_100] : memref<512x64xf32, #tpu.memory_space<vmem>> -> memref<1x64xf32, #tpu.memory_space<vmem>>
      %dma_start3A_102 = arith.constant 0 : i32
      %dma_start3A_103 = tpu.memref_slice %arg4[%squeeze3A_93, %dma_start3A_102] : memref<1000000x64xf32, #tpu.memory_space<hbm>> -> memref<1x64xf32, #tpu.memory_space<hbm>>
      %dma_start3A_104 = arith.constant 0 : i32
      %dma_start3A_105 = tpu.memref_slice %arg9[%add3A_99, %dma_start3A_104] : memref<512x64xf32, #tpu.memory_space<vmem>> -> memref<1x64xf32, #tpu.memory_space<vmem>>
      %dma_start3A_106 = arith.constant 0 : i32
      %dma_start3A_107 = tpu.memref_slice %arg4[%squeeze3A_93, %dma_start3A_106] : memref<1000000x64xf32, #tpu.memory_space<hbm>> -> memref<1x64xf32, #tpu.memory_space<hbm>>
      tpu.enqueue_dma source(%dma_start3A_107 : memref<1x64xf32, #tpu.memory_space<hbm>>) target(%dma_start3A_105 : memref<1x64xf32, #tpu.memory_space<vmem>>) target_semaphore(%arg10 : memref<!tpu.dma_semaphore, #tpu.memory_space<semaphore_mem>>)
      %slice3A_108 = vector.extract_strided_slice %get3A_30 {offsets = [5], sizes = [1], strides = [1]} : vector<16xi32> to vector<1xi32>
      %squeeze3A_109 = vector.extract %slice3A_108[0] : i32 from vector<1xi32>
      %mul3A_110 = arith.constant 64 : i32
      %mul3A_111 = arith.muli %scan3A_25, %mul3A_110 : i32
      %add3A_112 = arith.constant 0 : i32
      %add3A_113 = arith.addi %mul3A_111, %add3A_112 : i32
      %add3A_114 = arith.constant 5 : i32
      %add3A_115 = arith.addi %add3A_113, %add3A_114 : i32
      %dma_start3A_116 = arith.constant 0 : i32
      %dma_start3A_117 = tpu.memref_slice %arg9[%add3A_115, %dma_start3A_116] : memref<512x64xf32, #tpu.memory_space<vmem>> -> memref<1x64xf32, #tpu.memory_space<vmem>>
      %dma_start3A_118 = arith.constant 0 : i32
      %dma_start3A_119 = tpu.memref_slice %arg4[%squeeze3A_109, %dma_start3A_118] : memref<1000000x64xf32, #tpu.memory_space<hbm>> -> memref<1x64xf32, #tpu.memory_space<hbm>>
      %dma_start3A_120 = arith.constant 0 : i32
      %dma_start3A_121 = tpu.memref_slice %arg9[%add3A_115, %dma_start3A_120] : memref<512x64xf32, #tpu.memory_space<vmem>> -> memref<1x64xf32, #tpu.memory_space<vmem>>
      %dma_start3A_122 = arith.constant 0 : i32
      %dma_start3A_123 = tpu.memref_slice %arg4[%squeeze3A_109, %dma_start3A_122] : memref<1000000x64xf32, #tpu.memory_space<hbm>> -> memref<1x64xf32, #tpu.memory_space<hbm>>
      tpu.enqueue_dma source(%dma_start3A_123 : memref<1x64xf32, #tpu.memory_space<hbm>>) target(%dma_start3A_121 : memref<1x64xf32, #tpu.memory_space<vmem>>) target_semaphore(%arg10 : memref<!tpu.dma_semaphore, #tpu.memory_space<semaphore_mem>>)
      %slice3A_124 = vector.extract_strided_slice %get3A_30 {offsets = [6], sizes = [1], strides = [1]} : vector<16xi32> to vector<1xi32>
      %squeeze3A_125 = vector.extract %slice3A_124[0] : i32 from vector<1xi32>
      %mul3A_126 = arith.constant 64 : i32
      %mul3A_127 = arith.muli %scan3A_25, %mul3A_126 : i32
      %add3A_128 = arith.constant 0 : i32
      %add3A_129 = arith.addi %mul3A_127, %add3A_128 : i32
      %add3A_130 = arith.constant 6 : i32
      %add3A_131 = arith.addi %add3A_129, %add3A_130 : i32
      %dma_start3A_132 = arith.constant 0 : i32
      %dma_start3A_133 = tpu.memref_slice %arg9[%add3A_131, %dma_start3A_132] : memref<512x64xf32, #tpu.memory_space<vmem>> -> memref<1x64xf32, #tpu.memory_space<vmem>>
      %dma_start3A_134 = arith.constant 0 : i32
      %dma_start3A_135 = tpu.memref_slice %arg4[%squeeze3A_125, %dma_start3A_134] : memref<1000000x64xf32, #tpu.memory_space<hbm>> -> memref<1x64xf32, #tpu.memory_space<hbm>>
      %dma_start3A_136 = arith.constant 0 : i32
      %dma_start3A_137 = tpu.memref_slice %arg9[%add3A_131, %dma_start3A_136] : memref<512x64xf32, #tpu.memory_space<vmem>> -> memref<1x64xf32, #tpu.memory_space<vmem>>
      %dma_start3A_138 = arith.constant 0 : i32
      %dma_start3A_139 = tpu.memref_slice %arg4[%squeeze3A_125, %dma_start3A_138] : memref<1000000x64xf32, #tpu.memory_space<hbm>> -> memref<1x64xf32, #tpu.memory_space<hbm>>
      tpu.enqueue_dma source(%dma_start3A_139 : memref<1x64xf32, #tpu.memory_space<hbm>>) target(%dma_start3A_137 : memref<1x64xf32, #tpu.memory_space<vmem>>) target_semaphore(%arg10 : memref<!tpu.dma_semaphore, #tpu.memory_space<semaphore_mem>>)
      %slice3A_140 = vector.extract_strided_slice %get3A_30 {offsets = [7], sizes = [1], strides = [1]} : vector<16xi32> to vector<1xi32>
      %squeeze3A_141 = vector.extract %slice3A_140[0] : i32 from vector<1xi32>
      %mul3A_142 = arith.constant 64 : i32
      %mul3A_143 = arith.muli %scan3A_25, %mul3A_142 : i32
      %add3A_144 = arith.constant 0 : i32
      %add3A_145 = arith.addi %mul3A_143, %add3A_144 : i32
      %add3A_146 = arith.constant 7 : i32
      %add3A_147 = arith.addi %add3A_145, %add3A_146 : i32
      %dma_start3A_148 = arith.constant 0 : i32
      %dma_start3A_149 = tpu.memref_slice %arg9[%add3A_147, %dma_start3A_148] : memref<512x64xf32, #tpu.memory_space<vmem>> -> memref<1x64xf32, #tpu.memory_space<vmem>>
      %dma_start3A_150 = arith.constant 0 : i32
      %dma_start3A_151 = tpu.memref_slice %arg4[%squeeze3A_141, %dma_start3A_150] : memref<1000000x64xf32, #tpu.memory_space<hbm>> -> memref<1x64xf32, #tpu.memory_space<hbm>>
      %dma_start3A_152 = arith.constant 0 : i32
      %dma_start3A_153 = tpu.memref_slice %arg9[%add3A_147, %dma_start3A_152] : memref<512x64xf32, #tpu.memory_space<vmem>> -> memref<1x64xf32, #tpu.memory_space<vmem>>
      %dma_start3A_154 = arith.constant 0 : i32
      %dma_start3A_155 = tpu.memref_slice %arg4[%squeeze3A_141, %dma_start3A_154] : memref<1000000x64xf32, #tpu.memory_space<hbm>> -> memref<1x64xf32, #tpu.memory_space<hbm>>
      tpu.enqueue_dma source(%dma_start3A_155 : memref<1x64xf32, #tpu.memory_space<hbm>>) target(%dma_start3A_153 : memref<1x64xf32, #tpu.memory_space<vmem>>) target_semaphore(%arg10 : memref<!tpu.dma_semaphore, #tpu.memory_space<semaphore_mem>>)
      %slice3A_156 = vector.extract_strided_slice %get3A_30 {offsets = [8], sizes = [1], strides = [1]} : vector<16xi32> to vector<1xi32>
      %squeeze3A_157 = vector.extract %slice3A_156[0] : i32 from vector<1xi32>
      %mul3A_158 = arith.constant 64 : i32
      %mul3A_159 = arith.muli %scan3A_25, %mul3A_158 : i32
      %add3A_160 = arith.constant 0 : i32
      %add3A_161 = arith.addi %mul3A_159, %add3A_160 : i32
      %add3A_162 = arith.constant 8 : i32
      %add3A_163 = arith.addi %add3A_161, %add3A_162 : i32
      %dma_start3A_164 = arith.constant 0 : i32
      %dma_start3A_165 = tpu.memref_slice %arg9[%add3A_163, %dma_start3A_164] : memref<512x64xf32, #tpu.memory_space<vmem>> -> memref<1x64xf32, #tpu.memory_space<vmem>>
      %dma_start3A_166 = arith.constant 0 : i32
      %dma_start3A_167 = tpu.memref_slice %arg4[%squeeze3A_157, %dma_start3A_166] : memref<1000000x64xf32, #tpu.memory_space<hbm>> -> memref<1x64xf32, #tpu.memory_space<hbm>>
      %dma_start3A_168 = arith.constant 0 : i32
      %dma_start3A_169 = tpu.memref_slice %arg9[%add3A_163, %dma_start3A_168] : memref<512x64xf32, #tpu.memory_space<vmem>> -> memref<1x64xf32, #tpu.memory_space<vmem>>
      %dma_start3A_170 = arith.constant 0 : i32
      %dma_start3A_171 = tpu.memref_slice %arg4[%squeeze3A_157, %dma_start3A_170] : memref<1000000x64xf32, #tpu.memory_space<hbm>> -> memref<1x64xf32, #tpu.memory_space<hbm>>
      tpu.enqueue_dma source(%dma_start3A_171 : memref<1x64xf32, #tpu.memory_space<hbm>>) target(%dma_start3A_169 : memref<1x64xf32, #tpu.memory_space<vmem>>) target_semaphore(%arg10 : memref<!tpu.dma_semaphore, #tpu.memory_space<semaphore_mem>>)
      %slice3A_172 = vector.extract_strided_slice %get3A_30 {offsets = [9], sizes = [1], strides = [1]} : vector<16xi32> to vector<1xi32>
      %squeeze3A_173 = vector.extract %slice3A_172[0] : i32 from vector<1xi32>
      %mul3A_174 = arith.constant 64 : i32
      %mul3A_175 = arith.muli %scan3A_25, %mul3A_174 : i32
      %add3A_176 = arith.constant 0 : i32
      %add3A_177 = arith.addi %mul3A_175, %add3A_176 : i32
      %add3A_178 = arith.constant 9 : i32
      %add3A_179 = arith.addi %add3A_177, %add3A_178 : i32
      %dma_start3A_180 = arith.constant 0 : i32
      %dma_start3A_181 = tpu.memref_slice %arg9[%add3A_179, %dma_start3A_180] : memref<512x64xf32, #tpu.memory_space<vmem>> -> memref<1x64xf32, #tpu.memory_space<vmem>>
      %dma_start3A_182 = arith.constant 0 : i32
      %dma_start3A_183 = tpu.memref_slice %arg4[%squeeze3A_173, %dma_start3A_182] : memref<1000000x64xf32, #tpu.memory_space<hbm>> -> memref<1x64xf32, #tpu.memory_space<hbm>>
      %dma_start3A_184 = arith.constant 0 : i32
      %dma_start3A_185 = tpu.memref_slice %arg9[%add3A_179, %dma_start3A_184] : memref<512x64xf32, #tpu.memory_space<vmem>> -> memref<1x64xf32, #tpu.memory_space<vmem>>
      %dma_start3A_186 = arith.constant 0 : i32
      %dma_start3A_187 = tpu.memref_slice %arg4[%squeeze3A_173, %dma_start3A_186] : memref<1000000x64xf32, #tpu.memory_space<hbm>> -> memref<1x64xf32, #tpu.memory_space<hbm>>
      tpu.enqueue_dma source(%dma_start3A_187 : memref<1x64xf32, #tpu.memory_space<hbm>>) target(%dma_start3A_185 : memref<1x64xf32, #tpu.memory_space<vmem>>) target_semaphore(%arg10 : memref<!tpu.dma_semaphore, #tpu.memory_space<semaphore_mem>>)
      %slice3A_188 = vector.extract_strided_slice %get3A_30 {offsets = [10], sizes = [1], strides = [1]} : vector<16xi32> to vector<1xi32>
      %squeeze3A_189 = vector.extract %slice3A_188[0] : i32 from vector<1xi32>
      %mul3A_190 = arith.constant 64 : i32
      %mul3A_191 = arith.muli %scan3A_25, %mul3A_190 : i32
      %add3A_192 = arith.constant 0 : i32
      %add3A_193 = arith.addi %mul3A_191, %add3A_192 : i32
      %add3A_194 = arith.constant 10 : i32
      %add3A_195 = arith.addi %add3A_193, %add3A_194 : i32
      %dma_start3A_196 = arith.constant 0 : i32
      %dma_start3A_197 = tpu.memref_slice %arg9[%add3A_195, %dma_start3A_196] : memref<512x64xf32, #tpu.memory_space<vmem>> -> memref<1x64xf32, #tpu.memory_space<vmem>>
      %dma_start3A_198 = arith.constant 0 : i32
      %dma_start3A_199 = tpu.memref_slice %arg4[%squeeze3A_189, %dma_start3A_198] : memref<1000000x64xf32, #tpu.memory_space<hbm>> -> memref<1x64xf32, #tpu.memory_space<hbm>>
      %dma_start3A_200 = arith.constant 0 : i32
      %dma_start3A_201 = tpu.memref_slice %arg9[%add3A_195, %dma_start3A_200] : memref<512x64xf32, #tpu.memory_space<vmem>> -> memref<1x64xf32, #tpu.memory_space<vmem>>
      %dma_start3A_202 = arith.constant 0 : i32
      %dma_start3A_203 = tpu.memref_slice %arg4[%squeeze3A_189, %dma_start3A_202] : memref<1000000x64xf32, #tpu.memory_space<hbm>> -> memref<1x64xf32, #tpu.memory_space<hbm>>
      tpu.enqueue_dma source(%dma_start3A_203 : memref<1x64xf32, #tpu.memory_space<hbm>>) target(%dma_start3A_201 : memref<1x64xf32, #tpu.memory_space<vmem>>) target_semaphore(%arg10 : memref<!tpu.dma_semaphore, #tpu.memory_space<semaphore_mem>>)
      %slice3A_204 = vector.extract_strided_slice %get3A_30 {offsets = [11], sizes = [1], strides = [1]} : vector<16xi32> to vector<1xi32>
      %squeeze3A_205 = vector.extract %slice3A_204[0] : i32 from vector<1xi32>
      %mul3A_206 = arith.constant 64 : i32
      %mul3A_207 = arith.muli %scan3A_25, %mul3A_206 : i32
      %add3A_208 = arith.constant 0 : i32
      %add3A_209 = arith.addi %mul3A_207, %add3A_208 : i32
      %add3A_210 = arith.constant 11 : i32
      %add3A_211 = arith.addi %add3A_209, %add3A_210 : i32
      %dma_start3A_212 = arith.constant 0 : i32
      %dma_start3A_213 = tpu.memref_slice %arg9[%add3A_211, %dma_start3A_212] : memref<512x64xf32, #tpu.memory_space<vmem>> -> memref<1x64xf32, #tpu.memory_space<vmem>>
      %dma_start3A_214 = arith.constant 0 : i32
      %dma_start3A_215 = tpu.memref_slice %arg4[%squeeze3A_205, %dma_start3A_214] : memref<1000000x64xf32, #tpu.memory_space<hbm>> -> memref<1x64xf32, #tpu.memory_space<hbm>>
      %dma_start3A_216 = arith.constant 0 : i32
      %dma_start3A_217 = tpu.memref_slice %arg9[%add3A_211, %dma_start3A_216] : memref<512x64xf32, #tpu.memory_space<vmem>> -> memref<1x64xf32, #tpu.memory_space<vmem>>
      %dma_start3A_218 = arith.constant 0 : i32
      %dma_start3A_219 = tpu.memref_slice %arg4[%squeeze3A_205, %dma_start3A_218] : memref<1000000x64xf32, #tpu.memory_space<hbm>> -> memref<1x64xf32, #tpu.memory_space<hbm>>
      tpu.enqueue_dma source(%dma_start3A_219 : memref<1x64xf32, #tpu.memory_space<hbm>>) target(%dma_start3A_217 : memref<1x64xf32, #tpu.memory_space<vmem>>) target_semaphore(%arg10 : memref<!tpu.dma_semaphore, #tpu.memory_space<semaphore_mem>>)
      %slice3A_220 = vector.extract_strided_slice %get3A_30 {offsets = [12], sizes = [1], strides = [1]} : vector<16xi32> to vector<1xi32>
      %squeeze3A_221 = vector.extract %slice3A_220[0] : i32 from vector<1xi32>
      %mul3A_222 = arith.constant 64 : i32
      %mul3A_223 = arith.muli %scan3A_25, %mul3A_222 : i32
      %add3A_224 = arith.constant 0 : i32
      %add3A_225 = arith.addi %mul3A_223, %add3A_224 : i32
      %add3A_226 = arith.constant 12 : i32
      %add3A_227 = arith.addi %add3A_225, %add3A_226 : i32
      %dma_start3A_228 = arith.constant 0 : i32
      %dma_start3A_229 = tpu.memref_slice %arg9[%add3A_227, %dma_start3A_228] : memref<512x64xf32, #tpu.memory_space<vmem>> -> memref<1x64xf32, #tpu.memory_space<vmem>>
      %dma_start3A_230 = arith.constant 0 : i32
      %dma_start3A_231 = tpu.memref_slice %arg4[%squeeze3A_221, %dma_start3A_230] : memref<1000000x64xf32, #tpu.memory_space<hbm>> -> memref<1x64xf32, #tpu.memory_space<hbm>>
      %dma_start3A_232 = arith.constant 0 : i32
      %dma_start3A_233 = tpu.memref_slice %arg9[%add3A_227, %dma_start3A_232] : memref<512x64xf32, #tpu.memory_space<vmem>> -> memref<1x64xf32, #tpu.memory_space<vmem>>
      %dma_start3A_234 = arith.constant 0 : i32
      %dma_start3A_235 = tpu.memref_slice %arg4[%squeeze3A_221, %dma_start3A_234] : memref<1000000x64xf32, #tpu.memory_space<hbm>> -> memref<1x64xf32, #tpu.memory_space<hbm>>
      tpu.enqueue_dma source(%dma_start3A_235 : memref<1x64xf32, #tpu.memory_space<hbm>>) target(%dma_start3A_233 : memref<1x64xf32, #tpu.memory_space<vmem>>) target_semaphore(%arg10 : memref<!tpu.dma_semaphore, #tpu.memory_space<semaphore_mem>>)
      %slice3A_236 = vector.extract_strided_slice %get3A_30 {offsets = [13], sizes = [1], strides = [1]} : vector<16xi32> to vector<1xi32>
      %squeeze3A_237 = vector.extract %slice3A_236[0] : i32 from vector<1xi32>
      %mul3A_238 = arith.constant 64 : i32
      %mul3A_239 = arith.muli %scan3A_25, %mul3A_238 : i32
      %add3A_240 = arith.constant 0 : i32
      %add3A_241 = arith.addi %mul3A_239, %add3A_240 : i32
      %add3A_242 = arith.constant 13 : i32
      %add3A_243 = arith.addi %add3A_241, %add3A_242 : i32
      %dma_start3A_244 = arith.constant 0 : i32
      %dma_start3A_245 = tpu.memref_slice %arg9[%add3A_243, %dma_start3A_244] : memref<512x64xf32, #tpu.memory_space<vmem>> -> memref<1x64xf32, #tpu.memory_space<vmem>>
      %dma_start3A_246 = arith.constant 0 : i32
      %dma_start3A_247 = tpu.memref_slice %arg4[%squeeze3A_237, %dma_start3A_246] : memref<1000000x64xf32, #tpu.memory_space<hbm>> -> memref<1x64xf32, #tpu.memory_space<hbm>>
      %dma_start3A_248 = arith.constant 0 : i32
      %dma_start3A_249 = tpu.memref_slice %arg9[%add3A_243, %dma_start3A_248] : memref<512x64xf32, #tpu.memory_space<vmem>> -> memref<1x64xf32, #tpu.memory_space<vmem>>
      %dma_start3A_250 = arith.constant 0 : i32
      %dma_start3A_251 = tpu.memref_slice %arg4[%squeeze3A_237, %dma_start3A_250] : memref<1000000x64xf32, #tpu.memory_space<hbm>> -> memref<1x64xf32, #tpu.memory_space<hbm>>
      tpu.enqueue_dma source(%dma_start3A_251 : memref<1x64xf32, #tpu.memory_space<hbm>>) target(%dma_start3A_249 : memref<1x64xf32, #tpu.memory_space<vmem>>) target_semaphore(%arg10 : memref<!tpu.dma_semaphore, #tpu.memory_space<semaphore_mem>>)
      %slice3A_252 = vector.extract_strided_slice %get3A_30 {offsets = [14], sizes = [1], strides = [1]} : vector<16xi32> to vector<1xi32>
      %squeeze3A_253 = vector.extract %slice3A_252[0] : i32 from vector<1xi32>
      %mul3A_254 = arith.constant 64 : i32
      %mul3A_255 = arith.muli %scan3A_25, %mul3A_254 : i32
      %add3A_256 = arith.constant 0 : i32
      %add3A_257 = arith.addi %mul3A_255, %add3A_256 : i32
      %add3A_258 = arith.constant 14 : i32
      %add3A_259 = arith.addi %add3A_257, %add3A_258 : i32
      %dma_start3A_260 = arith.constant 0 : i32
      %dma_start3A_261 = tpu.memref_slice %arg9[%add3A_259, %dma_start3A_260] : memref<512x64xf32, #tpu.memory_space<vmem>> -> memref<1x64xf32, #tpu.memory_space<vmem>>
      %dma_start3A_262 = arith.constant 0 : i32
      %dma_start3A_263 = tpu.memref_slice %arg4[%squeeze3A_253, %dma_start3A_262] : memref<1000000x64xf32, #tpu.memory_space<hbm>> -> memref<1x64xf32, #tpu.memory_space<hbm>>
      %dma_start3A_264 = arith.constant 0 : i32
      %dma_start3A_265 = tpu.memref_slice %arg9[%add3A_259, %dma_start3A_264] : memref<512x64xf32, #tpu.memory_space<vmem>> -> memref<1x64xf32, #tpu.memory_space<vmem>>
      %dma_start3A_266 = arith.constant 0 : i32
      %dma_start3A_267 = tpu.memref_slice %arg4[%squeeze3A_253, %dma_start3A_266] : memref<1000000x64xf32, #tpu.memory_space<hbm>> -> memref<1x64xf32, #tpu.memory_space<hbm>>
      tpu.enqueue_dma source(%dma_start3A_267 : memref<1x64xf32, #tpu.memory_space<hbm>>) target(%dma_start3A_265 : memref<1x64xf32, #tpu.memory_space<vmem>>) target_semaphore(%arg10 : memref<!tpu.dma_semaphore, #tpu.memory_space<semaphore_mem>>)
      %slice3A_268 = vector.extract_strided_slice %get3A_30 {offsets = [15], sizes = [1], strides = [1]} : vector<16xi32> to vector<1xi32>
      %squeeze3A_269 = vector.extract %slice3A_268[0] : i32 from vector<1xi32>
      %mul3A_270 = arith.constant 64 : i32
      %mul3A_271 = arith.muli %scan3A_25, %mul3A_270 : i32
      %add3A_272 = arith.constant 0 : i32
      %add3A_273 = arith.addi %mul3A_271, %add3A_272 : i32
      %add3A_274 = arith.constant 15 : i32
      %add3A_275 = arith.addi %add3A_273, %add3A_274 : i32
      %dma_start3A_276 = arith.constant 0 : i32
      %dma_start3A_277 = tpu.memref_slice %arg9[%add3A_275, %dma_start3A_276] : memref<512x64xf32, #tpu.memory_space<vmem>> -> memref<1x64xf32, #tpu.memory_space<vmem>>
      %dma_start3A_278 = arith.constant 0 : i32
      %dma_start3A_279 = tpu.memref_slice %arg4[%squeeze3A_269, %dma_start3A_278] : memref<1000000x64xf32, #tpu.memory_space<hbm>> -> memref<1x64xf32, #tpu.memory_space<hbm>>
      %dma_start3A_280 = arith.constant 0 : i32
      %dma_start3A_281 = tpu.memref_slice %arg9[%add3A_275, %dma_start3A_280] : memref<512x64xf32, #tpu.memory_space<vmem>> -> memref<1x64xf32, #tpu.memory_space<vmem>>
      %dma_start3A_282 = arith.constant 0 : i32
      %dma_start3A_283 = tpu.memref_slice %arg4[%squeeze3A_269, %dma_start3A_282] : memref<1000000x64xf32, #tpu.memory_space<hbm>> -> memref<1x64xf32, #tpu.memory_space<hbm>>
      tpu.enqueue_dma source(%dma_start3A_283 : memref<1x64xf32, #tpu.memory_space<hbm>>) target(%dma_start3A_281 : memref<1x64xf32, #tpu.memory_space<vmem>>) target_semaphore(%arg10 : memref<!tpu.dma_semaphore, #tpu.memory_space<semaphore_mem>>)
      %mul3A_284 = arith.constant 64 : i32
      %mul3A_285 = arith.muli %scan3A_25, %mul3A_284 : i32
      %add3A_286 = arith.constant 16 : i32
      %add3A_287 = arith.addi %mul3A_285, %add3A_286 : i32
      %get3A_288 = arith.index_cast %add3A_287 : i32 to index
      %get3A_289 = tpu.vector_load %arg7[%get3A_288] {strides = array<i32>} : memref<512xi32, #tpu.memory_space<vmem>>, vector<16xi32>,
      %slice3A_290 = vector.extract_strided_slice %get3A_289 {offsets = [0], sizes = [1], strides = [1]} : vector<16xi32> to vector<1xi32>
      %squeeze3A_291 = vector.extract %slice3A_290[0] : i32 from vector<1xi32>
      %mul3A_292 = arith.constant 64 : i32
      %mul3A_293 = arith.muli %scan3A_25, %mul3A_292 : i32
      %add3A_294 = arith.constant 16 : i32
      %add3A_295 = arith.addi %mul3A_293, %add3A_294 : i32
      %add3A_296 = arith.constant 0 : i32
      %add3A_297 = arith.addi %add3A_295, %add3A_296 : i32
      %dma_start3A_298 = arith.constant 0 : i32
      %dma_start3A_299 = tpu.memref_slice %arg9[%add3A_297, %dma_start3A_298] : memref<512x64xf32, #tpu.memory_space<vmem>> -> memref<1x64xf32, #tpu.memory_space<vmem>>
      %dma_start3A_300 = arith.constant 0 : i32
      %dma_start3A_301 = tpu.memref_slice %arg4[%squeeze3A_291, %dma_start3A_300] : memref<1000000x64xf32, #tpu.memory_space<hbm>> -> memref<1x64xf32, #tpu.memory_space<hbm>>
      %dma_start3A_302 = arith.constant 0 : i32
      %dma_start3A_303 = tpu.memref_slice %arg9[%add3A_297, %dma_start3A_302] : memref<512x64xf32, #tpu.memory_space<vmem>> -> memref<1x64xf32, #tpu.memory_space<vmem>>
      %dma_start3A_304 = arith.constant 0 : i32
      %dma_start3A_305 = tpu.memref_slice %arg4[%squeeze3A_291, %dma_start3A_304] : memref<1000000x64xf32, #tpu.memory_space<hbm>> -> memref<1x64xf32, #tpu.memory_space<hbm>>
      tpu.enqueue_dma source(%dma_start3A_305 : memref<1x64xf32, #tpu.memory_space<hbm>>) target(%dma_start3A_303 : memref<1x64xf32, #tpu.memory_space<vmem>>) target_semaphore(%arg10 : memref<!tpu.dma_semaphore, #tpu.memory_space<semaphore_mem>>)
      %slice3A_306 = vector.extract_strided_slice %get3A_289 {offsets = [1], sizes = [1], strides = [1]} : vector<16xi32> to vector<1xi32>
      %squeeze3A_307 = vector.extract %slice3A_306[0] : i32 from vector<1xi32>
      %mul3A_308 = arith.constant 64 : i32
      %mul3A_309 = arith.muli %scan3A_25, %mul3A_308 : i32
      %add3A_310 = arith.constant 16 : i32
      %add3A_311 = arith.addi %mul3A_309, %add3A_310 : i32
      %add3A_312 = arith.constant 1 : i32
      %add3A_313 = arith.addi %add3A_311, %add3A_312 : i32
      %dma_start3A_314 = arith.constant 0 : i32
      %dma_start3A_315 = tpu.memref_slice %arg9[%add3A_313, %dma_start3A_314] : memref<512x64xf32, #tpu.memory_space<vmem>> -> memref<1x64xf32, #tpu.memory_space<vmem>>
      %dma_start3A_316 = arith.constant 0 : i32
      %dma_start3A_317 = tpu.memref_slice %arg4[%squeeze3A_307, %dma_start3A_316] : memref<1000000x64xf32, #tpu.memory_space<hbm>> -> memref<1x64xf32, #tpu.memory_space<hbm>>
      %dma_start3A_318 = arith.constant 0 : i32
      %dma_start3A_319 = tpu.memref_slice %arg9[%add3A_313, %dma_start3A_318] : memref<512x64xf32, #tpu.memory_space<vmem>> -> memref<1x64xf32, #tpu.memory_space<vmem>>
      %dma_start3A_320 = arith.constant 0 : i32
      %dma_start3A_321 = tpu.memref_slice %arg4[%squeeze3A_307, %dma_start3A_320] : memref<1000000x64xf32, #tpu.memory_space<hbm>> -> memref<1x64xf32, #tpu.memory_space<hbm>>
      tpu.enqueue_dma source(%dma_start3A_321 : memref<1x64xf32, #tpu.memory_space<hbm>>) target(%dma_start3A_319 : memref<1x64xf32, #tpu.memory_space<vmem>>) target_semaphore(%arg10 : memref<!tpu.dma_semaphore, #tpu.memory_space<semaphore_mem>>)
      %slice3A_322 = vector.extract_strided_slice %get3A_289 {offsets = [2], sizes = [1], strides = [1]} : vector<16xi32> to vector<1xi32>
      %squeeze3A_323 = vector.extract %slice3A_322[0] : i32 from vector<1xi32>
      %mul3A_324 = arith.constant 64 : i32
      %mul3A_325 = arith.muli %scan3A_25, %mul3A_324 : i32
      %add3A_326 = arith.constant 16 : i32
      %add3A_327 = arith.addi %mul3A_325, %add3A_326 : i32
      %add3A_328 = arith.constant 2 : i32
      %add3A_329 = arith.addi %add3A_327, %add3A_328 : i32
      %dma_start3A_330 = arith.constant 0 : i32
      %dma_start3A_331 = tpu.memref_slice %arg9[%add3A_329, %dma_start3A_330] : memref<512x64xf32, #tpu.memory_space<vmem>> -> memref<1x64xf32, #tpu.memory_space<vmem>>
      %dma_start3A_332 = arith.constant 0 : i32
      %dma_start3A_333 = tpu.memref_slice %arg4[%squeeze3A_323, %dma_start3A_332] : memref<1000000x64xf32, #tpu.memory_space<hbm>> -> memref<1x64xf32, #tpu.memory_space<hbm>>
      %dma_start3A_334 = arith.constant 0 : i32
      %dma_start3A_335 = tpu.memref_slice %arg9[%add3A_329, %dma_start3A_334] : memref<512x64xf32, #tpu.memory_space<vmem>> -> memref<1x64xf32, #tpu.memory_space<vmem>>
      %dma_start3A_336 = arith.constant 0 : i32
      %dma_start3A_337 = tpu.memref_slice %arg4[%squeeze3A_323, %dma_start3A_336] : memref<1000000x64xf32, #tpu.memory_space<hbm>> -> memref<1x64xf32, #tpu.memory_space<hbm>>
      tpu.enqueue_dma source(%dma_start3A_337 : memref<1x64xf32, #tpu.memory_space<hbm>>) target(%dma_start3A_335 : memref<1x64xf32, #tpu.memory_space<vmem>>) target_semaphore(%arg10 : memref<!tpu.dma_semaphore, #tpu.memory_space<semaphore_mem>>)
      %slice3A_338 = vector.extract_strided_slice %get3A_289 {offsets = [3], sizes = [1], strides = [1]} : vector<16xi32> to vector<1xi32>
      %squeeze3A_339 = vector.extract %slice3A_338[0] : i32 from vector<1xi32>
      %mul3A_340 = arith.constant 64 : i32
      %mul3A_341 = arith.muli %scan3A_25, %mul3A_340 : i32
      %add3A_342 = arith.constant 16 : i32
      %add3A_343 = arith.addi %mul3A_341, %add3A_342 : i32
      %add3A_344 = arith.constant 3 : i32
      %add3A_345 = arith.addi %add3A_343, %add3A_344 : i32
      %dma_start3A_346 = arith.constant 0 : i32
      %dma_start3A_347 = tpu.memref_slice %arg9[%add3A_345, %dma_start3A_346] : memref<512x64xf32, #tpu.memory_space<vmem>> -> memref<1x64xf32, #tpu.memory_space<vmem>>
      %dma_start3A_348 = arith.constant 0 : i32
      %dma_start3A_349 = tpu.memref_slice %arg4[%squeeze3A_339, %dma_start3A_348] : memref<1000000x64xf32, #tpu.memory_space<hbm>> -> memref<1x64xf32, #tpu.memory_space<hbm>>
      %dma_start3A_350 = arith.constant 0 : i32
      %dma_start3A_351 = tpu.memref_slice %arg9[%add3A_345, %dma_start3A_350] : memref<512x64xf32, #tpu.memory_space<vmem>> -> memref<1x64xf32, #tpu.memory_space<vmem>>
      %dma_start3A_352 = arith.constant 0 : i32
      %dma_start3A_353 = tpu.memref_slice %arg4[%squeeze3A_339, %dma_start3A_352] : memref<1000000x64xf32, #tpu.memory_space<hbm>> -> memref<1x64xf32, #tpu.memory_space<hbm>>
      tpu.enqueue_dma source(%dma_start3A_353 : memref<1x64xf32, #tpu.memory_space<hbm>>) target(%dma_start3A_351 : memref<1x64xf32, #tpu.memory_space<vmem>>) target_semaphore(%arg10 : memref<!tpu.dma_semaphore, #tpu.memory_space<semaphore_mem>>)
      %slice3A_354 = vector.extract_strided_slice %get3A_289 {offsets = [4], sizes = [1], strides = [1]} : vector<16xi32> to vector<1xi32>
      %squeeze3A_355 = vector.extract %slice3A_354[0] : i32 from vector<1xi32>
      %mul3A_356 = arith.constant 64 : i32
      %mul3A_357 = arith.muli %scan3A_25, %mul3A_356 : i32
      %add3A_358 = arith.constant 16 : i32
      %add3A_359 = arith.addi %mul3A_357, %add3A_358 : i32
      %add3A_360 = arith.constant 4 : i32
      %add3A_361 = arith.addi %add3A_359, %add3A_360 : i32
      %dma_start3A_362 = arith.constant 0 : i32
      %dma_start3A_363 = tpu.memref_slice %arg9[%add3A_361, %dma_start3A_362] : memref<512x64xf32, #tpu.memory_space<vmem>> -> memref<1x64xf32, #tpu.memory_space<vmem>>
      %dma_start3A_364 = arith.constant 0 : i32
      %dma_start3A_365 = tpu.memref_slice %arg4[%squeeze3A_355, %dma_start3A_364] : memref<1000000x64xf32, #tpu.memory_space<hbm>> -> memref<1x64xf32, #tpu.memory_space<hbm>>
      %dma_start3A_366 = arith.constant 0 : i32
      %dma_start3A_367 = tpu.memref_slice %arg9[%add3A_361, %dma_start3A_366] : memref<512x64xf32, #tpu.memory_space<vmem>> -> memref<1x64xf32, #tpu.memory_space<vmem>>
      %dma_start3A_368 = arith.constant 0 : i32
      %dma_start3A_369 = tpu.memref_slice %arg4[%squeeze3A_355, %dma_start3A_368] : memref<1000000x64xf32, #tpu.memory_space<hbm>> -> memref<1x64xf32, #tpu.memory_space<hbm>>
      tpu.enqueue_dma source(%dma_start3A_369 : memref<1x64xf32, #tpu.memory_space<hbm>>) target(%dma_start3A_367 : memref<1x64xf32, #tpu.memory_space<vmem>>) target_semaphore(%arg10 : memref<!tpu.dma_semaphore, #tpu.memory_space<semaphore_mem>>)
      %slice3A_370 = vector.extract_strided_slice %get3A_289 {offsets = [5], sizes = [1], strides = [1]} : vector<16xi32> to vector<1xi32>
      %squeeze3A_371 = vector.extract %slice3A_370[0] : i32 from vector<1xi32>
      %mul3A_372 = arith.constant 64 : i32
      %mul3A_373 = arith.muli %scan3A_25, %mul3A_372 : i32
      %add3A_374 = arith.constant 16 : i32
      %add3A_375 = arith.addi %mul3A_373, %add3A_374 : i32
      %add3A_376 = arith.constant 5 : i32
      %add3A_377 = arith.addi %add3A_375, %add3A_376 : i32
      %dma_start3A_378 = arith.constant 0 : i32
      %dma_start3A_379 = tpu.memref_slice %arg9[%add3A_377, %dma_start3A_378] : memref<512x64xf32, #tpu.memory_space<vmem>> -> memref<1x64xf32, #tpu.memory_space<vmem>>
      %dma_start3A_380 = arith.constant 0 : i32
      %dma_start3A_381 = tpu.memref_slice %arg4[%squeeze3A_371, %dma_start3A_380] : memref<1000000x64xf32, #tpu.memory_space<hbm>> -> memref<1x64xf32, #tpu.memory_space<hbm>>
      %dma_start3A_382 = arith.constant 0 : i32
      %dma_start3A_383 = tpu.memref_slice %arg9[%add3A_377, %dma_start3A_382] : memref<512x64xf32, #tpu.memory_space<vmem>> -> memref<1x64xf32, #tpu.memory_space<vmem>>
      %dma_start3A_384 = arith.constant 0 : i32
      %dma_start3A_385 = tpu.memref_slice %arg4[%squeeze3A_371, %dma_start3A_384] : memref<1000000x64xf32, #tpu.memory_space<hbm>> -> memref<1x64xf32, #tpu.memory_space<hbm>>
      tpu.enqueue_dma source(%dma_start3A_385 : memref<1x64xf32, #tpu.memory_space<hbm>>) target(%dma_start3A_383 : memref<1x64xf32, #tpu.memory_space<vmem>>) target_semaphore(%arg10 : memref<!tpu.dma_semaphore, #tpu.memory_space<semaphore_mem>>)
      %slice3A_386 = vector.extract_strided_slice %get3A_289 {offsets = [6], sizes = [1], strides = [1]} : vector<16xi32> to vector<1xi32>
      %squeeze3A_387 = vector.extract %slice3A_386[0] : i32 from vector<1xi32>
      %mul3A_388 = arith.constant 64 : i32
      %mul3A_389 = arith.muli %scan3A_25, %mul3A_388 : i32
      %add3A_390 = arith.constant 16 : i32
      %add3A_391 = arith.addi %mul3A_389, %add3A_390 : i32
      %add3A_392 = arith.constant 6 : i32
      %add3A_393 = arith.addi %add3A_391, %add3A_392 : i32
      %dma_start3A_394 = arith.constant 0 : i32
      %dma_start3A_395 = tpu.memref_slice %arg9[%add3A_393, %dma_start3A_394] : memref<512x64xf32, #tpu.memory_space<vmem>> -> memref<1x64xf32, #tpu.memory_space<vmem>>
      %dma_start3A_396 = arith.constant 0 : i32
      %dma_start3A_397 = tpu.memref_slice %arg4[%squeeze3A_387, %dma_start3A_396] : memref<1000000x64xf32, #tpu.memory_space<hbm>> -> memref<1x64xf32, #tpu.memory_space<hbm>>
      %dma_start3A_398 = arith.constant 0 : i32
      %dma_start3A_399 = tpu.memref_slice %arg9[%add3A_393, %dma_start3A_398] : memref<512x64xf32, #tpu.memory_space<vmem>> -> memref<1x64xf32, #tpu.memory_space<vmem>>
      %dma_start3A_400 = arith.constant 0 : i32
      %dma_start3A_401 = tpu.memref_slice %arg4[%squeeze3A_387, %dma_start3A_400] : memref<1000000x64xf32, #tpu.memory_space<hbm>> -> memref<1x64xf32, #tpu.memory_space<hbm>>
      tpu.enqueue_dma source(%dma_start3A_401 : memref<1x64xf32, #tpu.memory_space<hbm>>) target(%dma_start3A_399 : memref<1x64xf32, #tpu.memory_space<vmem>>) target_semaphore(%arg10 : memref<!tpu.dma_semaphore, #tpu.memory_space<semaphore_mem>>)
      %slice3A_402 = vector.extract_strided_slice %get3A_289 {offsets = [7], sizes = [1], strides = [1]} : vector<16xi32> to vector<1xi32>
      %squeeze3A_403 = vector.extract %slice3A_402[0] : i32 from vector<1xi32>
      %mul3A_404 = arith.constant 64 : i32
      %mul3A_405 = arith.muli %scan3A_25, %mul3A_404 : i32
      %add3A_406 = arith.constant 16 : i32
      %add3A_407 = arith.addi %mul3A_405, %add3A_406 : i32
      %add3A_408 = arith.constant 7 : i32
      %add3A_409 = arith.addi %add3A_407, %add3A_408 : i32
      %dma_start3A_410 = arith.constant 0 : i32
      %dma_start3A_411 = tpu.memref_slice %arg9[%add3A_409, %dma_start3A_410] : memref<512x64xf32, #tpu.memory_space<vmem>> -> memref<1x64xf32, #tpu.memory_space<vmem>>
      %dma_start3A_412 = arith.constant 0 : i32
      %dma_start3A_413 = tpu.memref_slice %arg4[%squeeze3A_403, %dma_start3A_412] : memref<1000000x64xf32, #tpu.memory_space<hbm>> -> memref<1x64xf32, #tpu.memory_space<hbm>>
      %dma_start3A_414 = arith.constant 0 : i32
      %dma_start3A_415 = tpu.memref_slice %arg9[%add3A_409, %dma_start3A_414] : memref<512x64xf32, #tpu.memory_space<vmem>> -> memref<1x64xf32, #tpu.memory_space<vmem>>
      %dma_start3A_416 = arith.constant 0 : i32
      %dma_start3A_417 = tpu.memref_slice %arg4[%squeeze3A_403, %dma_start3A_416] : memref<1000000x64xf32, #tpu.memory_space<hbm>> -> memref<1x64xf32, #tpu.memory_space<hbm>>
      tpu.enqueue_dma source(%dma_start3A_417 : memref<1x64xf32, #tpu.memory_space<hbm>>) target(%dma_start3A_415 : memref<1x64xf32, #tpu.memory_space<vmem>>) target_semaphore(%arg10 : memref<!tpu.dma_semaphore, #tpu.memory_space<semaphore_mem>>)
      %slice3A_418 = vector.extract_strided_slice %get3A_289 {offsets = [8], sizes = [1], strides = [1]} : vector<16xi32> to vector<1xi32>
      %squeeze3A_419 = vector.extract %slice3A_418[0] : i32 from vector<1xi32>
      %mul3A_420 = arith.constant 64 : i32
      %mul3A_421 = arith.muli %scan3A_25, %mul3A_420 : i32
      %add3A_422 = arith.constant 16 : i32
      %add3A_423 = arith.addi %mul3A_421, %add3A_422 : i32
      %add3A_424 = arith.constant 8 : i32
      %add3A_425 = arith.addi %add3A_423, %add3A_424 : i32
      %dma_start3A_426 = arith.constant 0 : i32
      %dma_start3A_427 = tpu.memref_slice %arg9[%add3A_425, %dma_start3A_426] : memref<512x64xf32, #tpu.memory_space<vmem>> -> memref<1x64xf32, #tpu.memory_space<vmem>>
      %dma_start3A_428 = arith.constant 0 : i32
      %dma_start3A_429 = tpu.memref_slice %arg4[%squeeze3A_419, %dma_start3A_428] : memref<1000000x64xf32, #tpu.memory_space<hbm>> -> memref<1x64xf32, #tpu.memory_space<hbm>>
      %dma_start3A_430 = arith.constant 0 : i32
      %dma_start3A_431 = tpu.memref_slice %arg9[%add3A_425, %dma_start3A_430] : memref<512x64xf32, #tpu.memory_space<vmem>> -> memref<1x64xf32, #tpu.memory_space<vmem>>
      %dma_start3A_432 = arith.constant 0 : i32
      %dma_start3A_433 = tpu.memref_slice %arg4[%squeeze3A_419, %dma_start3A_432] : memref<1000000x64xf32, #tpu.memory_space<hbm>> -> memref<1x64xf32, #tpu.memory_space<hbm>>
      tpu.enqueue_dma source(%dma_start3A_433 : memref<1x64xf32, #tpu.memory_space<hbm>>) target(%dma_start3A_431 : memref<1x64xf32, #tpu.memory_space<vmem>>) target_semaphore(%arg10 : memref<!tpu.dma_semaphore, #tpu.memory_space<semaphore_mem>>)
      %slice3A_434 = vector.extract_strided_slice %get3A_289 {offsets = [9], sizes = [1], strides = [1]} : vector<16xi32> to vector<1xi32>
      %squeeze3A_435 = vector.extract %slice3A_434[0] : i32 from vector<1xi32>
      %mul3A_436 = arith.constant 64 : i32
      %mul3A_437 = arith.muli %scan3A_25, %mul3A_436 : i32
      %add3A_438 = arith.constant 16 : i32
      %add3A_439 = arith.addi %mul3A_437, %add3A_438 : i32
      %add3A_440 = arith.constant 9 : i32
      %add3A_441 = arith.addi %add3A_439, %add3A_440 : i32
      %dma_start3A_442 = arith.constant 0 : i32
      %dma_start3A_443 = tpu.memref_slice %arg9[%add3A_441, %dma_start3A_442] : memref<512x64xf32, #tpu.memory_space<vmem>> -> memref<1x64xf32, #tpu.memory_space<vmem>>
      %dma_start3A_444 = arith.constant 0 : i32
      %dma_start3A_445 = tpu.memref_slice %arg4[%squeeze3A_435, %dma_start3A_444] : memref<1000000x64xf32, #tpu.memory_space<hbm>> -> memref<1x64xf32, #tpu.memory_space<hbm>>
      %dma_start3A_446 = arith.constant 0 : i32
      %dma_start3A_447 = tpu.memref_slice %arg9[%add3A_441, %dma_start3A_446] : memref<512x64xf32, #tpu.memory_space<vmem>> -> memref<1x64xf32, #tpu.memory_space<vmem>>
      %dma_start3A_448 = arith.constant 0 : i32
      %dma_start3A_449 = tpu.memref_slice %arg4[%squeeze3A_435, %dma_start3A_448] : memref<1000000x64xf32, #tpu.memory_space<hbm>> -> memref<1x64xf32, #tpu.memory_space<hbm>>
      tpu.enqueue_dma source(%dma_start3A_449 : memref<1x64xf32, #tpu.memory_space<hbm>>) target(%dma_start3A_447 : memref<1x64xf32, #tpu.memory_space<vmem>>) target_semaphore(%arg10 : memref<!tpu.dma_semaphore, #tpu.memory_space<semaphore_mem>>)
      %slice3A_450 = vector.extract_strided_slice %get3A_289 {offsets = [10], sizes = [1], strides = [1]} : vector<16xi32> to vector<1xi32>
      %squeeze3A_451 = vector.extract %slice3A_450[0] : i32 from vector<1xi32>
      %mul3A_452 = arith.constant 64 : i32
      %mul3A_453 = arith.muli %scan3A_25, %mul3A_452 : i32
      %add3A_454 = arith.constant 16 : i32
      %add3A_455 = arith.addi %mul3A_453, %add3A_454 : i32
      %add3A_456 = arith.constant 10 : i32
      %add3A_457 = arith.addi %add3A_455, %add3A_456 : i32
      %dma_start3A_458 = arith.constant 0 : i32
      %dma_start3A_459 = tpu.memref_slice %arg9[%add3A_457, %dma_start3A_458] : memref<512x64xf32, #tpu.memory_space<vmem>> -> memref<1x64xf32, #tpu.memory_space<vmem>>
      %dma_start3A_460 = arith.constant 0 : i32
      %dma_start3A_461 = tpu.memref_slice %arg4[%squeeze3A_451, %dma_start3A_460] : memref<1000000x64xf32, #tpu.memory_space<hbm>> -> memref<1x64xf32, #tpu.memory_space<hbm>>
      %dma_start3A_462 = arith.constant 0 : i32
      %dma_start3A_463 = tpu.memref_slice %arg9[%add3A_457, %dma_start3A_462] : memref<512x64xf32, #tpu.memory_space<vmem>> -> memref<1x64xf32, #tpu.memory_space<vmem>>
      %dma_start3A_464 = arith.constant 0 : i32
      %dma_start3A_465 = tpu.memref_slice %arg4[%squeeze3A_451, %dma_start3A_464] : memref<1000000x64xf32, #tpu.memory_space<hbm>> -> memref<1x64xf32, #tpu.memory_space<hbm>>
      tpu.enqueue_dma source(%dma_start3A_465 : memref<1x64xf32, #tpu.memory_space<hbm>>) target(%dma_start3A_463 : memref<1x64xf32, #tpu.memory_space<vmem>>) target_semaphore(%arg10 : memref<!tpu.dma_semaphore, #tpu.memory_space<semaphore_mem>>)
      %slice3A_466 = vector.extract_strided_slice %get3A_289 {offsets = [11], sizes = [1], strides = [1]} : vector<16xi32> to vector<1xi32>
      %squeeze3A_467 = vector.extract %slice3A_466[0] : i32 from vector<1xi32>
      %mul3A_468 = arith.constant 64 : i32
      %mul3A_469 = arith.muli %scan3A_25, %mul3A_468 : i32
      %add3A_470 = arith.constant 16 : i32
      %add3A_471 = arith.addi %mul3A_469, %add3A_470 : i32
      %add3A_472 = arith.constant 11 : i32
      %add3A_473 = arith.addi %add3A_471, %add3A_472 : i32
      %dma_start3A_474 = arith.constant 0 : i32
      %dma_start3A_475 = tpu.memref_slice %arg9[%add3A_473, %dma_start3A_474] : memref<512x64xf32, #tpu.memory_space<vmem>> -> memref<1x64xf32, #tpu.memory_space<vmem>>
      %dma_start3A_476 = arith.constant 0 : i32
      %dma_start3A_477 = tpu.memref_slice %arg4[%squeeze3A_467, %dma_start3A_476] : memref<1000000x64xf32, #tpu.memory_space<hbm>> -> memref<1x64xf32, #tpu.memory_space<hbm>>
      %dma_start3A_478 = arith.constant 0 : i32
      %dma_start3A_479 = tpu.memref_slice %arg9[%add3A_473, %dma_start3A_478] : memref<512x64xf32, #tpu.memory_space<vmem>> -> memref<1x64xf32, #tpu.memory_space<vmem>>
      %dma_start3A_480 = arith.constant 0 : i32
      %dma_start3A_481 = tpu.memref_slice %arg4[%squeeze3A_467, %dma_start3A_480] : memref<1000000x64xf32, #tpu.memory_space<hbm>> -> memref<1x64xf32, #tpu.memory_space<hbm>>
      tpu.enqueue_dma source(%dma_start3A_481 : memref<1x64xf32, #tpu.memory_space<hbm>>) target(%dma_start3A_479 : memref<1x64xf32, #tpu.memory_space<vmem>>) target_semaphore(%arg10 : memref<!tpu.dma_semaphore, #tpu.memory_space<semaphore_mem>>)
      %slice3A_482 = vector.extract_strided_slice %get3A_289 {offsets = [12], sizes = [1], strides = [1]} : vector<16xi32> to vector<1xi32>
      %squeeze3A_483 = vector.extract %slice3A_482[0] : i32 from vector<1xi32>
      %mul3A_484 = arith.constant 64 : i32
      %mul3A_485 = arith.muli %scan3A_25, %mul3A_484 : i32
      %add3A_486 = arith.constant 16 : i32
      %add3A_487 = arith.addi %mul3A_485, %add3A_486 : i32
      %add3A_488 = arith.constant 12 : i32
      %add3A_489 = arith.addi %add3A_487, %add3A_488 : i32
      %dma_start3A_490 = arith.constant 0 : i32
      %dma_start3A_491 = tpu.memref_slice %arg9[%add3A_489, %dma_start3A_490] : memref<512x64xf32, #tpu.memory_space<vmem>> -> memref<1x64xf32, #tpu.memory_space<vmem>>
      %dma_start3A_492 = arith.constant 0 : i32
      %dma_start3A_493 = tpu.memref_slice %arg4[%squeeze3A_483, %dma_start3A_492] : memref<1000000x64xf32, #tpu.memory_space<hbm>> -> memref<1x64xf32, #tpu.memory_space<hbm>>
      %dma_start3A_494 = arith.constant 0 : i32
      %dma_start3A_495 = tpu.memref_slice %arg9[%add3A_489, %dma_start3A_494] : memref<512x64xf32, #tpu.memory_space<vmem>> -> memref<1x64xf32, #tpu.memory_space<vmem>>
      %dma_start3A_496 = arith.constant 0 : i32
      %dma_start3A_497 = tpu.memref_slice %arg4[%squeeze3A_483, %dma_start3A_496] : memref<1000000x64xf32, #tpu.memory_space<hbm>> -> memref<1x64xf32, #tpu.memory_space<hbm>>
      tpu.enqueue_dma source(%dma_start3A_497 : memref<1x64xf32, #tpu.memory_space<hbm>>) target(%dma_start3A_495 : memref<1x64xf32, #tpu.memory_space<vmem>>) target_semaphore(%arg10 : memref<!tpu.dma_semaphore, #tpu.memory_space<semaphore_mem>>)
      %slice3A_498 = vector.extract_strided_slice %get3A_289 {offsets = [13], sizes = [1], strides = [1]} : vector<16xi32> to vector<1xi32>
      %squeeze3A_499 = vector.extract %slice3A_498[0] : i32 from vector<1xi32>
      %mul3A_500 = arith.constant 64 : i32
      %mul3A_501 = arith.muli %scan3A_25, %mul3A_500 : i32
      %add3A_502 = arith.constant 16 : i32
      %add3A_503 = arith.addi %mul3A_501, %add3A_502 : i32
      %add3A_504 = arith.constant 13 : i32
      %add3A_505 = arith.addi %add3A_503, %add3A_504 : i32
      %dma_start3A_506 = arith.constant 0 : i32
      %dma_start3A_507 = tpu.memref_slice %arg9[%add3A_505, %dma_start3A_506] : memref<512x64xf32, #tpu.memory_space<vmem>> -> memref<1x64xf32, #tpu.memory_space<vmem>>
      %dma_start3A_508 = arith.constant 0 : i32
      %dma_start3A_509 = tpu.memref_slice %arg4[%squeeze3A_499, %dma_start3A_508] : memref<1000000x64xf32, #tpu.memory_space<hbm>> -> memref<1x64xf32, #tpu.memory_space<hbm>>
      %dma_start3A_510 = arith.constant 0 : i32
      %dma_start3A_511 = tpu.memref_slice %arg9[%add3A_505, %dma_start3A_510] : memref<512x64xf32, #tpu.memory_space<vmem>> -> memref<1x64xf32, #tpu.memory_space<vmem>>
      %dma_start3A_512 = arith.constant 0 : i32
      %dma_start3A_513 = tpu.memref_slice %arg4[%squeeze3A_499, %dma_start3A_512] : memref<1000000x64xf32, #tpu.memory_space<hbm>> -> memref<1x64xf32, #tpu.memory_space<hbm>>
      tpu.enqueue_dma source(%dma_start3A_513 : memref<1x64xf32, #tpu.memory_space<hbm>>) target(%dma_start3A_511 : memref<1x64xf32, #tpu.memory_space<vmem>>) target_semaphore(%arg10 : memref<!tpu.dma_semaphore, #tpu.memory_space<semaphore_mem>>)
      %slice3A_514 = vector.extract_strided_slice %get3A_289 {offsets = [14], sizes = [1], strides = [1]} : vector<16xi32> to vector<1xi32>
      %squeeze3A_515 = vector.extract %slice3A_514[0] : i32 from vector<1xi32>
      %mul3A_516 = arith.constant 64 : i32
      %mul3A_517 = arith.muli %scan3A_25, %mul3A_516 : i32
      %add3A_518 = arith.constant 16 : i32
      %add3A_519 = arith.addi %mul3A_517, %add3A_518 : i32
      %add3A_520 = arith.constant 14 : i32
      %add3A_521 = arith.addi %add3A_519, %add3A_520 : i32
      %dma_start3A_522 = arith.constant 0 : i32
      %dma_start3A_523 = tpu.memref_slice %arg9[%add3A_521, %dma_start3A_522] : memref<512x64xf32, #tpu.memory_space<vmem>> -> memref<1x64xf32, #tpu.memory_space<vmem>>
      %dma_start3A_524 = arith.constant 0 : i32
      %dma_start3A_525 = tpu.memref_slice %arg4[%squeeze3A_515, %dma_start3A_524] : memref<1000000x64xf32, #tpu.memory_space<hbm>> -> memref<1x64xf32, #tpu.memory_space<hbm>>
      %dma_start3A_526 = arith.constant 0 : i32
      %dma_start3A_527 = tpu.memref_slice %arg9[%add3A_521, %dma_start3A_526] : memref<512x64xf32, #tpu.memory_space<vmem>> -> memref<1x64xf32, #tpu.memory_space<vmem>>
      %dma_start3A_528 = arith.constant 0 : i32
      %dma_start3A_529 = tpu.memref_slice %arg4[%squeeze3A_515, %dma_start3A_528] : memref<1000000x64xf32, #tpu.memory_space<hbm>> -> memref<1x64xf32, #tpu.memory_space<hbm>>
      tpu.enqueue_dma source(%dma_start3A_529 : memref<1x64xf32, #tpu.memory_space<hbm>>) target(%dma_start3A_527 : memref<1x64xf32, #tpu.memory_space<vmem>>) target_semaphore(%arg10 : memref<!tpu.dma_semaphore, #tpu.memory_space<semaphore_mem>>)
      %slice3A_530 = vector.extract_strided_slice %get3A_289 {offsets = [15], sizes = [1], strides = [1]} : vector<16xi32> to vector<1xi32>
      %squeeze3A_531 = vector.extract %slice3A_530[0] : i32 from vector<1xi32>
      %mul3A_532 = arith.constant 64 : i32
      %mul3A_533 = arith.muli %scan3A_25, %mul3A_532 : i32
      %add3A_534 = arith.constant 16 : i32
      %add3A_535 = arith.addi %mul3A_533, %add3A_534 : i32
      %add3A_536 = arith.constant 15 : i32
      %add3A_537 = arith.addi %add3A_535, %add3A_536 : i32
      %dma_start3A_538 = arith.constant 0 : i32
      %dma_start3A_539 = tpu.memref_slice %arg9[%add3A_537, %dma_start3A_538] : memref<512x64xf32, #tpu.memory_space<vmem>> -> memref<1x64xf32, #tpu.memory_space<vmem>>
      %dma_start3A_540 = arith.constant 0 : i32
      %dma_start3A_541 = tpu.memref_slice %arg4[%squeeze3A_531, %dma_start3A_540] : memref<1000000x64xf32, #tpu.memory_space<hbm>> -> memref<1x64xf32, #tpu.memory_space<hbm>>
      %dma_start3A_542 = arith.constant 0 : i32
      %dma_start3A_543 = tpu.memref_slice %arg9[%add3A_537, %dma_start3A_542] : memref<512x64xf32, #tpu.memory_space<vmem>> -> memref<1x64xf32, #tpu.memory_space<vmem>>
      %dma_start3A_544 = arith.constant 0 : i32
      %dma_start3A_545 = tpu.memref_slice %arg4[%squeeze3A_531, %dma_start3A_544] : memref<1000000x64xf32, #tpu.memory_space<hbm>> -> memref<1x64xf32, #tpu.memory_space<hbm>>
      tpu.enqueue_dma source(%dma_start3A_545 : memref<1x64xf32, #tpu.memory_space<hbm>>) target(%dma_start3A_543 : memref<1x64xf32, #tpu.memory_space<vmem>>) target_semaphore(%arg10 : memref<!tpu.dma_semaphore, #tpu.memory_space<semaphore_mem>>)
      %mul3A_546 = arith.constant 64 : i32
      %mul3A_547 = arith.muli %scan3A_25, %mul3A_546 : i32
      %add3A_548 = arith.constant 32 : i32
      %add3A_549 = arith.addi %mul3A_547, %add3A_548 : i32
      %get3A_550 = arith.index_cast %add3A_549 : i32 to index
      %get3A_551 = tpu.vector_load %arg7[%get3A_550] {strides = array<i32>} : memref<512xi32, #tpu.memory_space<vmem>>, vector<16xi32>,
      %slice3A_552 = vector.extract_strided_slice %get3A_551 {offsets = [0], sizes = [1], strides = [1]} : vector<16xi32> to vector<1xi32>
      %squeeze3A_553 = vector.extract %slice3A_552[0] : i32 from vector<1xi32>
      %mul3A_554 = arith.constant 64 : i32
      %mul3A_555 = arith.muli %scan3A_25, %mul3A_554 : i32
      %add3A_556 = arith.constant 32 : i32
      %add3A_557 = arith.addi %mul3A_555, %add3A_556 : i32
      %add3A_558 = arith.constant 0 : i32
      %add3A_559 = arith.addi %add3A_557, %add3A_558 : i32
      %dma_start3A_560 = arith.constant 0 : i32
      %dma_start3A_561 = tpu.memref_slice %arg9[%add3A_559, %dma_start3A_560] : memref<512x64xf32, #tpu.memory_space<vmem>> -> memref<1x64xf32, #tpu.memory_space<vmem>>
      %dma_start3A_562 = arith.constant 0 : i32
      %dma_start3A_563 = tpu.memref_slice %arg4[%squeeze3A_553, %dma_start3A_562] : memref<1000000x64xf32, #tpu.memory_space<hbm>> -> memref<1x64xf32, #tpu.memory_space<hbm>>
      %dma_start3A_564 = arith.constant 0 : i32
      %dma_start3A_565 = tpu.memref_slice %arg9[%add3A_559, %dma_start3A_564] : memref<512x64xf32, #tpu.memory_space<vmem>> -> memref<1x64xf32, #tpu.memory_space<vmem>>
      %dma_start3A_566 = arith.constant 0 : i32
      %dma_start3A_567 = tpu.memref_slice %arg4[%squeeze3A_553, %dma_start3A_566] : memref<1000000x64xf32, #tpu.memory_space<hbm>> -> memref<1x64xf32, #tpu.memory_space<hbm>>
      tpu.enqueue_dma source(%dma_start3A_567 : memref<1x64xf32, #tpu.memory_space<hbm>>) target(%dma_start3A_565 : memref<1x64xf32, #tpu.memory_space<vmem>>) target_semaphore(%arg10 : memref<!tpu.dma_semaphore, #tpu.memory_space<semaphore_mem>>)
      %slice3A_568 = vector.extract_strided_slice %get3A_551 {offsets = [1], sizes = [1], strides = [1]} : vector<16xi32> to vector<1xi32>
      %squeeze3A_569 = vector.extract %slice3A_568[0] : i32 from vector<1xi32>
      %mul3A_570 = arith.constant 64 : i32
      %mul3A_571 = arith.muli %scan3A_25, %mul3A_570 : i32
      %add3A_572 = arith.constant 32 : i32
      %add3A_573 = arith.addi %mul3A_571, %add3A_572 : i32
      %add3A_574 = arith.constant 1 : i32
      %add3A_575 = arith.addi %add3A_573, %add3A_574 : i32
      %dma_start3A_576 = arith.constant 0 : i32
      %dma_start3A_577 = tpu.memref_slice %arg9[%add3A_575, %dma_start3A_576] : memref<512x64xf32, #tpu.memory_space<vmem>> -> memref<1x64xf32, #tpu.memory_space<vmem>>
      %dma_start3A_578 = arith.constant 0 : i32
      %dma_start3A_579 = tpu.memref_slice %arg4[%squeeze3A_569, %dma_start3A_578] : memref<1000000x64xf32, #tpu.memory_space<hbm>> -> memref<1x64xf32, #tpu.memory_space<hbm>>
      %dma_start3A_580 = arith.constant 0 : i32
      %dma_start3A_581 = tpu.memref_slice %arg9[%add3A_575, %dma_start3A_580] : memref<512x64xf32, #tpu.memory_space<vmem>> -> memref<1x64xf32, #tpu.memory_space<vmem>>
      %dma_start3A_582 = arith.constant 0 : i32
      %dma_start3A_583 = tpu.memref_slice %arg4[%squeeze3A_569, %dma_start3A_582] : memref<1000000x64xf32, #tpu.memory_space<hbm>> -> memref<1x64xf32, #tpu.memory_space<hbm>>
      tpu.enqueue_dma source(%dma_start3A_583 : memref<1x64xf32, #tpu.memory_space<hbm>>) target(%dma_start3A_581 : memref<1x64xf32, #tpu.memory_space<vmem>>) target_semaphore(%arg10 : memref<!tpu.dma_semaphore, #tpu.memory_space<semaphore_mem>>)
      %slice3A_584 = vector.extract_strided_slice %get3A_551 {offsets = [2], sizes = [1], strides = [1]} : vector<16xi32> to vector<1xi32>
      %squeeze3A_585 = vector.extract %slice3A_584[0] : i32 from vector<1xi32>
      %mul3A_586 = arith.constant 64 : i32
      %mul3A_587 = arith.muli %scan3A_25, %mul3A_586 : i32
      %add3A_588 = arith.constant 32 : i32
      %add3A_589 = arith.addi %mul3A_587, %add3A_588 : i32
      %add3A_590 = arith.constant 2 : i32
      %add3A_591 = arith.addi %add3A_589, %add3A_590 : i32
      %dma_start3A_592 = arith.constant 0 : i32
      %dma_start3A_593 = tpu.memref_slice %arg9[%add3A_591, %dma_start3A_592] : memref<512x64xf32, #tpu.memory_space<vmem>> -> memref<1x64xf32, #tpu.memory_space<vmem>>
      %dma_start3A_594 = arith.constant 0 : i32
      %dma_start3A_595 = tpu.memref_slice %arg4[%squeeze3A_585, %dma_start3A_594] : memref<1000000x64xf32, #tpu.memory_space<hbm>> -> memref<1x64xf32, #tpu.memory_space<hbm>>
      %dma_start3A_596 = arith.constant 0 : i32
      %dma_start3A_597 = tpu.memref_slice %arg9[%add3A_591, %dma_start3A_596] : memref<512x64xf32, #tpu.memory_space<vmem>> -> memref<1x64xf32, #tpu.memory_space<vmem>>
      %dma_start3A_598 = arith.constant 0 : i32
      %dma_start3A_599 = tpu.memref_slice %arg4[%squeeze3A_585, %dma_start3A_598] : memref<1000000x64xf32, #tpu.memory_space<hbm>> -> memref<1x64xf32, #tpu.memory_space<hbm>>
      tpu.enqueue_dma source(%dma_start3A_599 : memref<1x64xf32, #tpu.memory_space<hbm>>) target(%dma_start3A_597 : memref<1x64xf32, #tpu.memory_space<vmem>>) target_semaphore(%arg10 : memref<!tpu.dma_semaphore, #tpu.memory_space<semaphore_mem>>)
      %slice3A_600 = vector.extract_strided_slice %get3A_551 {offsets = [3], sizes = [1], strides = [1]} : vector<16xi32> to vector<1xi32>
      %squeeze3A_601 = vector.extract %slice3A_600[0] : i32 from vector<1xi32>
      %mul3A_602 = arith.constant 64 : i32
      %mul3A_603 = arith.muli %scan3A_25, %mul3A_602 : i32
      %add3A_604 = arith.constant 32 : i32
      %add3A_605 = arith.addi %mul3A_603, %add3A_604 : i32
      %add3A_606 = arith.constant 3 : i32
      %add3A_607 = arith.addi %add3A_605, %add3A_606 : i32
      %dma_start3A_608 = arith.constant 0 : i32
      %dma_start3A_609 = tpu.memref_slice %arg9[%add3A_607, %dma_start3A_608] : memref<512x64xf32, #tpu.memory_space<vmem>> -> memref<1x64xf32, #tpu.memory_space<vmem>>
      %dma_start3A_610 = arith.constant 0 : i32
      %dma_start3A_611 = tpu.memref_slice %arg4[%squeeze3A_601, %dma_start3A_610] : memref<1000000x64xf32, #tpu.memory_space<hbm>> -> memref<1x64xf32, #tpu.memory_space<hbm>>
      %dma_start3A_612 = arith.constant 0 : i32
      %dma_start3A_613 = tpu.memref_slice %arg9[%add3A_607, %dma_start3A_612] : memref<512x64xf32, #tpu.memory_space<vmem>> -> memref<1x64xf32, #tpu.memory_space<vmem>>
      %dma_start3A_614 = arith.constant 0 : i32
      %dma_start3A_615 = tpu.memref_slice %arg4[%squeeze3A_601, %dma_start3A_614] : memref<1000000x64xf32, #tpu.memory_space<hbm>> -> memref<1x64xf32, #tpu.memory_space<hbm>>
      tpu.enqueue_dma source(%dma_start3A_615 : memref<1x64xf32, #tpu.memory_space<hbm>>) target(%dma_start3A_613 : memref<1x64xf32, #tpu.memory_space<vmem>>) target_semaphore(%arg10 : memref<!tpu.dma_semaphore, #tpu.memory_space<semaphore_mem>>)
      %slice3A_616 = vector.extract_strided_slice %get3A_551 {offsets = [4], sizes = [1], strides = [1]} : vector<16xi32> to vector<1xi32>
      %squeeze3A_617 = vector.extract %slice3A_616[0] : i32 from vector<1xi32>
      %mul3A_618 = arith.constant 64 : i32
      %mul3A_619 = arith.muli %scan3A_25, %mul3A_618 : i32
      %add3A_620 = arith.constant 32 : i32
      %add3A_621 = arith.addi %mul3A_619, %add3A_620 : i32
      %add3A_622 = arith.constant 4 : i32
      %add3A_623 = arith.addi %add3A_621, %add3A_622 : i32
      %dma_start3A_624 = arith.constant 0 : i32
      %dma_start3A_625 = tpu.memref_slice %arg9[%add3A_623, %dma_start3A_624] : memref<512x64xf32, #tpu.memory_space<vmem>> -> memref<1x64xf32, #tpu.memory_space<vmem>>
      %dma_start3A_626 = arith.constant 0 : i32
      %dma_start3A_627 = tpu.memref_slice %arg4[%squeeze3A_617, %dma_start3A_626] : memref<1000000x64xf32, #tpu.memory_space<hbm>> -> memref<1x64xf32, #tpu.memory_space<hbm>>
      %dma_start3A_628 = arith.constant 0 : i32
      %dma_start3A_629 = tpu.memref_slice %arg9[%add3A_623, %dma_start3A_628] : memref<512x64xf32, #tpu.memory_space<vmem>> -> memref<1x64xf32, #tpu.memory_space<vmem>>
      %dma_start3A_630 = arith.constant 0 : i32
      %dma_start3A_631 = tpu.memref_slice %arg4[%squeeze3A_617, %dma_start3A_630] : memref<1000000x64xf32, #tpu.memory_space<hbm>> -> memref<1x64xf32, #tpu.memory_space<hbm>>
      tpu.enqueue_dma source(%dma_start3A_631 : memref<1x64xf32, #tpu.memory_space<hbm>>) target(%dma_start3A_629 : memref<1x64xf32, #tpu.memory_space<vmem>>) target_semaphore(%arg10 : memref<!tpu.dma_semaphore, #tpu.memory_space<semaphore_mem>>)
      %slice3A_632 = vector.extract_strided_slice %get3A_551 {offsets = [5], sizes = [1], strides = [1]} : vector<16xi32> to vector<1xi32>
      %squeeze3A_633 = vector.extract %slice3A_632[0] : i32 from vector<1xi32>
      %mul3A_634 = arith.constant 64 : i32
      %mul3A_635 = arith.muli %scan3A_25, %mul3A_634 : i32
      %add3A_636 = arith.constant 32 : i32
      %add3A_637 = arith.addi %mul3A_635, %add3A_636 : i32
      %add3A_638 = arith.constant 5 : i32
      %add3A_639 = arith.addi %add3A_637, %add3A_638 : i32
      %dma_start3A_640 = arith.constant 0 : i32
      %dma_start3A_641 = tpu.memref_slice %arg9[%add3A_639, %dma_start3A_640] : memref<512x64xf32, #tpu.memory_space<vmem>> -> memref<1x64xf32, #tpu.memory_space<vmem>>
      %dma_start3A_642 = arith.constant 0 : i32
      %dma_start3A_643 = tpu.memref_slice %arg4[%squeeze3A_633, %dma_start3A_642] : memref<1000000x64xf32, #tpu.memory_space<hbm>> -> memref<1x64xf32, #tpu.memory_space<hbm>>
      %dma_start3A_644 = arith.constant 0 : i32
      %dma_start3A_645 = tpu.memref_slice %arg9[%add3A_639, %dma_start3A_644] : memref<512x64xf32, #tpu.memory_space<vmem>> -> memref<1x64xf32, #tpu.memory_space<vmem>>
      %dma_start3A_646 = arith.constant 0 : i32
      %dma_start3A_647 = tpu.memref_slice %arg4[%squeeze3A_633, %dma_start3A_646] : memref<1000000x64xf32, #tpu.memory_space<hbm>> -> memref<1x64xf32, #tpu.memory_space<hbm>>
      tpu.enqueue_dma source(%dma_start3A_647 : memref<1x64xf32, #tpu.memory_space<hbm>>) target(%dma_start3A_645 : memref<1x64xf32, #tpu.memory_space<vmem>>) target_semaphore(%arg10 : memref<!tpu.dma_semaphore, #tpu.memory_space<semaphore_mem>>)
      %slice3A_648 = vector.extract_strided_slice %get3A_551 {offsets = [6], sizes = [1], strides = [1]} : vector<16xi32> to vector<1xi32>
      %squeeze3A_649 = vector.extract %slice3A_648[0] : i32 from vector<1xi32>
      %mul3A_650 = arith.constant 64 : i32
      %mul3A_651 = arith.muli %scan3A_25, %mul3A_650 : i32
      %add3A_652 = arith.constant 32 : i32
      %add3A_653 = arith.addi %mul3A_651, %add3A_652 : i32
      %add3A_654 = arith.constant 6 : i32
      %add3A_655 = arith.addi %add3A_653, %add3A_654 : i32
      %dma_start3A_656 = arith.constant 0 : i32
      %dma_start3A_657 = tpu.memref_slice %arg9[%add3A_655, %dma_start3A_656] : memref<512x64xf32, #tpu.memory_space<vmem>> -> memref<1x64xf32, #tpu.memory_space<vmem>>
      %dma_start3A_658 = arith.constant 0 : i32
      %dma_start3A_659 = tpu.memref_slice %arg4[%squeeze3A_649, %dma_start3A_658] : memref<1000000x64xf32, #tpu.memory_space<hbm>> -> memref<1x64xf32, #tpu.memory_space<hbm>>
      %dma_start3A_660 = arith.constant 0 : i32
      %dma_start3A_661 = tpu.memref_slice %arg9[%add3A_655, %dma_start3A_660] : memref<512x64xf32, #tpu.memory_space<vmem>> -> memref<1x64xf32, #tpu.memory_space<vmem>>
      %dma_start3A_662 = arith.constant 0 : i32
      %dma_start3A_663 = tpu.memref_slice %arg4[%squeeze3A_649, %dma_start3A_662] : memref<1000000x64xf32, #tpu.memory_space<hbm>> -> memref<1x64xf32, #tpu.memory_space<hbm>>
      tpu.enqueue_dma source(%dma_start3A_663 : memref<1x64xf32, #tpu.memory_space<hbm>>) target(%dma_start3A_661 : memref<1x64xf32, #tpu.memory_space<vmem>>) target_semaphore(%arg10 : memref<!tpu.dma_semaphore, #tpu.memory_space<semaphore_mem>>)
      %slice3A_664 = vector.extract_strided_slice %get3A_551 {offsets = [7], sizes = [1], strides = [1]} : vector<16xi32> to vector<1xi32>
      %squeeze3A_665 = vector.extract %slice3A_664[0] : i32 from vector<1xi32>
      %mul3A_666 = arith.constant 64 : i32
      %mul3A_667 = arith.muli %scan3A_25, %mul3A_666 : i32
      %add3A_668 = arith.constant 32 : i32
      %add3A_669 = arith.addi %mul3A_667, %add3A_668 : i32
      %add3A_670 = arith.constant 7 : i32
      %add3A_671 = arith.addi %add3A_669, %add3A_670 : i32
      %dma_start3A_672 = arith.constant 0 : i32
      %dma_start3A_673 = tpu.memref_slice %arg9[%add3A_671, %dma_start3A_672] : memref<512x64xf32, #tpu.memory_space<vmem>> -> memref<1x64xf32, #tpu.memory_space<vmem>>
      %dma_start3A_674 = arith.constant 0 : i32
      %dma_start3A_675 = tpu.memref_slice %arg4[%squeeze3A_665, %dma_start3A_674] : memref<1000000x64xf32, #tpu.memory_space<hbm>> -> memref<1x64xf32, #tpu.memory_space<hbm>>
      %dma_start3A_676 = arith.constant 0 : i32
      %dma_start3A_677 = tpu.memref_slice %arg9[%add3A_671, %dma_start3A_676] : memref<512x64xf32, #tpu.memory_space<vmem>> -> memref<1x64xf32, #tpu.memory_space<vmem>>
      %dma_start3A_678 = arith.constant 0 : i32
      %dma_start3A_679 = tpu.memref_slice %arg4[%squeeze3A_665, %dma_start3A_678] : memref<1000000x64xf32, #tpu.memory_space<hbm>> -> memref<1x64xf32, #tpu.memory_space<hbm>>
      tpu.enqueue_dma source(%dma_start3A_679 : memref<1x64xf32, #tpu.memory_space<hbm>>) target(%dma_start3A_677 : memref<1x64xf32, #tpu.memory_space<vmem>>) target_semaphore(%arg10 : memref<!tpu.dma_semaphore, #tpu.memory_space<semaphore_mem>>)
      %slice3A_680 = vector.extract_strided_slice %get3A_551 {offsets = [8], sizes = [1], strides = [1]} : vector<16xi32> to vector<1xi32>
      %squeeze3A_681 = vector.extract %slice3A_680[0] : i32 from vector<1xi32>
      %mul3A_682 = arith.constant 64 : i32
      %mul3A_683 = arith.muli %scan3A_25, %mul3A_682 : i32
      %add3A_684 = arith.constant 32 : i32
      %add3A_685 = arith.addi %mul3A_683, %add3A_684 : i32
      %add3A_686 = arith.constant 8 : i32
      %add3A_687 = arith.addi %add3A_685, %add3A_686 : i32
      %dma_start3A_688 = arith.constant 0 : i32
      %dma_start3A_689 = tpu.memref_slice %arg9[%add3A_687, %dma_start3A_688] : memref<512x64xf32, #tpu.memory_space<vmem>> -> memref<1x64xf32, #tpu.memory_space<vmem>>
      %dma_start3A_690 = arith.constant 0 : i32
      %dma_start3A_691 = tpu.memref_slice %arg4[%squeeze3A_681, %dma_start3A_690] : memref<1000000x64xf32, #tpu.memory_space<hbm>> -> memref<1x64xf32, #tpu.memory_space<hbm>>
      %dma_start3A_692 = arith.constant 0 : i32
      %dma_start3A_693 = tpu.memref_slice %arg9[%add3A_687, %dma_start3A_692] : memref<512x64xf32, #tpu.memory_space<vmem>> -> memref<1x64xf32, #tpu.memory_space<vmem>>
      %dma_start3A_694 = arith.constant 0 : i32
      %dma_start3A_695 = tpu.memref_slice %arg4[%squeeze3A_681, %dma_start3A_694] : memref<1000000x64xf32, #tpu.memory_space<hbm>> -> memref<1x64xf32, #tpu.memory_space<hbm>>
      tpu.enqueue_dma source(%dma_start3A_695 : memref<1x64xf32, #tpu.memory_space<hbm>>) target(%dma_start3A_693 : memref<1x64xf32, #tpu.memory_space<vmem>>) target_semaphore(%arg10 : memref<!tpu.dma_semaphore, #tpu.memory_space<semaphore_mem>>)
      %slice3A_696 = vector.extract_strided_slice %get3A_551 {offsets = [9], sizes = [1], strides = [1]} : vector<16xi32> to vector<1xi32>
      %squeeze3A_697 = vector.extract %slice3A_696[0] : i32 from vector<1xi32>
      %mul3A_698 = arith.constant 64 : i32
      %mul3A_699 = arith.muli %scan3A_25, %mul3A_698 : i32
      %add3A_700 = arith.constant 32 : i32
      %add3A_701 = arith.addi %mul3A_699, %add3A_700 : i32
      %add3A_702 = arith.constant 9 : i32
      %add3A_703 = arith.addi %add3A_701, %add3A_702 : i32
      %dma_start3A_704 = arith.constant 0 : i32
      %dma_start3A_705 = tpu.memref_slice %arg9[%add3A_703, %dma_start3A_704] : memref<512x64xf32, #tpu.memory_space<vmem>> -> memref<1x64xf32, #tpu.memory_space<vmem>>
      %dma_start3A_706 = arith.constant 0 : i32
      %dma_start3A_707 = tpu.memref_slice %arg4[%squeeze3A_697, %dma_start3A_706] : memref<1000000x64xf32, #tpu.memory_space<hbm>> -> memref<1x64xf32, #tpu.memory_space<hbm>>
      %dma_start3A_708 = arith.constant 0 : i32
      %dma_start3A_709 = tpu.memref_slice %arg9[%add3A_703, %dma_start3A_708] : memref<512x64xf32, #tpu.memory_space<vmem>> -> memref<1x64xf32, #tpu.memory_space<vmem>>
      %dma_start3A_710 = arith.constant 0 : i32
      %dma_start3A_711 = tpu.memref_slice %arg4[%squeeze3A_697, %dma_start3A_710] : memref<1000000x64xf32, #tpu.memory_space<hbm>> -> memref<1x64xf32, #tpu.memory_space<hbm>>
      tpu.enqueue_dma source(%dma_start3A_711 : memref<1x64xf32, #tpu.memory_space<hbm>>) target(%dma_start3A_709 : memref<1x64xf32, #tpu.memory_space<vmem>>) target_semaphore(%arg10 : memref<!tpu.dma_semaphore, #tpu.memory_space<semaphore_mem>>)
      %slice3A_712 = vector.extract_strided_slice %get3A_551 {offsets = [10], sizes = [1], strides = [1]} : vector<16xi32> to vector<1xi32>
      %squeeze3A_713 = vector.extract %slice3A_712[0] : i32 from vector<1xi32>
      %mul3A_714 = arith.constant 64 : i32
      %mul3A_715 = arith.muli %scan3A_25, %mul3A_714 : i32
      %add3A_716 = arith.constant 32 : i32
      %add3A_717 = arith.addi %mul3A_715, %add3A_716 : i32
      %add3A_718 = arith.constant 10 : i32
      %add3A_719 = arith.addi %add3A_717, %add3A_718 : i32
      %dma_start3A_720 = arith.constant 0 : i32
      %dma_start3A_721 = tpu.memref_slice %arg9[%add3A_719, %dma_start3A_720] : memref<512x64xf32, #tpu.memory_space<vmem>> -> memref<1x64xf32, #tpu.memory_space<vmem>>
      %dma_start3A_722 = arith.constant 0 : i32
      %dma_start3A_723 = tpu.memref_slice %arg4[%squeeze3A_713, %dma_start3A_722] : memref<1000000x64xf32, #tpu.memory_space<hbm>> -> memref<1x64xf32, #tpu.memory_space<hbm>>
      %dma_start3A_724 = arith.constant 0 : i32
      %dma_start3A_725 = tpu.memref_slice %arg9[%add3A_719, %dma_start3A_724] : memref<512x64xf32, #tpu.memory_space<vmem>> -> memref<1x64xf32, #tpu.memory_space<vmem>>
      %dma_start3A_726 = arith.constant 0 : i32
      %dma_start3A_727 = tpu.memref_slice %arg4[%squeeze3A_713, %dma_start3A_726] : memref<1000000x64xf32, #tpu.memory_space<hbm>> -> memref<1x64xf32, #tpu.memory_space<hbm>>
      tpu.enqueue_dma source(%dma_start3A_727 : memref<1x64xf32, #tpu.memory_space<hbm>>) target(%dma_start3A_725 : memref<1x64xf32, #tpu.memory_space<vmem>>) target_semaphore(%arg10 : memref<!tpu.dma_semaphore, #tpu.memory_space<semaphore_mem>>)
      %slice3A_728 = vector.extract_strided_slice %get3A_551 {offsets = [11], sizes = [1], strides = [1]} : vector<16xi32> to vector<1xi32>
      %squeeze3A_729 = vector.extract %slice3A_728[0] : i32 from vector<1xi32>
      %mul3A_730 = arith.constant 64 : i32
      %mul3A_731 = arith.muli %scan3A_25, %mul3A_730 : i32
      %add3A_732 = arith.constant 32 : i32
      %add3A_733 = arith.addi %mul3A_731, %add3A_732 : i32
      %add3A_734 = arith.constant 11 : i32
      %add3A_735 = arith.addi %add3A_733, %add3A_734 : i32
      %dma_start3A_736 = arith.constant 0 : i32
      %dma_start3A_737 = tpu.memref_slice %arg9[%add3A_735, %dma_start3A_736] : memref<512x64xf32, #tpu.memory_space<vmem>> -> memref<1x64xf32, #tpu.memory_space<vmem>>
      %dma_start3A_738 = arith.constant 0 : i32
      %dma_start3A_739 = tpu.memref_slice %arg4[%squeeze3A_729, %dma_start3A_738] : memref<1000000x64xf32, #tpu.memory_space<hbm>> -> memref<1x64xf32, #tpu.memory_space<hbm>>
      %dma_start3A_740 = arith.constant 0 : i32
      %dma_start3A_741 = tpu.memref_slice %arg9[%add3A_735, %dma_start3A_740] : memref<512x64xf32, #tpu.memory_space<vmem>> -> memref<1x64xf32, #tpu.memory_space<vmem>>
      %dma_start3A_742 = arith.constant 0 : i32
      %dma_start3A_743 = tpu.memref_slice %arg4[%squeeze3A_729, %dma_start3A_742] : memref<1000000x64xf32, #tpu.memory_space<hbm>> -> memref<1x64xf32, #tpu.memory_space<hbm>>
      tpu.enqueue_dma source(%dma_start3A_743 : memref<1x64xf32, #tpu.memory_space<hbm>>) target(%dma_start3A_741 : memref<1x64xf32, #tpu.memory_space<vmem>>) target_semaphore(%arg10 : memref<!tpu.dma_semaphore, #tpu.memory_space<semaphore_mem>>)
      %slice3A_744 = vector.extract_strided_slice %get3A_551 {offsets = [12], sizes = [1], strides = [1]} : vector<16xi32> to vector<1xi32>
      %squeeze3A_745 = vector.extract %slice3A_744[0] : i32 from vector<1xi32>
      %mul3A_746 = arith.constant 64 : i32
      %mul3A_747 = arith.muli %scan3A_25, %mul3A_746 : i32
      %add3A_748 = arith.constant 32 : i32
      %add3A_749 = arith.addi %mul3A_747, %add3A_748 : i32
      %add3A_750 = arith.constant 12 : i32
      %add3A_751 = arith.addi %add3A_749, %add3A_750 : i32
      %dma_start3A_752 = arith.constant 0 : i32
      %dma_start3A_753 = tpu.memref_slice %arg9[%add3A_751, %dma_start3A_752] : memref<512x64xf32, #tpu.memory_space<vmem>> -> memref<1x64xf32, #tpu.memory_space<vmem>>
      %dma_start3A_754 = arith.constant 0 : i32
      %dma_start3A_755 = tpu.memref_slice %arg4[%squeeze3A_745, %dma_start3A_754] : memref<1000000x64xf32, #tpu.memory_space<hbm>> -> memref<1x64xf32, #tpu.memory_space<hbm>>
      %dma_start3A_756 = arith.constant 0 : i32
      %dma_start3A_757 = tpu.memref_slice %arg9[%add3A_751, %dma_start3A_756] : memref<512x64xf32, #tpu.memory_space<vmem>> -> memref<1x64xf32, #tpu.memory_space<vmem>>
      %dma_start3A_758 = arith.constant 0 : i32
      %dma_start3A_759 = tpu.memref_slice %arg4[%squeeze3A_745, %dma_start3A_758] : memref<1000000x64xf32, #tpu.memory_space<hbm>> -> memref<1x64xf32, #tpu.memory_space<hbm>>
      tpu.enqueue_dma source(%dma_start3A_759 : memref<1x64xf32, #tpu.memory_space<hbm>>) target(%dma_start3A_757 : memref<1x64xf32, #tpu.memory_space<vmem>>) target_semaphore(%arg10 : memref<!tpu.dma_semaphore, #tpu.memory_space<semaphore_mem>>)
      %slice3A_760 = vector.extract_strided_slice %get3A_551 {offsets = [13], sizes = [1], strides = [1]} : vector<16xi32> to vector<1xi32>
      %squeeze3A_761 = vector.extract %slice3A_760[0] : i32 from vector<1xi32>
      %mul3A_762 = arith.constant 64 : i32
      %mul3A_763 = arith.muli %scan3A_25, %mul3A_762 : i32
      %add3A_764 = arith.constant 32 : i32
      %add3A_765 = arith.addi %mul3A_763, %add3A_764 : i32
      %add3A_766 = arith.constant 13 : i32
      %add3A_767 = arith.addi %add3A_765, %add3A_766 : i32
      %dma_start3A_768 = arith.constant 0 : i32
      %dma_start3A_769 = tpu.memref_slice %arg9[%add3A_767, %dma_start3A_768] : memref<512x64xf32, #tpu.memory_space<vmem>> -> memref<1x64xf32, #tpu.memory_space<vmem>>
      %dma_start3A_770 = arith.constant 0 : i32
      %dma_start3A_771 = tpu.memref_slice %arg4[%squeeze3A_761, %dma_start3A_770] : memref<1000000x64xf32, #tpu.memory_space<hbm>> -> memref<1x64xf32, #tpu.memory_space<hbm>>
      %dma_start3A_772 = arith.constant 0 : i32
      %dma_start3A_773 = tpu.memref_slice %arg9[%add3A_767, %dma_start3A_772] : memref<512x64xf32, #tpu.memory_space<vmem>> -> memref<1x64xf32, #tpu.memory_space<vmem>>
      %dma_start3A_774 = arith.constant 0 : i32
      %dma_start3A_775 = tpu.memref_slice %arg4[%squeeze3A_761, %dma_start3A_774] : memref<1000000x64xf32, #tpu.memory_space<hbm>> -> memref<1x64xf32, #tpu.memory_space<hbm>>
      tpu.enqueue_dma source(%dma_start3A_775 : memref<1x64xf32, #tpu.memory_space<hbm>>) target(%dma_start3A_773 : memref<1x64xf32, #tpu.memory_space<vmem>>) target_semaphore(%arg10 : memref<!tpu.dma_semaphore, #tpu.memory_space<semaphore_mem>>)
      %slice3A_776 = vector.extract_strided_slice %get3A_551 {offsets = [14], sizes = [1], strides = [1]} : vector<16xi32> to vector<1xi32>
      %squeeze3A_777 = vector.extract %slice3A_776[0] : i32 from vector<1xi32>
      %mul3A_778 = arith.constant 64 : i32
      %mul3A_779 = arith.muli %scan3A_25, %mul3A_778 : i32
      %add3A_780 = arith.constant 32 : i32
      %add3A_781 = arith.addi %mul3A_779, %add3A_780 : i32
      %add3A_782 = arith.constant 14 : i32
      %add3A_783 = arith.addi %add3A_781, %add3A_782 : i32
      %dma_start3A_784 = arith.constant 0 : i32
      %dma_start3A_785 = tpu.memref_slice %arg9[%add3A_783, %dma_start3A_784] : memref<512x64xf32, #tpu.memory_space<vmem>> -> memref<1x64xf32, #tpu.memory_space<vmem>>
      %dma_start3A_786 = arith.constant 0 : i32
      %dma_start3A_787 = tpu.memref_slice %arg4[%squeeze3A_777, %dma_start3A_786] : memref<1000000x64xf32, #tpu.memory_space<hbm>> -> memref<1x64xf32, #tpu.memory_space<hbm>>
      %dma_start3A_788 = arith.constant 0 : i32
      %dma_start3A_789 = tpu.memref_slice %arg9[%add3A_783, %dma_start3A_788] : memref<512x64xf32, #tpu.memory_space<vmem>> -> memref<1x64xf32, #tpu.memory_space<vmem>>
      %dma_start3A_790 = arith.constant 0 : i32
      %dma_start3A_791 = tpu.memref_slice %arg4[%squeeze3A_777, %dma_start3A_790] : memref<1000000x64xf32, #tpu.memory_space<hbm>> -> memref<1x64xf32, #tpu.memory_space<hbm>>
      tpu.enqueue_dma source(%dma_start3A_791 : memref<1x64xf32, #tpu.memory_space<hbm>>) target(%dma_start3A_789 : memref<1x64xf32, #tpu.memory_space<vmem>>) target_semaphore(%arg10 : memref<!tpu.dma_semaphore, #tpu.memory_space<semaphore_mem>>)
      %slice3A_792 = vector.extract_strided_slice %get3A_551 {offsets = [15], sizes = [1], strides = [1]} : vector<16xi32> to vector<1xi32>
      %squeeze3A_793 = vector.extract %slice3A_792[0] : i32 from vector<1xi32>
      %mul3A_794 = arith.constant 64 : i32
      %mul3A_795 = arith.muli %scan3A_25, %mul3A_794 : i32
      %add3A_796 = arith.constant 32 : i32
      %add3A_797 = arith.addi %mul3A_795, %add3A_796 : i32
      %add3A_798 = arith.constant 15 : i32
      %add3A_799 = arith.addi %add3A_797, %add3A_798 : i32
      %dma_start3A_800 = arith.constant 0 : i32
      %dma_start3A_801 = tpu.memref_slice %arg9[%add3A_799, %dma_start3A_800] : memref<512x64xf32, #tpu.memory_space<vmem>> -> memref<1x64xf32, #tpu.memory_space<vmem>>
      %dma_start3A_802 = arith.constant 0 : i32
      %dma_start3A_803 = tpu.memref_slice %arg4[%squeeze3A_793, %dma_start3A_802] : memref<1000000x64xf32, #tpu.memory_space<hbm>> -> memref<1x64xf32, #tpu.memory_space<hbm>>
      %dma_start3A_804 = arith.constant 0 : i32
      %dma_start3A_805 = tpu.memref_slice %arg9[%add3A_799, %dma_start3A_804] : memref<512x64xf32, #tpu.memory_space<vmem>> -> memref<1x64xf32, #tpu.memory_space<vmem>>
      %dma_start3A_806 = arith.constant 0 : i32
      %dma_start3A_807 = tpu.memref_slice %arg4[%squeeze3A_793, %dma_start3A_806] : memref<1000000x64xf32, #tpu.memory_space<hbm>> -> memref<1x64xf32, #tpu.memory_space<hbm>>
      tpu.enqueue_dma source(%dma_start3A_807 : memref<1x64xf32, #tpu.memory_space<hbm>>) target(%dma_start3A_805 : memref<1x64xf32, #tpu.memory_space<vmem>>) target_semaphore(%arg10 : memref<!tpu.dma_semaphore, #tpu.memory_space<semaphore_mem>>)
      %mul3A_808 = arith.constant 64 : i32
      %mul3A_809 = arith.muli %scan3A_25, %mul3A_808 : i32
      %add3A_810 = arith.constant 48 : i32
      %add3A_811 = arith.addi %mul3A_809, %add3A_810 : i32
      %get3A_812 = arith.index_cast %add3A_811 : i32 to index
      %get3A_813 = tpu.vector_load %arg7[%get3A_812] {strides = array<i32>} : memref<512xi32, #tpu.memory_space<vmem>>, vector<16xi32>,
      %slice3A_814 = vector.extract_strided_slice %get3A_813 {offsets = [0], sizes = [1], strides = [1]} : vector<16xi32> to vector<1xi32>
      %squeeze3A_815 = vector.extract %slice3A_814[0] : i32 from vector<1xi32>
      %mul3A_816 = arith.constant 64 : i32
      %mul3A_817 = arith.muli %scan3A_25, %mul3A_816 : i32
      %add3A_818 = arith.constant 48 : i32
      %add3A_819 = arith.addi %mul3A_817, %add3A_818 : i32
      %add3A_820 = arith.constant 0 : i32
      %add3A_821 = arith.addi %add3A_819, %add3A_820 : i32
      %dma_start3A_822 = arith.constant 0 : i32
      %dma_start3A_823 = tpu.memref_slice %arg9[%add3A_821, %dma_start3A_822] : memref<512x64xf32, #tpu.memory_space<vmem>> -> memref<1x64xf32, #tpu.memory_space<vmem>>
      %dma_start3A_824 = arith.constant 0 : i32
      %dma_start3A_825 = tpu.memref_slice %arg4[%squeeze3A_815, %dma_start3A_824] : memref<1000000x64xf32, #tpu.memory_space<hbm>> -> memref<1x64xf32, #tpu.memory_space<hbm>>
      %dma_start3A_826 = arith.constant 0 : i32
      %dma_start3A_827 = tpu.memref_slice %arg9[%add3A_821, %dma_start3A_826] : memref<512x64xf32, #tpu.memory_space<vmem>> -> memref<1x64xf32, #tpu.memory_space<vmem>>
      %dma_start3A_828 = arith.constant 0 : i32
      %dma_start3A_829 = tpu.memref_slice %arg4[%squeeze3A_815, %dma_start3A_828] : memref<1000000x64xf32, #tpu.memory_space<hbm>> -> memref<1x64xf32, #tpu.memory_space<hbm>>
      tpu.enqueue_dma source(%dma_start3A_829 : memref<1x64xf32, #tpu.memory_space<hbm>>) target(%dma_start3A_827 : memref<1x64xf32, #tpu.memory_space<vmem>>) target_semaphore(%arg10 : memref<!tpu.dma_semaphore, #tpu.memory_space<semaphore_mem>>)
      %slice3A_830 = vector.extract_strided_slice %get3A_813 {offsets = [1], sizes = [1], strides = [1]} : vector<16xi32> to vector<1xi32>
      %squeeze3A_831 = vector.extract %slice3A_830[0] : i32 from vector<1xi32>
      %mul3A_832 = arith.constant 64 : i32
      %mul3A_833 = arith.muli %scan3A_25, %mul3A_832 : i32
      %add3A_834 = arith.constant 48 : i32
      %add3A_835 = arith.addi %mul3A_833, %add3A_834 : i32
      %add3A_836 = arith.constant 1 : i32
      %add3A_837 = arith.addi %add3A_835, %add3A_836 : i32
      %dma_start3A_838 = arith.constant 0 : i32
      %dma_start3A_839 = tpu.memref_slice %arg9[%add3A_837, %dma_start3A_838] : memref<512x64xf32, #tpu.memory_space<vmem>> -> memref<1x64xf32, #tpu.memory_space<vmem>>
      %dma_start3A_840 = arith.constant 0 : i32
      %dma_start3A_841 = tpu.memref_slice %arg4[%squeeze3A_831, %dma_start3A_840] : memref<1000000x64xf32, #tpu.memory_space<hbm>> -> memref<1x64xf32, #tpu.memory_space<hbm>>
      %dma_start3A_842 = arith.constant 0 : i32
      %dma_start3A_843 = tpu.memref_slice %arg9[%add3A_837, %dma_start3A_842] : memref<512x64xf32, #tpu.memory_space<vmem>> -> memref<1x64xf32, #tpu.memory_space<vmem>>
      %dma_start3A_844 = arith.constant 0 : i32
      %dma_start3A_845 = tpu.memref_slice %arg4[%squeeze3A_831, %dma_start3A_844] : memref<1000000x64xf32, #tpu.memory_space<hbm>> -> memref<1x64xf32, #tpu.memory_space<hbm>>
      tpu.enqueue_dma source(%dma_start3A_845 : memref<1x64xf32, #tpu.memory_space<hbm>>) target(%dma_start3A_843 : memref<1x64xf32, #tpu.memory_space<vmem>>) target_semaphore(%arg10 : memref<!tpu.dma_semaphore, #tpu.memory_space<semaphore_mem>>)
      %slice3A_846 = vector.extract_strided_slice %get3A_813 {offsets = [2], sizes = [1], strides = [1]} : vector<16xi32> to vector<1xi32>
      %squeeze3A_847 = vector.extract %slice3A_846[0] : i32 from vector<1xi32>
      %mul3A_848 = arith.constant 64 : i32
      %mul3A_849 = arith.muli %scan3A_25, %mul3A_848 : i32
      %add3A_850 = arith.constant 48 : i32
      %add3A_851 = arith.addi %mul3A_849, %add3A_850 : i32
      %add3A_852 = arith.constant 2 : i32
      %add3A_853 = arith.addi %add3A_851, %add3A_852 : i32
      %dma_start3A_854 = arith.constant 0 : i32
      %dma_start3A_855 = tpu.memref_slice %arg9[%add3A_853, %dma_start3A_854] : memref<512x64xf32, #tpu.memory_space<vmem>> -> memref<1x64xf32, #tpu.memory_space<vmem>>
      %dma_start3A_856 = arith.constant 0 : i32
      %dma_start3A_857 = tpu.memref_slice %arg4[%squeeze3A_847, %dma_start3A_856] : memref<1000000x64xf32, #tpu.memory_space<hbm>> -> memref<1x64xf32, #tpu.memory_space<hbm>>
      %dma_start3A_858 = arith.constant 0 : i32
      %dma_start3A_859 = tpu.memref_slice %arg9[%add3A_853, %dma_start3A_858] : memref<512x64xf32, #tpu.memory_space<vmem>> -> memref<1x64xf32, #tpu.memory_space<vmem>>
      %dma_start3A_860 = arith.constant 0 : i32
      %dma_start3A_861 = tpu.memref_slice %arg4[%squeeze3A_847, %dma_start3A_860] : memref<1000000x64xf32, #tpu.memory_space<hbm>> -> memref<1x64xf32, #tpu.memory_space<hbm>>
      tpu.enqueue_dma source(%dma_start3A_861 : memref<1x64xf32, #tpu.memory_space<hbm>>) target(%dma_start3A_859 : memref<1x64xf32, #tpu.memory_space<vmem>>) target_semaphore(%arg10 : memref<!tpu.dma_semaphore, #tpu.memory_space<semaphore_mem>>)
      %slice3A_862 = vector.extract_strided_slice %get3A_813 {offsets = [3], sizes = [1], strides = [1]} : vector<16xi32> to vector<1xi32>
      %squeeze3A_863 = vector.extract %slice3A_862[0] : i32 from vector<1xi32>
      %mul3A_864 = arith.constant 64 : i32
      %mul3A_865 = arith.muli %scan3A_25, %mul3A_864 : i32
      %add3A_866 = arith.constant 48 : i32
      %add3A_867 = arith.addi %mul3A_865, %add3A_866 : i32
      %add3A_868 = arith.constant 3 : i32
      %add3A_869 = arith.addi %add3A_867, %add3A_868 : i32
      %dma_start3A_870 = arith.constant 0 : i32
      %dma_start3A_871 = tpu.memref_slice %arg9[%add3A_869, %dma_start3A_870] : memref<512x64xf32, #tpu.memory_space<vmem>> -> memref<1x64xf32, #tpu.memory_space<vmem>>
      %dma_start3A_872 = arith.constant 0 : i32
      %dma_start3A_873 = tpu.memref_slice %arg4[%squeeze3A_863, %dma_start3A_872] : memref<1000000x64xf32, #tpu.memory_space<hbm>> -> memref<1x64xf32, #tpu.memory_space<hbm>>
      %dma_start3A_874 = arith.constant 0 : i32
      %dma_start3A_875 = tpu.memref_slice %arg9[%add3A_869, %dma_start3A_874] : memref<512x64xf32, #tpu.memory_space<vmem>> -> memref<1x64xf32, #tpu.memory_space<vmem>>
      %dma_start3A_876 = arith.constant 0 : i32
      %dma_start3A_877 = tpu.memref_slice %arg4[%squeeze3A_863, %dma_start3A_876] : memref<1000000x64xf32, #tpu.memory_space<hbm>> -> memref<1x64xf32, #tpu.memory_space<hbm>>
      tpu.enqueue_dma source(%dma_start3A_877 : memref<1x64xf32, #tpu.memory_space<hbm>>) target(%dma_start3A_875 : memref<1x64xf32, #tpu.memory_space<vmem>>) target_semaphore(%arg10 : memref<!tpu.dma_semaphore, #tpu.memory_space<semaphore_mem>>)
      %slice3A_878 = vector.extract_strided_slice %get3A_813 {offsets = [4], sizes = [1], strides = [1]} : vector<16xi32> to vector<1xi32>
      %squeeze3A_879 = vector.extract %slice3A_878[0] : i32 from vector<1xi32>
      %mul3A_880 = arith.constant 64 : i32
      %mul3A_881 = arith.muli %scan3A_25, %mul3A_880 : i32
      %add3A_882 = arith.constant 48 : i32
      %add3A_883 = arith.addi %mul3A_881, %add3A_882 : i32
      %add3A_884 = arith.constant 4 : i32
      %add3A_885 = arith.addi %add3A_883, %add3A_884 : i32
      %dma_start3A_886 = arith.constant 0 : i32
      %dma_start3A_887 = tpu.memref_slice %arg9[%add3A_885, %dma_start3A_886] : memref<512x64xf32, #tpu.memory_space<vmem>> -> memref<1x64xf32, #tpu.memory_space<vmem>>
      %dma_start3A_888 = arith.constant 0 : i32
      %dma_start3A_889 = tpu.memref_slice %arg4[%squeeze3A_879, %dma_start3A_888] : memref<1000000x64xf32, #tpu.memory_space<hbm>> -> memref<1x64xf32, #tpu.memory_space<hbm>>
      %dma_start3A_890 = arith.constant 0 : i32
      %dma_start3A_891 = tpu.memref_slice %arg9[%add3A_885, %dma_start3A_890] : memref<512x64xf32, #tpu.memory_space<vmem>> -> memref<1x64xf32, #tpu.memory_space<vmem>>
      %dma_start3A_892 = arith.constant 0 : i32
      %dma_start3A_893 = tpu.memref_slice %arg4[%squeeze3A_879, %dma_start3A_892] : memref<1000000x64xf32, #tpu.memory_space<hbm>> -> memref<1x64xf32, #tpu.memory_space<hbm>>
      tpu.enqueue_dma source(%dma_start3A_893 : memref<1x64xf32, #tpu.memory_space<hbm>>) target(%dma_start3A_891 : memref<1x64xf32, #tpu.memory_space<vmem>>) target_semaphore(%arg10 : memref<!tpu.dma_semaphore, #tpu.memory_space<semaphore_mem>>)
      %slice3A_894 = vector.extract_strided_slice %get3A_813 {offsets = [5], sizes = [1], strides = [1]} : vector<16xi32> to vector<1xi32>
      %squeeze3A_895 = vector.extract %slice3A_894[0] : i32 from vector<1xi32>
      %mul3A_896 = arith.constant 64 : i32
      %mul3A_897 = arith.muli %scan3A_25, %mul3A_896 : i32
      %add3A_898 = arith.constant 48 : i32
      %add3A_899 = arith.addi %mul3A_897, %add3A_898 : i32
      %add3A_900 = arith.constant 5 : i32
      %add3A_901 = arith.addi %add3A_899, %add3A_900 : i32
      %dma_start3A_902 = arith.constant 0 : i32
      %dma_start3A_903 = tpu.memref_slice %arg9[%add3A_901, %dma_start3A_902] : memref<512x64xf32, #tpu.memory_space<vmem>> -> memref<1x64xf32, #tpu.memory_space<vmem>>
      %dma_start3A_904 = arith.constant 0 : i32
      %dma_start3A_905 = tpu.memref_slice %arg4[%squeeze3A_895, %dma_start3A_904] : memref<1000000x64xf32, #tpu.memory_space<hbm>> -> memref<1x64xf32, #tpu.memory_space<hbm>>
      %dma_start3A_906 = arith.constant 0 : i32
      %dma_start3A_907 = tpu.memref_slice %arg9[%add3A_901, %dma_start3A_906] : memref<512x64xf32, #tpu.memory_space<vmem>> -> memref<1x64xf32, #tpu.memory_space<vmem>>
      %dma_start3A_908 = arith.constant 0 : i32
      %dma_start3A_909 = tpu.memref_slice %arg4[%squeeze3A_895, %dma_start3A_908] : memref<1000000x64xf32, #tpu.memory_space<hbm>> -> memref<1x64xf32, #tpu.memory_space<hbm>>
      tpu.enqueue_dma source(%dma_start3A_909 : memref<1x64xf32, #tpu.memory_space<hbm>>) target(%dma_start3A_907 : memref<1x64xf32, #tpu.memory_space<vmem>>) target_semaphore(%arg10 : memref<!tpu.dma_semaphore, #tpu.memory_space<semaphore_mem>>)
      %slice3A_910 = vector.extract_strided_slice %get3A_813 {offsets = [6], sizes = [1], strides = [1]} : vector<16xi32> to vector<1xi32>
      %squeeze3A_911 = vector.extract %slice3A_910[0] : i32 from vector<1xi32>
      %mul3A_912 = arith.constant 64 : i32
      %mul3A_913 = arith.muli %scan3A_25, %mul3A_912 : i32
      %add3A_914 = arith.constant 48 : i32
      %add3A_915 = arith.addi %mul3A_913, %add3A_914 : i32
      %add3A_916 = arith.constant 6 : i32
      %add3A_917 = arith.addi %add3A_915, %add3A_916 : i32
      %dma_start3A_918 = arith.constant 0 : i32
      %dma_start3A_919 = tpu.memref_slice %arg9[%add3A_917, %dma_start3A_918] : memref<512x64xf32, #tpu.memory_space<vmem>> -> memref<1x64xf32, #tpu.memory_space<vmem>>
      %dma_start3A_920 = arith.constant 0 : i32
      %dma_start3A_921 = tpu.memref_slice %arg4[%squeeze3A_911, %dma_start3A_920] : memref<1000000x64xf32, #tpu.memory_space<hbm>> -> memref<1x64xf32, #tpu.memory_space<hbm>>
      %dma_start3A_922 = arith.constant 0 : i32
      %dma_start3A_923 = tpu.memref_slice %arg9[%add3A_917, %dma_start3A_922] : memref<512x64xf32, #tpu.memory_space<vmem>> -> memref<1x64xf32, #tpu.memory_space<vmem>>
      %dma_start3A_924 = arith.constant 0 : i32
      %dma_start3A_925 = tpu.memref_slice %arg4[%squeeze3A_911, %dma_start3A_924] : memref<1000000x64xf32, #tpu.memory_space<hbm>> -> memref<1x64xf32, #tpu.memory_space<hbm>>
      tpu.enqueue_dma source(%dma_start3A_925 : memref<1x64xf32, #tpu.memory_space<hbm>>) target(%dma_start3A_923 : memref<1x64xf32, #tpu.memory_space<vmem>>) target_semaphore(%arg10 : memref<!tpu.dma_semaphore, #tpu.memory_space<semaphore_mem>>)
      %slice3A_926 = vector.extract_strided_slice %get3A_813 {offsets = [7], sizes = [1], strides = [1]} : vector<16xi32> to vector<1xi32>
      %squeeze3A_927 = vector.extract %slice3A_926[0] : i32 from vector<1xi32>
      %mul3A_928 = arith.constant 64 : i32
      %mul3A_929 = arith.muli %scan3A_25, %mul3A_928 : i32
      %add3A_930 = arith.constant 48 : i32
      %add3A_931 = arith.addi %mul3A_929, %add3A_930 : i32
      %add3A_932 = arith.constant 7 : i32
      %add3A_933 = arith.addi %add3A_931, %add3A_932 : i32
      %dma_start3A_934 = arith.constant 0 : i32
      %dma_start3A_935 = tpu.memref_slice %arg9[%add3A_933, %dma_start3A_934] : memref<512x64xf32, #tpu.memory_space<vmem>> -> memref<1x64xf32, #tpu.memory_space<vmem>>
      %dma_start3A_936 = arith.constant 0 : i32
      %dma_start3A_937 = tpu.memref_slice %arg4[%squeeze3A_927, %dma_start3A_936] : memref<1000000x64xf32, #tpu.memory_space<hbm>> -> memref<1x64xf32, #tpu.memory_space<hbm>>
      %dma_start3A_938 = arith.constant 0 : i32
      %dma_start3A_939 = tpu.memref_slice %arg9[%add3A_933, %dma_start3A_938] : memref<512x64xf32, #tpu.memory_space<vmem>> -> memref<1x64xf32, #tpu.memory_space<vmem>>
      %dma_start3A_940 = arith.constant 0 : i32
      %dma_start3A_941 = tpu.memref_slice %arg4[%squeeze3A_927, %dma_start3A_940] : memref<1000000x64xf32, #tpu.memory_space<hbm>> -> memref<1x64xf32, #tpu.memory_space<hbm>>
      tpu.enqueue_dma source(%dma_start3A_941 : memref<1x64xf32, #tpu.memory_space<hbm>>) target(%dma_start3A_939 : memref<1x64xf32, #tpu.memory_space<vmem>>) target_semaphore(%arg10 : memref<!tpu.dma_semaphore, #tpu.memory_space<semaphore_mem>>)
      %slice3A_942 = vector.extract_strided_slice %get3A_813 {offsets = [8], sizes = [1], strides = [1]} : vector<16xi32> to vector<1xi32>
      %squeeze3A_943 = vector.extract %slice3A_942[0] : i32 from vector<1xi32>
      %mul3A_944 = arith.constant 64 : i32
      %mul3A_945 = arith.muli %scan3A_25, %mul3A_944 : i32
      %add3A_946 = arith.constant 48 : i32
      %add3A_947 = arith.addi %mul3A_945, %add3A_946 : i32
      %add3A_948 = arith.constant 8 : i32
      %add3A_949 = arith.addi %add3A_947, %add3A_948 : i32
      %dma_start3A_950 = arith.constant 0 : i32
      %dma_start3A_951 = tpu.memref_slice %arg9[%add3A_949, %dma_start3A_950] : memref<512x64xf32, #tpu.memory_space<vmem>> -> memref<1x64xf32, #tpu.memory_space<vmem>>
      %dma_start3A_952 = arith.constant 0 : i32
      %dma_start3A_953 = tpu.memref_slice %arg4[%squeeze3A_943, %dma_start3A_952] : memref<1000000x64xf32, #tpu.memory_space<hbm>> -> memref<1x64xf32, #tpu.memory_space<hbm>>
      %dma_start3A_954 = arith.constant 0 : i32
      %dma_start3A_955 = tpu.memref_slice %arg9[%add3A_949, %dma_start3A_954] : memref<512x64xf32, #tpu.memory_space<vmem>> -> memref<1x64xf32, #tpu.memory_space<vmem>>
      %dma_start3A_956 = arith.constant 0 : i32
      %dma_start3A_957 = tpu.memref_slice %arg4[%squeeze3A_943, %dma_start3A_956] : memref<1000000x64xf32, #tpu.memory_space<hbm>> -> memref<1x64xf32, #tpu.memory_space<hbm>>
      tpu.enqueue_dma source(%dma_start3A_957 : memref<1x64xf32, #tpu.memory_space<hbm>>) target(%dma_start3A_955 : memref<1x64xf32, #tpu.memory_space<vmem>>) target_semaphore(%arg10 : memref<!tpu.dma_semaphore, #tpu.memory_space<semaphore_mem>>)
      %slice3A_958 = vector.extract_strided_slice %get3A_813 {offsets = [9], sizes = [1], strides = [1]} : vector<16xi32> to vector<1xi32>
      %squeeze3A_959 = vector.extract %slice3A_958[0] : i32 from vector<1xi32>
      %mul3A_960 = arith.constant 64 : i32
      %mul3A_961 = arith.muli %scan3A_25, %mul3A_960 : i32
      %add3A_962 = arith.constant 48 : i32
      %add3A_963 = arith.addi %mul3A_961, %add3A_962 : i32
      %add3A_964 = arith.constant 9 : i32
      %add3A_965 = arith.addi %add3A_963, %add3A_964 : i32
      %dma_start3A_966 = arith.constant 0 : i32
      %dma_start3A_967 = tpu.memref_slice %arg9[%add3A_965, %dma_start3A_966] : memref<512x64xf32, #tpu.memory_space<vmem>> -> memref<1x64xf32, #tpu.memory_space<vmem>>
      %dma_start3A_968 = arith.constant 0 : i32
      %dma_start3A_969 = tpu.memref_slice %arg4[%squeeze3A_959, %dma_start3A_968] : memref<1000000x64xf32, #tpu.memory_space<hbm>> -> memref<1x64xf32, #tpu.memory_space<hbm>>
      %dma_start3A_970 = arith.constant 0 : i32
      %dma_start3A_971 = tpu.memref_slice %arg9[%add3A_965, %dma_start3A_970] : memref<512x64xf32, #tpu.memory_space<vmem>> -> memref<1x64xf32, #tpu.memory_space<vmem>>
      %dma_start3A_972 = arith.constant 0 : i32
      %dma_start3A_973 = tpu.memref_slice %arg4[%squeeze3A_959, %dma_start3A_972] : memref<1000000x64xf32, #tpu.memory_space<hbm>> -> memref<1x64xf32, #tpu.memory_space<hbm>>
      tpu.enqueue_dma source(%dma_start3A_973 : memref<1x64xf32, #tpu.memory_space<hbm>>) target(%dma_start3A_971 : memref<1x64xf32, #tpu.memory_space<vmem>>) target_semaphore(%arg10 : memref<!tpu.dma_semaphore, #tpu.memory_space<semaphore_mem>>)
      %slice3A_974 = vector.extract_strided_slice %get3A_813 {offsets = [10], sizes = [1], strides = [1]} : vector<16xi32> to vector<1xi32>
      %squeeze3A_975 = vector.extract %slice3A_974[0] : i32 from vector<1xi32>
      %mul3A_976 = arith.constant 64 : i32
      %mul3A_977 = arith.muli %scan3A_25, %mul3A_976 : i32
      %add3A_978 = arith.constant 48 : i32
      %add3A_979 = arith.addi %mul3A_977, %add3A_978 : i32
      %add3A_980 = arith.constant 10 : i32
      %add3A_981 = arith.addi %add3A_979, %add3A_980 : i32
      %dma_start3A_982 = arith.constant 0 : i32
      %dma_start3A_983 = tpu.memref_slice %arg9[%add3A_981, %dma_start3A_982] : memref<512x64xf32, #tpu.memory_space<vmem>> -> memref<1x64xf32, #tpu.memory_space<vmem>>
      %dma_start3A_984 = arith.constant 0 : i32
      %dma_start3A_985 = tpu.memref_slice %arg4[%squeeze3A_975, %dma_start3A_984] : memref<1000000x64xf32, #tpu.memory_space<hbm>> -> memref<1x64xf32, #tpu.memory_space<hbm>>
      %dma_start3A_986 = arith.constant 0 : i32
      %dma_start3A_987 = tpu.memref_slice %arg9[%add3A_981, %dma_start3A_986] : memref<512x64xf32, #tpu.memory_space<vmem>> -> memref<1x64xf32, #tpu.memory_space<vmem>>
      %dma_start3A_988 = arith.constant 0 : i32
      %dma_start3A_989 = tpu.memref_slice %arg4[%squeeze3A_975, %dma_start3A_988] : memref<1000000x64xf32, #tpu.memory_space<hbm>> -> memref<1x64xf32, #tpu.memory_space<hbm>>
      tpu.enqueue_dma source(%dma_start3A_989 : memref<1x64xf32, #tpu.memory_space<hbm>>) target(%dma_start3A_987 : memref<1x64xf32, #tpu.memory_space<vmem>>) target_semaphore(%arg10 : memref<!tpu.dma_semaphore, #tpu.memory_space<semaphore_mem>>)
      %slice3A_990 = vector.extract_strided_slice %get3A_813 {offsets = [11], sizes = [1], strides = [1]} : vector<16xi32> to vector<1xi32>
      %squeeze3A_991 = vector.extract %slice3A_990[0] : i32 from vector<1xi32>
      %mul3A_992 = arith.constant 64 : i32
      %mul3A_993 = arith.muli %scan3A_25, %mul3A_992 : i32
      %add3A_994 = arith.constant 48 : i32
      %add3A_995 = arith.addi %mul3A_993, %add3A_994 : i32
      %add3A_996 = arith.constant 11 : i32
      %add3A_997 = arith.addi %add3A_995, %add3A_996 : i32
      %dma_start3A_998 = arith.constant 0 : i32
      %dma_start3A_999 = tpu.memref_slice %arg9[%add3A_997, %dma_start3A_998] : memref<512x64xf32, #tpu.memory_space<vmem>> -> memref<1x64xf32, #tpu.memory_space<vmem>>
      %dma_start3A_1000 = arith.constant 0 : i32
      %dma_start3A_1001 = tpu.memref_slice %arg4[%squeeze3A_991, %dma_start3A_1000] : memref<1000000x64xf32, #tpu.memory_space<hbm>> -> memref<1x64xf32, #tpu.memory_space<hbm>>
      %dma_start3A_1002 = arith.constant 0 : i32
      %dma_start3A_1003 = tpu.memref_slice %arg9[%add3A_997, %dma_start3A_1002] : memref<512x64xf32, #tpu.memory_space<vmem>> -> memref<1x64xf32, #tpu.memory_space<vmem>>
      %dma_start3A_1004 = arith.constant 0 : i32
      %dma_start3A_1005 = tpu.memref_slice %arg4[%squeeze3A_991, %dma_start3A_1004] : memref<1000000x64xf32, #tpu.memory_space<hbm>> -> memref<1x64xf32, #tpu.memory_space<hbm>>
      tpu.enqueue_dma source(%dma_start3A_1005 : memref<1x64xf32, #tpu.memory_space<hbm>>) target(%dma_start3A_1003 : memref<1x64xf32, #tpu.memory_space<vmem>>) target_semaphore(%arg10 : memref<!tpu.dma_semaphore, #tpu.memory_space<semaphore_mem>>)
      %slice3A_1006 = vector.extract_strided_slice %get3A_813 {offsets = [12], sizes = [1], strides = [1]} : vector<16xi32> to vector<1xi32>
      %squeeze3A_1007 = vector.extract %slice3A_1006[0] : i32 from vector<1xi32>
      %mul3A_1008 = arith.constant 64 : i32
      %mul3A_1009 = arith.muli %scan3A_25, %mul3A_1008 : i32
      %add3A_1010 = arith.constant 48 : i32
      %add3A_1011 = arith.addi %mul3A_1009, %add3A_1010 : i32
      %add3A_1012 = arith.constant 12 : i32
      %add3A_1013 = arith.addi %add3A_1011, %add3A_1012 : i32
      %dma_start3A_1014 = arith.constant 0 : i32
      %dma_start3A_1015 = tpu.memref_slice %arg9[%add3A_1013, %dma_start3A_1014] : memref<512x64xf32, #tpu.memory_space<vmem>> -> memref<1x64xf32, #tpu.memory_space<vmem>>
      %dma_start3A_1016 = arith.constant 0 : i32
      %dma_start3A_1017 = tpu.memref_slice %arg4[%squeeze3A_1007, %dma_start3A_1016] : memref<1000000x64xf32, #tpu.memory_space<hbm>> -> memref<1x64xf32, #tpu.memory_space<hbm>>
      %dma_start3A_1018 = arith.constant 0 : i32
      %dma_start3A_1019 = tpu.memref_slice %arg9[%add3A_1013, %dma_start3A_1018] : memref<512x64xf32, #tpu.memory_space<vmem>> -> memref<1x64xf32, #tpu.memory_space<vmem>>
      %dma_start3A_1020 = arith.constant 0 : i32
      %dma_start3A_1021 = tpu.memref_slice %arg4[%squeeze3A_1007, %dma_start3A_1020] : memref<1000000x64xf32, #tpu.memory_space<hbm>> -> memref<1x64xf32, #tpu.memory_space<hbm>>
      tpu.enqueue_dma source(%dma_start3A_1021 : memref<1x64xf32, #tpu.memory_space<hbm>>) target(%dma_start3A_1019 : memref<1x64xf32, #tpu.memory_space<vmem>>) target_semaphore(%arg10 : memref<!tpu.dma_semaphore, #tpu.memory_space<semaphore_mem>>)
      %slice3A_1022 = vector.extract_strided_slice %get3A_813 {offsets = [13], sizes = [1], strides = [1]} : vector<16xi32> to vector<1xi32>
      %squeeze3A_1023 = vector.extract %slice3A_1022[0] : i32 from vector<1xi32>
      %mul3A_1024 = arith.constant 64 : i32
      %mul3A_1025 = arith.muli %scan3A_25, %mul3A_1024 : i32
      %add3A_1026 = arith.constant 48 : i32
      %add3A_1027 = arith.addi %mul3A_1025, %add3A_1026 : i32
      %add3A_1028 = arith.constant 13 : i32
      %add3A_1029 = arith.addi %add3A_1027, %add3A_1028 : i32
      %dma_start3A_1030 = arith.constant 0 : i32
      %dma_start3A_1031 = tpu.memref_slice %arg9[%add3A_1029, %dma_start3A_1030] : memref<512x64xf32, #tpu.memory_space<vmem>> -> memref<1x64xf32, #tpu.memory_space<vmem>>
      %dma_start3A_1032 = arith.constant 0 : i32
      %dma_start3A_1033 = tpu.memref_slice %arg4[%squeeze3A_1023, %dma_start3A_1032] : memref<1000000x64xf32, #tpu.memory_space<hbm>> -> memref<1x64xf32, #tpu.memory_space<hbm>>
      %dma_start3A_1034 = arith.constant 0 : i32
      %dma_start3A_1035 = tpu.memref_slice %arg9[%add3A_1029, %dma_start3A_1034] : memref<512x64xf32, #tpu.memory_space<vmem>> -> memref<1x64xf32, #tpu.memory_space<vmem>>
      %dma_start3A_1036 = arith.constant 0 : i32
      %dma_start3A_1037 = tpu.memref_slice %arg4[%squeeze3A_1023, %dma_start3A_1036] : memref<1000000x64xf32, #tpu.memory_space<hbm>> -> memref<1x64xf32, #tpu.memory_space<hbm>>
      tpu.enqueue_dma source(%dma_start3A_1037 : memref<1x64xf32, #tpu.memory_space<hbm>>) target(%dma_start3A_1035 : memref<1x64xf32, #tpu.memory_space<vmem>>) target_semaphore(%arg10 : memref<!tpu.dma_semaphore, #tpu.memory_space<semaphore_mem>>)
      %slice3A_1038 = vector.extract_strided_slice %get3A_813 {offsets = [14], sizes = [1], strides = [1]} : vector<16xi32> to vector<1xi32>
      %squeeze3A_1039 = vector.extract %slice3A_1038[0] : i32 from vector<1xi32>
      %mul3A_1040 = arith.constant 64 : i32
      %mul3A_1041 = arith.muli %scan3A_25, %mul3A_1040 : i32
      %add3A_1042 = arith.constant 48 : i32
      %add3A_1043 = arith.addi %mul3A_1041, %add3A_1042 : i32
      %add3A_1044 = arith.constant 14 : i32
      %add3A_1045 = arith.addi %add3A_1043, %add3A_1044 : i32
      %dma_start3A_1046 = arith.constant 0 : i32
      %dma_start3A_1047 = tpu.memref_slice %arg9[%add3A_1045, %dma_start3A_1046] : memref<512x64xf32, #tpu.memory_space<vmem>> -> memref<1x64xf32, #tpu.memory_space<vmem>>
      %dma_start3A_1048 = arith.constant 0 : i32
      %dma_start3A_1049 = tpu.memref_slice %arg4[%squeeze3A_1039, %dma_start3A_1048] : memref<1000000x64xf32, #tpu.memory_space<hbm>> -> memref<1x64xf32, #tpu.memory_space<hbm>>
      %dma_start3A_1050 = arith.constant 0 : i32
      %dma_start3A_1051 = tpu.memref_slice %arg9[%add3A_1045, %dma_start3A_1050] : memref<512x64xf32, #tpu.memory_space<vmem>> -> memref<1x64xf32, #tpu.memory_space<vmem>>
      %dma_start3A_1052 = arith.constant 0 : i32
      %dma_start3A_1053 = tpu.memref_slice %arg4[%squeeze3A_1039, %dma_start3A_1052] : memref<1000000x64xf32, #tpu.memory_space<hbm>> -> memref<1x64xf32, #tpu.memory_space<hbm>>
      tpu.enqueue_dma source(%dma_start3A_1053 : memref<1x64xf32, #tpu.memory_space<hbm>>) target(%dma_start3A_1051 : memref<1x64xf32, #tpu.memory_space<vmem>>) target_semaphore(%arg10 : memref<!tpu.dma_semaphore, #tpu.memory_space<semaphore_mem>>)
      %slice3A_1054 = vector.extract_strided_slice %get3A_813 {offsets = [15], sizes = [1], strides = [1]} : vector<16xi32> to vector<1xi32>
      %squeeze3A_1055 = vector.extract %slice3A_1054[0] : i32 from vector<1xi32>
      %mul3A_1056 = arith.constant 64 : i32
      %mul3A_1057 = arith.muli %scan3A_25, %mul3A_1056 : i32
      %add3A_1058 = arith.constant 48 : i32
      %add3A_1059 = arith.addi %mul3A_1057, %add3A_1058 : i32
      %add3A_1060 = arith.constant 15 : i32
      %add3A_1061 = arith.addi %add3A_1059, %add3A_1060 : i32
      %dma_start3A_1062 = arith.constant 0 : i32
      %dma_start3A_1063 = tpu.memref_slice %arg9[%add3A_1061, %dma_start3A_1062] : memref<512x64xf32, #tpu.memory_space<vmem>> -> memref<1x64xf32, #tpu.memory_space<vmem>>
      %dma_start3A_1064 = arith.constant 0 : i32
      %dma_start3A_1065 = tpu.memref_slice %arg4[%squeeze3A_1055, %dma_start3A_1064] : memref<1000000x64xf32, #tpu.memory_space<hbm>> -> memref<1x64xf32, #tpu.memory_space<hbm>>
      %dma_start3A_1066 = arith.constant 0 : i32
      %dma_start3A_1067 = tpu.memref_slice %arg9[%add3A_1061, %dma_start3A_1066] : memref<512x64xf32, #tpu.memory_space<vmem>> -> memref<1x64xf32, #tpu.memory_space<vmem>>
      %dma_start3A_1068 = arith.constant 0 : i32
      %dma_start3A_1069 = tpu.memref_slice %arg4[%squeeze3A_1055, %dma_start3A_1068] : memref<1000000x64xf32, #tpu.memory_space<hbm>> -> memref<1x64xf32, #tpu.memory_space<hbm>>
      tpu.enqueue_dma source(%dma_start3A_1069 : memref<1x64xf32, #tpu.memory_space<hbm>>) target(%dma_start3A_1067 : memref<1x64xf32, #tpu.memory_space<vmem>>) target_semaphore(%arg10 : memref<!tpu.dma_semaphore, #tpu.memory_space<semaphore_mem>>)
    }
    %scan3A_7 = arith.constant 8 : i32
    %dma_wait3A = arith.constant 0 : i32
    %dma_wait3A_8 = arith.constant 0 : i32
    %dma_wait3A_9 = tpu.memref_slice %arg4[%dma_wait3A, %dma_wait3A_8] : memref<1000000x64xf32, #tpu.memory_space<hbm>> -> memref<512x64xf32, #tpu.memory_space<hbm>>
    %dma_wait3A_10 = arith.constant 0 : i32
    %dma_wait3A_11 = arith.constant 0 : i32
    %dma_wait3A_12 = tpu.memref_slice %arg4[%dma_wait3A_10, %dma_wait3A_11] : memref<1000000x64xf32, #tpu.memory_space<hbm>> -> memref<512x64xf32, #tpu.memory_space<hbm>>
    tpu.wait_dma2 semaphore(%arg10 : memref<!tpu.dma_semaphore, #tpu.memory_space<semaphore_mem>>) src(%dma_wait3A_12 : memref<512x64xf32, #tpu.memory_space<hbm>>) dst(%arg9 : memref<512x64xf32, #tpu.memory_space<vmem>>)
    "tpu.region"() ({
      %run_scoped3A = tpu.sem_alloc : memref<!tpu.dma_semaphore, #tpu.memory_space<semaphore_mem>>
      %dma_start3A = arith.constant 0 : i32
      %dma_start3A_25 = tpu.memref_slice %arg5[%mul3A_2, %dma_start3A] : memref<16384x64xf32, #tpu.memory_space<hbm>> -> memref<512x64xf32, #tpu.memory_space<hbm>>
      %dma_start3A_26 = arith.constant 0 : i32
      %dma_start3A_27 = tpu.memref_slice %arg5[%mul3A_2, %dma_start3A_26] : memref<16384x64xf32, #tpu.memory_space<hbm>> -> memref<512x64xf32, #tpu.memory_space<hbm>>
      tpu.enqueue_dma source(%arg9 : memref<512x64xf32, #tpu.memory_space<vmem>>) target(%dma_start3A_27 : memref<512x64xf32, #tpu.memory_space<hbm>>) target_semaphore(%run_scoped3A : memref<!tpu.dma_semaphore, #tpu.memory_space<semaphore_mem>>)
      %dma_wait3A_28 = arith.constant 0 : i32
      %dma_wait3A_29 = tpu.memref_slice %arg5[%mul3A_2, %dma_wait3A_28] : memref<16384x64xf32, #tpu.memory_space<hbm>> -> memref<512x64xf32, #tpu.memory_space<hbm>>
      %dma_wait3A_30 = arith.constant 0 : i32
      %dma_wait3A_31 = tpu.memref_slice %arg5[%mul3A_2, %dma_wait3A_30] : memref<16384x64xf32, #tpu.memory_space<hbm>> -> memref<512x64xf32, #tpu.memory_space<hbm>>
      tpu.wait_dma2 semaphore(%run_scoped3A : memref<!tpu.dma_semaphore, #tpu.memory_space<semaphore_mem>>) src(%arg9 : memref<512x64xf32, #tpu.memory_space<vmem>>) dst(%dma_wait3A_31 : memref<512x64xf32, #tpu.memory_space<hbm>>)
      tpu.yield
    }) : () -> ()
    %scan3A_13 = arith.constant 0 : i32
    %scan3A_14 = arith.constant 0 : i32
    %scan3A_15 = arith.constant 8 : i32
    %scan3A_16 = arith.addi %scan3A_14, %scan3A_15 : i32
    %scan3A_17 = arith.constant 1 : i32
    scf.for %scan3A_25 = %scan3A_14 to %scan3A_16 step %scan3A_17  : i32 {
      %mul3A_26 = arith.constant 64 : i32
      %mul3A_27 = arith.muli %scan3A_25, %mul3A_26 : i32
      %add3A_28 = arith.constant 0 : i32
      %add3A_29 = arith.addi %mul3A_27, %add3A_28 : i32
      %get3A = arith.index_cast %add3A_29 : i32 to index
      %get3A_30 = tpu.vector_load %arg8[%get3A] {strides = array<i32>} : memref<512xi32, #tpu.memory_space<vmem>>, vector<16xi32>,
      %slice3A = vector.extract_strided_slice %get3A_30 {offsets = [0], sizes = [1], strides = [1]} : vector<16xi32> to vector<1xi32>
      %squeeze3A = vector.extract %slice3A[0] : i32 from vector<1xi32>
      %mul3A_31 = arith.constant 64 : i32
      %mul3A_32 = arith.muli %scan3A_25, %mul3A_31 : i32
      %add3A_33 = arith.constant 0 : i32
      %add3A_34 = arith.addi %mul3A_32, %add3A_33 : i32
      %add3A_35 = arith.constant 0 : i32
      %add3A_36 = arith.addi %add3A_34, %add3A_35 : i32
      %dma_start3A = arith.constant 0 : i32
      %dma_start3A_37 = tpu.memref_slice %arg9[%add3A_36, %dma_start3A] : memref<512x64xf32, #tpu.memory_space<vmem>> -> memref<1x64xf32, #tpu.memory_space<vmem>>
      %dma_start3A_38 = arith.constant 0 : i32
      %dma_start3A_39 = tpu.memref_slice %arg4[%squeeze3A, %dma_start3A_38] : memref<1000000x64xf32, #tpu.memory_space<hbm>> -> memref<1x64xf32, #tpu.memory_space<hbm>>
      %dma_start3A_40 = arith.constant 0 : i32
      %dma_start3A_41 = tpu.memref_slice %arg9[%add3A_36, %dma_start3A_40] : memref<512x64xf32, #tpu.memory_space<vmem>> -> memref<1x64xf32, #tpu.memory_space<vmem>>
      %dma_start3A_42 = arith.constant 0 : i32
      %dma_start3A_43 = tpu.memref_slice %arg4[%squeeze3A, %dma_start3A_42] : memref<1000000x64xf32, #tpu.memory_space<hbm>> -> memref<1x64xf32, #tpu.memory_space<hbm>>
      tpu.enqueue_dma source(%dma_start3A_43 : memref<1x64xf32, #tpu.memory_space<hbm>>) target(%dma_start3A_41 : memref<1x64xf32, #tpu.memory_space<vmem>>) target_semaphore(%arg10 : memref<!tpu.dma_semaphore, #tpu.memory_space<semaphore_mem>>)
      %slice3A_44 = vector.extract_strided_slice %get3A_30 {offsets = [1], sizes = [1], strides = [1]} : vector<16xi32> to vector<1xi32>
      %squeeze3A_45 = vector.extract %slice3A_44[0] : i32 from vector<1xi32>
      %mul3A_46 = arith.constant 64 : i32
      %mul3A_47 = arith.muli %scan3A_25, %mul3A_46 : i32
      %add3A_48 = arith.constant 0 : i32
      %add3A_49 = arith.addi %mul3A_47, %add3A_48 : i32
      %add3A_50 = arith.constant 1 : i32
      %add3A_51 = arith.addi %add3A_49, %add3A_50 : i32
      %dma_start3A_52 = arith.constant 0 : i32
      %dma_start3A_53 = tpu.memref_slice %arg9[%add3A_51, %dma_start3A_52] : memref<512x64xf32, #tpu.memory_space<vmem>> -> memref<1x64xf32, #tpu.memory_space<vmem>>
      %dma_start3A_54 = arith.constant 0 : i32
      %dma_start3A_55 = tpu.memref_slice %arg4[%squeeze3A_45, %dma_start3A_54] : memref<1000000x64xf32, #tpu.memory_space<hbm>> -> memref<1x64xf32, #tpu.memory_space<hbm>>
      %dma_start3A_56 = arith.constant 0 : i32
      %dma_start3A_57 = tpu.memref_slice %arg9[%add3A_51, %dma_start3A_56] : memref<512x64xf32, #tpu.memory_space<vmem>> -> memref<1x64xf32, #tpu.memory_space<vmem>>
      %dma_start3A_58 = arith.constant 0 : i32
      %dma_start3A_59 = tpu.memref_slice %arg4[%squeeze3A_45, %dma_start3A_58] : memref<1000000x64xf32, #tpu.memory_space<hbm>> -> memref<1x64xf32, #tpu.memory_space<hbm>>
      tpu.enqueue_dma source(%dma_start3A_59 : memref<1x64xf32, #tpu.memory_space<hbm>>) target(%dma_start3A_57 : memref<1x64xf32, #tpu.memory_space<vmem>>) target_semaphore(%arg10 : memref<!tpu.dma_semaphore, #tpu.memory_space<semaphore_mem>>)
      %slice3A_60 = vector.extract_strided_slice %get3A_30 {offsets = [2], sizes = [1], strides = [1]} : vector<16xi32> to vector<1xi32>
      %squeeze3A_61 = vector.extract %slice3A_60[0] : i32 from vector<1xi32>
      %mul3A_62 = arith.constant 64 : i32
      %mul3A_63 = arith.muli %scan3A_25, %mul3A_62 : i32
      %add3A_64 = arith.constant 0 : i32
      %add3A_65 = arith.addi %mul3A_63, %add3A_64 : i32
      %add3A_66 = arith.constant 2 : i32
      %add3A_67 = arith.addi %add3A_65, %add3A_66 : i32
      %dma_start3A_68 = arith.constant 0 : i32
      %dma_start3A_69 = tpu.memref_slice %arg9[%add3A_67, %dma_start3A_68] : memref<512x64xf32, #tpu.memory_space<vmem>> -> memref<1x64xf32, #tpu.memory_space<vmem>>
      %dma_start3A_70 = arith.constant 0 : i32
      %dma_start3A_71 = tpu.memref_slice %arg4[%squeeze3A_61, %dma_start3A_70] : memref<1000000x64xf32, #tpu.memory_space<hbm>> -> memref<1x64xf32, #tpu.memory_space<hbm>>
      %dma_start3A_72 = arith.constant 0 : i32
      %dma_start3A_73 = tpu.memref_slice %arg9[%add3A_67, %dma_start3A_72] : memref<512x64xf32, #tpu.memory_space<vmem>> -> memref<1x64xf32, #tpu.memory_space<vmem>>
      %dma_start3A_74 = arith.constant 0 : i32
      %dma_start3A_75 = tpu.memref_slice %arg4[%squeeze3A_61, %dma_start3A_74] : memref<1000000x64xf32, #tpu.memory_space<hbm>> -> memref<1x64xf32, #tpu.memory_space<hbm>>
      tpu.enqueue_dma source(%dma_start3A_75 : memref<1x64xf32, #tpu.memory_space<hbm>>) target(%dma_start3A_73 : memref<1x64xf32, #tpu.memory_space<vmem>>) target_semaphore(%arg10 : memref<!tpu.dma_semaphore, #tpu.memory_space<semaphore_mem>>)
      %slice3A_76 = vector.extract_strided_slice %get3A_30 {offsets = [3], sizes = [1], strides = [1]} : vector<16xi32> to vector<1xi32>
      %squeeze3A_77 = vector.extract %slice3A_76[0] : i32 from vector<1xi32>
      %mul3A_78 = arith.constant 64 : i32
      %mul3A_79 = arith.muli %scan3A_25, %mul3A_78 : i32
      %add3A_80 = arith.constant 0 : i32
      %add3A_81 = arith.addi %mul3A_79, %add3A_80 : i32
      %add3A_82 = arith.constant 3 : i32
      %add3A_83 = arith.addi %add3A_81, %add3A_82 : i32
      %dma_start3A_84 = arith.constant 0 : i32
      %dma_start3A_85 = tpu.memref_slice %arg9[%add3A_83, %dma_start3A_84] : memref<512x64xf32, #tpu.memory_space<vmem>> -> memref<1x64xf32, #tpu.memory_space<vmem>>
      %dma_start3A_86 = arith.constant 0 : i32
      %dma_start3A_87 = tpu.memref_slice %arg4[%squeeze3A_77, %dma_start3A_86] : memref<1000000x64xf32, #tpu.memory_space<hbm>> -> memref<1x64xf32, #tpu.memory_space<hbm>>
      %dma_start3A_88 = arith.constant 0 : i32
      %dma_start3A_89 = tpu.memref_slice %arg9[%add3A_83, %dma_start3A_88] : memref<512x64xf32, #tpu.memory_space<vmem>> -> memref<1x64xf32, #tpu.memory_space<vmem>>
      %dma_start3A_90 = arith.constant 0 : i32
      %dma_start3A_91 = tpu.memref_slice %arg4[%squeeze3A_77, %dma_start3A_90] : memref<1000000x64xf32, #tpu.memory_space<hbm>> -> memref<1x64xf32, #tpu.memory_space<hbm>>
      tpu.enqueue_dma source(%dma_start3A_91 : memref<1x64xf32, #tpu.memory_space<hbm>>) target(%dma_start3A_89 : memref<1x64xf32, #tpu.memory_space<vmem>>) target_semaphore(%arg10 : memref<!tpu.dma_semaphore, #tpu.memory_space<semaphore_mem>>)
      %slice3A_92 = vector.extract_strided_slice %get3A_30 {offsets = [4], sizes = [1], strides = [1]} : vector<16xi32> to vector<1xi32>
      %squeeze3A_93 = vector.extract %slice3A_92[0] : i32 from vector<1xi32>
      %mul3A_94 = arith.constant 64 : i32
      %mul3A_95 = arith.muli %scan3A_25, %mul3A_94 : i32
      %add3A_96 = arith.constant 0 : i32
      %add3A_97 = arith.addi %mul3A_95, %add3A_96 : i32
      %add3A_98 = arith.constant 4 : i32
      %add3A_99 = arith.addi %add3A_97, %add3A_98 : i32
      %dma_start3A_100 = arith.constant 0 : i32
      %dma_start3A_101 = tpu.memref_slice %arg9[%add3A_99, %dma_start3A_100] : memref<512x64xf32, #tpu.memory_space<vmem>> -> memref<1x64xf32, #tpu.memory_space<vmem>>
      %dma_start3A_102 = arith.constant 0 : i32
      %dma_start3A_103 = tpu.memref_slice %arg4[%squeeze3A_93, %dma_start3A_102] : memref<1000000x64xf32, #tpu.memory_space<hbm>> -> memref<1x64xf32, #tpu.memory_space<hbm>>
      %dma_start3A_104 = arith.constant 0 : i32
      %dma_start3A_105 = tpu.memref_slice %arg9[%add3A_99, %dma_start3A_104] : memref<512x64xf32, #tpu.memory_space<vmem>> -> memref<1x64xf32, #tpu.memory_space<vmem>>
      %dma_start3A_106 = arith.constant 0 : i32
      %dma_start3A_107 = tpu.memref_slice %arg4[%squeeze3A_93, %dma_start3A_106] : memref<1000000x64xf32, #tpu.memory_space<hbm>> -> memref<1x64xf32, #tpu.memory_space<hbm>>
      tpu.enqueue_dma source(%dma_start3A_107 : memref<1x64xf32, #tpu.memory_space<hbm>>) target(%dma_start3A_105 : memref<1x64xf32, #tpu.memory_space<vmem>>) target_semaphore(%arg10 : memref<!tpu.dma_semaphore, #tpu.memory_space<semaphore_mem>>)
      %slice3A_108 = vector.extract_strided_slice %get3A_30 {offsets = [5], sizes = [1], strides = [1]} : vector<16xi32> to vector<1xi32>
      %squeeze3A_109 = vector.extract %slice3A_108[0] : i32 from vector<1xi32>
      %mul3A_110 = arith.constant 64 : i32
      %mul3A_111 = arith.muli %scan3A_25, %mul3A_110 : i32
      %add3A_112 = arith.constant 0 : i32
      %add3A_113 = arith.addi %mul3A_111, %add3A_112 : i32
      %add3A_114 = arith.constant 5 : i32
      %add3A_115 = arith.addi %add3A_113, %add3A_114 : i32
      %dma_start3A_116 = arith.constant 0 : i32
      %dma_start3A_117 = tpu.memref_slice %arg9[%add3A_115, %dma_start3A_116] : memref<512x64xf32, #tpu.memory_space<vmem>> -> memref<1x64xf32, #tpu.memory_space<vmem>>
      %dma_start3A_118 = arith.constant 0 : i32
      %dma_start3A_119 = tpu.memref_slice %arg4[%squeeze3A_109, %dma_start3A_118] : memref<1000000x64xf32, #tpu.memory_space<hbm>> -> memref<1x64xf32, #tpu.memory_space<hbm>>
      %dma_start3A_120 = arith.constant 0 : i32
      %dma_start3A_121 = tpu.memref_slice %arg9[%add3A_115, %dma_start3A_120] : memref<512x64xf32, #tpu.memory_space<vmem>> -> memref<1x64xf32, #tpu.memory_space<vmem>>
      %dma_start3A_122 = arith.constant 0 : i32
      %dma_start3A_123 = tpu.memref_slice %arg4[%squeeze3A_109, %dma_start3A_122] : memref<1000000x64xf32, #tpu.memory_space<hbm>> -> memref<1x64xf32, #tpu.memory_space<hbm>>
      tpu.enqueue_dma source(%dma_start3A_123 : memref<1x64xf32, #tpu.memory_space<hbm>>) target(%dma_start3A_121 : memref<1x64xf32, #tpu.memory_space<vmem>>) target_semaphore(%arg10 : memref<!tpu.dma_semaphore, #tpu.memory_space<semaphore_mem>>)
      %slice3A_124 = vector.extract_strided_slice %get3A_30 {offsets = [6], sizes = [1], strides = [1]} : vector<16xi32> to vector<1xi32>
      %squeeze3A_125 = vector.extract %slice3A_124[0] : i32 from vector<1xi32>
      %mul3A_126 = arith.constant 64 : i32
      %mul3A_127 = arith.muli %scan3A_25, %mul3A_126 : i32
      %add3A_128 = arith.constant 0 : i32
      %add3A_129 = arith.addi %mul3A_127, %add3A_128 : i32
      %add3A_130 = arith.constant 6 : i32
      %add3A_131 = arith.addi %add3A_129, %add3A_130 : i32
      %dma_start3A_132 = arith.constant 0 : i32
      %dma_start3A_133 = tpu.memref_slice %arg9[%add3A_131, %dma_start3A_132] : memref<512x64xf32, #tpu.memory_space<vmem>> -> memref<1x64xf32, #tpu.memory_space<vmem>>
      %dma_start3A_134 = arith.constant 0 : i32
      %dma_start3A_135 = tpu.memref_slice %arg4[%squeeze3A_125, %dma_start3A_134] : memref<1000000x64xf32, #tpu.memory_space<hbm>> -> memref<1x64xf32, #tpu.memory_space<hbm>>
      %dma_start3A_136 = arith.constant 0 : i32
      %dma_start3A_137 = tpu.memref_slice %arg9[%add3A_131, %dma_start3A_136] : memref<512x64xf32, #tpu.memory_space<vmem>> -> memref<1x64xf32, #tpu.memory_space<vmem>>
      %dma_start3A_138 = arith.constant 0 : i32
      %dma_start3A_139 = tpu.memref_slice %arg4[%squeeze3A_125, %dma_start3A_138] : memref<1000000x64xf32, #tpu.memory_space<hbm>> -> memref<1x64xf32, #tpu.memory_space<hbm>>
      tpu.enqueue_dma source(%dma_start3A_139 : memref<1x64xf32, #tpu.memory_space<hbm>>) target(%dma_start3A_137 : memref<1x64xf32, #tpu.memory_space<vmem>>) target_semaphore(%arg10 : memref<!tpu.dma_semaphore, #tpu.memory_space<semaphore_mem>>)
      %slice3A_140 = vector.extract_strided_slice %get3A_30 {offsets = [7], sizes = [1], strides = [1]} : vector<16xi32> to vector<1xi32>
      %squeeze3A_141 = vector.extract %slice3A_140[0] : i32 from vector<1xi32>
      %mul3A_142 = arith.constant 64 : i32
      %mul3A_143 = arith.muli %scan3A_25, %mul3A_142 : i32
      %add3A_144 = arith.constant 0 : i32
      %add3A_145 = arith.addi %mul3A_143, %add3A_144 : i32
      %add3A_146 = arith.constant 7 : i32
      %add3A_147 = arith.addi %add3A_145, %add3A_146 : i32
      %dma_start3A_148 = arith.constant 0 : i32
      %dma_start3A_149 = tpu.memref_slice %arg9[%add3A_147, %dma_start3A_148] : memref<512x64xf32, #tpu.memory_space<vmem>> -> memref<1x64xf32, #tpu.memory_space<vmem>>
      %dma_start3A_150 = arith.constant 0 : i32
      %dma_start3A_151 = tpu.memref_slice %arg4[%squeeze3A_141, %dma_start3A_150] : memref<1000000x64xf32, #tpu.memory_space<hbm>> -> memref<1x64xf32, #tpu.memory_space<hbm>>
      %dma_start3A_152 = arith.constant 0 : i32
      %dma_start3A_153 = tpu.memref_slice %arg9[%add3A_147, %dma_start3A_152] : memref<512x64xf32, #tpu.memory_space<vmem>> -> memref<1x64xf32, #tpu.memory_space<vmem>>
      %dma_start3A_154 = arith.constant 0 : i32
      %dma_start3A_155 = tpu.memref_slice %arg4[%squeeze3A_141, %dma_start3A_154] : memref<1000000x64xf32, #tpu.memory_space<hbm>> -> memref<1x64xf32, #tpu.memory_space<hbm>>
      tpu.enqueue_dma source(%dma_start3A_155 : memref<1x64xf32, #tpu.memory_space<hbm>>) target(%dma_start3A_153 : memref<1x64xf32, #tpu.memory_space<vmem>>) target_semaphore(%arg10 : memref<!tpu.dma_semaphore, #tpu.memory_space<semaphore_mem>>)
      %slice3A_156 = vector.extract_strided_slice %get3A_30 {offsets = [8], sizes = [1], strides = [1]} : vector<16xi32> to vector<1xi32>
      %squeeze3A_157 = vector.extract %slice3A_156[0] : i32 from vector<1xi32>
      %mul3A_158 = arith.constant 64 : i32
      %mul3A_159 = arith.muli %scan3A_25, %mul3A_158 : i32
      %add3A_160 = arith.constant 0 : i32
      %add3A_161 = arith.addi %mul3A_159, %add3A_160 : i32
      %add3A_162 = arith.constant 8 : i32
      %add3A_163 = arith.addi %add3A_161, %add3A_162 : i32
      %dma_start3A_164 = arith.constant 0 : i32
      %dma_start3A_165 = tpu.memref_slice %arg9[%add3A_163, %dma_start3A_164] : memref<512x64xf32, #tpu.memory_space<vmem>> -> memref<1x64xf32, #tpu.memory_space<vmem>>
      %dma_start3A_166 = arith.constant 0 : i32
      %dma_start3A_167 = tpu.memref_slice %arg4[%squeeze3A_157, %dma_start3A_166] : memref<1000000x64xf32, #tpu.memory_space<hbm>> -> memref<1x64xf32, #tpu.memory_space<hbm>>
      %dma_start3A_168 = arith.constant 0 : i32
      %dma_start3A_169 = tpu.memref_slice %arg9[%add3A_163, %dma_start3A_168] : memref<512x64xf32, #tpu.memory_space<vmem>> -> memref<1x64xf32, #tpu.memory_space<vmem>>
      %dma_start3A_170 = arith.constant 0 : i32
      %dma_start3A_171 = tpu.memref_slice %arg4[%squeeze3A_157, %dma_start3A_170] : memref<1000000x64xf32, #tpu.memory_space<hbm>> -> memref<1x64xf32, #tpu.memory_space<hbm>>
      tpu.enqueue_dma source(%dma_start3A_171 : memref<1x64xf32, #tpu.memory_space<hbm>>) target(%dma_start3A_169 : memref<1x64xf32, #tpu.memory_space<vmem>>) target_semaphore(%arg10 : memref<!tpu.dma_semaphore, #tpu.memory_space<semaphore_mem>>)
      %slice3A_172 = vector.extract_strided_slice %get3A_30 {offsets = [9], sizes = [1], strides = [1]} : vector<16xi32> to vector<1xi32>
      %squeeze3A_173 = vector.extract %slice3A_172[0] : i32 from vector<1xi32>
      %mul3A_174 = arith.constant 64 : i32
      %mul3A_175 = arith.muli %scan3A_25, %mul3A_174 : i32
      %add3A_176 = arith.constant 0 : i32
      %add3A_177 = arith.addi %mul3A_175, %add3A_176 : i32
      %add3A_178 = arith.constant 9 : i32
      %add3A_179 = arith.addi %add3A_177, %add3A_178 : i32
      %dma_start3A_180 = arith.constant 0 : i32
      %dma_start3A_181 = tpu.memref_slice %arg9[%add3A_179, %dma_start3A_180] : memref<512x64xf32, #tpu.memory_space<vmem>> -> memref<1x64xf32, #tpu.memory_space<vmem>>
      %dma_start3A_182 = arith.constant 0 : i32
      %dma_start3A_183 = tpu.memref_slice %arg4[%squeeze3A_173, %dma_start3A_182] : memref<1000000x64xf32, #tpu.memory_space<hbm>> -> memref<1x64xf32, #tpu.memory_space<hbm>>
      %dma_start3A_184 = arith.constant 0 : i32
      %dma_start3A_185 = tpu.memref_slice %arg9[%add3A_179, %dma_start3A_184] : memref<512x64xf32, #tpu.memory_space<vmem>> -> memref<1x64xf32, #tpu.memory_space<vmem>>
      %dma_start3A_186 = arith.constant 0 : i32
      %dma_start3A_187 = tpu.memref_slice %arg4[%squeeze3A_173, %dma_start3A_186] : memref<1000000x64xf32, #tpu.memory_space<hbm>> -> memref<1x64xf32, #tpu.memory_space<hbm>>
      tpu.enqueue_dma source(%dma_start3A_187 : memref<1x64xf32, #tpu.memory_space<hbm>>) target(%dma_start3A_185 : memref<1x64xf32, #tpu.memory_space<vmem>>) target_semaphore(%arg10 : memref<!tpu.dma_semaphore, #tpu.memory_space<semaphore_mem>>)
      %slice3A_188 = vector.extract_strided_slice %get3A_30 {offsets = [10], sizes = [1], strides = [1]} : vector<16xi32> to vector<1xi32>
      %squeeze3A_189 = vector.extract %slice3A_188[0] : i32 from vector<1xi32>
      %mul3A_190 = arith.constant 64 : i32
      %mul3A_191 = arith.muli %scan3A_25, %mul3A_190 : i32
      %add3A_192 = arith.constant 0 : i32
      %add3A_193 = arith.addi %mul3A_191, %add3A_192 : i32
      %add3A_194 = arith.constant 10 : i32
      %add3A_195 = arith.addi %add3A_193, %add3A_194 : i32
      %dma_start3A_196 = arith.constant 0 : i32
      %dma_start3A_197 = tpu.memref_slice %arg9[%add3A_195, %dma_start3A_196] : memref<512x64xf32, #tpu.memory_space<vmem>> -> memref<1x64xf32, #tpu.memory_space<vmem>>
      %dma_start3A_198 = arith.constant 0 : i32
      %dma_start3A_199 = tpu.memref_slice %arg4[%squeeze3A_189, %dma_start3A_198] : memref<1000000x64xf32, #tpu.memory_space<hbm>> -> memref<1x64xf32, #tpu.memory_space<hbm>>
      %dma_start3A_200 = arith.constant 0 : i32
      %dma_start3A_201 = tpu.memref_slice %arg9[%add3A_195, %dma_start3A_200] : memref<512x64xf32, #tpu.memory_space<vmem>> -> memref<1x64xf32, #tpu.memory_space<vmem>>
      %dma_start3A_202 = arith.constant 0 : i32
      %dma_start3A_203 = tpu.memref_slice %arg4[%squeeze3A_189, %dma_start3A_202] : memref<1000000x64xf32, #tpu.memory_space<hbm>> -> memref<1x64xf32, #tpu.memory_space<hbm>>
      tpu.enqueue_dma source(%dma_start3A_203 : memref<1x64xf32, #tpu.memory_space<hbm>>) target(%dma_start3A_201 : memref<1x64xf32, #tpu.memory_space<vmem>>) target_semaphore(%arg10 : memref<!tpu.dma_semaphore, #tpu.memory_space<semaphore_mem>>)
      %slice3A_204 = vector.extract_strided_slice %get3A_30 {offsets = [11], sizes = [1], strides = [1]} : vector<16xi32> to vector<1xi32>
      %squeeze3A_205 = vector.extract %slice3A_204[0] : i32 from vector<1xi32>
      %mul3A_206 = arith.constant 64 : i32
      %mul3A_207 = arith.muli %scan3A_25, %mul3A_206 : i32
      %add3A_208 = arith.constant 0 : i32
      %add3A_209 = arith.addi %mul3A_207, %add3A_208 : i32
      %add3A_210 = arith.constant 11 : i32
      %add3A_211 = arith.addi %add3A_209, %add3A_210 : i32
      %dma_start3A_212 = arith.constant 0 : i32
      %dma_start3A_213 = tpu.memref_slice %arg9[%add3A_211, %dma_start3A_212] : memref<512x64xf32, #tpu.memory_space<vmem>> -> memref<1x64xf32, #tpu.memory_space<vmem>>
      %dma_start3A_214 = arith.constant 0 : i32
      %dma_start3A_215 = tpu.memref_slice %arg4[%squeeze3A_205, %dma_start3A_214] : memref<1000000x64xf32, #tpu.memory_space<hbm>> -> memref<1x64xf32, #tpu.memory_space<hbm>>
      %dma_start3A_216 = arith.constant 0 : i32
      %dma_start3A_217 = tpu.memref_slice %arg9[%add3A_211, %dma_start3A_216] : memref<512x64xf32, #tpu.memory_space<vmem>> -> memref<1x64xf32, #tpu.memory_space<vmem>>
      %dma_start3A_218 = arith.constant 0 : i32
      %dma_start3A_219 = tpu.memref_slice %arg4[%squeeze3A_205, %dma_start3A_218] : memref<1000000x64xf32, #tpu.memory_space<hbm>> -> memref<1x64xf32, #tpu.memory_space<hbm>>
      tpu.enqueue_dma source(%dma_start3A_219 : memref<1x64xf32, #tpu.memory_space<hbm>>) target(%dma_start3A_217 : memref<1x64xf32, #tpu.memory_space<vmem>>) target_semaphore(%arg10 : memref<!tpu.dma_semaphore, #tpu.memory_space<semaphore_mem>>)
      %slice3A_220 = vector.extract_strided_slice %get3A_30 {offsets = [12], sizes = [1], strides = [1]} : vector<16xi32> to vector<1xi32>
      %squeeze3A_221 = vector.extract %slice3A_220[0] : i32 from vector<1xi32>
      %mul3A_222 = arith.constant 64 : i32
      %mul3A_223 = arith.muli %scan3A_25, %mul3A_222 : i32
      %add3A_224 = arith.constant 0 : i32
      %add3A_225 = arith.addi %mul3A_223, %add3A_224 : i32
      %add3A_226 = arith.constant 12 : i32
      %add3A_227 = arith.addi %add3A_225, %add3A_226 : i32
      %dma_start3A_228 = arith.constant 0 : i32
      %dma_start3A_229 = tpu.memref_slice %arg9[%add3A_227, %dma_start3A_228] : memref<512x64xf32, #tpu.memory_space<vmem>> -> memref<1x64xf32, #tpu.memory_space<vmem>>
      %dma_start3A_230 = arith.constant 0 : i32
      %dma_start3A_231 = tpu.memref_slice %arg4[%squeeze3A_221, %dma_start3A_230] : memref<1000000x64xf32, #tpu.memory_space<hbm>> -> memref<1x64xf32, #tpu.memory_space<hbm>>
      %dma_start3A_232 = arith.constant 0 : i32
      %dma_start3A_233 = tpu.memref_slice %arg9[%add3A_227, %dma_start3A_232] : memref<512x64xf32, #tpu.memory_space<vmem>> -> memref<1x64xf32, #tpu.memory_space<vmem>>
      %dma_start3A_234 = arith.constant 0 : i32
      %dma_start3A_235 = tpu.memref_slice %arg4[%squeeze3A_221, %dma_start3A_234] : memref<1000000x64xf32, #tpu.memory_space<hbm>> -> memref<1x64xf32, #tpu.memory_space<hbm>>
      tpu.enqueue_dma source(%dma_start3A_235 : memref<1x64xf32, #tpu.memory_space<hbm>>) target(%dma_start3A_233 : memref<1x64xf32, #tpu.memory_space<vmem>>) target_semaphore(%arg10 : memref<!tpu.dma_semaphore, #tpu.memory_space<semaphore_mem>>)
      %slice3A_236 = vector.extract_strided_slice %get3A_30 {offsets = [13], sizes = [1], strides = [1]} : vector<16xi32> to vector<1xi32>
      %squeeze3A_237 = vector.extract %slice3A_236[0] : i32 from vector<1xi32>
      %mul3A_238 = arith.constant 64 : i32
      %mul3A_239 = arith.muli %scan3A_25, %mul3A_238 : i32
      %add3A_240 = arith.constant 0 : i32
      %add3A_241 = arith.addi %mul3A_239, %add3A_240 : i32
      %add3A_242 = arith.constant 13 : i32
      %add3A_243 = arith.addi %add3A_241, %add3A_242 : i32
      %dma_start3A_244 = arith.constant 0 : i32
      %dma_start3A_245 = tpu.memref_slice %arg9[%add3A_243, %dma_start3A_244] : memref<512x64xf32, #tpu.memory_space<vmem>> -> memref<1x64xf32, #tpu.memory_space<vmem>>
      %dma_start3A_246 = arith.constant 0 : i32
      %dma_start3A_247 = tpu.memref_slice %arg4[%squeeze3A_237, %dma_start3A_246] : memref<1000000x64xf32, #tpu.memory_space<hbm>> -> memref<1x64xf32, #tpu.memory_space<hbm>>
      %dma_start3A_248 = arith.constant 0 : i32
      %dma_start3A_249 = tpu.memref_slice %arg9[%add3A_243, %dma_start3A_248] : memref<512x64xf32, #tpu.memory_space<vmem>> -> memref<1x64xf32, #tpu.memory_space<vmem>>
      %dma_start3A_250 = arith.constant 0 : i32
      %dma_start3A_251 = tpu.memref_slice %arg4[%squeeze3A_237, %dma_start3A_250] : memref<1000000x64xf32, #tpu.memory_space<hbm>> -> memref<1x64xf32, #tpu.memory_space<hbm>>
      tpu.enqueue_dma source(%dma_start3A_251 : memref<1x64xf32, #tpu.memory_space<hbm>>) target(%dma_start3A_249 : memref<1x64xf32, #tpu.memory_space<vmem>>) target_semaphore(%arg10 : memref<!tpu.dma_semaphore, #tpu.memory_space<semaphore_mem>>)
      %slice3A_252 = vector.extract_strided_slice %get3A_30 {offsets = [14], sizes = [1], strides = [1]} : vector<16xi32> to vector<1xi32>
      %squeeze3A_253 = vector.extract %slice3A_252[0] : i32 from vector<1xi32>
      %mul3A_254 = arith.constant 64 : i32
      %mul3A_255 = arith.muli %scan3A_25, %mul3A_254 : i32
      %add3A_256 = arith.constant 0 : i32
      %add3A_257 = arith.addi %mul3A_255, %add3A_256 : i32
      %add3A_258 = arith.constant 14 : i32
      %add3A_259 = arith.addi %add3A_257, %add3A_258 : i32
      %dma_start3A_260 = arith.constant 0 : i32
      %dma_start3A_261 = tpu.memref_slice %arg9[%add3A_259, %dma_start3A_260] : memref<512x64xf32, #tpu.memory_space<vmem>> -> memref<1x64xf32, #tpu.memory_space<vmem>>
      %dma_start3A_262 = arith.constant 0 : i32
      %dma_start3A_263 = tpu.memref_slice %arg4[%squeeze3A_253, %dma_start3A_262] : memref<1000000x64xf32, #tpu.memory_space<hbm>> -> memref<1x64xf32, #tpu.memory_space<hbm>>
      %dma_start3A_264 = arith.constant 0 : i32
      %dma_start3A_265 = tpu.memref_slice %arg9[%add3A_259, %dma_start3A_264] : memref<512x64xf32, #tpu.memory_space<vmem>> -> memref<1x64xf32, #tpu.memory_space<vmem>>
      %dma_start3A_266 = arith.constant 0 : i32
      %dma_start3A_267 = tpu.memref_slice %arg4[%squeeze3A_253, %dma_start3A_266] : memref<1000000x64xf32, #tpu.memory_space<hbm>> -> memref<1x64xf32, #tpu.memory_space<hbm>>
      tpu.enqueue_dma source(%dma_start3A_267 : memref<1x64xf32, #tpu.memory_space<hbm>>) target(%dma_start3A_265 : memref<1x64xf32, #tpu.memory_space<vmem>>) target_semaphore(%arg10 : memref<!tpu.dma_semaphore, #tpu.memory_space<semaphore_mem>>)
      %slice3A_268 = vector.extract_strided_slice %get3A_30 {offsets = [15], sizes = [1], strides = [1]} : vector<16xi32> to vector<1xi32>
      %squeeze3A_269 = vector.extract %slice3A_268[0] : i32 from vector<1xi32>
      %mul3A_270 = arith.constant 64 : i32
      %mul3A_271 = arith.muli %scan3A_25, %mul3A_270 : i32
      %add3A_272 = arith.constant 0 : i32
      %add3A_273 = arith.addi %mul3A_271, %add3A_272 : i32
      %add3A_274 = arith.constant 15 : i32
      %add3A_275 = arith.addi %add3A_273, %add3A_274 : i32
      %dma_start3A_276 = arith.constant 0 : i32
      %dma_start3A_277 = tpu.memref_slice %arg9[%add3A_275, %dma_start3A_276] : memref<512x64xf32, #tpu.memory_space<vmem>> -> memref<1x64xf32, #tpu.memory_space<vmem>>
      %dma_start3A_278 = arith.constant 0 : i32
      %dma_start3A_279 = tpu.memref_slice %arg4[%squeeze3A_269, %dma_start3A_278] : memref<1000000x64xf32, #tpu.memory_space<hbm>> -> memref<1x64xf32, #tpu.memory_space<hbm>>
      %dma_start3A_280 = arith.constant 0 : i32
      %dma_start3A_281 = tpu.memref_slice %arg9[%add3A_275, %dma_start3A_280] : memref<512x64xf32, #tpu.memory_space<vmem>> -> memref<1x64xf32, #tpu.memory_space<vmem>>
      %dma_start3A_282 = arith.constant 0 : i32
      %dma_start3A_283 = tpu.memref_slice %arg4[%squeeze3A_269, %dma_start3A_282] : memref<1000000x64xf32, #tpu.memory_space<hbm>> -> memref<1x64xf32, #tpu.memory_space<hbm>>
      tpu.enqueue_dma source(%dma_start3A_283 : memref<1x64xf32, #tpu.memory_space<hbm>>) target(%dma_start3A_281 : memref<1x64xf32, #tpu.memory_space<vmem>>) target_semaphore(%arg10 : memref<!tpu.dma_semaphore, #tpu.memory_space<semaphore_mem>>)
      %mul3A_284 = arith.constant 64 : i32
      %mul3A_285 = arith.muli %scan3A_25, %mul3A_284 : i32
      %add3A_286 = arith.constant 16 : i32
      %add3A_287 = arith.addi %mul3A_285, %add3A_286 : i32
      %get3A_288 = arith.index_cast %add3A_287 : i32 to index
      %get3A_289 = tpu.vector_load %arg8[%get3A_288] {strides = array<i32>} : memref<512xi32, #tpu.memory_space<vmem>>, vector<16xi32>,
      %slice3A_290 = vector.extract_strided_slice %get3A_289 {offsets = [0], sizes = [1], strides = [1]} : vector<16xi32> to vector<1xi32>
      %squeeze3A_291 = vector.extract %slice3A_290[0] : i32 from vector<1xi32>
      %mul3A_292 = arith.constant 64 : i32
      %mul3A_293 = arith.muli %scan3A_25, %mul3A_292 : i32
      %add3A_294 = arith.constant 16 : i32
      %add3A_295 = arith.addi %mul3A_293, %add3A_294 : i32
      %add3A_296 = arith.constant 0 : i32
      %add3A_297 = arith.addi %add3A_295, %add3A_296 : i32
      %dma_start3A_298 = arith.constant 0 : i32
      %dma_start3A_299 = tpu.memref_slice %arg9[%add3A_297, %dma_start3A_298] : memref<512x64xf32, #tpu.memory_space<vmem>> -> memref<1x64xf32, #tpu.memory_space<vmem>>
      %dma_start3A_300 = arith.constant 0 : i32
      %dma_start3A_301 = tpu.memref_slice %arg4[%squeeze3A_291, %dma_start3A_300] : memref<1000000x64xf32, #tpu.memory_space<hbm>> -> memref<1x64xf32, #tpu.memory_space<hbm>>
      %dma_start3A_302 = arith.constant 0 : i32
      %dma_start3A_303 = tpu.memref_slice %arg9[%add3A_297, %dma_start3A_302] : memref<512x64xf32, #tpu.memory_space<vmem>> -> memref<1x64xf32, #tpu.memory_space<vmem>>
      %dma_start3A_304 = arith.constant 0 : i32
      %dma_start3A_305 = tpu.memref_slice %arg4[%squeeze3A_291, %dma_start3A_304] : memref<1000000x64xf32, #tpu.memory_space<hbm>> -> memref<1x64xf32, #tpu.memory_space<hbm>>
      tpu.enqueue_dma source(%dma_start3A_305 : memref<1x64xf32, #tpu.memory_space<hbm>>) target(%dma_start3A_303 : memref<1x64xf32, #tpu.memory_space<vmem>>) target_semaphore(%arg10 : memref<!tpu.dma_semaphore, #tpu.memory_space<semaphore_mem>>)
      %slice3A_306 = vector.extract_strided_slice %get3A_289 {offsets = [1], sizes = [1], strides = [1]} : vector<16xi32> to vector<1xi32>
      %squeeze3A_307 = vector.extract %slice3A_306[0] : i32 from vector<1xi32>
      %mul3A_308 = arith.constant 64 : i32
      %mul3A_309 = arith.muli %scan3A_25, %mul3A_308 : i32
      %add3A_310 = arith.constant 16 : i32
      %add3A_311 = arith.addi %mul3A_309, %add3A_310 : i32
      %add3A_312 = arith.constant 1 : i32
      %add3A_313 = arith.addi %add3A_311, %add3A_312 : i32
      %dma_start3A_314 = arith.constant 0 : i32
      %dma_start3A_315 = tpu.memref_slice %arg9[%add3A_313, %dma_start3A_314] : memref<512x64xf32, #tpu.memory_space<vmem>> -> memref<1x64xf32, #tpu.memory_space<vmem>>
      %dma_start3A_316 = arith.constant 0 : i32
      %dma_start3A_317 = tpu.memref_slice %arg4[%squeeze3A_307, %dma_start3A_316] : memref<1000000x64xf32, #tpu.memory_space<hbm>> -> memref<1x64xf32, #tpu.memory_space<hbm>>
      %dma_start3A_318 = arith.constant 0 : i32
      %dma_start3A_319 = tpu.memref_slice %arg9[%add3A_313, %dma_start3A_318] : memref<512x64xf32, #tpu.memory_space<vmem>> -> memref<1x64xf32, #tpu.memory_space<vmem>>
      %dma_start3A_320 = arith.constant 0 : i32
      %dma_start3A_321 = tpu.memref_slice %arg4[%squeeze3A_307, %dma_start3A_320] : memref<1000000x64xf32, #tpu.memory_space<hbm>> -> memref<1x64xf32, #tpu.memory_space<hbm>>
      tpu.enqueue_dma source(%dma_start3A_321 : memref<1x64xf32, #tpu.memory_space<hbm>>) target(%dma_start3A_319 : memref<1x64xf32, #tpu.memory_space<vmem>>) target_semaphore(%arg10 : memref<!tpu.dma_semaphore, #tpu.memory_space<semaphore_mem>>)
      %slice3A_322 = vector.extract_strided_slice %get3A_289 {offsets = [2], sizes = [1], strides = [1]} : vector<16xi32> to vector<1xi32>
      %squeeze3A_323 = vector.extract %slice3A_322[0] : i32 from vector<1xi32>
      %mul3A_324 = arith.constant 64 : i32
      %mul3A_325 = arith.muli %scan3A_25, %mul3A_324 : i32
      %add3A_326 = arith.constant 16 : i32
      %add3A_327 = arith.addi %mul3A_325, %add3A_326 : i32
      %add3A_328 = arith.constant 2 : i32
      %add3A_329 = arith.addi %add3A_327, %add3A_328 : i32
      %dma_start3A_330 = arith.constant 0 : i32
      %dma_start3A_331 = tpu.memref_slice %arg9[%add3A_329, %dma_start3A_330] : memref<512x64xf32, #tpu.memory_space<vmem>> -> memref<1x64xf32, #tpu.memory_space<vmem>>
      %dma_start3A_332 = arith.constant 0 : i32
      %dma_start3A_333 = tpu.memref_slice %arg4[%squeeze3A_323, %dma_start3A_332] : memref<1000000x64xf32, #tpu.memory_space<hbm>> -> memref<1x64xf32, #tpu.memory_space<hbm>>
      %dma_start3A_334 = arith.constant 0 : i32
      %dma_start3A_335 = tpu.memref_slice %arg9[%add3A_329, %dma_start3A_334] : memref<512x64xf32, #tpu.memory_space<vmem>> -> memref<1x64xf32, #tpu.memory_space<vmem>>
      %dma_start3A_336 = arith.constant 0 : i32
      %dma_start3A_337 = tpu.memref_slice %arg4[%squeeze3A_323, %dma_start3A_336] : memref<1000000x64xf32, #tpu.memory_space<hbm>> -> memref<1x64xf32, #tpu.memory_space<hbm>>
      tpu.enqueue_dma source(%dma_start3A_337 : memref<1x64xf32, #tpu.memory_space<hbm>>) target(%dma_start3A_335 : memref<1x64xf32, #tpu.memory_space<vmem>>) target_semaphore(%arg10 : memref<!tpu.dma_semaphore, #tpu.memory_space<semaphore_mem>>)
      %slice3A_338 = vector.extract_strided_slice %get3A_289 {offsets = [3], sizes = [1], strides = [1]} : vector<16xi32> to vector<1xi32>
      %squeeze3A_339 = vector.extract %slice3A_338[0] : i32 from vector<1xi32>
      %mul3A_340 = arith.constant 64 : i32
      %mul3A_341 = arith.muli %scan3A_25, %mul3A_340 : i32
      %add3A_342 = arith.constant 16 : i32
      %add3A_343 = arith.addi %mul3A_341, %add3A_342 : i32
      %add3A_344 = arith.constant 3 : i32
      %add3A_345 = arith.addi %add3A_343, %add3A_344 : i32
      %dma_start3A_346 = arith.constant 0 : i32
      %dma_start3A_347 = tpu.memref_slice %arg9[%add3A_345, %dma_start3A_346] : memref<512x64xf32, #tpu.memory_space<vmem>> -> memref<1x64xf32, #tpu.memory_space<vmem>>
      %dma_start3A_348 = arith.constant 0 : i32
      %dma_start3A_349 = tpu.memref_slice %arg4[%squeeze3A_339, %dma_start3A_348] : memref<1000000x64xf32, #tpu.memory_space<hbm>> -> memref<1x64xf32, #tpu.memory_space<hbm>>
      %dma_start3A_350 = arith.constant 0 : i32
      %dma_start3A_351 = tpu.memref_slice %arg9[%add3A_345, %dma_start3A_350] : memref<512x64xf32, #tpu.memory_space<vmem>> -> memref<1x64xf32, #tpu.memory_space<vmem>>
      %dma_start3A_352 = arith.constant 0 : i32
      %dma_start3A_353 = tpu.memref_slice %arg4[%squeeze3A_339, %dma_start3A_352] : memref<1000000x64xf32, #tpu.memory_space<hbm>> -> memref<1x64xf32, #tpu.memory_space<hbm>>
      tpu.enqueue_dma source(%dma_start3A_353 : memref<1x64xf32, #tpu.memory_space<hbm>>) target(%dma_start3A_351 : memref<1x64xf32, #tpu.memory_space<vmem>>) target_semaphore(%arg10 : memref<!tpu.dma_semaphore, #tpu.memory_space<semaphore_mem>>)
      %slice3A_354 = vector.extract_strided_slice %get3A_289 {offsets = [4], sizes = [1], strides = [1]} : vector<16xi32> to vector<1xi32>
      %squeeze3A_355 = vector.extract %slice3A_354[0] : i32 from vector<1xi32>
      %mul3A_356 = arith.constant 64 : i32
      %mul3A_357 = arith.muli %scan3A_25, %mul3A_356 : i32
      %add3A_358 = arith.constant 16 : i32
      %add3A_359 = arith.addi %mul3A_357, %add3A_358 : i32
      %add3A_360 = arith.constant 4 : i32
      %add3A_361 = arith.addi %add3A_359, %add3A_360 : i32
      %dma_start3A_362 = arith.constant 0 : i32
      %dma_start3A_363 = tpu.memref_slice %arg9[%add3A_361, %dma_start3A_362] : memref<512x64xf32, #tpu.memory_space<vmem>> -> memref<1x64xf32, #tpu.memory_space<vmem>>
      %dma_start3A_364 = arith.constant 0 : i32
      %dma_start3A_365 = tpu.memref_slice %arg4[%squeeze3A_355, %dma_start3A_364] : memref<1000000x64xf32, #tpu.memory_space<hbm>> -> memref<1x64xf32, #tpu.memory_space<hbm>>
      %dma_start3A_366 = arith.constant 0 : i32
      %dma_start3A_367 = tpu.memref_slice %arg9[%add3A_361, %dma_start3A_366] : memref<512x64xf32, #tpu.memory_space<vmem>> -> memref<1x64xf32, #tpu.memory_space<vmem>>
      %dma_start3A_368 = arith.constant 0 : i32
      %dma_start3A_369 = tpu.memref_slice %arg4[%squeeze3A_355, %dma_start3A_368] : memref<1000000x64xf32, #tpu.memory_space<hbm>> -> memref<1x64xf32, #tpu.memory_space<hbm>>
      tpu.enqueue_dma source(%dma_start3A_369 : memref<1x64xf32, #tpu.memory_space<hbm>>) target(%dma_start3A_367 : memref<1x64xf32, #tpu.memory_space<vmem>>) target_semaphore(%arg10 : memref<!tpu.dma_semaphore, #tpu.memory_space<semaphore_mem>>)
      %slice3A_370 = vector.extract_strided_slice %get3A_289 {offsets = [5], sizes = [1], strides = [1]} : vector<16xi32> to vector<1xi32>
      %squeeze3A_371 = vector.extract %slice3A_370[0] : i32 from vector<1xi32>
      %mul3A_372 = arith.constant 64 : i32
      %mul3A_373 = arith.muli %scan3A_25, %mul3A_372 : i32
      %add3A_374 = arith.constant 16 : i32
      %add3A_375 = arith.addi %mul3A_373, %add3A_374 : i32
      %add3A_376 = arith.constant 5 : i32
      %add3A_377 = arith.addi %add3A_375, %add3A_376 : i32
      %dma_start3A_378 = arith.constant 0 : i32
      %dma_start3A_379 = tpu.memref_slice %arg9[%add3A_377, %dma_start3A_378] : memref<512x64xf32, #tpu.memory_space<vmem>> -> memref<1x64xf32, #tpu.memory_space<vmem>>
      %dma_start3A_380 = arith.constant 0 : i32
      %dma_start3A_381 = tpu.memref_slice %arg4[%squeeze3A_371, %dma_start3A_380] : memref<1000000x64xf32, #tpu.memory_space<hbm>> -> memref<1x64xf32, #tpu.memory_space<hbm>>
      %dma_start3A_382 = arith.constant 0 : i32
      %dma_start3A_383 = tpu.memref_slice %arg9[%add3A_377, %dma_start3A_382] : memref<512x64xf32, #tpu.memory_space<vmem>> -> memref<1x64xf32, #tpu.memory_space<vmem>>
      %dma_start3A_384 = arith.constant 0 : i32
      %dma_start3A_385 = tpu.memref_slice %arg4[%squeeze3A_371, %dma_start3A_384] : memref<1000000x64xf32, #tpu.memory_space<hbm>> -> memref<1x64xf32, #tpu.memory_space<hbm>>
      tpu.enqueue_dma source(%dma_start3A_385 : memref<1x64xf32, #tpu.memory_space<hbm>>) target(%dma_start3A_383 : memref<1x64xf32, #tpu.memory_space<vmem>>) target_semaphore(%arg10 : memref<!tpu.dma_semaphore, #tpu.memory_space<semaphore_mem>>)
      %slice3A_386 = vector.extract_strided_slice %get3A_289 {offsets = [6], sizes = [1], strides = [1]} : vector<16xi32> to vector<1xi32>
      %squeeze3A_387 = vector.extract %slice3A_386[0] : i32 from vector<1xi32>
      %mul3A_388 = arith.constant 64 : i32
      %mul3A_389 = arith.muli %scan3A_25, %mul3A_388 : i32
      %add3A_390 = arith.constant 16 : i32
      %add3A_391 = arith.addi %mul3A_389, %add3A_390 : i32
      %add3A_392 = arith.constant 6 : i32
      %add3A_393 = arith.addi %add3A_391, %add3A_392 : i32
      %dma_start3A_394 = arith.constant 0 : i32
      %dma_start3A_395 = tpu.memref_slice %arg9[%add3A_393, %dma_start3A_394] : memref<512x64xf32, #tpu.memory_space<vmem>> -> memref<1x64xf32, #tpu.memory_space<vmem>>
      %dma_start3A_396 = arith.constant 0 : i32
      %dma_start3A_397 = tpu.memref_slice %arg4[%squeeze3A_387, %dma_start3A_396] : memref<1000000x64xf32, #tpu.memory_space<hbm>> -> memref<1x64xf32, #tpu.memory_space<hbm>>
      %dma_start3A_398 = arith.constant 0 : i32
      %dma_start3A_399 = tpu.memref_slice %arg9[%add3A_393, %dma_start3A_398] : memref<512x64xf32, #tpu.memory_space<vmem>> -> memref<1x64xf32, #tpu.memory_space<vmem>>
      %dma_start3A_400 = arith.constant 0 : i32
      %dma_start3A_401 = tpu.memref_slice %arg4[%squeeze3A_387, %dma_start3A_400] : memref<1000000x64xf32, #tpu.memory_space<hbm>> -> memref<1x64xf32, #tpu.memory_space<hbm>>
      tpu.enqueue_dma source(%dma_start3A_401 : memref<1x64xf32, #tpu.memory_space<hbm>>) target(%dma_start3A_399 : memref<1x64xf32, #tpu.memory_space<vmem>>) target_semaphore(%arg10 : memref<!tpu.dma_semaphore, #tpu.memory_space<semaphore_mem>>)
      %slice3A_402 = vector.extract_strided_slice %get3A_289 {offsets = [7], sizes = [1], strides = [1]} : vector<16xi32> to vector<1xi32>
      %squeeze3A_403 = vector.extract %slice3A_402[0] : i32 from vector<1xi32>
      %mul3A_404 = arith.constant 64 : i32
      %mul3A_405 = arith.muli %scan3A_25, %mul3A_404 : i32
      %add3A_406 = arith.constant 16 : i32
      %add3A_407 = arith.addi %mul3A_405, %add3A_406 : i32
      %add3A_408 = arith.constant 7 : i32
      %add3A_409 = arith.addi %add3A_407, %add3A_408 : i32
      %dma_start3A_410 = arith.constant 0 : i32
      %dma_start3A_411 = tpu.memref_slice %arg9[%add3A_409, %dma_start3A_410] : memref<512x64xf32, #tpu.memory_space<vmem>> -> memref<1x64xf32, #tpu.memory_space<vmem>>
      %dma_start3A_412 = arith.constant 0 : i32
      %dma_start3A_413 = tpu.memref_slice %arg4[%squeeze3A_403, %dma_start3A_412] : memref<1000000x64xf32, #tpu.memory_space<hbm>> -> memref<1x64xf32, #tpu.memory_space<hbm>>
      %dma_start3A_414 = arith.constant 0 : i32
      %dma_start3A_415 = tpu.memref_slice %arg9[%add3A_409, %dma_start3A_414] : memref<512x64xf32, #tpu.memory_space<vmem>> -> memref<1x64xf32, #tpu.memory_space<vmem>>
      %dma_start3A_416 = arith.constant 0 : i32
      %dma_start3A_417 = tpu.memref_slice %arg4[%squeeze3A_403, %dma_start3A_416] : memref<1000000x64xf32, #tpu.memory_space<hbm>> -> memref<1x64xf32, #tpu.memory_space<hbm>>
      tpu.enqueue_dma source(%dma_start3A_417 : memref<1x64xf32, #tpu.memory_space<hbm>>) target(%dma_start3A_415 : memref<1x64xf32, #tpu.memory_space<vmem>>) target_semaphore(%arg10 : memref<!tpu.dma_semaphore, #tpu.memory_space<semaphore_mem>>)
      %slice3A_418 = vector.extract_strided_slice %get3A_289 {offsets = [8], sizes = [1], strides = [1]} : vector<16xi32> to vector<1xi32>
      %squeeze3A_419 = vector.extract %slice3A_418[0] : i32 from vector<1xi32>
      %mul3A_420 = arith.constant 64 : i32
      %mul3A_421 = arith.muli %scan3A_25, %mul3A_420 : i32
      %add3A_422 = arith.constant 16 : i32
      %add3A_423 = arith.addi %mul3A_421, %add3A_422 : i32
      %add3A_424 = arith.constant 8 : i32
      %add3A_425 = arith.addi %add3A_423, %add3A_424 : i32
      %dma_start3A_426 = arith.constant 0 : i32
      %dma_start3A_427 = tpu.memref_slice %arg9[%add3A_425, %dma_start3A_426] : memref<512x64xf32, #tpu.memory_space<vmem>> -> memref<1x64xf32, #tpu.memory_space<vmem>>
      %dma_start3A_428 = arith.constant 0 : i32
      %dma_start3A_429 = tpu.memref_slice %arg4[%squeeze3A_419, %dma_start3A_428] : memref<1000000x64xf32, #tpu.memory_space<hbm>> -> memref<1x64xf32, #tpu.memory_space<hbm>>
      %dma_start3A_430 = arith.constant 0 : i32
      %dma_start3A_431 = tpu.memref_slice %arg9[%add3A_425, %dma_start3A_430] : memref<512x64xf32, #tpu.memory_space<vmem>> -> memref<1x64xf32, #tpu.memory_space<vmem>>
      %dma_start3A_432 = arith.constant 0 : i32
      %dma_start3A_433 = tpu.memref_slice %arg4[%squeeze3A_419, %dma_start3A_432] : memref<1000000x64xf32, #tpu.memory_space<hbm>> -> memref<1x64xf32, #tpu.memory_space<hbm>>
      tpu.enqueue_dma source(%dma_start3A_433 : memref<1x64xf32, #tpu.memory_space<hbm>>) target(%dma_start3A_431 : memref<1x64xf32, #tpu.memory_space<vmem>>) target_semaphore(%arg10 : memref<!tpu.dma_semaphore, #tpu.memory_space<semaphore_mem>>)
      %slice3A_434 = vector.extract_strided_slice %get3A_289 {offsets = [9], sizes = [1], strides = [1]} : vector<16xi32> to vector<1xi32>
      %squeeze3A_435 = vector.extract %slice3A_434[0] : i32 from vector<1xi32>
      %mul3A_436 = arith.constant 64 : i32
      %mul3A_437 = arith.muli %scan3A_25, %mul3A_436 : i32
      %add3A_438 = arith.constant 16 : i32
      %add3A_439 = arith.addi %mul3A_437, %add3A_438 : i32
      %add3A_440 = arith.constant 9 : i32
      %add3A_441 = arith.addi %add3A_439, %add3A_440 : i32
      %dma_start3A_442 = arith.constant 0 : i32
      %dma_start3A_443 = tpu.memref_slice %arg9[%add3A_441, %dma_start3A_442] : memref<512x64xf32, #tpu.memory_space<vmem>> -> memref<1x64xf32, #tpu.memory_space<vmem>>
      %dma_start3A_444 = arith.constant 0 : i32
      %dma_start3A_445 = tpu.memref_slice %arg4[%squeeze3A_435, %dma_start3A_444] : memref<1000000x64xf32, #tpu.memory_space<hbm>> -> memref<1x64xf32, #tpu.memory_space<hbm>>
      %dma_start3A_446 = arith.constant 0 : i32
      %dma_start3A_447 = tpu.memref_slice %arg9[%add3A_441, %dma_start3A_446] : memref<512x64xf32, #tpu.memory_space<vmem>> -> memref<1x64xf32, #tpu.memory_space<vmem>>
      %dma_start3A_448 = arith.constant 0 : i32
      %dma_start3A_449 = tpu.memref_slice %arg4[%squeeze3A_435, %dma_start3A_448] : memref<1000000x64xf32, #tpu.memory_space<hbm>> -> memref<1x64xf32, #tpu.memory_space<hbm>>
      tpu.enqueue_dma source(%dma_start3A_449 : memref<1x64xf32, #tpu.memory_space<hbm>>) target(%dma_start3A_447 : memref<1x64xf32, #tpu.memory_space<vmem>>) target_semaphore(%arg10 : memref<!tpu.dma_semaphore, #tpu.memory_space<semaphore_mem>>)
      %slice3A_450 = vector.extract_strided_slice %get3A_289 {offsets = [10], sizes = [1], strides = [1]} : vector<16xi32> to vector<1xi32>
      %squeeze3A_451 = vector.extract %slice3A_450[0] : i32 from vector<1xi32>
      %mul3A_452 = arith.constant 64 : i32
      %mul3A_453 = arith.muli %scan3A_25, %mul3A_452 : i32
      %add3A_454 = arith.constant 16 : i32
      %add3A_455 = arith.addi %mul3A_453, %add3A_454 : i32
      %add3A_456 = arith.constant 10 : i32
      %add3A_457 = arith.addi %add3A_455, %add3A_456 : i32
      %dma_start3A_458 = arith.constant 0 : i32
      %dma_start3A_459 = tpu.memref_slice %arg9[%add3A_457, %dma_start3A_458] : memref<512x64xf32, #tpu.memory_space<vmem>> -> memref<1x64xf32, #tpu.memory_space<vmem>>
      %dma_start3A_460 = arith.constant 0 : i32
      %dma_start3A_461 = tpu.memref_slice %arg4[%squeeze3A_451, %dma_start3A_460] : memref<1000000x64xf32, #tpu.memory_space<hbm>> -> memref<1x64xf32, #tpu.memory_space<hbm>>
      %dma_start3A_462 = arith.constant 0 : i32
      %dma_start3A_463 = tpu.memref_slice %arg9[%add3A_457, %dma_start3A_462] : memref<512x64xf32, #tpu.memory_space<vmem>> -> memref<1x64xf32, #tpu.memory_space<vmem>>
      %dma_start3A_464 = arith.constant 0 : i32
      %dma_start3A_465 = tpu.memref_slice %arg4[%squeeze3A_451, %dma_start3A_464] : memref<1000000x64xf32, #tpu.memory_space<hbm>> -> memref<1x64xf32, #tpu.memory_space<hbm>>
      tpu.enqueue_dma source(%dma_start3A_465 : memref<1x64xf32, #tpu.memory_space<hbm>>) target(%dma_start3A_463 : memref<1x64xf32, #tpu.memory_space<vmem>>) target_semaphore(%arg10 : memref<!tpu.dma_semaphore, #tpu.memory_space<semaphore_mem>>)
      %slice3A_466 = vector.extract_strided_slice %get3A_289 {offsets = [11], sizes = [1], strides = [1]} : vector<16xi32> to vector<1xi32>
      %squeeze3A_467 = vector.extract %slice3A_466[0] : i32 from vector<1xi32>
      %mul3A_468 = arith.constant 64 : i32
      %mul3A_469 = arith.muli %scan3A_25, %mul3A_468 : i32
      %add3A_470 = arith.constant 16 : i32
      %add3A_471 = arith.addi %mul3A_469, %add3A_470 : i32
      %add3A_472 = arith.constant 11 : i32
      %add3A_473 = arith.addi %add3A_471, %add3A_472 : i32
      %dma_start3A_474 = arith.constant 0 : i32
      %dma_start3A_475 = tpu.memref_slice %arg9[%add3A_473, %dma_start3A_474] : memref<512x64xf32, #tpu.memory_space<vmem>> -> memref<1x64xf32, #tpu.memory_space<vmem>>
      %dma_start3A_476 = arith.constant 0 : i32
      %dma_start3A_477 = tpu.memref_slice %arg4[%squeeze3A_467, %dma_start3A_476] : memref<1000000x64xf32, #tpu.memory_space<hbm>> -> memref<1x64xf32, #tpu.memory_space<hbm>>
      %dma_start3A_478 = arith.constant 0 : i32
      %dma_start3A_479 = tpu.memref_slice %arg9[%add3A_473, %dma_start3A_478] : memref<512x64xf32, #tpu.memory_space<vmem>> -> memref<1x64xf32, #tpu.memory_space<vmem>>
      %dma_start3A_480 = arith.constant 0 : i32
      %dma_start3A_481 = tpu.memref_slice %arg4[%squeeze3A_467, %dma_start3A_480] : memref<1000000x64xf32, #tpu.memory_space<hbm>> -> memref<1x64xf32, #tpu.memory_space<hbm>>
      tpu.enqueue_dma source(%dma_start3A_481 : memref<1x64xf32, #tpu.memory_space<hbm>>) target(%dma_start3A_479 : memref<1x64xf32, #tpu.memory_space<vmem>>) target_semaphore(%arg10 : memref<!tpu.dma_semaphore, #tpu.memory_space<semaphore_mem>>)
      %slice3A_482 = vector.extract_strided_slice %get3A_289 {offsets = [12], sizes = [1], strides = [1]} : vector<16xi32> to vector<1xi32>
      %squeeze3A_483 = vector.extract %slice3A_482[0] : i32 from vector<1xi32>
      %mul3A_484 = arith.constant 64 : i32
      %mul3A_485 = arith.muli %scan3A_25, %mul3A_484 : i32
      %add3A_486 = arith.constant 16 : i32
      %add3A_487 = arith.addi %mul3A_485, %add3A_486 : i32
      %add3A_488 = arith.constant 12 : i32
      %add3A_489 = arith.addi %add3A_487, %add3A_488 : i32
      %dma_start3A_490 = arith.constant 0 : i32
      %dma_start3A_491 = tpu.memref_slice %arg9[%add3A_489, %dma_start3A_490] : memref<512x64xf32, #tpu.memory_space<vmem>> -> memref<1x64xf32, #tpu.memory_space<vmem>>
      %dma_start3A_492 = arith.constant 0 : i32
      %dma_start3A_493 = tpu.memref_slice %arg4[%squeeze3A_483, %dma_start3A_492] : memref<1000000x64xf32, #tpu.memory_space<hbm>> -> memref<1x64xf32, #tpu.memory_space<hbm>>
      %dma_start3A_494 = arith.constant 0 : i32
      %dma_start3A_495 = tpu.memref_slice %arg9[%add3A_489, %dma_start3A_494] : memref<512x64xf32, #tpu.memory_space<vmem>> -> memref<1x64xf32, #tpu.memory_space<vmem>>
      %dma_start3A_496 = arith.constant 0 : i32
      %dma_start3A_497 = tpu.memref_slice %arg4[%squeeze3A_483, %dma_start3A_496] : memref<1000000x64xf32, #tpu.memory_space<hbm>> -> memref<1x64xf32, #tpu.memory_space<hbm>>
      tpu.enqueue_dma source(%dma_start3A_497 : memref<1x64xf32, #tpu.memory_space<hbm>>) target(%dma_start3A_495 : memref<1x64xf32, #tpu.memory_space<vmem>>) target_semaphore(%arg10 : memref<!tpu.dma_semaphore, #tpu.memory_space<semaphore_mem>>)
      %slice3A_498 = vector.extract_strided_slice %get3A_289 {offsets = [13], sizes = [1], strides = [1]} : vector<16xi32> to vector<1xi32>
      %squeeze3A_499 = vector.extract %slice3A_498[0] : i32 from vector<1xi32>
      %mul3A_500 = arith.constant 64 : i32
      %mul3A_501 = arith.muli %scan3A_25, %mul3A_500 : i32
      %add3A_502 = arith.constant 16 : i32
      %add3A_503 = arith.addi %mul3A_501, %add3A_502 : i32
      %add3A_504 = arith.constant 13 : i32
      %add3A_505 = arith.addi %add3A_503, %add3A_504 : i32
      %dma_start3A_506 = arith.constant 0 : i32
      %dma_start3A_507 = tpu.memref_slice %arg9[%add3A_505, %dma_start3A_506] : memref<512x64xf32, #tpu.memory_space<vmem>> -> memref<1x64xf32, #tpu.memory_space<vmem>>
      %dma_start3A_508 = arith.constant 0 : i32
      %dma_start3A_509 = tpu.memref_slice %arg4[%squeeze3A_499, %dma_start3A_508] : memref<1000000x64xf32, #tpu.memory_space<hbm>> -> memref<1x64xf32, #tpu.memory_space<hbm>>
      %dma_start3A_510 = arith.constant 0 : i32
      %dma_start3A_511 = tpu.memref_slice %arg9[%add3A_505, %dma_start3A_510] : memref<512x64xf32, #tpu.memory_space<vmem>> -> memref<1x64xf32, #tpu.memory_space<vmem>>
      %dma_start3A_512 = arith.constant 0 : i32
      %dma_start3A_513 = tpu.memref_slice %arg4[%squeeze3A_499, %dma_start3A_512] : memref<1000000x64xf32, #tpu.memory_space<hbm>> -> memref<1x64xf32, #tpu.memory_space<hbm>>
      tpu.enqueue_dma source(%dma_start3A_513 : memref<1x64xf32, #tpu.memory_space<hbm>>) target(%dma_start3A_511 : memref<1x64xf32, #tpu.memory_space<vmem>>) target_semaphore(%arg10 : memref<!tpu.dma_semaphore, #tpu.memory_space<semaphore_mem>>)
      %slice3A_514 = vector.extract_strided_slice %get3A_289 {offsets = [14], sizes = [1], strides = [1]} : vector<16xi32> to vector<1xi32>
      %squeeze3A_515 = vector.extract %slice3A_514[0] : i32 from vector<1xi32>
      %mul3A_516 = arith.constant 64 : i32
      %mul3A_517 = arith.muli %scan3A_25, %mul3A_516 : i32
      %add3A_518 = arith.constant 16 : i32
      %add3A_519 = arith.addi %mul3A_517, %add3A_518 : i32
      %add3A_520 = arith.constant 14 : i32
      %add3A_521 = arith.addi %add3A_519, %add3A_520 : i32
      %dma_start3A_522 = arith.constant 0 : i32
      %dma_start3A_523 = tpu.memref_slice %arg9[%add3A_521, %dma_start3A_522] : memref<512x64xf32, #tpu.memory_space<vmem>> -> memref<1x64xf32, #tpu.memory_space<vmem>>
      %dma_start3A_524 = arith.constant 0 : i32
      %dma_start3A_525 = tpu.memref_slice %arg4[%squeeze3A_515, %dma_start3A_524] : memref<1000000x64xf32, #tpu.memory_space<hbm>> -> memref<1x64xf32, #tpu.memory_space<hbm>>
      %dma_start3A_526 = arith.constant 0 : i32
      %dma_start3A_527 = tpu.memref_slice %arg9[%add3A_521, %dma_start3A_526] : memref<512x64xf32, #tpu.memory_space<vmem>> -> memref<1x64xf32, #tpu.memory_space<vmem>>
      %dma_start3A_528 = arith.constant 0 : i32
      %dma_start3A_529 = tpu.memref_slice %arg4[%squeeze3A_515, %dma_start3A_528] : memref<1000000x64xf32, #tpu.memory_space<hbm>> -> memref<1x64xf32, #tpu.memory_space<hbm>>
      tpu.enqueue_dma source(%dma_start3A_529 : memref<1x64xf32, #tpu.memory_space<hbm>>) target(%dma_start3A_527 : memref<1x64xf32, #tpu.memory_space<vmem>>) target_semaphore(%arg10 : memref<!tpu.dma_semaphore, #tpu.memory_space<semaphore_mem>>)
      %slice3A_530 = vector.extract_strided_slice %get3A_289 {offsets = [15], sizes = [1], strides = [1]} : vector<16xi32> to vector<1xi32>
      %squeeze3A_531 = vector.extract %slice3A_530[0] : i32 from vector<1xi32>
      %mul3A_532 = arith.constant 64 : i32
      %mul3A_533 = arith.muli %scan3A_25, %mul3A_532 : i32
      %add3A_534 = arith.constant 16 : i32
      %add3A_535 = arith.addi %mul3A_533, %add3A_534 : i32
      %add3A_536 = arith.constant 15 : i32
      %add3A_537 = arith.addi %add3A_535, %add3A_536 : i32
      %dma_start3A_538 = arith.constant 0 : i32
      %dma_start3A_539 = tpu.memref_slice %arg9[%add3A_537, %dma_start3A_538] : memref<512x64xf32, #tpu.memory_space<vmem>> -> memref<1x64xf32, #tpu.memory_space<vmem>>
      %dma_start3A_540 = arith.constant 0 : i32
      %dma_start3A_541 = tpu.memref_slice %arg4[%squeeze3A_531, %dma_start3A_540] : memref<1000000x64xf32, #tpu.memory_space<hbm>> -> memref<1x64xf32, #tpu.memory_space<hbm>>
      %dma_start3A_542 = arith.constant 0 : i32
      %dma_start3A_543 = tpu.memref_slice %arg9[%add3A_537, %dma_start3A_542] : memref<512x64xf32, #tpu.memory_space<vmem>> -> memref<1x64xf32, #tpu.memory_space<vmem>>
      %dma_start3A_544 = arith.constant 0 : i32
      %dma_start3A_545 = tpu.memref_slice %arg4[%squeeze3A_531, %dma_start3A_544] : memref<1000000x64xf32, #tpu.memory_space<hbm>> -> memref<1x64xf32, #tpu.memory_space<hbm>>
      tpu.enqueue_dma source(%dma_start3A_545 : memref<1x64xf32, #tpu.memory_space<hbm>>) target(%dma_start3A_543 : memref<1x64xf32, #tpu.memory_space<vmem>>) target_semaphore(%arg10 : memref<!tpu.dma_semaphore, #tpu.memory_space<semaphore_mem>>)
      %mul3A_546 = arith.constant 64 : i32
      %mul3A_547 = arith.muli %scan3A_25, %mul3A_546 : i32
      %add3A_548 = arith.constant 32 : i32
      %add3A_549 = arith.addi %mul3A_547, %add3A_548 : i32
      %get3A_550 = arith.index_cast %add3A_549 : i32 to index
      %get3A_551 = tpu.vector_load %arg8[%get3A_550] {strides = array<i32>} : memref<512xi32, #tpu.memory_space<vmem>>, vector<16xi32>,
      %slice3A_552 = vector.extract_strided_slice %get3A_551 {offsets = [0], sizes = [1], strides = [1]} : vector<16xi32> to vector<1xi32>
      %squeeze3A_553 = vector.extract %slice3A_552[0] : i32 from vector<1xi32>
      %mul3A_554 = arith.constant 64 : i32
      %mul3A_555 = arith.muli %scan3A_25, %mul3A_554 : i32
      %add3A_556 = arith.constant 32 : i32
      %add3A_557 = arith.addi %mul3A_555, %add3A_556 : i32
      %add3A_558 = arith.constant 0 : i32
      %add3A_559 = arith.addi %add3A_557, %add3A_558 : i32
      %dma_start3A_560 = arith.constant 0 : i32
      %dma_start3A_561 = tpu.memref_slice %arg9[%add3A_559, %dma_start3A_560] : memref<512x64xf32, #tpu.memory_space<vmem>> -> memref<1x64xf32, #tpu.memory_space<vmem>>
      %dma_start3A_562 = arith.constant 0 : i32
      %dma_start3A_563 = tpu.memref_slice %arg4[%squeeze3A_553, %dma_start3A_562] : memref<1000000x64xf32, #tpu.memory_space<hbm>> -> memref<1x64xf32, #tpu.memory_space<hbm>>
      %dma_start3A_564 = arith.constant 0 : i32
      %dma_start3A_565 = tpu.memref_slice %arg9[%add3A_559, %dma_start3A_564] : memref<512x64xf32, #tpu.memory_space<vmem>> -> memref<1x64xf32, #tpu.memory_space<vmem>>
      %dma_start3A_566 = arith.constant 0 : i32
      %dma_start3A_567 = tpu.memref_slice %arg4[%squeeze3A_553, %dma_start3A_566] : memref<1000000x64xf32, #tpu.memory_space<hbm>> -> memref<1x64xf32, #tpu.memory_space<hbm>>
      tpu.enqueue_dma source(%dma_start3A_567 : memref<1x64xf32, #tpu.memory_space<hbm>>) target(%dma_start3A_565 : memref<1x64xf32, #tpu.memory_space<vmem>>) target_semaphore(%arg10 : memref<!tpu.dma_semaphore, #tpu.memory_space<semaphore_mem>>)
      %slice3A_568 = vector.extract_strided_slice %get3A_551 {offsets = [1], sizes = [1], strides = [1]} : vector<16xi32> to vector<1xi32>
      %squeeze3A_569 = vector.extract %slice3A_568[0] : i32 from vector<1xi32>
      %mul3A_570 = arith.constant 64 : i32
      %mul3A_571 = arith.muli %scan3A_25, %mul3A_570 : i32
      %add3A_572 = arith.constant 32 : i32
      %add3A_573 = arith.addi %mul3A_571, %add3A_572 : i32
      %add3A_574 = arith.constant 1 : i32
      %add3A_575 = arith.addi %add3A_573, %add3A_574 : i32
      %dma_start3A_576 = arith.constant 0 : i32
      %dma_start3A_577 = tpu.memref_slice %arg9[%add3A_575, %dma_start3A_576] : memref<512x64xf32, #tpu.memory_space<vmem>> -> memref<1x64xf32, #tpu.memory_space<vmem>>
      %dma_start3A_578 = arith.constant 0 : i32
      %dma_start3A_579 = tpu.memref_slice %arg4[%squeeze3A_569, %dma_start3A_578] : memref<1000000x64xf32, #tpu.memory_space<hbm>> -> memref<1x64xf32, #tpu.memory_space<hbm>>
      %dma_start3A_580 = arith.constant 0 : i32
      %dma_start3A_581 = tpu.memref_slice %arg9[%add3A_575, %dma_start3A_580] : memref<512x64xf32, #tpu.memory_space<vmem>> -> memref<1x64xf32, #tpu.memory_space<vmem>>
      %dma_start3A_582 = arith.constant 0 : i32
      %dma_start3A_583 = tpu.memref_slice %arg4[%squeeze3A_569, %dma_start3A_582] : memref<1000000x64xf32, #tpu.memory_space<hbm>> -> memref<1x64xf32, #tpu.memory_space<hbm>>
      tpu.enqueue_dma source(%dma_start3A_583 : memref<1x64xf32, #tpu.memory_space<hbm>>) target(%dma_start3A_581 : memref<1x64xf32, #tpu.memory_space<vmem>>) target_semaphore(%arg10 : memref<!tpu.dma_semaphore, #tpu.memory_space<semaphore_mem>>)
      %slice3A_584 = vector.extract_strided_slice %get3A_551 {offsets = [2], sizes = [1], strides = [1]} : vector<16xi32> to vector<1xi32>
      %squeeze3A_585 = vector.extract %slice3A_584[0] : i32 from vector<1xi32>
      %mul3A_586 = arith.constant 64 : i32
      %mul3A_587 = arith.muli %scan3A_25, %mul3A_586 : i32
      %add3A_588 = arith.constant 32 : i32
      %add3A_589 = arith.addi %mul3A_587, %add3A_588 : i32
      %add3A_590 = arith.constant 2 : i32
      %add3A_591 = arith.addi %add3A_589, %add3A_590 : i32
      %dma_start3A_592 = arith.constant 0 : i32
      %dma_start3A_593 = tpu.memref_slice %arg9[%add3A_591, %dma_start3A_592] : memref<512x64xf32, #tpu.memory_space<vmem>> -> memref<1x64xf32, #tpu.memory_space<vmem>>
      %dma_start3A_594 = arith.constant 0 : i32
      %dma_start3A_595 = tpu.memref_slice %arg4[%squeeze3A_585, %dma_start3A_594] : memref<1000000x64xf32, #tpu.memory_space<hbm>> -> memref<1x64xf32, #tpu.memory_space<hbm>>
      %dma_start3A_596 = arith.constant 0 : i32
      %dma_start3A_597 = tpu.memref_slice %arg9[%add3A_591, %dma_start3A_596] : memref<512x64xf32, #tpu.memory_space<vmem>> -> memref<1x64xf32, #tpu.memory_space<vmem>>
      %dma_start3A_598 = arith.constant 0 : i32
      %dma_start3A_599 = tpu.memref_slice %arg4[%squeeze3A_585, %dma_start3A_598] : memref<1000000x64xf32, #tpu.memory_space<hbm>> -> memref<1x64xf32, #tpu.memory_space<hbm>>
      tpu.enqueue_dma source(%dma_start3A_599 : memref<1x64xf32, #tpu.memory_space<hbm>>) target(%dma_start3A_597 : memref<1x64xf32, #tpu.memory_space<vmem>>) target_semaphore(%arg10 : memref<!tpu.dma_semaphore, #tpu.memory_space<semaphore_mem>>)
      %slice3A_600 = vector.extract_strided_slice %get3A_551 {offsets = [3], sizes = [1], strides = [1]} : vector<16xi32> to vector<1xi32>
      %squeeze3A_601 = vector.extract %slice3A_600[0] : i32 from vector<1xi32>
      %mul3A_602 = arith.constant 64 : i32
      %mul3A_603 = arith.muli %scan3A_25, %mul3A_602 : i32
      %add3A_604 = arith.constant 32 : i32
      %add3A_605 = arith.addi %mul3A_603, %add3A_604 : i32
      %add3A_606 = arith.constant 3 : i32
      %add3A_607 = arith.addi %add3A_605, %add3A_606 : i32
      %dma_start3A_608 = arith.constant 0 : i32
      %dma_start3A_609 = tpu.memref_slice %arg9[%add3A_607, %dma_start3A_608] : memref<512x64xf32, #tpu.memory_space<vmem>> -> memref<1x64xf32, #tpu.memory_space<vmem>>
      %dma_start3A_610 = arith.constant 0 : i32
      %dma_start3A_611 = tpu.memref_slice %arg4[%squeeze3A_601, %dma_start3A_610] : memref<1000000x64xf32, #tpu.memory_space<hbm>> -> memref<1x64xf32, #tpu.memory_space<hbm>>
      %dma_start3A_612 = arith.constant 0 : i32
      %dma_start3A_613 = tpu.memref_slice %arg9[%add3A_607, %dma_start3A_612] : memref<512x64xf32, #tpu.memory_space<vmem>> -> memref<1x64xf32, #tpu.memory_space<vmem>>
      %dma_start3A_614 = arith.constant 0 : i32
      %dma_start3A_615 = tpu.memref_slice %arg4[%squeeze3A_601, %dma_start3A_614] : memref<1000000x64xf32, #tpu.memory_space<hbm>> -> memref<1x64xf32, #tpu.memory_space<hbm>>
      tpu.enqueue_dma source(%dma_start3A_615 : memref<1x64xf32, #tpu.memory_space<hbm>>) target(%dma_start3A_613 : memref<1x64xf32, #tpu.memory_space<vmem>>) target_semaphore(%arg10 : memref<!tpu.dma_semaphore, #tpu.memory_space<semaphore_mem>>)
      %slice3A_616 = vector.extract_strided_slice %get3A_551 {offsets = [4], sizes = [1], strides = [1]} : vector<16xi32> to vector<1xi32>
      %squeeze3A_617 = vector.extract %slice3A_616[0] : i32 from vector<1xi32>
      %mul3A_618 = arith.constant 64 : i32
      %mul3A_619 = arith.muli %scan3A_25, %mul3A_618 : i32
      %add3A_620 = arith.constant 32 : i32
      %add3A_621 = arith.addi %mul3A_619, %add3A_620 : i32
      %add3A_622 = arith.constant 4 : i32
      %add3A_623 = arith.addi %add3A_621, %add3A_622 : i32
      %dma_start3A_624 = arith.constant 0 : i32
      %dma_start3A_625 = tpu.memref_slice %arg9[%add3A_623, %dma_start3A_624] : memref<512x64xf32, #tpu.memory_space<vmem>> -> memref<1x64xf32, #tpu.memory_space<vmem>>
      %dma_start3A_626 = arith.constant 0 : i32
      %dma_start3A_627 = tpu.memref_slice %arg4[%squeeze3A_617, %dma_start3A_626] : memref<1000000x64xf32, #tpu.memory_space<hbm>> -> memref<1x64xf32, #tpu.memory_space<hbm>>
      %dma_start3A_628 = arith.constant 0 : i32
      %dma_start3A_629 = tpu.memref_slice %arg9[%add3A_623, %dma_start3A_628] : memref<512x64xf32, #tpu.memory_space<vmem>> -> memref<1x64xf32, #tpu.memory_space<vmem>>
      %dma_start3A_630 = arith.constant 0 : i32
      %dma_start3A_631 = tpu.memref_slice %arg4[%squeeze3A_617, %dma_start3A_630] : memref<1000000x64xf32, #tpu.memory_space<hbm>> -> memref<1x64xf32, #tpu.memory_space<hbm>>
      tpu.enqueue_dma source(%dma_start3A_631 : memref<1x64xf32, #tpu.memory_space<hbm>>) target(%dma_start3A_629 : memref<1x64xf32, #tpu.memory_space<vmem>>) target_semaphore(%arg10 : memref<!tpu.dma_semaphore, #tpu.memory_space<semaphore_mem>>)
      %slice3A_632 = vector.extract_strided_slice %get3A_551 {offsets = [5], sizes = [1], strides = [1]} : vector<16xi32> to vector<1xi32>
      %squeeze3A_633 = vector.extract %slice3A_632[0] : i32 from vector<1xi32>
      %mul3A_634 = arith.constant 64 : i32
      %mul3A_635 = arith.muli %scan3A_25, %mul3A_634 : i32
      %add3A_636 = arith.constant 32 : i32
      %add3A_637 = arith.addi %mul3A_635, %add3A_636 : i32
      %add3A_638 = arith.constant 5 : i32
      %add3A_639 = arith.addi %add3A_637, %add3A_638 : i32
      %dma_start3A_640 = arith.constant 0 : i32
      %dma_start3A_641 = tpu.memref_slice %arg9[%add3A_639, %dma_start3A_640] : memref<512x64xf32, #tpu.memory_space<vmem>> -> memref<1x64xf32, #tpu.memory_space<vmem>>
      %dma_start3A_642 = arith.constant 0 : i32
      %dma_start3A_643 = tpu.memref_slice %arg4[%squeeze3A_633, %dma_start3A_642] : memref<1000000x64xf32, #tpu.memory_space<hbm>> -> memref<1x64xf32, #tpu.memory_space<hbm>>
      %dma_start3A_644 = arith.constant 0 : i32
      %dma_start3A_645 = tpu.memref_slice %arg9[%add3A_639, %dma_start3A_644] : memref<512x64xf32, #tpu.memory_space<vmem>> -> memref<1x64xf32, #tpu.memory_space<vmem>>
      %dma_start3A_646 = arith.constant 0 : i32
      %dma_start3A_647 = tpu.memref_slice %arg4[%squeeze3A_633, %dma_start3A_646] : memref<1000000x64xf32, #tpu.memory_space<hbm>> -> memref<1x64xf32, #tpu.memory_space<hbm>>
      tpu.enqueue_dma source(%dma_start3A_647 : memref<1x64xf32, #tpu.memory_space<hbm>>) target(%dma_start3A_645 : memref<1x64xf32, #tpu.memory_space<vmem>>) target_semaphore(%arg10 : memref<!tpu.dma_semaphore, #tpu.memory_space<semaphore_mem>>)
      %slice3A_648 = vector.extract_strided_slice %get3A_551 {offsets = [6], sizes = [1], strides = [1]} : vector<16xi32> to vector<1xi32>
      %squeeze3A_649 = vector.extract %slice3A_648[0] : i32 from vector<1xi32>
      %mul3A_650 = arith.constant 64 : i32
      %mul3A_651 = arith.muli %scan3A_25, %mul3A_650 : i32
      %add3A_652 = arith.constant 32 : i32
      %add3A_653 = arith.addi %mul3A_651, %add3A_652 : i32
      %add3A_654 = arith.constant 6 : i32
      %add3A_655 = arith.addi %add3A_653, %add3A_654 : i32
      %dma_start3A_656 = arith.constant 0 : i32
      %dma_start3A_657 = tpu.memref_slice %arg9[%add3A_655, %dma_start3A_656] : memref<512x64xf32, #tpu.memory_space<vmem>> -> memref<1x64xf32, #tpu.memory_space<vmem>>
      %dma_start3A_658 = arith.constant 0 : i32
      %dma_start3A_659 = tpu.memref_slice %arg4[%squeeze3A_649, %dma_start3A_658] : memref<1000000x64xf32, #tpu.memory_space<hbm>> -> memref<1x64xf32, #tpu.memory_space<hbm>>
      %dma_start3A_660 = arith.constant 0 : i32
      %dma_start3A_661 = tpu.memref_slice %arg9[%add3A_655, %dma_start3A_660] : memref<512x64xf32, #tpu.memory_space<vmem>> -> memref<1x64xf32, #tpu.memory_space<vmem>>
      %dma_start3A_662 = arith.constant 0 : i32
      %dma_start3A_663 = tpu.memref_slice %arg4[%squeeze3A_649, %dma_start3A_662] : memref<1000000x64xf32, #tpu.memory_space<hbm>> -> memref<1x64xf32, #tpu.memory_space<hbm>>
      tpu.enqueue_dma source(%dma_start3A_663 : memref<1x64xf32, #tpu.memory_space<hbm>>) target(%dma_start3A_661 : memref<1x64xf32, #tpu.memory_space<vmem>>) target_semaphore(%arg10 : memref<!tpu.dma_semaphore, #tpu.memory_space<semaphore_mem>>)
      %slice3A_664 = vector.extract_strided_slice %get3A_551 {offsets = [7], sizes = [1], strides = [1]} : vector<16xi32> to vector<1xi32>
      %squeeze3A_665 = vector.extract %slice3A_664[0] : i32 from vector<1xi32>
      %mul3A_666 = arith.constant 64 : i32
      %mul3A_667 = arith.muli %scan3A_25, %mul3A_666 : i32
      %add3A_668 = arith.constant 32 : i32
      %add3A_669 = arith.addi %mul3A_667, %add3A_668 : i32
      %add3A_670 = arith.constant 7 : i32
      %add3A_671 = arith.addi %add3A_669, %add3A_670 : i32
      %dma_start3A_672 = arith.constant 0 : i32
      %dma_start3A_673 = tpu.memref_slice %arg9[%add3A_671, %dma_start3A_672] : memref<512x64xf32, #tpu.memory_space<vmem>> -> memref<1x64xf32, #tpu.memory_space<vmem>>
      %dma_start3A_674 = arith.constant 0 : i32
      %dma_start3A_675 = tpu.memref_slice %arg4[%squeeze3A_665, %dma_start3A_674] : memref<1000000x64xf32, #tpu.memory_space<hbm>> -> memref<1x64xf32, #tpu.memory_space<hbm>>
      %dma_start3A_676 = arith.constant 0 : i32
      %dma_start3A_677 = tpu.memref_slice %arg9[%add3A_671, %dma_start3A_676] : memref<512x64xf32, #tpu.memory_space<vmem>> -> memref<1x64xf32, #tpu.memory_space<vmem>>
      %dma_start3A_678 = arith.constant 0 : i32
      %dma_start3A_679 = tpu.memref_slice %arg4[%squeeze3A_665, %dma_start3A_678] : memref<1000000x64xf32, #tpu.memory_space<hbm>> -> memref<1x64xf32, #tpu.memory_space<hbm>>
      tpu.enqueue_dma source(%dma_start3A_679 : memref<1x64xf32, #tpu.memory_space<hbm>>) target(%dma_start3A_677 : memref<1x64xf32, #tpu.memory_space<vmem>>) target_semaphore(%arg10 : memref<!tpu.dma_semaphore, #tpu.memory_space<semaphore_mem>>)
      %slice3A_680 = vector.extract_strided_slice %get3A_551 {offsets = [8], sizes = [1], strides = [1]} : vector<16xi32> to vector<1xi32>
      %squeeze3A_681 = vector.extract %slice3A_680[0] : i32 from vector<1xi32>
      %mul3A_682 = arith.constant 64 : i32
      %mul3A_683 = arith.muli %scan3A_25, %mul3A_682 : i32
      %add3A_684 = arith.constant 32 : i32
      %add3A_685 = arith.addi %mul3A_683, %add3A_684 : i32
      %add3A_686 = arith.constant 8 : i32
      %add3A_687 = arith.addi %add3A_685, %add3A_686 : i32
      %dma_start3A_688 = arith.constant 0 : i32
      %dma_start3A_689 = tpu.memref_slice %arg9[%add3A_687, %dma_start3A_688] : memref<512x64xf32, #tpu.memory_space<vmem>> -> memref<1x64xf32, #tpu.memory_space<vmem>>
      %dma_start3A_690 = arith.constant 0 : i32
      %dma_start3A_691 = tpu.memref_slice %arg4[%squeeze3A_681, %dma_start3A_690] : memref<1000000x64xf32, #tpu.memory_space<hbm>> -> memref<1x64xf32, #tpu.memory_space<hbm>>
      %dma_start3A_692 = arith.constant 0 : i32
      %dma_start3A_693 = tpu.memref_slice %arg9[%add3A_687, %dma_start3A_692] : memref<512x64xf32, #tpu.memory_space<vmem>> -> memref<1x64xf32, #tpu.memory_space<vmem>>
      %dma_start3A_694 = arith.constant 0 : i32
      %dma_start3A_695 = tpu.memref_slice %arg4[%squeeze3A_681, %dma_start3A_694] : memref<1000000x64xf32, #tpu.memory_space<hbm>> -> memref<1x64xf32, #tpu.memory_space<hbm>>
      tpu.enqueue_dma source(%dma_start3A_695 : memref<1x64xf32, #tpu.memory_space<hbm>>) target(%dma_start3A_693 : memref<1x64xf32, #tpu.memory_space<vmem>>) target_semaphore(%arg10 : memref<!tpu.dma_semaphore, #tpu.memory_space<semaphore_mem>>)
      %slice3A_696 = vector.extract_strided_slice %get3A_551 {offsets = [9], sizes = [1], strides = [1]} : vector<16xi32> to vector<1xi32>
      %squeeze3A_697 = vector.extract %slice3A_696[0] : i32 from vector<1xi32>
      %mul3A_698 = arith.constant 64 : i32
      %mul3A_699 = arith.muli %scan3A_25, %mul3A_698 : i32
      %add3A_700 = arith.constant 32 : i32
      %add3A_701 = arith.addi %mul3A_699, %add3A_700 : i32
      %add3A_702 = arith.constant 9 : i32
      %add3A_703 = arith.addi %add3A_701, %add3A_702 : i32
      %dma_start3A_704 = arith.constant 0 : i32
      %dma_start3A_705 = tpu.memref_slice %arg9[%add3A_703, %dma_start3A_704] : memref<512x64xf32, #tpu.memory_space<vmem>> -> memref<1x64xf32, #tpu.memory_space<vmem>>
      %dma_start3A_706 = arith.constant 0 : i32
      %dma_start3A_707 = tpu.memref_slice %arg4[%squeeze3A_697, %dma_start3A_706] : memref<1000000x64xf32, #tpu.memory_space<hbm>> -> memref<1x64xf32, #tpu.memory_space<hbm>>
      %dma_start3A_708 = arith.constant 0 : i32
      %dma_start3A_709 = tpu.memref_slice %arg9[%add3A_703, %dma_start3A_708] : memref<512x64xf32, #tpu.memory_space<vmem>> -> memref<1x64xf32, #tpu.memory_space<vmem>>
      %dma_start3A_710 = arith.constant 0 : i32
      %dma_start3A_711 = tpu.memref_slice %arg4[%squeeze3A_697, %dma_start3A_710] : memref<1000000x64xf32, #tpu.memory_space<hbm>> -> memref<1x64xf32, #tpu.memory_space<hbm>>
      tpu.enqueue_dma source(%dma_start3A_711 : memref<1x64xf32, #tpu.memory_space<hbm>>) target(%dma_start3A_709 : memref<1x64xf32, #tpu.memory_space<vmem>>) target_semaphore(%arg10 : memref<!tpu.dma_semaphore, #tpu.memory_space<semaphore_mem>>)
      %slice3A_712 = vector.extract_strided_slice %get3A_551 {offsets = [10], sizes = [1], strides = [1]} : vector<16xi32> to vector<1xi32>
      %squeeze3A_713 = vector.extract %slice3A_712[0] : i32 from vector<1xi32>
      %mul3A_714 = arith.constant 64 : i32
      %mul3A_715 = arith.muli %scan3A_25, %mul3A_714 : i32
      %add3A_716 = arith.constant 32 : i32
      %add3A_717 = arith.addi %mul3A_715, %add3A_716 : i32
      %add3A_718 = arith.constant 10 : i32
      %add3A_719 = arith.addi %add3A_717, %add3A_718 : i32
      %dma_start3A_720 = arith.constant 0 : i32
      %dma_start3A_721 = tpu.memref_slice %arg9[%add3A_719, %dma_start3A_720] : memref<512x64xf32, #tpu.memory_space<vmem>> -> memref<1x64xf32, #tpu.memory_space<vmem>>
      %dma_start3A_722 = arith.constant 0 : i32
      %dma_start3A_723 = tpu.memref_slice %arg4[%squeeze3A_713, %dma_start3A_722] : memref<1000000x64xf32, #tpu.memory_space<hbm>> -> memref<1x64xf32, #tpu.memory_space<hbm>>
      %dma_start3A_724 = arith.constant 0 : i32
      %dma_start3A_725 = tpu.memref_slice %arg9[%add3A_719, %dma_start3A_724] : memref<512x64xf32, #tpu.memory_space<vmem>> -> memref<1x64xf32, #tpu.memory_space<vmem>>
      %dma_start3A_726 = arith.constant 0 : i32
      %dma_start3A_727 = tpu.memref_slice %arg4[%squeeze3A_713, %dma_start3A_726] : memref<1000000x64xf32, #tpu.memory_space<hbm>> -> memref<1x64xf32, #tpu.memory_space<hbm>>
      tpu.enqueue_dma source(%dma_start3A_727 : memref<1x64xf32, #tpu.memory_space<hbm>>) target(%dma_start3A_725 : memref<1x64xf32, #tpu.memory_space<vmem>>) target_semaphore(%arg10 : memref<!tpu.dma_semaphore, #tpu.memory_space<semaphore_mem>>)
      %slice3A_728 = vector.extract_strided_slice %get3A_551 {offsets = [11], sizes = [1], strides = [1]} : vector<16xi32> to vector<1xi32>
      %squeeze3A_729 = vector.extract %slice3A_728[0] : i32 from vector<1xi32>
      %mul3A_730 = arith.constant 64 : i32
      %mul3A_731 = arith.muli %scan3A_25, %mul3A_730 : i32
      %add3A_732 = arith.constant 32 : i32
      %add3A_733 = arith.addi %mul3A_731, %add3A_732 : i32
      %add3A_734 = arith.constant 11 : i32
      %add3A_735 = arith.addi %add3A_733, %add3A_734 : i32
      %dma_start3A_736 = arith.constant 0 : i32
      %dma_start3A_737 = tpu.memref_slice %arg9[%add3A_735, %dma_start3A_736] : memref<512x64xf32, #tpu.memory_space<vmem>> -> memref<1x64xf32, #tpu.memory_space<vmem>>
      %dma_start3A_738 = arith.constant 0 : i32
      %dma_start3A_739 = tpu.memref_slice %arg4[%squeeze3A_729, %dma_start3A_738] : memref<1000000x64xf32, #tpu.memory_space<hbm>> -> memref<1x64xf32, #tpu.memory_space<hbm>>
      %dma_start3A_740 = arith.constant 0 : i32
      %dma_start3A_741 = tpu.memref_slice %arg9[%add3A_735, %dma_start3A_740] : memref<512x64xf32, #tpu.memory_space<vmem>> -> memref<1x64xf32, #tpu.memory_space<vmem>>
      %dma_start3A_742 = arith.constant 0 : i32
      %dma_start3A_743 = tpu.memref_slice %arg4[%squeeze3A_729, %dma_start3A_742] : memref<1000000x64xf32, #tpu.memory_space<hbm>> -> memref<1x64xf32, #tpu.memory_space<hbm>>
      tpu.enqueue_dma source(%dma_start3A_743 : memref<1x64xf32, #tpu.memory_space<hbm>>) target(%dma_start3A_741 : memref<1x64xf32, #tpu.memory_space<vmem>>) target_semaphore(%arg10 : memref<!tpu.dma_semaphore, #tpu.memory_space<semaphore_mem>>)
      %slice3A_744 = vector.extract_strided_slice %get3A_551 {offsets = [12], sizes = [1], strides = [1]} : vector<16xi32> to vector<1xi32>
      %squeeze3A_745 = vector.extract %slice3A_744[0] : i32 from vector<1xi32>
      %mul3A_746 = arith.constant 64 : i32
      %mul3A_747 = arith.muli %scan3A_25, %mul3A_746 : i32
      %add3A_748 = arith.constant 32 : i32
      %add3A_749 = arith.addi %mul3A_747, %add3A_748 : i32
      %add3A_750 = arith.constant 12 : i32
      %add3A_751 = arith.addi %add3A_749, %add3A_750 : i32
      %dma_start3A_752 = arith.constant 0 : i32
      %dma_start3A_753 = tpu.memref_slice %arg9[%add3A_751, %dma_start3A_752] : memref<512x64xf32, #tpu.memory_space<vmem>> -> memref<1x64xf32, #tpu.memory_space<vmem>>
      %dma_start3A_754 = arith.constant 0 : i32
      %dma_start3A_755 = tpu.memref_slice %arg4[%squeeze3A_745, %dma_start3A_754] : memref<1000000x64xf32, #tpu.memory_space<hbm>> -> memref<1x64xf32, #tpu.memory_space<hbm>>
      %dma_start3A_756 = arith.constant 0 : i32
      %dma_start3A_757 = tpu.memref_slice %arg9[%add3A_751, %dma_start3A_756] : memref<512x64xf32, #tpu.memory_space<vmem>> -> memref<1x64xf32, #tpu.memory_space<vmem>>
      %dma_start3A_758 = arith.constant 0 : i32
      %dma_start3A_759 = tpu.memref_slice %arg4[%squeeze3A_745, %dma_start3A_758] : memref<1000000x64xf32, #tpu.memory_space<hbm>> -> memref<1x64xf32, #tpu.memory_space<hbm>>
      tpu.enqueue_dma source(%dma_start3A_759 : memref<1x64xf32, #tpu.memory_space<hbm>>) target(%dma_start3A_757 : memref<1x64xf32, #tpu.memory_space<vmem>>) target_semaphore(%arg10 : memref<!tpu.dma_semaphore, #tpu.memory_space<semaphore_mem>>)
      %slice3A_760 = vector.extract_strided_slice %get3A_551 {offsets = [13], sizes = [1], strides = [1]} : vector<16xi32> to vector<1xi32>
      %squeeze3A_761 = vector.extract %slice3A_760[0] : i32 from vector<1xi32>
      %mul3A_762 = arith.constant 64 : i32
      %mul3A_763 = arith.muli %scan3A_25, %mul3A_762 : i32
      %add3A_764 = arith.constant 32 : i32
      %add3A_765 = arith.addi %mul3A_763, %add3A_764 : i32
      %add3A_766 = arith.constant 13 : i32
      %add3A_767 = arith.addi %add3A_765, %add3A_766 : i32
      %dma_start3A_768 = arith.constant 0 : i32
      %dma_start3A_769 = tpu.memref_slice %arg9[%add3A_767, %dma_start3A_768] : memref<512x64xf32, #tpu.memory_space<vmem>> -> memref<1x64xf32, #tpu.memory_space<vmem>>
      %dma_start3A_770 = arith.constant 0 : i32
      %dma_start3A_771 = tpu.memref_slice %arg4[%squeeze3A_761, %dma_start3A_770] : memref<1000000x64xf32, #tpu.memory_space<hbm>> -> memref<1x64xf32, #tpu.memory_space<hbm>>
      %dma_start3A_772 = arith.constant 0 : i32
      %dma_start3A_773 = tpu.memref_slice %arg9[%add3A_767, %dma_start3A_772] : memref<512x64xf32, #tpu.memory_space<vmem>> -> memref<1x64xf32, #tpu.memory_space<vmem>>
      %dma_start3A_774 = arith.constant 0 : i32
      %dma_start3A_775 = tpu.memref_slice %arg4[%squeeze3A_761, %dma_start3A_774] : memref<1000000x64xf32, #tpu.memory_space<hbm>> -> memref<1x64xf32, #tpu.memory_space<hbm>>
      tpu.enqueue_dma source(%dma_start3A_775 : memref<1x64xf32, #tpu.memory_space<hbm>>) target(%dma_start3A_773 : memref<1x64xf32, #tpu.memory_space<vmem>>) target_semaphore(%arg10 : memref<!tpu.dma_semaphore, #tpu.memory_space<semaphore_mem>>)
      %slice3A_776 = vector.extract_strided_slice %get3A_551 {offsets = [14], sizes = [1], strides = [1]} : vector<16xi32> to vector<1xi32>
      %squeeze3A_777 = vector.extract %slice3A_776[0] : i32 from vector<1xi32>
      %mul3A_778 = arith.constant 64 : i32
      %mul3A_779 = arith.muli %scan3A_25, %mul3A_778 : i32
      %add3A_780 = arith.constant 32 : i32
      %add3A_781 = arith.addi %mul3A_779, %add3A_780 : i32
      %add3A_782 = arith.constant 14 : i32
      %add3A_783 = arith.addi %add3A_781, %add3A_782 : i32
      %dma_start3A_784 = arith.constant 0 : i32
      %dma_start3A_785 = tpu.memref_slice %arg9[%add3A_783, %dma_start3A_784] : memref<512x64xf32, #tpu.memory_space<vmem>> -> memref<1x64xf32, #tpu.memory_space<vmem>>
      %dma_start3A_786 = arith.constant 0 : i32
      %dma_start3A_787 = tpu.memref_slice %arg4[%squeeze3A_777, %dma_start3A_786] : memref<1000000x64xf32, #tpu.memory_space<hbm>> -> memref<1x64xf32, #tpu.memory_space<hbm>>
      %dma_start3A_788 = arith.constant 0 : i32
      %dma_start3A_789 = tpu.memref_slice %arg9[%add3A_783, %dma_start3A_788] : memref<512x64xf32, #tpu.memory_space<vmem>> -> memref<1x64xf32, #tpu.memory_space<vmem>>
      %dma_start3A_790 = arith.constant 0 : i32
      %dma_start3A_791 = tpu.memref_slice %arg4[%squeeze3A_777, %dma_start3A_790] : memref<1000000x64xf32, #tpu.memory_space<hbm>> -> memref<1x64xf32, #tpu.memory_space<hbm>>
      tpu.enqueue_dma source(%dma_start3A_791 : memref<1x64xf32, #tpu.memory_space<hbm>>) target(%dma_start3A_789 : memref<1x64xf32, #tpu.memory_space<vmem>>) target_semaphore(%arg10 : memref<!tpu.dma_semaphore, #tpu.memory_space<semaphore_mem>>)
      %slice3A_792 = vector.extract_strided_slice %get3A_551 {offsets = [15], sizes = [1], strides = [1]} : vector<16xi32> to vector<1xi32>
      %squeeze3A_793 = vector.extract %slice3A_792[0] : i32 from vector<1xi32>
      %mul3A_794 = arith.constant 64 : i32
      %mul3A_795 = arith.muli %scan3A_25, %mul3A_794 : i32
      %add3A_796 = arith.constant 32 : i32
      %add3A_797 = arith.addi %mul3A_795, %add3A_796 : i32
      %add3A_798 = arith.constant 15 : i32
      %add3A_799 = arith.addi %add3A_797, %add3A_798 : i32
      %dma_start3A_800 = arith.constant 0 : i32
      %dma_start3A_801 = tpu.memref_slice %arg9[%add3A_799, %dma_start3A_800] : memref<512x64xf32, #tpu.memory_space<vmem>> -> memref<1x64xf32, #tpu.memory_space<vmem>>
      %dma_start3A_802 = arith.constant 0 : i32
      %dma_start3A_803 = tpu.memref_slice %arg4[%squeeze3A_793, %dma_start3A_802] : memref<1000000x64xf32, #tpu.memory_space<hbm>> -> memref<1x64xf32, #tpu.memory_space<hbm>>
      %dma_start3A_804 = arith.constant 0 : i32
      %dma_start3A_805 = tpu.memref_slice %arg9[%add3A_799, %dma_start3A_804] : memref<512x64xf32, #tpu.memory_space<vmem>> -> memref<1x64xf32, #tpu.memory_space<vmem>>
      %dma_start3A_806 = arith.constant 0 : i32
      %dma_start3A_807 = tpu.memref_slice %arg4[%squeeze3A_793, %dma_start3A_806] : memref<1000000x64xf32, #tpu.memory_space<hbm>> -> memref<1x64xf32, #tpu.memory_space<hbm>>
      tpu.enqueue_dma source(%dma_start3A_807 : memref<1x64xf32, #tpu.memory_space<hbm>>) target(%dma_start3A_805 : memref<1x64xf32, #tpu.memory_space<vmem>>) target_semaphore(%arg10 : memref<!tpu.dma_semaphore, #tpu.memory_space<semaphore_mem>>)
      %mul3A_808 = arith.constant 64 : i32
      %mul3A_809 = arith.muli %scan3A_25, %mul3A_808 : i32
      %add3A_810 = arith.constant 48 : i32
      %add3A_811 = arith.addi %mul3A_809, %add3A_810 : i32
      %get3A_812 = arith.index_cast %add3A_811 : i32 to index
      %get3A_813 = tpu.vector_load %arg8[%get3A_812] {strides = array<i32>} : memref<512xi32, #tpu.memory_space<vmem>>, vector<16xi32>,
      %slice3A_814 = vector.extract_strided_slice %get3A_813 {offsets = [0], sizes = [1], strides = [1]} : vector<16xi32> to vector<1xi32>
      %squeeze3A_815 = vector.extract %slice3A_814[0] : i32 from vector<1xi32>
      %mul3A_816 = arith.constant 64 : i32
      %mul3A_817 = arith.muli %scan3A_25, %mul3A_816 : i32
      %add3A_818 = arith.constant 48 : i32
      %add3A_819 = arith.addi %mul3A_817, %add3A_818 : i32
      %add3A_820 = arith.constant 0 : i32
      %add3A_821 = arith.addi %add3A_819, %add3A_820 : i32
      %dma_start3A_822 = arith.constant 0 : i32
      %dma_start3A_823 = tpu.memref_slice %arg9[%add3A_821, %dma_start3A_822] : memref<512x64xf32, #tpu.memory_space<vmem>> -> memref<1x64xf32, #tpu.memory_space<vmem>>
      %dma_start3A_824 = arith.constant 0 : i32
      %dma_start3A_825 = tpu.memref_slice %arg4[%squeeze3A_815, %dma_start3A_824] : memref<1000000x64xf32, #tpu.memory_space<hbm>> -> memref<1x64xf32, #tpu.memory_space<hbm>>
      %dma_start3A_826 = arith.constant 0 : i32
      %dma_start3A_827 = tpu.memref_slice %arg9[%add3A_821, %dma_start3A_826] : memref<512x64xf32, #tpu.memory_space<vmem>> -> memref<1x64xf32, #tpu.memory_space<vmem>>
      %dma_start3A_828 = arith.constant 0 : i32
      %dma_start3A_829 = tpu.memref_slice %arg4[%squeeze3A_815, %dma_start3A_828] : memref<1000000x64xf32, #tpu.memory_space<hbm>> -> memref<1x64xf32, #tpu.memory_space<hbm>>
      tpu.enqueue_dma source(%dma_start3A_829 : memref<1x64xf32, #tpu.memory_space<hbm>>) target(%dma_start3A_827 : memref<1x64xf32, #tpu.memory_space<vmem>>) target_semaphore(%arg10 : memref<!tpu.dma_semaphore, #tpu.memory_space<semaphore_mem>>)
      %slice3A_830 = vector.extract_strided_slice %get3A_813 {offsets = [1], sizes = [1], strides = [1]} : vector<16xi32> to vector<1xi32>
      %squeeze3A_831 = vector.extract %slice3A_830[0] : i32 from vector<1xi32>
      %mul3A_832 = arith.constant 64 : i32
      %mul3A_833 = arith.muli %scan3A_25, %mul3A_832 : i32
      %add3A_834 = arith.constant 48 : i32
      %add3A_835 = arith.addi %mul3A_833, %add3A_834 : i32
      %add3A_836 = arith.constant 1 : i32
      %add3A_837 = arith.addi %add3A_835, %add3A_836 : i32
      %dma_start3A_838 = arith.constant 0 : i32
      %dma_start3A_839 = tpu.memref_slice %arg9[%add3A_837, %dma_start3A_838] : memref<512x64xf32, #tpu.memory_space<vmem>> -> memref<1x64xf32, #tpu.memory_space<vmem>>
      %dma_start3A_840 = arith.constant 0 : i32
      %dma_start3A_841 = tpu.memref_slice %arg4[%squeeze3A_831, %dma_start3A_840] : memref<1000000x64xf32, #tpu.memory_space<hbm>> -> memref<1x64xf32, #tpu.memory_space<hbm>>
      %dma_start3A_842 = arith.constant 0 : i32
      %dma_start3A_843 = tpu.memref_slice %arg9[%add3A_837, %dma_start3A_842] : memref<512x64xf32, #tpu.memory_space<vmem>> -> memref<1x64xf32, #tpu.memory_space<vmem>>
      %dma_start3A_844 = arith.constant 0 : i32
      %dma_start3A_845 = tpu.memref_slice %arg4[%squeeze3A_831, %dma_start3A_844] : memref<1000000x64xf32, #tpu.memory_space<hbm>> -> memref<1x64xf32, #tpu.memory_space<hbm>>
      tpu.enqueue_dma source(%dma_start3A_845 : memref<1x64xf32, #tpu.memory_space<hbm>>) target(%dma_start3A_843 : memref<1x64xf32, #tpu.memory_space<vmem>>) target_semaphore(%arg10 : memref<!tpu.dma_semaphore, #tpu.memory_space<semaphore_mem>>)
      %slice3A_846 = vector.extract_strided_slice %get3A_813 {offsets = [2], sizes = [1], strides = [1]} : vector<16xi32> to vector<1xi32>
      %squeeze3A_847 = vector.extract %slice3A_846[0] : i32 from vector<1xi32>
      %mul3A_848 = arith.constant 64 : i32
      %mul3A_849 = arith.muli %scan3A_25, %mul3A_848 : i32
      %add3A_850 = arith.constant 48 : i32
      %add3A_851 = arith.addi %mul3A_849, %add3A_850 : i32
      %add3A_852 = arith.constant 2 : i32
      %add3A_853 = arith.addi %add3A_851, %add3A_852 : i32
      %dma_start3A_854 = arith.constant 0 : i32
      %dma_start3A_855 = tpu.memref_slice %arg9[%add3A_853, %dma_start3A_854] : memref<512x64xf32, #tpu.memory_space<vmem>> -> memref<1x64xf32, #tpu.memory_space<vmem>>
      %dma_start3A_856 = arith.constant 0 : i32
      %dma_start3A_857 = tpu.memref_slice %arg4[%squeeze3A_847, %dma_start3A_856] : memref<1000000x64xf32, #tpu.memory_space<hbm>> -> memref<1x64xf32, #tpu.memory_space<hbm>>
      %dma_start3A_858 = arith.constant 0 : i32
      %dma_start3A_859 = tpu.memref_slice %arg9[%add3A_853, %dma_start3A_858] : memref<512x64xf32, #tpu.memory_space<vmem>> -> memref<1x64xf32, #tpu.memory_space<vmem>>
      %dma_start3A_860 = arith.constant 0 : i32
      %dma_start3A_861 = tpu.memref_slice %arg4[%squeeze3A_847, %dma_start3A_860] : memref<1000000x64xf32, #tpu.memory_space<hbm>> -> memref<1x64xf32, #tpu.memory_space<hbm>>
      tpu.enqueue_dma source(%dma_start3A_861 : memref<1x64xf32, #tpu.memory_space<hbm>>) target(%dma_start3A_859 : memref<1x64xf32, #tpu.memory_space<vmem>>) target_semaphore(%arg10 : memref<!tpu.dma_semaphore, #tpu.memory_space<semaphore_mem>>)
      %slice3A_862 = vector.extract_strided_slice %get3A_813 {offsets = [3], sizes = [1], strides = [1]} : vector<16xi32> to vector<1xi32>
      %squeeze3A_863 = vector.extract %slice3A_862[0] : i32 from vector<1xi32>
      %mul3A_864 = arith.constant 64 : i32
      %mul3A_865 = arith.muli %scan3A_25, %mul3A_864 : i32
      %add3A_866 = arith.constant 48 : i32
      %add3A_867 = arith.addi %mul3A_865, %add3A_866 : i32
      %add3A_868 = arith.constant 3 : i32
      %add3A_869 = arith.addi %add3A_867, %add3A_868 : i32
      %dma_start3A_870 = arith.constant 0 : i32
      %dma_start3A_871 = tpu.memref_slice %arg9[%add3A_869, %dma_start3A_870] : memref<512x64xf32, #tpu.memory_space<vmem>> -> memref<1x64xf32, #tpu.memory_space<vmem>>
      %dma_start3A_872 = arith.constant 0 : i32
      %dma_start3A_873 = tpu.memref_slice %arg4[%squeeze3A_863, %dma_start3A_872] : memref<1000000x64xf32, #tpu.memory_space<hbm>> -> memref<1x64xf32, #tpu.memory_space<hbm>>
      %dma_start3A_874 = arith.constant 0 : i32
      %dma_start3A_875 = tpu.memref_slice %arg9[%add3A_869, %dma_start3A_874] : memref<512x64xf32, #tpu.memory_space<vmem>> -> memref<1x64xf32, #tpu.memory_space<vmem>>
      %dma_start3A_876 = arith.constant 0 : i32
      %dma_start3A_877 = tpu.memref_slice %arg4[%squeeze3A_863, %dma_start3A_876] : memref<1000000x64xf32, #tpu.memory_space<hbm>> -> memref<1x64xf32, #tpu.memory_space<hbm>>
      tpu.enqueue_dma source(%dma_start3A_877 : memref<1x64xf32, #tpu.memory_space<hbm>>) target(%dma_start3A_875 : memref<1x64xf32, #tpu.memory_space<vmem>>) target_semaphore(%arg10 : memref<!tpu.dma_semaphore, #tpu.memory_space<semaphore_mem>>)
      %slice3A_878 = vector.extract_strided_slice %get3A_813 {offsets = [4], sizes = [1], strides = [1]} : vector<16xi32> to vector<1xi32>
      %squeeze3A_879 = vector.extract %slice3A_878[0] : i32 from vector<1xi32>
      %mul3A_880 = arith.constant 64 : i32
      %mul3A_881 = arith.muli %scan3A_25, %mul3A_880 : i32
      %add3A_882 = arith.constant 48 : i32
      %add3A_883 = arith.addi %mul3A_881, %add3A_882 : i32
      %add3A_884 = arith.constant 4 : i32
      %add3A_885 = arith.addi %add3A_883, %add3A_884 : i32
      %dma_start3A_886 = arith.constant 0 : i32
      %dma_start3A_887 = tpu.memref_slice %arg9[%add3A_885, %dma_start3A_886] : memref<512x64xf32, #tpu.memory_space<vmem>> -> memref<1x64xf32, #tpu.memory_space<vmem>>
      %dma_start3A_888 = arith.constant 0 : i32
      %dma_start3A_889 = tpu.memref_slice %arg4[%squeeze3A_879, %dma_start3A_888] : memref<1000000x64xf32, #tpu.memory_space<hbm>> -> memref<1x64xf32, #tpu.memory_space<hbm>>
      %dma_start3A_890 = arith.constant 0 : i32
      %dma_start3A_891 = tpu.memref_slice %arg9[%add3A_885, %dma_start3A_890] : memref<512x64xf32, #tpu.memory_space<vmem>> -> memref<1x64xf32, #tpu.memory_space<vmem>>
      %dma_start3A_892 = arith.constant 0 : i32
      %dma_start3A_893 = tpu.memref_slice %arg4[%squeeze3A_879, %dma_start3A_892] : memref<1000000x64xf32, #tpu.memory_space<hbm>> -> memref<1x64xf32, #tpu.memory_space<hbm>>
      tpu.enqueue_dma source(%dma_start3A_893 : memref<1x64xf32, #tpu.memory_space<hbm>>) target(%dma_start3A_891 : memref<1x64xf32, #tpu.memory_space<vmem>>) target_semaphore(%arg10 : memref<!tpu.dma_semaphore, #tpu.memory_space<semaphore_mem>>)
      %slice3A_894 = vector.extract_strided_slice %get3A_813 {offsets = [5], sizes = [1], strides = [1]} : vector<16xi32> to vector<1xi32>
      %squeeze3A_895 = vector.extract %slice3A_894[0] : i32 from vector<1xi32>
      %mul3A_896 = arith.constant 64 : i32
      %mul3A_897 = arith.muli %scan3A_25, %mul3A_896 : i32
      %add3A_898 = arith.constant 48 : i32
      %add3A_899 = arith.addi %mul3A_897, %add3A_898 : i32
      %add3A_900 = arith.constant 5 : i32
      %add3A_901 = arith.addi %add3A_899, %add3A_900 : i32
      %dma_start3A_902 = arith.constant 0 : i32
      %dma_start3A_903 = tpu.memref_slice %arg9[%add3A_901, %dma_start3A_902] : memref<512x64xf32, #tpu.memory_space<vmem>> -> memref<1x64xf32, #tpu.memory_space<vmem>>
      %dma_start3A_904 = arith.constant 0 : i32
      %dma_start3A_905 = tpu.memref_slice %arg4[%squeeze3A_895, %dma_start3A_904] : memref<1000000x64xf32, #tpu.memory_space<hbm>> -> memref<1x64xf32, #tpu.memory_space<hbm>>
      %dma_start3A_906 = arith.constant 0 : i32
      %dma_start3A_907 = tpu.memref_slice %arg9[%add3A_901, %dma_start3A_906] : memref<512x64xf32, #tpu.memory_space<vmem>> -> memref<1x64xf32, #tpu.memory_space<vmem>>
      %dma_start3A_908 = arith.constant 0 : i32
      %dma_start3A_909 = tpu.memref_slice %arg4[%squeeze3A_895, %dma_start3A_908] : memref<1000000x64xf32, #tpu.memory_space<hbm>> -> memref<1x64xf32, #tpu.memory_space<hbm>>
      tpu.enqueue_dma source(%dma_start3A_909 : memref<1x64xf32, #tpu.memory_space<hbm>>) target(%dma_start3A_907 : memref<1x64xf32, #tpu.memory_space<vmem>>) target_semaphore(%arg10 : memref<!tpu.dma_semaphore, #tpu.memory_space<semaphore_mem>>)
      %slice3A_910 = vector.extract_strided_slice %get3A_813 {offsets = [6], sizes = [1], strides = [1]} : vector<16xi32> to vector<1xi32>
      %squeeze3A_911 = vector.extract %slice3A_910[0] : i32 from vector<1xi32>
      %mul3A_912 = arith.constant 64 : i32
      %mul3A_913 = arith.muli %scan3A_25, %mul3A_912 : i32
      %add3A_914 = arith.constant 48 : i32
      %add3A_915 = arith.addi %mul3A_913, %add3A_914 : i32
      %add3A_916 = arith.constant 6 : i32
      %add3A_917 = arith.addi %add3A_915, %add3A_916 : i32
      %dma_start3A_918 = arith.constant 0 : i32
      %dma_start3A_919 = tpu.memref_slice %arg9[%add3A_917, %dma_start3A_918] : memref<512x64xf32, #tpu.memory_space<vmem>> -> memref<1x64xf32, #tpu.memory_space<vmem>>
      %dma_start3A_920 = arith.constant 0 : i32
      %dma_start3A_921 = tpu.memref_slice %arg4[%squeeze3A_911, %dma_start3A_920] : memref<1000000x64xf32, #tpu.memory_space<hbm>> -> memref<1x64xf32, #tpu.memory_space<hbm>>
      %dma_start3A_922 = arith.constant 0 : i32
      %dma_start3A_923 = tpu.memref_slice %arg9[%add3A_917, %dma_start3A_922] : memref<512x64xf32, #tpu.memory_space<vmem>> -> memref<1x64xf32, #tpu.memory_space<vmem>>
      %dma_start3A_924 = arith.constant 0 : i32
      %dma_start3A_925 = tpu.memref_slice %arg4[%squeeze3A_911, %dma_start3A_924] : memref<1000000x64xf32, #tpu.memory_space<hbm>> -> memref<1x64xf32, #tpu.memory_space<hbm>>
      tpu.enqueue_dma source(%dma_start3A_925 : memref<1x64xf32, #tpu.memory_space<hbm>>) target(%dma_start3A_923 : memref<1x64xf32, #tpu.memory_space<vmem>>) target_semaphore(%arg10 : memref<!tpu.dma_semaphore, #tpu.memory_space<semaphore_mem>>)
      %slice3A_926 = vector.extract_strided_slice %get3A_813 {offsets = [7], sizes = [1], strides = [1]} : vector<16xi32> to vector<1xi32>
      %squeeze3A_927 = vector.extract %slice3A_926[0] : i32 from vector<1xi32>
      %mul3A_928 = arith.constant 64 : i32
      %mul3A_929 = arith.muli %scan3A_25, %mul3A_928 : i32
      %add3A_930 = arith.constant 48 : i32
      %add3A_931 = arith.addi %mul3A_929, %add3A_930 : i32
      %add3A_932 = arith.constant 7 : i32
      %add3A_933 = arith.addi %add3A_931, %add3A_932 : i32
      %dma_start3A_934 = arith.constant 0 : i32
      %dma_start3A_935 = tpu.memref_slice %arg9[%add3A_933, %dma_start3A_934] : memref<512x64xf32, #tpu.memory_space<vmem>> -> memref<1x64xf32, #tpu.memory_space<vmem>>
      %dma_start3A_936 = arith.constant 0 : i32
      %dma_start3A_937 = tpu.memref_slice %arg4[%squeeze3A_927, %dma_start3A_936] : memref<1000000x64xf32, #tpu.memory_space<hbm>> -> memref<1x64xf32, #tpu.memory_space<hbm>>
      %dma_start3A_938 = arith.constant 0 : i32
      %dma_start3A_939 = tpu.memref_slice %arg9[%add3A_933, %dma_start3A_938] : memref<512x64xf32, #tpu.memory_space<vmem>> -> memref<1x64xf32, #tpu.memory_space<vmem>>
      %dma_start3A_940 = arith.constant 0 : i32
      %dma_start3A_941 = tpu.memref_slice %arg4[%squeeze3A_927, %dma_start3A_940] : memref<1000000x64xf32, #tpu.memory_space<hbm>> -> memref<1x64xf32, #tpu.memory_space<hbm>>
      tpu.enqueue_dma source(%dma_start3A_941 : memref<1x64xf32, #tpu.memory_space<hbm>>) target(%dma_start3A_939 : memref<1x64xf32, #tpu.memory_space<vmem>>) target_semaphore(%arg10 : memref<!tpu.dma_semaphore, #tpu.memory_space<semaphore_mem>>)
      %slice3A_942 = vector.extract_strided_slice %get3A_813 {offsets = [8], sizes = [1], strides = [1]} : vector<16xi32> to vector<1xi32>
      %squeeze3A_943 = vector.extract %slice3A_942[0] : i32 from vector<1xi32>
      %mul3A_944 = arith.constant 64 : i32
      %mul3A_945 = arith.muli %scan3A_25, %mul3A_944 : i32
      %add3A_946 = arith.constant 48 : i32
      %add3A_947 = arith.addi %mul3A_945, %add3A_946 : i32
      %add3A_948 = arith.constant 8 : i32
      %add3A_949 = arith.addi %add3A_947, %add3A_948 : i32
      %dma_start3A_950 = arith.constant 0 : i32
      %dma_start3A_951 = tpu.memref_slice %arg9[%add3A_949, %dma_start3A_950] : memref<512x64xf32, #tpu.memory_space<vmem>> -> memref<1x64xf32, #tpu.memory_space<vmem>>
      %dma_start3A_952 = arith.constant 0 : i32
      %dma_start3A_953 = tpu.memref_slice %arg4[%squeeze3A_943, %dma_start3A_952] : memref<1000000x64xf32, #tpu.memory_space<hbm>> -> memref<1x64xf32, #tpu.memory_space<hbm>>
      %dma_start3A_954 = arith.constant 0 : i32
      %dma_start3A_955 = tpu.memref_slice %arg9[%add3A_949, %dma_start3A_954] : memref<512x64xf32, #tpu.memory_space<vmem>> -> memref<1x64xf32, #tpu.memory_space<vmem>>
      %dma_start3A_956 = arith.constant 0 : i32
      %dma_start3A_957 = tpu.memref_slice %arg4[%squeeze3A_943, %dma_start3A_956] : memref<1000000x64xf32, #tpu.memory_space<hbm>> -> memref<1x64xf32, #tpu.memory_space<hbm>>
      tpu.enqueue_dma source(%dma_start3A_957 : memref<1x64xf32, #tpu.memory_space<hbm>>) target(%dma_start3A_955 : memref<1x64xf32, #tpu.memory_space<vmem>>) target_semaphore(%arg10 : memref<!tpu.dma_semaphore, #tpu.memory_space<semaphore_mem>>)
      %slice3A_958 = vector.extract_strided_slice %get3A_813 {offsets = [9], sizes = [1], strides = [1]} : vector<16xi32> to vector<1xi32>
      %squeeze3A_959 = vector.extract %slice3A_958[0] : i32 from vector<1xi32>
      %mul3A_960 = arith.constant 64 : i32
      %mul3A_961 = arith.muli %scan3A_25, %mul3A_960 : i32
      %add3A_962 = arith.constant 48 : i32
      %add3A_963 = arith.addi %mul3A_961, %add3A_962 : i32
      %add3A_964 = arith.constant 9 : i32
      %add3A_965 = arith.addi %add3A_963, %add3A_964 : i32
      %dma_start3A_966 = arith.constant 0 : i32
      %dma_start3A_967 = tpu.memref_slice %arg9[%add3A_965, %dma_start3A_966] : memref<512x64xf32, #tpu.memory_space<vmem>> -> memref<1x64xf32, #tpu.memory_space<vmem>>
      %dma_start3A_968 = arith.constant 0 : i32
      %dma_start3A_969 = tpu.memref_slice %arg4[%squeeze3A_959, %dma_start3A_968] : memref<1000000x64xf32, #tpu.memory_space<hbm>> -> memref<1x64xf32, #tpu.memory_space<hbm>>
      %dma_start3A_970 = arith.constant 0 : i32
      %dma_start3A_971 = tpu.memref_slice %arg9[%add3A_965, %dma_start3A_970] : memref<512x64xf32, #tpu.memory_space<vmem>> -> memref<1x64xf32, #tpu.memory_space<vmem>>
      %dma_start3A_972 = arith.constant 0 : i32
      %dma_start3A_973 = tpu.memref_slice %arg4[%squeeze3A_959, %dma_start3A_972] : memref<1000000x64xf32, #tpu.memory_space<hbm>> -> memref<1x64xf32, #tpu.memory_space<hbm>>
      tpu.enqueue_dma source(%dma_start3A_973 : memref<1x64xf32, #tpu.memory_space<hbm>>) target(%dma_start3A_971 : memref<1x64xf32, #tpu.memory_space<vmem>>) target_semaphore(%arg10 : memref<!tpu.dma_semaphore, #tpu.memory_space<semaphore_mem>>)
      %slice3A_974 = vector.extract_strided_slice %get3A_813 {offsets = [10], sizes = [1], strides = [1]} : vector<16xi32> to vector<1xi32>
      %squeeze3A_975 = vector.extract %slice3A_974[0] : i32 from vector<1xi32>
      %mul3A_976 = arith.constant 64 : i32
      %mul3A_977 = arith.muli %scan3A_25, %mul3A_976 : i32
      %add3A_978 = arith.constant 48 : i32
      %add3A_979 = arith.addi %mul3A_977, %add3A_978 : i32
      %add3A_980 = arith.constant 10 : i32
      %add3A_981 = arith.addi %add3A_979, %add3A_980 : i32
      %dma_start3A_982 = arith.constant 0 : i32
      %dma_start3A_983 = tpu.memref_slice %arg9[%add3A_981, %dma_start3A_982] : memref<512x64xf32, #tpu.memory_space<vmem>> -> memref<1x64xf32, #tpu.memory_space<vmem>>
      %dma_start3A_984 = arith.constant 0 : i32
      %dma_start3A_985 = tpu.memref_slice %arg4[%squeeze3A_975, %dma_start3A_984] : memref<1000000x64xf32, #tpu.memory_space<hbm>> -> memref<1x64xf32, #tpu.memory_space<hbm>>
      %dma_start3A_986 = arith.constant 0 : i32
      %dma_start3A_987 = tpu.memref_slice %arg9[%add3A_981, %dma_start3A_986] : memref<512x64xf32, #tpu.memory_space<vmem>> -> memref<1x64xf32, #tpu.memory_space<vmem>>
      %dma_start3A_988 = arith.constant 0 : i32
      %dma_start3A_989 = tpu.memref_slice %arg4[%squeeze3A_975, %dma_start3A_988] : memref<1000000x64xf32, #tpu.memory_space<hbm>> -> memref<1x64xf32, #tpu.memory_space<hbm>>
      tpu.enqueue_dma source(%dma_start3A_989 : memref<1x64xf32, #tpu.memory_space<hbm>>) target(%dma_start3A_987 : memref<1x64xf32, #tpu.memory_space<vmem>>) target_semaphore(%arg10 : memref<!tpu.dma_semaphore, #tpu.memory_space<semaphore_mem>>)
      %slice3A_990 = vector.extract_strided_slice %get3A_813 {offsets = [11], sizes = [1], strides = [1]} : vector<16xi32> to vector<1xi32>
      %squeeze3A_991 = vector.extract %slice3A_990[0] : i32 from vector<1xi32>
      %mul3A_992 = arith.constant 64 : i32
      %mul3A_993 = arith.muli %scan3A_25, %mul3A_992 : i32
      %add3A_994 = arith.constant 48 : i32
      %add3A_995 = arith.addi %mul3A_993, %add3A_994 : i32
      %add3A_996 = arith.constant 11 : i32
      %add3A_997 = arith.addi %add3A_995, %add3A_996 : i32
      %dma_start3A_998 = arith.constant 0 : i32
      %dma_start3A_999 = tpu.memref_slice %arg9[%add3A_997, %dma_start3A_998] : memref<512x64xf32, #tpu.memory_space<vmem>> -> memref<1x64xf32, #tpu.memory_space<vmem>>
      %dma_start3A_1000 = arith.constant 0 : i32
      %dma_start3A_1001 = tpu.memref_slice %arg4[%squeeze3A_991, %dma_start3A_1000] : memref<1000000x64xf32, #tpu.memory_space<hbm>> -> memref<1x64xf32, #tpu.memory_space<hbm>>
      %dma_start3A_1002 = arith.constant 0 : i32
      %dma_start3A_1003 = tpu.memref_slice %arg9[%add3A_997, %dma_start3A_1002] : memref<512x64xf32, #tpu.memory_space<vmem>> -> memref<1x64xf32, #tpu.memory_space<vmem>>
      %dma_start3A_1004 = arith.constant 0 : i32
      %dma_start3A_1005 = tpu.memref_slice %arg4[%squeeze3A_991, %dma_start3A_1004] : memref<1000000x64xf32, #tpu.memory_space<hbm>> -> memref<1x64xf32, #tpu.memory_space<hbm>>
      tpu.enqueue_dma source(%dma_start3A_1005 : memref<1x64xf32, #tpu.memory_space<hbm>>) target(%dma_start3A_1003 : memref<1x64xf32, #tpu.memory_space<vmem>>) target_semaphore(%arg10 : memref<!tpu.dma_semaphore, #tpu.memory_space<semaphore_mem>>)
      %slice3A_1006 = vector.extract_strided_slice %get3A_813 {offsets = [12], sizes = [1], strides = [1]} : vector<16xi32> to vector<1xi32>
      %squeeze3A_1007 = vector.extract %slice3A_1006[0] : i32 from vector<1xi32>
      %mul3A_1008 = arith.constant 64 : i32
      %mul3A_1009 = arith.muli %scan3A_25, %mul3A_1008 : i32
      %add3A_1010 = arith.constant 48 : i32
      %add3A_1011 = arith.addi %mul3A_1009, %add3A_1010 : i32
      %add3A_1012 = arith.constant 12 : i32
      %add3A_1013 = arith.addi %add3A_1011, %add3A_1012 : i32
      %dma_start3A_1014 = arith.constant 0 : i32
      %dma_start3A_1015 = tpu.memref_slice %arg9[%add3A_1013, %dma_start3A_1014] : memref<512x64xf32, #tpu.memory_space<vmem>> -> memref<1x64xf32, #tpu.memory_space<vmem>>
      %dma_start3A_1016 = arith.constant 0 : i32
      %dma_start3A_1017 = tpu.memref_slice %arg4[%squeeze3A_1007, %dma_start3A_1016] : memref<1000000x64xf32, #tpu.memory_space<hbm>> -> memref<1x64xf32, #tpu.memory_space<hbm>>
      %dma_start3A_1018 = arith.constant 0 : i32
      %dma_start3A_1019 = tpu.memref_slice %arg9[%add3A_1013, %dma_start3A_1018] : memref<512x64xf32, #tpu.memory_space<vmem>> -> memref<1x64xf32, #tpu.memory_space<vmem>>
      %dma_start3A_1020 = arith.constant 0 : i32
      %dma_start3A_1021 = tpu.memref_slice %arg4[%squeeze3A_1007, %dma_start3A_1020] : memref<1000000x64xf32, #tpu.memory_space<hbm>> -> memref<1x64xf32, #tpu.memory_space<hbm>>
      tpu.enqueue_dma source(%dma_start3A_1021 : memref<1x64xf32, #tpu.memory_space<hbm>>) target(%dma_start3A_1019 : memref<1x64xf32, #tpu.memory_space<vmem>>) target_semaphore(%arg10 : memref<!tpu.dma_semaphore, #tpu.memory_space<semaphore_mem>>)
      %slice3A_1022 = vector.extract_strided_slice %get3A_813 {offsets = [13], sizes = [1], strides = [1]} : vector<16xi32> to vector<1xi32>
      %squeeze3A_1023 = vector.extract %slice3A_1022[0] : i32 from vector<1xi32>
      %mul3A_1024 = arith.constant 64 : i32
      %mul3A_1025 = arith.muli %scan3A_25, %mul3A_1024 : i32
      %add3A_1026 = arith.constant 48 : i32
      %add3A_1027 = arith.addi %mul3A_1025, %add3A_1026 : i32
      %add3A_1028 = arith.constant 13 : i32
      %add3A_1029 = arith.addi %add3A_1027, %add3A_1028 : i32
      %dma_start3A_1030 = arith.constant 0 : i32
      %dma_start3A_1031 = tpu.memref_slice %arg9[%add3A_1029, %dma_start3A_1030] : memref<512x64xf32, #tpu.memory_space<vmem>> -> memref<1x64xf32, #tpu.memory_space<vmem>>
      %dma_start3A_1032 = arith.constant 0 : i32
      %dma_start3A_1033 = tpu.memref_slice %arg4[%squeeze3A_1023, %dma_start3A_1032] : memref<1000000x64xf32, #tpu.memory_space<hbm>> -> memref<1x64xf32, #tpu.memory_space<hbm>>
      %dma_start3A_1034 = arith.constant 0 : i32
      %dma_start3A_1035 = tpu.memref_slice %arg9[%add3A_1029, %dma_start3A_1034] : memref<512x64xf32, #tpu.memory_space<vmem>> -> memref<1x64xf32, #tpu.memory_space<vmem>>
      %dma_start3A_1036 = arith.constant 0 : i32
      %dma_start3A_1037 = tpu.memref_slice %arg4[%squeeze3A_1023, %dma_start3A_1036] : memref<1000000x64xf32, #tpu.memory_space<hbm>> -> memref<1x64xf32, #tpu.memory_space<hbm>>
      tpu.enqueue_dma source(%dma_start3A_1037 : memref<1x64xf32, #tpu.memory_space<hbm>>) target(%dma_start3A_1035 : memref<1x64xf32, #tpu.memory_space<vmem>>) target_semaphore(%arg10 : memref<!tpu.dma_semaphore, #tpu.memory_space<semaphore_mem>>)
      %slice3A_1038 = vector.extract_strided_slice %get3A_813 {offsets = [14], sizes = [1], strides = [1]} : vector<16xi32> to vector<1xi32>
      %squeeze3A_1039 = vector.extract %slice3A_1038[0] : i32 from vector<1xi32>
      %mul3A_1040 = arith.constant 64 : i32
      %mul3A_1041 = arith.muli %scan3A_25, %mul3A_1040 : i32
      %add3A_1042 = arith.constant 48 : i32
      %add3A_1043 = arith.addi %mul3A_1041, %add3A_1042 : i32
      %add3A_1044 = arith.constant 14 : i32
      %add3A_1045 = arith.addi %add3A_1043, %add3A_1044 : i32
      %dma_start3A_1046 = arith.constant 0 : i32
      %dma_start3A_1047 = tpu.memref_slice %arg9[%add3A_1045, %dma_start3A_1046] : memref<512x64xf32, #tpu.memory_space<vmem>> -> memref<1x64xf32, #tpu.memory_space<vmem>>
      %dma_start3A_1048 = arith.constant 0 : i32
      %dma_start3A_1049 = tpu.memref_slice %arg4[%squeeze3A_1039, %dma_start3A_1048] : memref<1000000x64xf32, #tpu.memory_space<hbm>> -> memref<1x64xf32, #tpu.memory_space<hbm>>
      %dma_start3A_1050 = arith.constant 0 : i32
      %dma_start3A_1051 = tpu.memref_slice %arg9[%add3A_1045, %dma_start3A_1050] : memref<512x64xf32, #tpu.memory_space<vmem>> -> memref<1x64xf32, #tpu.memory_space<vmem>>
      %dma_start3A_1052 = arith.constant 0 : i32
      %dma_start3A_1053 = tpu.memref_slice %arg4[%squeeze3A_1039, %dma_start3A_1052] : memref<1000000x64xf32, #tpu.memory_space<hbm>> -> memref<1x64xf32, #tpu.memory_space<hbm>>
      tpu.enqueue_dma source(%dma_start3A_1053 : memref<1x64xf32, #tpu.memory_space<hbm>>) target(%dma_start3A_1051 : memref<1x64xf32, #tpu.memory_space<vmem>>) target_semaphore(%arg10 : memref<!tpu.dma_semaphore, #tpu.memory_space<semaphore_mem>>)
      %slice3A_1054 = vector.extract_strided_slice %get3A_813 {offsets = [15], sizes = [1], strides = [1]} : vector<16xi32> to vector<1xi32>
      %squeeze3A_1055 = vector.extract %slice3A_1054[0] : i32 from vector<1xi32>
      %mul3A_1056 = arith.constant 64 : i32
      %mul3A_1057 = arith.muli %scan3A_25, %mul3A_1056 : i32
      %add3A_1058 = arith.constant 48 : i32
      %add3A_1059 = arith.addi %mul3A_1057, %add3A_1058 : i32
      %add3A_1060 = arith.constant 15 : i32
      %add3A_1061 = arith.addi %add3A_1059, %add3A_1060 : i32
      %dma_start3A_1062 = arith.constant 0 : i32
      %dma_start3A_1063 = tpu.memref_slice %arg9[%add3A_1061, %dma_start3A_1062] : memref<512x64xf32, #tpu.memory_space<vmem>> -> memref<1x64xf32, #tpu.memory_space<vmem>>
      %dma_start3A_1064 = arith.constant 0 : i32
      %dma_start3A_1065 = tpu.memref_slice %arg4[%squeeze3A_1055, %dma_start3A_1064] : memref<1000000x64xf32, #tpu.memory_space<hbm>> -> memref<1x64xf32, #tpu.memory_space<hbm>>
      %dma_start3A_1066 = arith.constant 0 : i32
      %dma_start3A_1067 = tpu.memref_slice %arg9[%add3A_1061, %dma_start3A_1066] : memref<512x64xf32, #tpu.memory_space<vmem>> -> memref<1x64xf32, #tpu.memory_space<vmem>>
      %dma_start3A_1068 = arith.constant 0 : i32
      %dma_start3A_1069 = tpu.memref_slice %arg4[%squeeze3A_1055, %dma_start3A_1068] : memref<1000000x64xf32, #tpu.memory_space<hbm>> -> memref<1x64xf32, #tpu.memory_space<hbm>>
      tpu.enqueue_dma source(%dma_start3A_1069 : memref<1x64xf32, #tpu.memory_space<hbm>>) target(%dma_start3A_1067 : memref<1x64xf32, #tpu.memory_space<vmem>>) target_semaphore(%arg10 : memref<!tpu.dma_semaphore, #tpu.memory_space<semaphore_mem>>)
    }
    %scan3A_18 = arith.constant 8 : i32
    %dma_wait3A_19 = arith.constant 0 : i32
    %dma_wait3A_20 = arith.constant 0 : i32
    %dma_wait3A_21 = tpu.memref_slice %arg4[%dma_wait3A_19, %dma_wait3A_20] : memref<1000000x64xf32, #tpu.memory_space<hbm>> -> memref<512x64xf32, #tpu.memory_space<hbm>>
    %dma_wait3A_22 = arith.constant 0 : i32
    %dma_wait3A_23 = arith.constant 0 : i32
    %dma_wait3A_24 = tpu.memref_slice %arg4[%dma_wait3A_22, %dma_wait3A_23] : memref<1000000x64xf32, #tpu.memory_space<hbm>> -> memref<512x64xf32, #tpu.memory_space<hbm>>
    tpu.wait_dma2 semaphore(%arg10 : memref<!tpu.dma_semaphore, #tpu.memory_space<semaphore_mem>>) src(%dma_wait3A_24 : memref<512x64xf32, #tpu.memory_space<hbm>>) dst(%arg9 : memref<512x64xf32, #tpu.memory_space<vmem>>)
    "tpu.region"() ({
      %run_scoped3A = tpu.sem_alloc : memref<!tpu.dma_semaphore, #tpu.memory_space<semaphore_mem>>
      %dma_start3A = arith.constant 0 : i32
      %dma_start3A_25 = tpu.memref_slice %arg6[%mul3A_2, %dma_start3A] : memref<16384x64xf32, #tpu.memory_space<hbm>> -> memref<512x64xf32, #tpu.memory_space<hbm>>
      %dma_start3A_26 = arith.constant 0 : i32
      %dma_start3A_27 = tpu.memref_slice %arg6[%mul3A_2, %dma_start3A_26] : memref<16384x64xf32, #tpu.memory_space<hbm>> -> memref<512x64xf32, #tpu.memory_space<hbm>>
      tpu.enqueue_dma source(%arg9 : memref<512x64xf32, #tpu.memory_space<vmem>>) target(%dma_start3A_27 : memref<512x64xf32, #tpu.memory_space<hbm>>) target_semaphore(%run_scoped3A : memref<!tpu.dma_semaphore, #tpu.memory_space<semaphore_mem>>)
      %dma_wait3A_28 = arith.constant 0 : i32
      %dma_wait3A_29 = tpu.memref_slice %arg6[%mul3A_2, %dma_wait3A_28] : memref<16384x64xf32, #tpu.memory_space<hbm>> -> memref<512x64xf32, #tpu.memory_space<hbm>>
      %dma_wait3A_30 = arith.constant 0 : i32
      %dma_wait3A_31 = tpu.memref_slice %arg6[%mul3A_2, %dma_wait3A_30] : memref<16384x64xf32, #tpu.memory_space<hbm>> -> memref<512x64xf32, #tpu.memory_space<hbm>>
      tpu.wait_dma2 semaphore(%run_scoped3A : memref<!tpu.dma_semaphore, #tpu.memory_space<semaphore_mem>>) src(%arg9 : memref<512x64xf32, #tpu.memory_space<vmem>>) dst(%dma_wait3A_31 : memref<512x64xf32, #tpu.memory_space<hbm>>)
      tpu.yield
    }) : () -> ()
    return
  }
}

</mosaic_0001>

<sc_bundles>
// kernel: kernel.3.cloned.1.call-start
scs
__scs_entry_jumppad:
0x0: {  	(pc) =	sbr.rel $0x88, $3  }
0x1: {  	(tag) =	ssettag $0x0;
	lr =	simm.s32 $0x1  }
0x2: {  	[smem:$0x3F9E] =	sst lr;
	_ =	strace $0xD0000000  }
0x3: {  	_ = 	snop  }
0x4: {  	_ = 	snop  }
0x5: {  	_ = 	snop  }
0x6: {  	_ = 	snop  }
0x7: {  	_ = 	snop  }
__scs_overlays_trampoline_lowered:
0x8: {  	[smem:$0x3FAD] =	sst s0  }
0x9: {  	[smem:$0x3FAE] =	sst s1  }
0xa: {  	[smem:$0x3FAF] =	sst s2  }
0xb: {  	[smem:$0x3FB0] =	sst s3  }
0xc: {  	[smem:$0x3FB1] =	sst s4  }
0xd: {  	[smem:$0x3FB2] =	sst s5  }
0xe: {  	[smem:$0x3FB3] =	sst s6  }
0xf: {  	[smem:$0x3FB4] =	sst s7  }
0x10: {  	[smem:$0x3FB5] =	sst s8  }
0x11: {  	[smem:$0x3FB6] =	sst s9;
	s0 =	simm.s32 @!p0 $0x0  }
0x12: {  	s1 =	sld [smem:$0x3F9C];
	s0 =	simm.s32 @p0 $0x1  }
0x13: {  	[smem:$0x3FB7] =	sst s0;
	s0 =	simm.s32 @!p1 $0x0  }
0x14: {  	s2 =	sld [smem:$0x3F9B];
	s0 =	simm.s32 @p1 $0x1  }
0x15: {  	[smem:$0x3FB8] =	sst s0;
	s0 =	simm.s32 @!p2 $0x0  }
0x16: {  	s3 =	sld [smem:$0x3FDB];
	s0 =	simm.s32 @p2 $0x1  }
0x17: {  	s4 =	simm.s32 $0x1BF5;
	[smem:$0x3FBA] =	sst s0  }
0x18: {  	s0 =	sld [smem:$0x3F9D];
	_ =	swait.ge [sflag:s4], $0x0  }
0x19: {  	s7 =	sld [smem:$0x3F9E]  }
0x1a: {  	s8 =	sadd.s32 $0xFFFFE003, lr  }
0x1b: {  	s9 =	sadd.s32 $0xFFFFFEF7, lr;
	s5 =	simm.s32 $0xFFFFFFFF;
	p2 =	slt.u32 s8, $0xFFFFF086  }
0x1c: {  	p1 =	slt.u32 s9, $0xF7A;
	s5 =	simm.s32 @!p2 $0x0  }
0x1d: {  	s5 =	simm.s32 @p1 $0x1;
	p0 =	seq.s32 s7, s2  }
0x1e: {  	s7 =	smul.u32 @!p0 $0xF7A, s2;
	p2 =	seq.s32 @!p0 s5, $0x0  }
0x1f: {  	s9 =	smul.u32 $0xF7A, s1;
	s8 =	simm.s32 @!p0 $0x1BF5;
	p2 =	por !p2, p0  }
0x20: {  	[sflag:s8] =	ssyncset.s32 @!p0 $0xFFFFF086;
	s6 =	sadd.s32 @!p0 s3, s7;
	s7 =	simm.s32 @!p0 $0x108  }
0x21: {  	s3 =	sadd.s32 s3, s9;
	s6 =	sadd.s32 @!p0 $0x88, s6;
	s7 =	simm.s32 @p2 $0x1082  }
0x22: {  	[simem:s7], [sflag:s8] =	dma.local @!p0 [hbm:s6], $0xF7A  }
0x23: {  	s9 =	sor.u32 $0xD0000000, s2;
	s6 =	simm.s32 $0x108;
	_ =	swait.ge @!p0 [sflag:s8], $0x0  }
0x24: {  	s3 =	sadd.s32 $0x88, s3;
	s6 =	simm.s32 @!p1 $0x1082;
	[sflag:s4] =	ssyncset.s32 $0xFFFFF086  }
0x25: {  	[simem:s6], [sflag:s4] =	dma.local [hbm:s3], $0xF7A  }
0x26: {  	[smem:$0x3F9E] =	sst s1;
	(tag) =	ssettag s2;
	_ =	strace s9  }
0x27: {  	s1 =	sld [smem:$0x3FAE]  }
0x28: {  	s2 =	sld [smem:$0x3FAF]  }
0x29: {  	s4 =	sld [smem:$0x3FB1]  }
0x2a: {  	p0 =	seq.s32 s5, $0x0;
	s5 =	sld [smem:$0x3FB2]  }
0x2b: {  	s6 =	sld [smem:$0x3FB3]  }
0x2c: {  	s7 =	sld [smem:$0x3FB4]  }
0x2d: {  	s3 =	simm.s32 $0x108;
	s8 =	sld [smem:$0x3FB5]  }
0x2e: {  	s3 =	simm.s32 @!p0 $0x1082;
	s9 =	sld [smem:$0x3FB6]  }
0x2f: {  	lr =	sadd.s32 s0, s3;
	s0 =	sld [smem:$0x3FAD]  }
0x30: {  	s3 =	sld [smem:$0x3FB0]  }
0x31: {  	[smem:$0x3FB9] =	sst s10  }
0x32: {  	s10 =	sld [smem:$0x3FB7];
	_ =	sdelay $0x3  }
0x33: {  	p0 =	seq.s32 s10, $0x1;
	s10 =	sld [smem:$0x3FB9];
	_ =	sdelay $0x3  }
0x34: {  	[smem:$0x3FB9] =	sst s10  }
0x35: {  	s10 =	sld [smem:$0x3FB8];
	_ =	sdelay $0x3  }
0x36: {  	p1 =	seq.s32 s10, $0x1;
	s10 =	sld [smem:$0x3FB9];
	_ =	sdelay $0x3  }
0x37: {  	[smem:$0x3FB9] =	sst s10  }
0x38: {  	s10 =	sld [smem:$0x3FBA]  }
0x39: {  	_ = 	snop;
	(pc) =	sbr.ind lr, $3  }
0x3a: {  	_ = 	snop  }
0x3b: {  	_ = 	snop  }
0x3c: {  	p2 =	seq.s32 s10, $0x1;
	s10 =	sld [smem:$0x3FB9]  }
0x3d: {  	_ =	shalt  }
0x3e: {  	_ =	shalt  }
0x3f: {  	_ =	shalt  }
0x40: {  	_ =	shalt  }
0x41: {  	_ =	shalt  }
0x42: {  	_ =	shalt  }
0x43: {  	_ =	shalt  }
0x44: {  	_ =	shalt  }
0x45: {  	_ =	shalt  }
0x46: {  	_ =	shalt  }
0x47: {  	_ =	shalt  }
0x48: {  	_ =	shalt  }
0x49: {  	_ =	shalt  }
0x4a: {  	_ =	shalt  }
0x4b: {  	_ =	shalt  }
0x4c: {  	_ =	shalt  }
0x4d: {  	_ =	shalt  }
0x4e: {  	_ =	shalt  }
0x4f: {  	_ =	shalt  }
0x50: {  	_ =	shalt  }
0x51: {  	_ =	shalt  }
0x52: {  	_ =	shalt  }
0x53: {  	_ =	shalt  }
0x54: {  	_ =	shalt  }
0x55: {  	_ =	shalt  }
0x56: {  	_ =	shalt  }
0x57: {  	_ =	shalt  }
0x58: {  	_ =	shalt  }
0x59: {  	_ =	shalt  }
0x5a: {  	_ =	shalt  }
0x5b: {  	_ =	shalt  }
0x5c: {  	_ =	shalt  }
0x5d: {  	_ =	shalt  }
0x5e: {  	_ =	shalt  }
0x5f: {  	_ =	shalt  }
0x60: {  	_ =	shalt  }
0x61: {  	_ =	shalt  }
0x62: {  	_ =	shalt  }
0x63: {  	_ =	shalt  }
0x64: {  	_ =	shalt  }
0x65: {  	_ =	shalt  }
0x66: {  	_ =	shalt  }
0x67: {  	_ =	shalt  }
0x68: {  	_ =	shalt  }
0x69: {  	_ =	shalt  }
0x6a: {  	_ =	shalt  }
0x6b: {  	_ =	shalt  }
0x6c: {  	_ =	shalt  }
0x6d: {  	_ =	shalt  }
0x6e: {  	_ =	shalt  }
0x6f: {  	_ =	shalt  }
0x70: {  	_ =	shalt  }
0x71: {  	_ =	shalt  }
0x72: {  	_ =	shalt  }
0x73: {  	_ =	shalt  }
0x74: {  	_ =	shalt  }
0x75: {  	_ =	shalt  }
0x76: {  	_ =	shalt  }
0x77: {  	_ =	shalt  }
0x78: {  	_ =	shalt  }
0x79: {  	_ =	shalt  }
0x7a: {  	_ =	shalt  }
0x7b: {  	_ =	shalt  }
0x7c: {  	_ =	shalt  }
0x7d: {  	_ =	shalt  }
0x7e: {  	_ =	shalt  }
0x7f: {  	_ =	shalt  }
0x80: {  	_ =	shalt  }
0x81: {  	_ =	shalt  }
0x82: {  	_ =	shalt  }
0x83: {  	_ =	shalt  }
0x84: {  	_ =	shalt  }
0x85: {  	_ =	shalt  }
0x86: {  	_ =	shalt  }
0x87: {  	_ =	shalt  }
.Lfunc_end0:
.L_simem_size_0:
called_computation_lowered:
.L_overlay_start_0:
0x88: {  	s2 =	sld [smem:$0x3FD9]  }
0x89: {  	s3 =	sld [smem:$0x3FFE];
	_ =	sdelay $0x1  }
0x8a: {  	s1 =	srdreg.scid  }
0x8b: {  	s0 =	sand.u32 $0x1, s1  }
0x8c: {  	s17 =	sshll.u32 s0, $0xA;
	s2 =	sadd.s32 s3, s2  }
0x8d: {  	s2 =	sadd.s32 s2, s17  }
0x8e: {  	[smem:$0x3FC5] =	sst s2  }
0x8f: {  	_ = 	snop  }
0x90: {  	s2 =	sld [smem:$0x3FC9]  }
0x91: {  	s18 =	sld [smem:$0x3FC8];
	(tm) =	ssettm $0x1  }
0x92: {  	s4 =	sld [smem:$0x3FFB];
	_ =	sdelay $0x3  }
0x93: {  	_ =	strace s4  }
0x94: {  	s4 =	sld [smem:$0x3FFC];
	_ =	sdelay $0x3  }
0x95: {  	_ =	strace s4  }
0x96: {  	s4 =	sld [smem:$0x3FFD];
	_ =	sdelay $0x3  }
0x97: {  	_ =	strace s4  }
0x98: {  	_ =	strace $0x8FFFFFFF  }
0x99: {  	s19 =	sld [smem:$0x3FDB];
	_ =	sdelay $0x1  }
0x9a: {  	s5 =	simm.s32 $_scs_section_size  }
0x9b: {  	s6 =	simm.s32 $_size__tile_overlayer_lowered;
	s7 =	simm.s32 $_tile_overlayer_lowered  }
0x9c: {  	s22 =	simm.s32 $0x1BFF;
	s21 =	sshll.u32 s7, $0x1;
	s4 =	sadd.s32 s5, s19  }
0x9d: {  	s8 =	simm.s32 $0x0;
	s20 =	sshll.u32 s6, $0x1;
	s6 =	sadd.s32 s21, s4  }
0x9e: {  	[timem:s8], [sflag:s22] =	dma.local [hbm:s6], s20  }
0x9f: {  	_ =	swait.ge [sflag:s22], s20  }
0xa0: {  	s5 =	ssub.s32 $0x0, s20;
	[sflag:s22] =	ssyncset.done $0x0  }
0xa1: {  	[sflag:s22] =	ssyncadd.s32 s5;
	_ =	sdelay $0x1  }
0xa2: {  	s23 =	simm.s32 $0x1B8B  }
0xa3: {  	_ =	swait.ge [sflag:s23], $0x1  }
0xa4: {  	[sflag:s23] =	ssyncset.done $0x0  }
0xa5: {  	s25 =	simm.s32 $0x1B8E;
	s24 =	sld [smem:$0x3FFE];
	[sflag:s23] =	ssyncadd.s32 $0xFFFFFFFF  }
0xa6: {  	s26 =	simm.s32 $execute0_lowered;
	[smem:$0x3FD2] =	sst s25  }
0xa7: {  	s6 =	sshll.u32 s26, $0x1;
	_ =	strace $0x80000046;
	[dreg:$0x1] =	wrdreg $0xFFFFFFFF  }
0xa8: {  	s28 =	simm.s32 $_size_execute0_lowered;
	s4 =	sadd.s32 s4, s6;
	[dreg:$0x0] =	wrdreg $0x0  }
0xa9: {  	s6 =	sshll.u32 s28, $0x1;
	[dreg:$0x2] =	wrdreg s4  }
0xaa: {  	[dreg:$0x3] =	wrdreg s6  }
0xab: {  	[dreg:$0x4] =	wrdreg $0xC0  }
0xac: {  	_ =	task [dreg:s8], $0x5FFFF  }
0xad: {  	[dreg:$0x1] =	wrdreg $0xFFFFFFFF  }
0xae: {  	[dreg:$0x0] =	wrdreg $0x60  }
0xaf: {  	[dreg:$0x2] =	wrdreg s2  }
0xb0: {  	[dreg:$0x3] =	wrdreg s18  }
0xb1: {  	[dreg:$0x4] =	wrdreg s24  }
0xb2: {  	[dreg:$0x5] =	wrdreg $0x9  }
0xb3: {  	_ =	task.clear_ibuf [dreg:s8], $0x6FFFF;
	_ =	strace $0x90000046  }
0xb4: {  	s29 =	simm.s32 $0x9;
	_ =	strace $0x80000048  }
0xb5: {  	_ =	swait.ge [sflag:s29], $0x1  }
0xb6: {  	[sflag:s29] =	ssyncadd.s32 $0xFFFFFFFF  }
0xb7: {  	_ =	strace $0x90000048  }
0xb8: {  	_ =	sfence  }
0xb9: {  	s30 =	sld [smem:$0x0];
	_ =	sdelay $0x2  }
0xba: {  	s31 =	sshll.u32 s1, $0xD;
	s1 =	sshrl.u32 s1, $0x2  }
0xbb: {  	s3 =	sand.u32 $0x4000, s31;
	s1 =	sadd.s32 s1, s30  }
0xbc: {  	s0 =	sor.u32 s3, s0;
	s1 =	sshll.u32 s1, $0x11  }
0xbd: {  	s0 =	sor.u32 s1, s0  }
0xbe: {  	s0 =	sadd.s32 $0x8F2B, s0  }
0xbf: {  	[sflag:s0] =	ssyncadd.remote.s32 $0x1  }
0xc0: {  	_ =	sfence.sel $0xFFFF  }
0xc1: {  	[dreg:$0x0] =	wrdreg $0xFFFFFFFF;
	(pc) =	sbr.abs _section_cstart, $3  }
0xc2: {  	[dreg:$0x1] =	wrdreg $0xFFFFFFFF  }
0xc3: {  	_ =	task.clear_ibuf [dreg:s8], $0x2FFFF;
	_ =	strace $0x9FFFFFFF  }
0xc4: {  	(tm) =	ssettm $0x7FFFFFFF  }
0xc5: {  	_ =	shalt  }
tec
execute0_lowered:
.L_overlay_start_1:
0x0: {  	(tag) =	ssettag $0x1  }
0x1: {  	s4 =	rddreg [dreg:$0x0]  }
0x2: {  	s5 =	rddreg [dreg:$0x1]  }
0x3: {  	s6 =	rddreg [dreg:$0x2];
	s2 =	simm.s32 $0x0  }
0x4: {  	s3 =	srdreg.scid;
	s0 =	stileid.u32;
	s11 =	simm.s32 $0x1  }
0x5: {  	s12 =	simm.s32 $0x400;
	s13 =	simm.s32 $0x0;
	s7 =	sand.u32 $0x1, s3  }
0x6: {  	[smem:$0x7FF] =	sst s2;
	s8 =	sshll.u32 s0, $0xA;
	s9 =	sshll.u32 s7, $0x9  }
0x7: {  	s3 =	sadd.s32 $0xA00, s6;
	s7 =	ssub.s32 $0x2, s7;
	s8 =	sor.u32 s9, s8  }
0x8: {  	_ =	strace $0x80000047;
	s10 =	sshrl.u32 s7, $0x1;
	s9 =	sshll.u32 s8, $0x4  }
0x9: {  	s8 =	sshrl.u32 s8, $0x3;
	s10 =	ssub.s32 s7, s10;
	s9 =	sadd.s32 s9, s6  }
0xa: {  	s4 =	sadd.s32 s4, s8;
	s5 =	sadd.s32 s5, s8;
	s8 =	smax.u32 s10, $0x1  }
0xb: {  	s6 =	sadd.s32 $0xF42E00, s9;
	s7 =	sadd.s32 $0xF82E00, s9;
	s9 =	simm.s32 $0x2  }
.LBB2_1:
0xc: {  	[tilespmem:s2], [sflag:$0x2] =	stream.linear.gather [hbm4b:s4+s2], $0x200, $0x38;
	[tilespmem:$0x10400] =	vst v63  }
0xd: {  	_ =	swait.ge [sflag:s9], $0x200  }
0xe: {  	[sflag:s9] =	ssyncset.done $0x0  }
0xf: {  	s0 =	simm.s32 $0x200;
	[sflag:s9] =	ssyncadd.s32 $0xFFFFFE00  }
0x10: {  	[tilespmem:s0], [sflag:$0x2] =	stream.linear.gather [hbm4b:s5+s2], $0x200, $0x38;
	[tilespmem:$0x10400] =	vst v63  }
0x11: {  	_ =	swait.ge [sflag:s9], $0x200  }
0x12: {  	[sflag:s9] =	ssyncset.done $0x0  }
0x13: {  	s14 =	simm.s32 $0x20;
	[sflag:s9] =	ssyncadd.s32 $0xFFFFFE00  }
0x14: {  	v0 =	vld [tilespmem:s14+$0xFFFFFFE0];
	_ =	sdelay $0x4  }
0x15: {  	v0 =	vshll.u32 v0, $0x4  }
0x16: {  	(v2sf) =	vpush v0, $0x1  }
0x17: {  	(v2sf) =	vpush v0, $0x0  }
0x18: {  	(v2sf) =	vpush v0, $0x2  }
0x19: {  	(v2sf) =	vpush v0, $0x3;
	_ =	sdelay $0x1  }
0x1a: {  	(v2sf) =	vpush v0, $0x4;
	_ =	sdelay $0x1  }
0x1b: {  	(v2sf) =	vpush v0, $0x5;
	_ =	sdelay $0x1  }
0x1c: {  	(v2sf) =	vpush v0, $0x6;
	_ =	sdelay $0x1  }
0x1d: {  	(v2sf) =	vpush v0, $0x7  }
0x1e: {  	s16 =	simm.s32 $0xA00;
	s15 =	simm.s32 $0xA80  }
0x1f: {  	s18 =	simm.s32 $0x400;
	s19 =	simm.s32 $0x480;
	s17 =	simm.s32 $0x980  }
0x20: {  	s20 =	simm.s32 $0x880;
	s21 =	simm.s32 $0x900;
	s23 =	simm.s32 $0x500  }
0x21: {  	s25 =	simm.s32 $0x800;
	s29 =	simm.s32 $0x780;
	s22 =	spop (v2sf);
	(v2sf) =	vpush v0, $0x8  }
0x22: {  	s10 =	simm.s32 $0x600;
	s0 =	simm.s32 $0x580;
	s24 =	spop (v2sf)  }
0x23: {  	s22 =	sand.u32 $0x1FFFFFF0, s22;
	(v2sf) =	vpush v0, $0x9;
	s24 =	sand.u32 $0x1FFFFFF0, s24;
	s26 =	spop (v2sf)  }
0x24: {  	s24 =	sadd.s32 s3, s24;
	s26 =	sand.u32 $0x1FFFFFF0, s26;
	s28 =	spop (v2sf)  }
0x25: {  	(v2sf) =	vpush v0, $0xA;
	[tilespmem:s18], [sflag:$0x1] =	stream.linear.gather [hbm4b:s24+s2], $0x80, $0x38;
	[tilespmem:$0x10400] =	vst v63  }
0x26: {  	s28 =	sand.u32 $0x1FFFFFF0, s28;
	s30 =	spop (v2sf);
	s24 =	sadd.s32 s3, s22  }
0x27: {  	(v2sf) =	vpush v0, $0xB;
	[tilespmem:s19], [sflag:$0x1] =	stream.linear.gather [hbm4b:s24+s2], $0x80, $0x38;
	[tilespmem:$0x10400] =	vst v63  }
0x28: {  	s31 =	sadd.s32 s3, s26;
	s22 =	sand.u32 $0x1FFFFFF0, s30;
	s30 =	spop (v2sf)  }
0x29: {  	(v2sf) =	vpush v0, $0xC;
	[tilespmem:s23], [sflag:$0x1] =	stream.linear.gather [hbm4b:s31+s2], $0x80, $0x38;
	[tilespmem:$0x10400] =	vst v63  }
0x2a: {  	s1 =	sadd.s32 s3, s28;
	s24 =	sand.u32 $0x1FFFFFF0, s30;
	s28 =	spop (v2sf)  }
0x2b: {  	(v2sf) =	vpush v0, $0xD;
	[tilespmem:s0], [sflag:$0x1] =	stream.linear.gather [hbm4b:s1+s2], $0x80, $0x38;
	[tilespmem:$0x10400] =	vst v63  }
0x2c: {  	s30 =	sadd.s32 s3, s22;
	s26 =	spop (v2sf);
	s0 =	sand.u32 $0x1FFFFFF0, s28  }
0x2d: {  	(v2sf) =	vpush v0, $0xE;
	[tilespmem:s10], [sflag:$0x1] =	stream.linear.gather [hbm4b:s30+s2], $0x80, $0x38;
	[tilespmem:$0x10400] =	vst v63  }
0x2e: {  	s31 =	simm.s32 $0x680;
	s1 =	sadd.s32 s3, s24;
	s28 =	sadd.s32 s3, s0  }
0x2f: {  	(v2sf) =	vpush v0, $0xF;
	[tilespmem:s31], [sflag:$0x1] =	stream.linear.gather [hbm4b:s1+s2], $0x80, $0x38;
	[tilespmem:$0x10400] =	vst v63  }
0x30: {  	s10 =	simm.s32 $0x700;
	s30 =	sand.u32 $0x1FFFFFF0, s26;
	s31 =	spop (v2sf)  }
0x31: {  	[tilespmem:s10], [sflag:$0x1] =	stream.linear.gather [hbm4b:s28+s2], $0x80, $0x38;
	[tilespmem:$0x10400] =	vst v63  }
0x32: {  	s0 =	sadd.s32 s3, s30;
	s1 =	sand.u32 $0x1FFFFFF0, s31;
	s10 =	spop (v2sf)  }
0x33: {  	[tilespmem:s29], [sflag:$0x1] =	stream.linear.gather [hbm4b:s0+s2], $0x80, $0x38;
	[tilespmem:$0x10400] =	vst v63  }
0x34: {  	s19 =	sadd.s32 s3, s1;
	s23 =	sand.u32 $0x1FFFFFF0, s10;
	s24 =	spop (v2sf)  }
0x35: {  	[tilespmem:s25], [sflag:$0x1] =	stream.linear.gather [hbm4b:s19+s2], $0x80, $0x38;
	[tilespmem:$0x10400] =	vst v63  }
0x36: {  	s26 =	sand.u32 $0x1FFFFFF0, s24;
	s28 =	spop (v2sf);
	s25 =	sadd.s32 s3, s23  }
0x37: {  	[tilespmem:s20], [sflag:$0x1] =	stream.linear.gather [hbm4b:s25+s2], $0x80, $0x38;
	[tilespmem:$0x10400] =	vst v63  }
0x38: {  	s29 =	sadd.s32 s3, s26;
	s30 =	sand.u32 $0x1FFFFFF0, s28;
	s31 =	spop (v2sf)  }
0x39: {  	[tilespmem:s21], [sflag:$0x1] =	stream.linear.gather [hbm4b:s29+s2], $0x80, $0x38;
	[tilespmem:$0x10400] =	vst v63  }
0x3a: {  	s0 =	sadd.s32 s3, s30;
	s1 =	sand.u32 $0x1FFFFFF0, s31;
	s10 =	spop (v2sf)  }
0x3b: {  	[tilespmem:s17], [sflag:$0x1] =	stream.linear.gather [hbm4b:s0+s2], $0x80, $0x38;
	[tilespmem:$0x10400] =	vst v63  }
0x3c: {  	s19 =	sadd.s32 s3, s1;
	s20 =	sand.u32 $0x1FFFFFF0, s10;
	s21 =	spop (v2sf)  }
0x3d: {  	[tilespmem:s16], [sflag:$0x1] =	stream.linear.gather [hbm4b:s19+s2], $0x80, $0x38;
	[tilespmem:$0x10400] =	vst v63  }
0x3e: {  	s22 =	sadd.s32 s3, s20;
	s23 =	sand.u32 $0x1FFFFFF0, s21;
	s24 =	spop (v2sf)  }
0x3f: {  	[tilespmem:s15], [sflag:$0x1] =	stream.linear.gather [hbm4b:s22+s2], $0x80, $0x38;
	[tilespmem:$0x10400] =	vst v63  }
0x40: {  	s25 =	simm.s32 $0xB00;
	s26 =	sadd.s32 s3, s23;
	s28 =	sand.u32 $0x1FFFFFF0, s24  }
0x41: {  	[tilespmem:s25], [sflag:$0x1] =	stream.linear.gather [hbm4b:s26+s2], $0x80, $0x38;
	[tilespmem:$0x10400] =	vst v63  }
0x42: {  	s29 =	simm.s32 $0xB80;
	s30 =	sadd.s32 s3, s28  }
0x43: {  	[tilespmem:s29], [sflag:$0x1] =	stream.linear.gather [hbm4b:s30+s2], $0x80, $0x38;
	[tilespmem:$0x10400] =	vst v63  }
0x44: {  	v61 =	vld [tilespmem:s14+$0xFFFFFFF0];
	_ =	sdelay $0x4  }
0x45: {  	v0 =	vshll.u32 v61, $0x4  }
0x46: {  	(v2sf) =	vpush v0, $0x0  }
0x47: {  	(v2sf) =	vpush v0, $0x1  }
0x48: {  	(v2sf) =	vpush v0, $0x2;
	_ =	sdelay $0x1  }
0x49: {  	(v2sf) =	vpush v0, $0x3;
	_ =	sdelay $0x1  }
0x4a: {  	(v2sf) =	vpush v0, $0x4;
	_ =	sdelay $0x1  }
0x4b: {  	(v2sf) =	vpush v0, $0x5;
	_ =	sdelay $0x1  }
0x4c: {  	(v2sf) =	vpush v0, $0x6  }
0x4d: {  	s18 =	simm.s32 $0x1100;
	s20 =	simm.s32 $0xF00  }
0x4e: {  	s21 =	simm.s32 $0xF80;
	s17 =	simm.s32 $0x1180;
	s23 =	simm.s32 $0xD80;
	(v2sf) =	vpush v0, $0x7  }
0x4f: {  	s24 =	simm.s32 $0xE00;
	s0 =	simm.s32 $0xC00;
	s28 =	simm.s32 $0xD00  }
0x50: {  	s16 =	simm.s32 $0x1200;
	s19 =	simm.s32 $0x1080;
	s15 =	simm.s32 $0x1280;
	(v2sf) =	vpush v0, $0x8  }
0x51: {  	s22 =	simm.s32 $0x1000;
	s25 =	simm.s32 $0xE80;
	s31 =	spop (v2sf)  }
0x52: {  	s26 =	simm.s32 $0xC80;
	s29 =	sand.u32 $0x1FFFFFF0, s31;
	s31 =	spop (v2sf);
	(v2sf) =	vpush v0, $0x9  }
0x53: {  	s29 =	sadd.s32 s3, s29;
	s31 =	sand.u32 $0x1FFFFFF0, s31;
	s1 =	spop (v2sf)  }
0x54: {  	(v2sf) =	vpush v0, $0xA;
	[tilespmem:s0], [sflag:$0x1] =	stream.linear.gather [hbm4b:s29+s2], $0x80, $0x38;
	[tilespmem:$0x10400] =	vst v63  }
0x55: {  	s10 =	sadd.s32 s3, s31;
	s0 =	sand.u32 $0x1FFFFFF0, s1;
	s31 =	spop (v2sf)  }
0x56: {  	(v2sf) =	vpush v0, $0xB;
	[tilespmem:s26], [sflag:$0x1] =	stream.linear.gather [hbm4b:s10+s2], $0x80, $0x38;
	[tilespmem:$0x10400] =	vst v63  }
0x57: {  	s0 =	sadd.s32 s3, s0;
	s1 =	sand.u32 $0x1FFFFFF0, s31;
	s10 =	spop (v2sf)  }
0x58: {  	(v2sf) =	vpush v0, $0xC;
	[tilespmem:s28], [sflag:$0x1] =	stream.linear.gather [hbm4b:s0+s2], $0x80, $0x38;
	[tilespmem:$0x10400] =	vst v63  }
0x59: {  	s26 =	sadd.s32 s3, s1;
	s29 =	sand.u32 $0x1FFFFFF0, s10;
	s30 =	spop (v2sf)  }
0x5a: {  	(v2sf) =	vpush v0, $0xD;
	[tilespmem:s23], [sflag:$0x1] =	stream.linear.gather [hbm4b:s26+s2], $0x80, $0x38;
	[tilespmem:$0x10400] =	vst v63  }
0x5b: {  	s31 =	sadd.s32 s3, s29;
	s1 =	sand.u32 $0x1FFFFFF0, s30;
	s10 =	spop (v2sf)  }
0x5c: {  	(v2sf) =	vpush v0, $0xE;
	[tilespmem:s24], [sflag:$0x1] =	stream.linear.gather [hbm4b:s31+s2], $0x80, $0x38;
	[tilespmem:$0x10400] =	vst v63  }
0x5d: {  	s23 =	sadd.s32 s3, s1;
	s26 =	spop (v2sf);
	s24 =	sand.u32 $0x1FFFFFF0, s10  }
0x5e: {  	(v2sf) =	vpush v0, $0xF;
	[tilespmem:s25], [sflag:$0x1] =	stream.linear.gather [hbm4b:s23+s2], $0x80, $0x38;
	[tilespmem:$0x10400] =	vst v63  }
0x5f: {  	s29 =	sand.u32 $0x1FFFFFF0, s26;
	s30 =	spop (v2sf);
	s28 =	sadd.s32 s3, s24  }
0x60: {  	[tilespmem:s20], [sflag:$0x1] =	stream.linear.gather [hbm4b:s28+s2], $0x80, $0x38;
	[tilespmem:$0x10400] =	vst v63  }
0x61: {  	s31 =	sadd.s32 s3, s29;
	s1 =	sand.u32 $0x1FFFFFF0, s30;
	s10 =	spop (v2sf)  }
0x62: {  	[tilespmem:s21], [sflag:$0x1] =	stream.linear.gather [hbm4b:s31+s2], $0x80, $0x38;
	[tilespmem:$0x10400] =	vst v63  }
0x63: {  	s20 =	sadd.s32 s3, s1;
	s21 =	sand.u32 $0x1FFFFFF0, s10;
	s23 =	spop (v2sf)  }
0x64: {  	[tilespmem:s22], [sflag:$0x1] =	stream.linear.gather [hbm4b:s20+s2], $0x80, $0x38;
	[tilespmem:$0x10400] =	vst v63  }
0x65: {  	s24 =	sadd.s32 s3, s21;
	s25 =	sand.u32 $0x1FFFFFF0, s23;
	s26 =	spop (v2sf)  }
0x66: {  	[tilespmem:s19], [sflag:$0x1] =	stream.linear.gather [hbm4b:s24+s2], $0x80, $0x38;
	[tilespmem:$0x10400] =	vst v63  }
0x67: {  	s28 =	sadd.s32 s3, s25;
	s29 =	sand.u32 $0x1FFFFFF0, s26;
	s30 =	spop (v2sf)  }
0x68: {  	[tilespmem:s18], [sflag:$0x1] =	stream.linear.gather [hbm4b:s28+s2], $0x80, $0x38;
	[tilespmem:$0x10400] =	vst v63  }
0x69: {  	s31 =	sadd.s32 s3, s29;
	s1 =	sand.u32 $0x1FFFFFF0, s30;
	s10 =	spop (v2sf)  }
0x6a: {  	[tilespmem:s17], [sflag:$0x1] =	stream.linear.gather [hbm4b:s31+s2], $0x80, $0x38;
	[tilespmem:$0x10400] =	vst v63  }
0x6b: {  	s20 =	sand.u32 $0x1FFFFFF0, s10;
	s21 =	spop (v2sf);
	s18 =	sadd.s32 s3, s1  }
0x6c: {  	[tilespmem:s16], [sflag:$0x1] =	stream.linear.gather [hbm4b:s18+s2], $0x80, $0x38;
	[tilespmem:$0x10400] =	vst v63  }
0x6d: {  	s22 =	sadd.s32 s3, s20;
	s23 =	sand.u32 $0x1FFFFFF0, s21;
	s24 =	spop (v2sf)  }
0x6e: {  	[tilespmem:s15], [sflag:$0x1] =	stream.linear.gather [hbm4b:s22+s2], $0x80, $0x38;
	[tilespmem:$0x10400] =	vst v63  }
0x6f: {  	s25 =	simm.s32 $0x1300;
	s26 =	sadd.s32 s3, s23;
	s28 =	sand.u32 $0x1FFFFFF0, s24  }
0x70: {  	[tilespmem:s25], [sflag:$0x1] =	stream.linear.gather [hbm4b:s26+s2], $0x80, $0x38;
	[tilespmem:$0x10400] =	vst v63  }
0x71: {  	s29 =	simm.s32 $0x1380;
	s30 =	sadd.s32 s3, s28  }
0x72: {  	[tilespmem:s29], [sflag:$0x1] =	stream.linear.gather [hbm4b:s30+s2], $0x80, $0x38;
	[tilespmem:$0x10400] =	vst v63  }
0x73: {  	v62 =	vld [tilespmem:s14+$0x0];
	_ =	sdelay $0x4  }
0x74: {  	v0 =	vshll.u32 v62, $0x4  }
0x75: {  	(v2sf) =	vpush v0, $0x0  }
0x76: {  	(v2sf) =	vpush v0, $0x1  }
0x77: {  	(v2sf) =	vpush v0, $0x2;
	_ =	sdelay $0x1  }
0x78: {  	(v2sf) =	vpush v0, $0x3;
	_ =	sdelay $0x1  }
0x79: {  	(v2sf) =	vpush v0, $0x4;
	_ =	sdelay $0x1  }
0x7a: {  	(v2sf) =	vpush v0, $0x5;
	_ =	sdelay $0x1  }
0x7b: {  	(v2sf) =	vpush v0, $0x6  }
0x7c: {  	s0 =	simm.s32 $0x1700;
	s19 =	simm.s32 $0x1880  }
0x7d: {  	s20 =	simm.s32 $0x1780;
	s21 =	simm.s32 $0x1800;
	s23 =	simm.s32 $0x1600;
	(v2sf) =	vpush v0, $0x7  }
0x7e: {  	s17 =	simm.s32 $0x1980;
	s24 =	simm.s32 $0x1680;
	s16 =	simm.s32 $0x1A00  }
0x7f: {  	s18 =	simm.s32 $0x1900;
	s15 =	simm.s32 $0x1A80;
	s22 =	simm.s32 $0x1580;
	(v2sf) =	vpush v0, $0x8  }
0x80: {  	s25 =	simm.s32 $0x1480;
	s26 =	simm.s32 $0x1500;
	s31 =	spop (v2sf)  }
0x81: {  	s29 =	simm.s32 $0x1400;
	s28 =	sand.u32 $0x1FFFFFF0, s31;
	s1 =	spop (v2sf);
	(v2sf) =	vpush v0, $0x9  }
0x82: {  	s28 =	sadd.s32 s3, s28;
	s30 =	sand.u32 $0x1FFFFFF0, s1;
	s10 =	spop (v2sf)  }
0x83: {  	(v2sf) =	vpush v0, $0xA;
	[tilespmem:s29], [sflag:$0x1] =	stream.linear.gather [hbm4b:s28+s2], $0x80, $0x38;
	[tilespmem:$0x10400] =	vst v63  }
0x84: {  	s28 =	sadd.s32 s3, s30;
	s1 =	sand.u32 $0x1FFFFFF0, s10;
	s10 =	spop (v2sf)  }
0x85: {  	(v2sf) =	vpush v0, $0xB;
	[tilespmem:s25], [sflag:$0x1] =	stream.linear.gather [hbm4b:s28+s2], $0x80, $0x38;
	[tilespmem:$0x10400] =	vst v63  }
0x86: {  	s31 =	sadd.s32 s3, s1;
	s1 =	sand.u32 $0x1FFFFFF0, s10;
	s10 =	spop (v2sf)  }
0x87: {  	(v2sf) =	vpush v0, $0xC;
	[tilespmem:s26], [sflag:$0x1] =	stream.linear.gather [hbm4b:s31+s2], $0x80, $0x38;
	[tilespmem:$0x10400] =	vst v63  }
0x88: {  	s29 =	sand.u32 $0x1FFFFFF0, s10;
	s30 =	spop (v2sf);
	s26 =	sadd.s32 s3, s1  }
0x89: {  	(v2sf) =	vpush v0, $0xD;
	[tilespmem:s22], [sflag:$0x1] =	stream.linear.gather [hbm4b:s26+s2], $0x80, $0x38;
	[tilespmem:$0x10400] =	vst v63  }
0x8a: {  	s10 =	spop (v2sf);
	s31 =	sadd.s32 s3, s29;
	s1 =	sand.u32 $0x1FFFFFF0, s30  }
0x8b: {  	(v2sf) =	vpush v0, $0xE;
	[tilespmem:s23], [sflag:$0x1] =	stream.linear.gather [hbm4b:s31+s2], $0x80, $0x38;
	[tilespmem:$0x10400] =	vst v63  }
0x8c: {  	s25 =	sand.u32 $0x1FFFFFF0, s10;
	s26 =	spop (v2sf);
	s23 =	sadd.s32 s3, s1  }
0x8d: {  	(v2sf) =	vpush v0, $0xF;
	[tilespmem:s24], [sflag:$0x1] =	stream.linear.gather [hbm4b:s23+s2], $0x80, $0x38;
	[tilespmem:$0x10400] =	vst v63  }
0x8e: {  	s28 =	sadd.s32 s3, s25;
	s29 =	sand.u32 $0x1FFFFFF0, s26;
	s30 =	spop (v2sf)  }
0x8f: {  	[tilespmem:s0], [sflag:$0x1] =	stream.linear.gather [hbm4b:s28+s2], $0x80, $0x38;
	[tilespmem:$0x10400] =	vst v63  }
0x90: {  	s31 =	sadd.s32 s3, s29;
	s1 =	sand.u32 $0x1FFFFFF0, s30;
	s10 =	spop (v2sf)  }
0x91: {  	[tilespmem:s20], [sflag:$0x1] =	stream.linear.gather [hbm4b:s31+s2], $0x80, $0x38;
	[tilespmem:$0x10400] =	vst v63  }
0x92: {  	s20 =	sadd.s32 s3, s1;
	s22 =	sand.u32 $0x1FFFFFF0, s10;
	s23 =	spop (v2sf)  }
0x93: {  	[tilespmem:s21], [sflag:$0x1] =	stream.linear.gather [hbm4b:s20+s2], $0x80, $0x38;
	[tilespmem:$0x10400] =	vst v63  }
0x94: {  	s24 =	sadd.s32 s3, s22;
	s25 =	sand.u32 $0x1FFFFFF0, s23;
	s26 =	spop (v2sf)  }
0x95: {  	[tilespmem:s19], [sflag:$0x1] =	stream.linear.gather [hbm4b:s24+s2], $0x80, $0x38;
	[tilespmem:$0x10400] =	vst v63  }
0x96: {  	s28 =	sadd.s32 s3, s25;
	s29 =	sand.u32 $0x1FFFFFF0, s26;
	s30 =	spop (v2sf)  }
0x97: {  	[tilespmem:s18], [sflag:$0x1] =	stream.linear.gather [hbm4b:s28+s2], $0x80, $0x38;
	[tilespmem:$0x10400] =	vst v63  }
0x98: {  	s31 =	sadd.s32 s3, s29;
	s1 =	sand.u32 $0x1FFFFFF0, s30;
	s10 =	spop (v2sf)  }
0x99: {  	[tilespmem:s17], [sflag:$0x1] =	stream.linear.gather [hbm4b:s31+s2], $0x80, $0x38;
	[tilespmem:$0x10400] =	vst v63  }
0x9a: {  	s19 =	sand.u32 $0x1FFFFFF0, s10;
	s20 =	spop (v2sf);
	s18 =	sadd.s32 s3, s1  }
0x9b: {  	[tilespmem:s16], [sflag:$0x1] =	stream.linear.gather [hbm4b:s18+s2], $0x80, $0x38;
	[tilespmem:$0x10400] =	vst v63  }
0x9c: {  	s21 =	sadd.s32 s3, s19;
	s22 =	sand.u32 $0x1FFFFFF0, s20;
	s23 =	spop (v2sf)  }
0x9d: {  	[tilespmem:s15], [sflag:$0x1] =	stream.linear.gather [hbm4b:s21+s2], $0x80, $0x38;
	[tilespmem:$0x10400] =	vst v63  }
0x9e: {  	s24 =	simm.s32 $0x1B00;
	s25 =	sadd.s32 s3, s22;
	s26 =	sand.u32 $0x1FFFFFF0, s23  }
0x9f: {  	[tilespmem:s24], [sflag:$0x1] =	stream.linear.gather [hbm4b:s25+s2], $0x80, $0x38;
	[tilespmem:$0x10400] =	vst v63  }
0xa0: {  	s28 =	simm.s32 $0x1B80;
	s29 =	sadd.s32 s3, s26  }
0xa1: {  	[tilespmem:s28], [sflag:$0x1] =	stream.linear.gather [hbm4b:s29+s2], $0x80, $0x38;
	[tilespmem:$0x10400] =	vst v63  }
0xa2: {  	v63 =	vld [tilespmem:s14+$0x10];
	_ =	sdelay $0x4  }
0xa3: {  	v0 =	vshll.u32 v63, $0x4  }
0xa4: {  	(v2sf) =	vpush v0, $0x0  }
0xa5: {  	(v2sf) =	vpush v0, $0x1  }
0xa6: {  	(v2sf) =	vpush v0, $0x2;
	_ =	sdelay $0x1  }
0xa7: {  	(v2sf) =	vpush v0, $0x3  }
0xa8: {  	(v2sf) =	vpush v0, $0x4;
	_ =	sdelay $0x1  }
0xa9: {  	(v2sf) =	vpush v0, $0x5;
	_ =	sdelay $0x1  }
0xaa: {  	(v2sf) =	vpush v0, $0x6;
	_ =	sdelay $0x1  }
0xab: {  	(v2sf) =	vpush v0, $0x7  }
0xac: {  	s0 =	simm.s32 $0x2080;
	s19 =	simm.s32 $0x1F80  }
0xad: {  	s20 =	simm.s32 $0x2000;
	s22 =	simm.s32 $0x1E00;
	s17 =	simm.s32 $0x2280;
	(v2sf) =	vpush v0, $0x8  }
0xae: {  	s23 =	simm.s32 $0x1E80;
	s31 =	simm.s32 $0x1C00;
	s18 =	simm.s32 $0x2200  }
0xaf: {  	s16 =	simm.s32 $0x1F00;
	s15 =	simm.s32 $0x0;
	s30 =	spop (v2sf);
	(v2sf) =	vpush v0, $0x9  }
0xb0: {  	s21 =	simm.s32 $0x1D80;
	s26 =	sand.u32 $0x1FFFFFF0, s30;
	s1 =	spop (v2sf)  }
0xb1: {  	s24 =	simm.s32 $0x1C80;
	s26 =	sadd.s32 s3, s26;
	s10 =	spop (v2sf)  }
0xb2: {  	(v2sf) =	vpush v0, $0xA;
	[tilespmem:s31], [sflag:$0x1] =	stream.linear.gather [hbm4b:s26+s2], $0x80, $0x38;
	[tilespmem:$0x10400] =	vst v63  }
0xb3: {  	s29 =	sand.u32 $0x1FFFFFF0, s1;
	s1 =	sand.u32 $0x1FFFFFF0, s10;
	s10 =	spop (v2sf)  }
0xb4: {  	s25 =	simm.s32 $0x1D00;
	s31 =	sadd.s32 s3, s29;
	s30 =	spop (v2sf)  }
0xb5: {  	(v2sf) =	vpush v0, $0xB;
	[tilespmem:s24], [sflag:$0x1] =	stream.linear.gather [hbm4b:s31+s2], $0x80, $0x38;
	[tilespmem:$0x10400] =	vst v63  }
0xb6: {  	s26 =	sadd.s32 s3, s1;
	s29 =	sand.u32 $0x1FFFFFF0, s10;
	s10 =	spop (v2sf)  }
0xb7: {  	(v2sf) =	vpush v0, $0xC;
	[tilespmem:s25], [sflag:$0x1] =	stream.linear.gather [hbm4b:s26+s2], $0x80, $0x38;
	[tilespmem:$0x10400] =	vst v63  }
0xb8: {  	s31 =	sadd.s32 s3, s29;
	s1 =	sand.u32 $0x1FFFFFF0, s30;
	s30 =	spop (v2sf)  }
0xb9: {  	(v2sf) =	vpush v0, $0xD;
	[tilespmem:s21], [sflag:$0x1] =	stream.linear.gather [hbm4b:s31+s2], $0x80, $0x38;
	[tilespmem:$0x10400] =	vst v63  }
0xba: {  	s28 =	sadd.s32 s3, s1;
	s29 =	sand.u32 $0x1FFFFFF0, s10;
	s10 =	spop (v2sf)  }
0xbb: {  	(v2sf) =	vpush v0, $0xE;
	[tilespmem:s22], [sflag:$0x1] =	stream.linear.gather [hbm4b:s28+s2], $0x80, $0x38;
	[tilespmem:$0x10400] =	vst v63  }
0xbc: {  	s14 =	simm.s32 $0x8000;
	s26 =	spop (v2sf);
	s31 =	sadd.s32 s3, s29  }
0xbd: {  	[tilespmem:s23], [sflag:$0x1] =	stream.linear.gather [hbm4b:s31+s2], $0x80, $0x38;
	[tilespmem:$0x10400] =	vst v63  }
0xbe: {  	s1 =	sand.u32 $0x1FFFFFF0, s30;
	s25 =	sand.u32 $0x1FFFFFF0, s10;
	s30 =	spop (v2sf);
	(v2sf) =	vpush v0, $0xF  }
0xbf: {  	s29 =	sand.u32 $0x1FFFFFF0, s26;
	s26 =	simm.s32 $0x2180;
	s23 =	sadd.s32 s3, s1  }
0xc0: {  	[tilespmem:s16], [sflag:$0x1] =	stream.linear.gather [hbm4b:s23+s2], $0x80, $0x38;
	[tilespmem:$0x10400] =	vst v63  }
0xc1: {  	s28 =	sadd.s32 s3, s25;
	s31 =	sadd.s32 s3, s29;
	s10 =	spop (v2sf)  }
0xc2: {  	[tilespmem:s19], [sflag:$0x1] =	stream.linear.gather [hbm4b:s28+s2], $0x80, $0x38;
	[tilespmem:$0x10400] =	vst v63  }
0xc3: {  	s23 =	simm.s32 $0x2100;
	s16 =	simm.s32 $0x60;
	s21 =	sand.u32 $0x1FFFFFF0, s10  }
0xc4: {  	s1 =	sand.u32 $0x1FFFFFF0, s30;
	s22 =	spop (v2sf);
	s24 =	sadd.s32 s3, s21  }
0xc5: {  	[tilespmem:s20], [sflag:$0x1] =	stream.linear.gather [hbm4b:s31+s2], $0x80, $0x38;
	[tilespmem:$0x10400] =	vst v63  }
0xc6: {  	s25 =	sand.u32 $0x1FFFFFF0, s22;
	s28 =	spop (v2sf);
	s20 =	sadd.s32 s3, s1  }
0xc7: {  	[tilespmem:s0], [sflag:$0x1] =	stream.linear.gather [hbm4b:s20+s2], $0x80, $0x38;
	[tilespmem:$0x10400] =	vst v63  }
0xc8: {  	s29 =	sadd.s32 s3, s25;
	s30 =	sand.u32 $0x1FFFFFF0, s28;
	s31 =	spop (v2sf)  }
0xc9: {  	[tilespmem:s23], [sflag:$0x1] =	stream.linear.gather [hbm4b:s24+s2], $0x80, $0x38;
	[tilespmem:$0x10400] =	vst v63  }
0xca: {  	s21 =	sadd.s32 s3, s30;
	s19 =	sand.u32 $0x1FFFFFF0, s31;
	s20 =	spop (v2sf)  }
0xcb: {  	[tilespmem:s26], [sflag:$0x1] =	stream.linear.gather [hbm4b:s29+s2], $0x80, $0x38;
	[tilespmem:$0x10400] =	vst v63  }
.LBB2_2:
0xcc: {  	[tilespmem:s18], [sflag:$0x1] =	stream.linear.gather [hbm4b:s21+s2], $0x80, $0x38;
	[tilespmem:$0x10400] =	vst v63  }
0xcd: {  	s0 =	sadd.s32 s3, s19;
	s18 =	sand.u32 $0x1FFFFFF0, s20;
	s19 =	spop (v2sf)  }
0xce: {  	[tilespmem:s17], [sflag:$0x1] =	stream.linear.gather [hbm4b:s0+s2], $0x80, $0x38;
	[tilespmem:$0x10400] =	vst v63  }
0xcf: {  	s0 =	sadd.s32 $0x2300, s15;
	s17 =	sadd.s32 s3, s18;
	s18 =	sand.u32 $0x1FFFFFF0, s19  }
0xd0: {  	[tilespmem:s0], [sflag:$0x1] =	stream.linear.gather [hbm4b:s17+s2], $0x80, $0x38;
	[tilespmem:$0x10400] =	vst v63  }
0xd1: {  	p0 =	sne.s32 s14, $0x38000;
	s0 =	sadd.s32 $0x2380, s15;
	s15 =	sadd.s32 s3, s18  }
0xd2: {  	[tilespmem:s0], [sflag:$0x1] =	stream.linear.gather [hbm4b:s15+s2], $0x80, $0x38;
	[tilespmem:$0x10400] =	vst v63  }
0xd3: {  	s0 =	smov.u32 s14;
	s14 =	sadd.s32 $0x8000, s14;
	v0 =	vld [tilespmem:s16+$0xFFFFFFE0];
	_ =	sdelay $0x4  }
0xd4: {  	v0 =	vshll.u32 v0, $0x4  }
0xd5: {  	(v2sf) =	vpush v0, $0x1  }
0xd6: {  	(v2sf) =	vpush v0, $0x0  }
0xd7: {  	(v2sf) =	vpush v0, $0x2  }
0xd8: {  	(v2sf) =	vpush v0, $0x3  }
0xd9: {  	(v2sf) =	vpush v0, $0x4;
	_ =	sdelay $0x1  }
0xda: {  	(v2sf) =	vpush v0, $0x5;
	_ =	sdelay $0x3  }
0xdb: {  	(v2sf) =	vpush v0, $0x6;
	_ =	sdelay $0x1  }
0xdc: {  	s15 =	sshra.s32 s0, $0x2  }
0xdd: {  	s18 =	sadd.s32 $0xA00, s15;
	s17 =	sadd.s32 $0xA80, s15  }
0xde: {  	s0 =	sadd.s32 $0x400, s15;
	s23 =	sadd.s32 $0x480, s15;
	s19 =	sadd.s32 $0x980, s15;
	(v2sf) =	vpush v0, $0x7  }
0xdf: {  	s21 =	sadd.s32 $0x880, s15;
	s20 =	sadd.s32 $0x900, s15;
	s22 =	spop (v2sf)  }
0xe0: {  	s25 =	sadd.s32 $0x500, s15;
	s24 =	sand.u32 $0x1FFFFFF0, s22;
	s22 =	spop (v2sf);
	(v2sf) =	vpush v0, $0x8  }
0xe1: {  	s26 =	sand.u32 $0x1FFFFFF0, s22;
	s22 =	sadd.s32 $0x800, s15;
	s28 =	spop (v2sf)  }
0xe2: {  	s26 =	sadd.s32 s3, s26;
	s28 =	sand.u32 $0x1FFFFFF0, s28;
	s29 =	spop (v2sf);
	(v2sf) =	vpush v0, $0x9  }
0xe3: {  	s30 =	sadd.s32 $0x780, s15;
	s29 =	sand.u32 $0x1FFFFFF0, s29;
	s31 =	spop (v2sf)  }
0xe4: {  	[tilespmem:s0], [sflag:$0x1] =	stream.linear.gather [hbm4b:s26+s2], $0x80, $0x38;
	(v2sf) =	vpush v0, $0xA;
	[tilespmem:$0x10400] =	vst v63  }
0xe5: {  	s0 =	sadd.s32 s3, s24;
	s24 =	sand.u32 $0x1FFFFFF0, s31;
	s26 =	spop (v2sf)  }
0xe6: {  	[tilespmem:s23], [sflag:$0x1] =	stream.linear.gather [hbm4b:s0+s2], $0x80, $0x38;
	(v2sf) =	vpush v0, $0xB;
	[tilespmem:$0x10400] =	vst v63  }
0xe7: {  	s0 =	sadd.s32 s3, s28;
	s23 =	sadd.s32 $0x580, s15;
	s26 =	sand.u32 $0x1FFFFFF0, s26  }
0xe8: {  	[tilespmem:s25], [sflag:$0x1] =	stream.linear.gather [hbm4b:s0+s2], $0x80, $0x38;
	(v2sf) =	vpush v0, $0xC;
	[tilespmem:$0x10400] =	vst v63  }
0xe9: {  	s0 =	sadd.s32 s3, s29;
	s25 =	sadd.s32 $0x600, s15;
	s28 =	spop (v2sf)  }
0xea: {  	[tilespmem:s23], [sflag:$0x1] =	stream.linear.gather [hbm4b:s0+s2], $0x80, $0x38;
	(v2sf) =	vpush v0, $0xD;
	[tilespmem:$0x10400] =	vst v63  }
0xeb: {  	s0 =	sadd.s32 s3, s24;
	s23 =	sadd.s32 $0x680, s15;
	s24 =	sand.u32 $0x1FFFFFF0, s28  }
0xec: {  	[tilespmem:s25], [sflag:$0x1] =	stream.linear.gather [hbm4b:s0+s2], $0x80, $0x38;
	(v2sf) =	vpush v0, $0xE;
	[tilespmem:$0x10400] =	vst v63  }
0xed: {  	s0 =	sadd.s32 s3, s26;
	s25 =	sadd.s32 $0x700, s15;
	s26 =	spop (v2sf)  }
0xee: {  	[tilespmem:s23], [sflag:$0x1] =	stream.linear.gather [hbm4b:s0+s2], $0x80, $0x38;
	(v2sf) =	vpush v0, $0xF;
	[tilespmem:$0x10400] =	vst v63  }
0xef: {  	s0 =	sadd.s32 s3, s24;
	s23 =	sand.u32 $0x1FFFFFF0, s26;
	s24 =	spop (v2sf)  }
0xf0: {  	[tilespmem:s25], [sflag:$0x1] =	stream.linear.gather [hbm4b:s0+s2], $0x80, $0x38;
	[tilespmem:$0x10400] =	vst v63  }
0xf1: {  	s0 =	sadd.s32 s3, s23;
	s23 =	sand.u32 $0x1FFFFFF0, s24;
	s24 =	spop (v2sf)  }
0xf2: {  	[tilespmem:s30], [sflag:$0x1] =	stream.linear.gather [hbm4b:s0+s2], $0x80, $0x38;
	[tilespmem:$0x10400] =	vst v63  }
0xf3: {  	s0 =	sadd.s32 s3, s23;
	s23 =	sand.u32 $0x1FFFFFF0, s24;
	s24 =	spop (v2sf)  }
0xf4: {  	[tilespmem:s22], [sflag:$0x1] =	stream.linear.gather [hbm4b:s0+s2], $0x80, $0x38;
	[tilespmem:$0x10400] =	vst v63  }
0xf5: {  	s0 =	sadd.s32 s3, s23;
	s22 =	sand.u32 $0x1FFFFFF0, s24;
	s23 =	spop (v2sf)  }
0xf6: {  	[tilespmem:s21], [sflag:$0x1] =	stream.linear.gather [hbm4b:s0+s2], $0x80, $0x38;
	[tilespmem:$0x10400] =	vst v63  }
0xf7: {  	s0 =	sadd.s32 s3, s22;
	s21 =	sand.u32 $0x1FFFFFF0, s23;
	s22 =	spop (v2sf)  }
0xf8: {  	[tilespmem:s20], [sflag:$0x1] =	stream.linear.gather [hbm4b:s0+s2], $0x80, $0x38;
	[tilespmem:$0x10400] =	vst v63  }
0xf9: {  	s0 =	sadd.s32 s3, s21;
	s20 =	sand.u32 $0x1FFFFFF0, s22;
	s21 =	spop (v2sf)  }
0xfa: {  	[tilespmem:s19], [sflag:$0x1] =	stream.linear.gather [hbm4b:s0+s2], $0x80, $0x38;
	[tilespmem:$0x10400] =	vst v63  }
0xfb: {  	s0 =	sadd.s32 s3, s20;
	s19 =	sand.u32 $0x1FFFFFF0, s21;
	s20 =	spop (v2sf)  }
0xfc: {  	[tilespmem:s18], [sflag:$0x1] =	stream.linear.gather [hbm4b:s0+s2], $0x80, $0x38;
	[tilespmem:$0x10400] =	vst v63  }
0xfd: {  	s0 =	sadd.s32 s3, s19;
	s18 =	sand.u32 $0x1FFFFFF0, s20;
	s19 =	spop (v2sf)  }
0xfe: {  	[tilespmem:s17], [sflag:$0x1] =	stream.linear.gather [hbm4b:s0+s2], $0x80, $0x38;
	[tilespmem:$0x10400] =	vst v63  }
0xff: {  	s0 =	sadd.s32 $0xB00, s15;
	s17 =	sadd.s32 s3, s18;
	s18 =	sand.u32 $0x1FFFFFF0, s19  }
0x100: {  	[tilespmem:s0], [sflag:$0x1] =	stream.linear.gather [hbm4b:s17+s2], $0x80, $0x38;
	[tilespmem:$0x10400] =	vst v63  }
0x101: {  	s0 =	sadd.s32 $0xB80, s15;
	s17 =	sadd.s32 s3, s18  }
0x102: {  	[tilespmem:s0], [sflag:$0x1] =	stream.linear.gather [hbm4b:s17+s2], $0x80, $0x38;
	[tilespmem:$0x10400] =	vst v63  }
0x103: {  	v0 =	vld [tilespmem:s16+$0xFFFFFFF0];
	_ =	sdelay $0x4  }
0x104: {  	v0 =	vshll.u32 v0, $0x4  }
0x105: {  	(v2sf) =	vpush v0, $0x0  }
0x106: {  	(v2sf) =	vpush v0, $0x1  }
0x107: {  	(v2sf) =	vpush v0, $0x2;
	_ =	sdelay $0x1  }
0x108: {  	(v2sf) =	vpush v0, $0x3;
	_ =	sdelay $0x1  }
0x109: {  	(v2sf) =	vpush v0, $0x4;
	_ =	sdelay $0x1  }
0x10a: {  	(v2sf) =	vpush v0, $0x5;
	_ =	sdelay $0x1  }
0x10b: {  	(v2sf) =	vpush v0, $0x6  }
0x10c: {  	s18 =	sadd.s32 $0x1200, s15;
	s17 =	sadd.s32 $0x1280, s15  }
0x10d: {  	s21 =	sadd.s32 $0x1080, s15;
	s20 =	sadd.s32 $0x1100, s15;
	s19 =	sadd.s32 $0x1180, s15;
	(v2sf) =	vpush v0, $0x7  }
0x10e: {  	s24 =	sadd.s32 $0xF00, s15;
	s23 =	sadd.s32 $0xF80, s15;
	s22 =	sadd.s32 $0x1000, s15  }
0x10f: {  	s26 =	sadd.s32 $0xE80, s15;
	s25 =	sadd.s32 $0xE00, s15;
	s0 =	sadd.s32 $0xD80, s15;
	(v2sf) =	vpush v0, $0x8  }
0x110: {  	s29 =	sadd.s32 $0xD00, s15;
	s28 =	sadd.s32 $0xC80, s15;
	s30 =	spop (v2sf)  }
0x111: {  	s31 =	sadd.s32 $0xC00, s15;
	s30 =	sand.u32 $0x1FFFFFF0, s30;
	s1 =	spop (v2sf);
	(v2sf) =	vpush v0, $0x9  }
0x112: {  	s30 =	sadd.s32 s3, s30;
	s1 =	sand.u32 $0x1FFFFFF0, s1;
	s10 =	spop (v2sf)  }
0x113: {  	[tilespmem:s31], [sflag:$0x1] =	stream.linear.gather [hbm4b:s30+s2], $0x80, $0x38;
	(v2sf) =	vpush v0, $0xA;
	[tilespmem:$0x10400] =	vst v63  }
0x114: {  	s1 =	sadd.s32 s3, s1;
	s10 =	sand.u32 $0x1FFFFFF0, s10;
	s30 =	spop (v2sf)  }
0x115: {  	[tilespmem:s28], [sflag:$0x1] =	stream.linear.gather [hbm4b:s1+s2], $0x80, $0x38;
	(v2sf) =	vpush v0, $0xB;
	[tilespmem:$0x10400] =	vst v63  }
0x116: {  	s1 =	sadd.s32 s3, s10;
	s10 =	sand.u32 $0x1FFFFFF0, s30;
	s28 =	spop (v2sf)  }
0x117: {  	[tilespmem:s29], [sflag:$0x1] =	stream.linear.gather [hbm4b:s1+s2], $0x80, $0x38;
	(v2sf) =	vpush v0, $0xC;
	[tilespmem:$0x10400] =	vst v63  }
0x118: {  	s1 =	sadd.s32 s3, s10;
	s10 =	sand.u32 $0x1FFFFFF0, s28;
	s28 =	spop (v2sf)  }
0x119: {  	[tilespmem:s0], [sflag:$0x1] =	stream.linear.gather [hbm4b:s1+s2], $0x80, $0x38;
	(v2sf) =	vpush v0, $0xD;
	[tilespmem:$0x10400] =	vst v63  }
0x11a: {  	s0 =	sadd.s32 s3, s10;
	s1 =	sand.u32 $0x1FFFFFF0, s28;
	s10 =	spop (v2sf)  }
0x11b: {  	[tilespmem:s25], [sflag:$0x1] =	stream.linear.gather [hbm4b:s0+s2], $0x80, $0x38;
	(v2sf) =	vpush v0, $0xE;
	[tilespmem:$0x10400] =	vst v63  }
0x11c: {  	s0 =	sadd.s32 s3, s1;
	s1 =	sand.u32 $0x1FFFFFF0, s10;
	s10 =	spop (v2sf)  }
0x11d: {  	[tilespmem:s26], [sflag:$0x1] =	stream.linear.gather [hbm4b:s0+s2], $0x80, $0x38;
	(v2sf) =	vpush v0, $0xF;
	[tilespmem:$0x10400] =	vst v63  }
0x11e: {  	s0 =	sadd.s32 s3, s1;
	s1 =	sand.u32 $0x1FFFFFF0, s10;
	s10 =	spop (v2sf)  }
0x11f: {  	[tilespmem:s24], [sflag:$0x1] =	stream.linear.gather [hbm4b:s0+s2], $0x80, $0x38;
	[tilespmem:$0x10400] =	vst v63  }
0x120: {  	s0 =	sadd.s32 s3, s1;
	s1 =	sand.u32 $0x1FFFFFF0, s10;
	s10 =	spop (v2sf)  }
0x121: {  	[tilespmem:s23], [sflag:$0x1] =	stream.linear.gather [hbm4b:s0+s2], $0x80, $0x38;
	[tilespmem:$0x10400] =	vst v63  }
0x122: {  	s0 =	sadd.s32 s3, s1;
	s1 =	sand.u32 $0x1FFFFFF0, s10;
	s10 =	spop (v2sf)  }
0x123: {  	[tilespmem:s22], [sflag:$0x1] =	stream.linear.gather [hbm4b:s0+s2], $0x80, $0x38;
	[tilespmem:$0x10400] =	vst v63  }
0x124: {  	s0 =	sadd.s32 s3, s1;
	s1 =	sand.u32 $0x1FFFFFF0, s10;
	s10 =	spop (v2sf)  }
0x125: {  	[tilespmem:s21], [sflag:$0x1] =	stream.linear.gather [hbm4b:s0+s2], $0x80, $0x38;
	[tilespmem:$0x10400] =	vst v63  }
0x126: {  	s0 =	sadd.s32 s3, s1;
	s1 =	sand.u32 $0x1FFFFFF0, s10;
	s10 =	spop (v2sf)  }
0x127: {  	[tilespmem:s20], [sflag:$0x1] =	stream.linear.gather [hbm4b:s0+s2], $0x80, $0x38;
	[tilespmem:$0x10400] =	vst v63  }
0x128: {  	s0 =	sadd.s32 s3, s1;
	s1 =	sand.u32 $0x1FFFFFF0, s10;
	s10 =	spop (v2sf)  }
0x129: {  	[tilespmem:s19], [sflag:$0x1] =	stream.linear.gather [hbm4b:s0+s2], $0x80, $0x38;
	[tilespmem:$0x10400] =	vst v63  }
0x12a: {  	s0 =	sadd.s32 s3, s1;
	s1 =	sand.u32 $0x1FFFFFF0, s10;
	s10 =	spop (v2sf)  }
0x12b: {  	[tilespmem:s18], [sflag:$0x1] =	stream.linear.gather [hbm4b:s0+s2], $0x80, $0x38;
	[tilespmem:$0x10400] =	vst v63  }
0x12c: {  	s0 =	sadd.s32 s3, s1;
	s1 =	sand.u32 $0x1FFFFFF0, s10;
	s10 =	spop (v2sf)  }
0x12d: {  	[tilespmem:s17], [sflag:$0x1] =	stream.linear.gather [hbm4b:s0+s2], $0x80, $0x38;
	[tilespmem:$0x10400] =	vst v63  }
0x12e: {  	s1 =	sadd.s32 s3, s1;
	s0 =	sadd.s32 $0x1300, s15;
	s10 =	sand.u32 $0x1FFFFFF0, s10  }
0x12f: {  	[tilespmem:s0], [sflag:$0x1] =	stream.linear.gather [hbm4b:s1+s2], $0x80, $0x38;
	[tilespmem:$0x10400] =	vst v63  }
0x130: {  	s0 =	sadd.s32 $0x1380, s15;
	s1 =	sadd.s32 s3, s10  }
0x131: {  	[tilespmem:s0], [sflag:$0x1] =	stream.linear.gather [hbm4b:s1+s2], $0x80, $0x38;
	[tilespmem:$0x10400] =	vst v63  }
0x132: {  	v0 =	vld [tilespmem:s16+$0x0];
	_ =	sdelay $0x4  }
0x133: {  	v0 =	vshll.u32 v0, $0x4  }
0x134: {  	(v2sf) =	vpush v0, $0x0  }
0x135: {  	(v2sf) =	vpush v0, $0x1  }
0x136: {  	(v2sf) =	vpush v0, $0x2;
	_ =	sdelay $0x1  }
0x137: {  	(v2sf) =	vpush v0, $0x3;
	_ =	sdelay $0x1  }
0x138: {  	(v2sf) =	vpush v0, $0x4;
	_ =	sdelay $0x1  }
0x139: {  	(v2sf) =	vpush v0, $0x5;
	_ =	sdelay $0x1  }
0x13a: {  	(v2sf) =	vpush v0, $0x6  }
0x13b: {  	s18 =	sadd.s32 $0x1A00, s15;
	s17 =	sadd.s32 $0x1A80, s15  }
0x13c: {  	s21 =	sadd.s32 $0x1880, s15;
	s20 =	sadd.s32 $0x1900, s15;
	s19 =	sadd.s32 $0x1980, s15;
	(v2sf) =	vpush v0, $0x7  }
0x13d: {  	s24 =	sadd.s32 $0x1700, s15;
	s23 =	sadd.s32 $0x1780, s15;
	s22 =	sadd.s32 $0x1800, s15  }
0x13e: {  	s10 =	sadd.s32 $0x1680, s15;
	s0 =	sadd.s32 $0x1580, s15;
	s1 =	sadd.s32 $0x1600, s15;
	(v2sf) =	vpush v0, $0x8  }
0x13f: {  	s25 =	sadd.s32 $0x1480, s15;
	s26 =	sadd.s32 $0x1500, s15;
	s28 =	spop (v2sf)  }
0x140: {  	s29 =	sadd.s32 $0x1400, s15;
	s28 =	sand.u32 $0x1FFFFFF0, s28;
	s30 =	spop (v2sf);
	(v2sf) =	vpush v0, $0x9  }
0x141: {  	s28 =	sadd.s32 s3, s28;
	s30 =	sand.u32 $0x1FFFFFF0, s30;
	s31 =	spop (v2sf)  }
0x142: {  	[tilespmem:s29], [sflag:$0x1] =	stream.linear.gather [hbm4b:s28+s2], $0x80, $0x38;
	(v2sf) =	vpush v0, $0xA;
	[tilespmem:$0x10400] =	vst v63  }
0x143: {  	s28 =	sadd.s32 s3, s30;
	s29 =	sand.u32 $0x1FFFFFF0, s31;
	s30 =	spop (v2sf)  }
0x144: {  	[tilespmem:s25], [sflag:$0x1] =	stream.linear.gather [hbm4b:s28+s2], $0x80, $0x38;
	(v2sf) =	vpush v0, $0xB;
	[tilespmem:$0x10400] =	vst v63  }
0x145: {  	s25 =	sadd.s32 s3, s29;
	s28 =	sand.u32 $0x1FFFFFF0, s30;
	s29 =	spop (v2sf)  }
0x146: {  	[tilespmem:s26], [sflag:$0x1] =	stream.linear.gather [hbm4b:s25+s2], $0x80, $0x38;
	(v2sf) =	vpush v0, $0xC;
	[tilespmem:$0x10400] =	vst v63  }
0x147: {  	s25 =	sadd.s32 s3, s28;
	s26 =	sand.u32 $0x1FFFFFF0, s29;
	s28 =	spop (v2sf)  }
0x148: {  	[tilespmem:s0], [sflag:$0x1] =	stream.linear.gather [hbm4b:s25+s2], $0x80, $0x38;
	(v2sf) =	vpush v0, $0xD;
	[tilespmem:$0x10400] =	vst v63  }
0x149: {  	s0 =	sadd.s32 s3, s26;
	s25 =	sand.u32 $0x1FFFFFF0, s28;
	s26 =	spop (v2sf)  }
0x14a: {  	[tilespmem:s1], [sflag:$0x1] =	stream.linear.gather [hbm4b:s0+s2], $0x80, $0x38;
	(v2sf) =	vpush v0, $0xE;
	[tilespmem:$0x10400] =	vst v63  }
0x14b: {  	s0 =	sadd.s32 s3, s25;
	s1 =	sand.u32 $0x1FFFFFF0, s26;
	s25 =	spop (v2sf)  }
0x14c: {  	[tilespmem:s10], [sflag:$0x1] =	stream.linear.gather [hbm4b:s0+s2], $0x80, $0x38;
	(v2sf) =	vpush v0, $0xF;
	[tilespmem:$0x10400] =	vst v63  }
0x14d: {  	s0 =	sadd.s32 s3, s1;
	s1 =	sand.u32 $0x1FFFFFF0, s25;
	s10 =	spop (v2sf)  }
0x14e: {  	[tilespmem:s24], [sflag:$0x1] =	stream.linear.gather [hbm4b:s0+s2], $0x80, $0x38;
	[tilespmem:$0x10400] =	vst v63  }
0x14f: {  	s0 =	sadd.s32 s3, s1;
	s1 =	sand.u32 $0x1FFFFFF0, s10;
	s10 =	spop (v2sf)  }
0x150: {  	[tilespmem:s23], [sflag:$0x1] =	stream.linear.gather [hbm4b:s0+s2], $0x80, $0x38;
	[tilespmem:$0x10400] =	vst v63  }
0x151: {  	s0 =	sadd.s32 s3, s1;
	s1 =	sand.u32 $0x1FFFFFF0, s10;
	s10 =	spop (v2sf)  }
0x152: {  	[tilespmem:s22], [sflag:$0x1] =	stream.linear.gather [hbm4b:s0+s2], $0x80, $0x38;
	[tilespmem:$0x10400] =	vst v63  }
0x153: {  	s0 =	sadd.s32 s3, s1;
	s1 =	sand.u32 $0x1FFFFFF0, s10;
	s10 =	spop (v2sf)  }
0x154: {  	[tilespmem:s21], [sflag:$0x1] =	stream.linear.gather [hbm4b:s0+s2], $0x80, $0x38;
	[tilespmem:$0x10400] =	vst v63  }
0x155: {  	s0 =	sadd.s32 s3, s1;
	s1 =	sand.u32 $0x1FFFFFF0, s10;
	s10 =	spop (v2sf)  }
0x156: {  	[tilespmem:s20], [sflag:$0x1] =	stream.linear.gather [hbm4b:s0+s2], $0x80, $0x38;
	[tilespmem:$0x10400] =	vst v63  }
0x157: {  	s0 =	sadd.s32 s3, s1;
	s1 =	sand.u32 $0x1FFFFFF0, s10;
	s10 =	spop (v2sf)  }
0x158: {  	[tilespmem:s19], [sflag:$0x1] =	stream.linear.gather [hbm4b:s0+s2], $0x80, $0x38;
	[tilespmem:$0x10400] =	vst v63  }
0x159: {  	s0 =	sadd.s32 s3, s1;
	s1 =	sand.u32 $0x1FFFFFF0, s10;
	s10 =	spop (v2sf)  }
0x15a: {  	[tilespmem:s18], [sflag:$0x1] =	stream.linear.gather [hbm4b:s0+s2], $0x80, $0x38;
	[tilespmem:$0x10400] =	vst v63  }
0x15b: {  	s0 =	sadd.s32 s3, s1;
	s1 =	sand.u32 $0x1FFFFFF0, s10;
	s10 =	spop (v2sf)  }
0x15c: {  	[tilespmem:s17], [sflag:$0x1] =	stream.linear.gather [hbm4b:s0+s2], $0x80, $0x38;
	[tilespmem:$0x10400] =	vst v63  }
0x15d: {  	s1 =	sadd.s32 s3, s1;
	s0 =	sadd.s32 $0x1B00, s15;
	s10 =	sand.u32 $0x1FFFFFF0, s10  }
0x15e: {  	[tilespmem:s0], [sflag:$0x1] =	stream.linear.gather [hbm4b:s1+s2], $0x80, $0x38;
	[tilespmem:$0x10400] =	vst v63  }
0x15f: {  	s0 =	sadd.s32 $0x1B80, s15;
	s1 =	sadd.s32 s3, s10  }
0x160: {  	[tilespmem:s0], [sflag:$0x1] =	stream.linear.gather [hbm4b:s1+s2], $0x80, $0x38;
	[tilespmem:$0x10400] =	vst v63  }
0x161: {  	v0 =	vld [tilespmem:s16+$0x10];
	_ =	sdelay $0x4  }
0x162: {  	v0 =	vshll.u32 v0, $0x4  }
0x163: {  	(v2sf) =	vpush v0, $0x0  }
0x164: {  	(v2sf) =	vpush v0, $0x1  }
0x165: {  	(v2sf) =	vpush v0, $0x2;
	_ =	sdelay $0x1  }
0x166: {  	(v2sf) =	vpush v0, $0x3;
	_ =	sdelay $0x1  }
0x167: {  	(v2sf) =	vpush v0, $0x4;
	_ =	sdelay $0x1  }
0x168: {  	(v2sf) =	vpush v0, $0x5;
	_ =	sdelay $0x1  }
0x169: {  	(v2sf) =	vpush v0, $0x6  }
0x16a: {  	s18 =	sadd.s32 $0x2200, s15;
	s17 =	sadd.s32 $0x2280, s15;
	s16 =	sadd.s32 $0x40, s16  }
0x16b: {  	s21 =	sadd.s32 $0x2080, s15;
	s20 =	sadd.s32 $0x2100, s15;
	s19 =	sadd.s32 $0x2180, s15;
	(v2sf) =	vpush v0, $0x7  }
0x16c: {  	s24 =	sadd.s32 $0x1F00, s15;
	s23 =	sadd.s32 $0x1F80, s15;
	s22 =	sadd.s32 $0x2000, s15  }
0x16d: {  	s10 =	sadd.s32 $0x1E80, s15;
	s0 =	sadd.s32 $0x1D80, s15;
	s1 =	sadd.s32 $0x1E00, s15;
	(v2sf) =	vpush v0, $0x8  }
0x16e: {  	s26 =	sadd.s32 $0x1D00, s15;
	s25 =	sadd.s32 $0x1C80, s15;
	s28 =	spop (v2sf)  }
0x16f: {  	s29 =	sadd.s32 $0x1C00, s15;
	s28 =	sand.u32 $0x1FFFFFF0, s28;
	s30 =	spop (v2sf);
	(v2sf) =	vpush v0, $0x9  }
0x170: {  	s28 =	sadd.s32 s3, s28;
	s30 =	sand.u32 $0x1FFFFFF0, s30;
	s31 =	spop (v2sf)  }
0x171: {  	[tilespmem:s29], [sflag:$0x1] =	stream.linear.gather [hbm4b:s28+s2], $0x80, $0x38;
	(v2sf) =	vpush v0, $0xA;
	[tilespmem:$0x10400] =	vst v63  }
0x172: {  	s28 =	sadd.s32 s3, s30;
	s29 =	sand.u32 $0x1FFFFFF0, s31;
	s30 =	spop (v2sf)  }
0x173: {  	[tilespmem:s25], [sflag:$0x1] =	stream.linear.gather [hbm4b:s28+s2], $0x80, $0x38;
	(v2sf) =	vpush v0, $0xB;
	[tilespmem:$0x10400] =	vst v63  }
0x174: {  	s25 =	sadd.s32 s3, s29;
	s28 =	sand.u32 $0x1FFFFFF0, s30;
	s29 =	spop (v2sf)  }
0x175: {  	[tilespmem:s26], [sflag:$0x1] =	stream.linear.gather [hbm4b:s25+s2], $0x80, $0x38;
	(v2sf) =	vpush v0, $0xC;
	[tilespmem:$0x10400] =	vst v63  }
0x176: {  	s25 =	sadd.s32 s3, s28;
	s26 =	sand.u32 $0x1FFFFFF0, s29;
	s28 =	spop (v2sf)  }
0x177: {  	[tilespmem:s0], [sflag:$0x1] =	stream.linear.gather [hbm4b:s25+s2], $0x80, $0x38;
	(v2sf) =	vpush v0, $0xD;
	[tilespmem:$0x10400] =	vst v63  }
0x178: {  	s0 =	sadd.s32 s3, s26;
	s25 =	sand.u32 $0x1FFFFFF0, s28;
	s26 =	spop (v2sf)  }
0x179: {  	[tilespmem:s1], [sflag:$0x1] =	stream.linear.gather [hbm4b:s0+s2], $0x80, $0x38;
	(v2sf) =	vpush v0, $0xE;
	[tilespmem:$0x10400] =	vst v63  }
0x17a: {  	s0 =	sadd.s32 s3, s25;
	s1 =	sand.u32 $0x1FFFFFF0, s26;
	s25 =	spop (v2sf)  }
0x17b: {  	[tilespmem:s10], [sflag:$0x1] =	stream.linear.gather [hbm4b:s0+s2], $0x80, $0x38;
	(v2sf) =	vpush v0, $0xF;
	[tilespmem:$0x10400] =	vst v63  }
0x17c: {  	s0 =	sadd.s32 s3, s1;
	s1 =	sand.u32 $0x1FFFFFF0, s25;
	s10 =	spop (v2sf)  }
0x17d: {  	[tilespmem:s24], [sflag:$0x1] =	stream.linear.gather [hbm4b:s0+s2], $0x80, $0x38;
	[tilespmem:$0x10400] =	vst v63  }
0x17e: {  	s0 =	sadd.s32 s3, s1;
	s1 =	sand.u32 $0x1FFFFFF0, s10;
	s10 =	spop (v2sf)  }
0x17f: {  	[tilespmem:s23], [sflag:$0x1] =	stream.linear.gather [hbm4b:s0+s2], $0x80, $0x38;
	[tilespmem:$0x10400] =	vst v63  }
0x180: {  	s0 =	sadd.s32 s3, s1;
	s1 =	sand.u32 $0x1FFFFFF0, s10;
	s10 =	spop (v2sf)  }
0x181: {  	[tilespmem:s22], [sflag:$0x1] =	stream.linear.gather [hbm4b:s0+s2], $0x80, $0x38;
	[tilespmem:$0x10400] =	vst v63  }
0x182: {  	s0 =	sadd.s32 s3, s1;
	s1 =	sand.u32 $0x1FFFFFF0, s10;
	s10 =	spop (v2sf)  }
0x183: {  	[tilespmem:s21], [sflag:$0x1] =	stream.linear.gather [hbm4b:s0+s2], $0x80, $0x38;
	[tilespmem:$0x10400] =	vst v63  }
0x184: {  	s0 =	sadd.s32 s3, s1  }
.Ltmp0:
0x185: {  	s1 =	sand.u32 $0x1FFFFFF0, s10;
	s10 =	spop (v2sf);
	(pc) =	sbr.rel @p0 .LBB2_2-.Ltmp0, $4  }
0x186: {  	[tilespmem:s20], [sflag:$0x1] =	stream.linear.gather [hbm4b:s0+s2], $0x80, $0x38;
	[tilespmem:$0x10400] =	vst v63  }
0x187: {  	s0 =	sadd.s32 s3, s1;
	s1 =	sand.u32 $0x1FFFFFF0, s10;
	s10 =	spop (v2sf)  }
0x188: {  	[tilespmem:s19], [sflag:$0x1] =	stream.linear.gather [hbm4b:s0+s2], $0x80, $0x38;
	[tilespmem:$0x10400] =	vst v63  }
0x189: {  	s21 =	sadd.s32 s3, s1;
	s19 =	sand.u32 $0x1FFFFFF0, s10;
	s20 =	spop (v2sf)  }
0x18a: {  	[tilespmem:s18], [sflag:$0x1] =	stream.linear.gather [hbm4b:s21+s2], $0x80, $0x38;
	[tilespmem:$0x10400] =	vst v63  }
0x18b: {  	s0 =	sadd.s32 s3, s19;
	s1 =	sand.u32 $0x1FFFFFF0, s20;
	s10 =	spop (v2sf)  }
0x18c: {  	[tilespmem:s17], [sflag:$0x1] =	stream.linear.gather [hbm4b:s0+s2], $0x80, $0x38;
	[tilespmem:$0x10400] =	vst v63  }
0x18d: {  	s26 =	sadd.s32 $0x2300, s15;
	s1 =	sadd.s32 s3, s1;
	s10 =	sand.u32 $0x1FFFFFF0, s10  }
0x18e: {  	[tilespmem:s26], [sflag:$0x1] =	stream.linear.gather [hbm4b:s1+s2], $0x80, $0x38;
	[tilespmem:$0x10400] =	vst v63  }
0x18f: {  	s28 =	sadd.s32 $0x2380, s15;
	s29 =	sadd.s32 s3, s10  }
0x190: {  	[tilespmem:s28], [sflag:$0x1] =	stream.linear.gather [hbm4b:s29+s2], $0x80, $0x38;
	[tilespmem:$0x10400] =	vst v63  }
0x191: {  	_ =	swait.ge [sflag:s11], $0x10000  }
0x192: {  	[sflag:s11] =	ssyncset.done $0x0  }
0x193: {  	s30 =	simm.s32 $0x0;
	[sflag:s11] =	ssyncadd.s32 $0xFFFF0000  }
0x194: {  	[hbm4b:s6+s30] =	stream.linear.scatter [tilespmem:s12], [sflag:$0x2], $0x10000, $0x38;
	[tilespmem:$0x10400] =	vst v63  }
0x195: {  	_ =	swait.ge [sflag:s9], $0x10000  }
0x196: {  	[sflag:s9] =	ssyncset.done $0x0  }
0x197: {  	s14 =	simm.s32 $0x220;
	[sflag:s9] =	ssyncadd.s32 $0xFFFF0000  }
0x198: {  	v0 =	vld [tilespmem:s14+$0xFFFFFFE0];
	_ =	sdelay $0x4  }
0x199: {  	v0 =	vshll.u32 v0, $0x4  }
0x19a: {  	(v2sf) =	vpush v0, $0x1  }
0x19b: {  	(v2sf) =	vpush v0, $0x0  }
0x19c: {  	(v2sf) =	vpush v0, $0x2  }
0x19d: {  	(v2sf) =	vpush v0, $0x3  }
0x19e: {  	(v2sf) =	vpush v0, $0x4;
	_ =	sdelay $0x3  }
0x19f: {  	(v2sf) =	vpush v0, $0x5;
	_ =	sdelay $0x1  }
0x1a0: {  	(v2sf) =	vpush v0, $0x6;
	_ =	sdelay $0x2  }
0x1a1: {  	s16 =	simm.s32 $0xA00;
	s15 =	simm.s32 $0xA80  }
0x1a2: {  	s31 =	simm.s32 $0x400;
	s18 =	simm.s32 $0x900;
	s20 =	simm.s32 $0x500;
	(v2sf) =	vpush v0, $0x7  }
0x1a3: {  	s22 =	simm.s32 $0x800;
	s25 =	simm.s32 $0x780;
	s28 =	spop (v2sf)  }
0x1a4: {  	s17 =	simm.s32 $0x980;
	s10 =	simm.s32 $0x880;
	(v2sf) =	vpush v0, $0x8;
	s29 =	spop (v2sf)  }
0x1a5: {  	s1 =	simm.s32 $0x480;
	s19 =	sand.u32 $0x1FFFFFF0, s28;
	s23 =	spop (v2sf)  }
0x1a6: {  	(v2sf) =	vpush v0, $0x9;
	s28 =	simm.s32 $0x580;
	s21 =	sand.u32 $0x1FFFFFF0, s29;
	s24 =	spop (v2sf)  }
0x1a7: {  	s30 =	sadd.s32 s3, s19;
	s21 =	sadd.s32 s3, s21;
	s26 =	spop (v2sf)  }
0x1a8: {  	(v2sf) =	vpush v0, $0xA;
	[tilespmem:s31], [sflag:$0x1] =	stream.linear.gather [hbm4b:s21+s2], $0x80, $0x38;
	[tilespmem:$0x10400] =	vst v63  }
0x1a9: {  	s23 =	sand.u32 $0x1FFFFFF0, s23;
	s24 =	sand.u32 $0x1FFFFFF0, s24;
	s19 =	sand.u32 $0x1FFFFFF0, s26  }
0x1aa: {  	(v2sf) =	vpush v0, $0xB;
	[tilespmem:s1], [sflag:$0x1] =	stream.linear.gather [hbm4b:s30+s2], $0x80, $0x38;
	[tilespmem:$0x10400] =	vst v63  }
0x1ab: {  	s31 =	spop (v2sf);
	s26 =	sadd.s32 s3, s23;
	s29 =	sadd.s32 s3, s24  }
0x1ac: {  	(v2sf) =	vpush v0, $0xC;
	[tilespmem:s20], [sflag:$0x1] =	stream.linear.gather [hbm4b:s26+s2], $0x80, $0x38;
	[tilespmem:$0x10400] =	vst v63  }
0x1ad: {  	s21 =	sand.u32 $0x1FFFFFF0, s31;
	s30 =	simm.s32 $0x600;
	s31 =	spop (v2sf)  }
0x1ae: {  	(v2sf) =	vpush v0, $0xD;
	[tilespmem:s28], [sflag:$0x1] =	stream.linear.gather [hbm4b:s29+s2], $0x80, $0x38;
	[tilespmem:$0x10400] =	vst v63  }
0x1af: {  	s1 =	sadd.s32 s3, s19;
	s19 =	simm.s32 $0x680;
	s23 =	sand.u32 $0x1FFFFFF0, s31  }
0x1b0: {  	(v2sf) =	vpush v0, $0xE;
	[tilespmem:s30], [sflag:$0x1] =	stream.linear.gather [hbm4b:s1+s2], $0x80, $0x38;
	[tilespmem:$0x10400] =	vst v63  }
0x1b1: {  	s24 =	sadd.s32 s3, s21;
	s26 =	simm.s32 $0x700;
	s28 =	spop (v2sf)  }
0x1b2: {  	(v2sf) =	vpush v0, $0xF;
	[tilespmem:s19], [sflag:$0x1] =	stream.linear.gather [hbm4b:s24+s2], $0x80, $0x38;
	[tilespmem:$0x10400] =	vst v63  }
0x1b3: {  	s29 =	sadd.s32 s3, s23;
	s31 =	spop (v2sf);
	s30 =	sand.u32 $0x1FFFFFF0, s28  }
0x1b4: {  	[tilespmem:s26], [sflag:$0x1] =	stream.linear.gather [hbm4b:s29+s2], $0x80, $0x38;
	[tilespmem:$0x10400] =	vst v63  }
0x1b5: {  	s1 =	sadd.s32 s3, s30;
	s19 =	sand.u32 $0x1FFFFFF0, s31;
	s20 =	spop (v2sf)  }
0x1b6: {  	[tilespmem:s25], [sflag:$0x1] =	stream.linear.gather [hbm4b:s1+s2], $0x80, $0x38;
	[tilespmem:$0x10400] =	vst v63  }
0x1b7: {  	s21 =	sadd.s32 s3, s19;
	s23 =	sand.u32 $0x1FFFFFF0, s20;
	s24 =	spop (v2sf)  }
0x1b8: {  	[tilespmem:s22], [sflag:$0x1] =	stream.linear.gather [hbm4b:s21+s2], $0x80, $0x38;
	[tilespmem:$0x10400] =	vst v63  }
0x1b9: {  	s25 =	sadd.s32 s3, s23;
	s26 =	sand.u32 $0x1FFFFFF0, s24;
	s28 =	spop (v2sf)  }
0x1ba: {  	[tilespmem:s10], [sflag:$0x1] =	stream.linear.gather [hbm4b:s25+s2], $0x80, $0x38;
	[tilespmem:$0x10400] =	vst v63  }
0x1bb: {  	s29 =	sadd.s32 s3, s26;
	s30 =	sand.u32 $0x1FFFFFF0, s28;
	s31 =	spop (v2sf)  }
0x1bc: {  	[tilespmem:s18], [sflag:$0x1] =	stream.linear.gather [hbm4b:s29+s2], $0x80, $0x38;
	[tilespmem:$0x10400] =	vst v63  }
0x1bd: {  	s1 =	sadd.s32 s3, s30;
	s19 =	spop (v2sf);
	s18 =	sand.u32 $0x1FFFFFF0, s31  }
0x1be: {  	[tilespmem:s17], [sflag:$0x1] =	stream.linear.gather [hbm4b:s1+s2], $0x80, $0x38;
	[tilespmem:$0x10400] =	vst v63  }
0x1bf: {  	s21 =	sand.u32 $0x1FFFFFF0, s19;
	s22 =	spop (v2sf);
	s20 =	sadd.s32 s3, s18  }
0x1c0: {  	[tilespmem:s16], [sflag:$0x1] =	stream.linear.gather [hbm4b:s20+s2], $0x80, $0x38;
	[tilespmem:$0x10400] =	vst v63  }
0x1c1: {  	s23 =	sadd.s32 s3, s21;
	s24 =	sand.u32 $0x1FFFFFF0, s22;
	s25 =	spop (v2sf)  }
0x1c2: {  	[tilespmem:s15], [sflag:$0x1] =	stream.linear.gather [hbm4b:s23+s2], $0x80, $0x38;
	[tilespmem:$0x10400] =	vst v63  }
0x1c3: {  	s26 =	simm.s32 $0xB00;
	s10 =	sand.u32 $0x1FFFFFF0, s25;
	s1 =	sadd.s32 s3, s24  }
0x1c4: {  	[tilespmem:s26], [sflag:$0x1] =	stream.linear.gather [hbm4b:s1+s2], $0x80, $0x38;
	[tilespmem:$0x10400] =	vst v63  }
0x1c5: {  	s28 =	simm.s32 $0xB80;
	s29 =	sadd.s32 s3, s10  }
0x1c6: {  	[tilespmem:s28], [sflag:$0x1] =	stream.linear.gather [hbm4b:s29+s2], $0x80, $0x38;
	[tilespmem:$0x10400] =	vst v63  }
0x1c7: {  	v61 =	vld [tilespmem:s14+$0xFFFFFFF0];
	_ =	sdelay $0x4  }
0x1c8: {  	v0 =	vshll.u32 v61, $0x4  }
0x1c9: {  	(v2sf) =	vpush v0, $0x0  }
0x1ca: {  	(v2sf) =	vpush v0, $0x1  }
0x1cb: {  	(v2sf) =	vpush v0, $0x2;
	_ =	sdelay $0x1  }
0x1cc: {  	(v2sf) =	vpush v0, $0x3;
	_ =	sdelay $0x1  }
0x1cd: {  	(v2sf) =	vpush v0, $0x4;
	_ =	sdelay $0x1  }
0x1ce: {  	(v2sf) =	vpush v0, $0x5;
	_ =	sdelay $0x1  }
0x1cf: {  	(v2sf) =	vpush v0, $0x6  }
0x1d0: {  	s0 =	simm.s32 $0xF00;
	s19 =	simm.s32 $0x1080  }
0x1d1: {  	s21 =	simm.s32 $0xE00;
	s22 =	simm.s32 $0xE80;
	s10 =	simm.s32 $0x1000;
	(v2sf) =	vpush v0, $0x7  }
0x1d2: {  	s31 =	simm.s32 $0xC00;
	s18 =	simm.s32 $0x1100;
	s17 =	simm.s32 $0x1180  }
0x1d3: {  	s24 =	simm.s32 $0xD00;
	s16 =	simm.s32 $0x1200;
	s20 =	simm.s32 $0xD80;
	(v2sf) =	vpush v0, $0x8  }
0x1d4: {  	s15 =	simm.s32 $0x1280;
	s23 =	simm.s32 $0xC80;
	s30 =	spop (v2sf)  }
0x1d5: {  	s1 =	simm.s32 $0xF80;
	s25 =	sand.u32 $0x1FFFFFF0, s30;
	s28 =	spop (v2sf);
	(v2sf) =	vpush v0, $0x9  }
0x1d6: {  	s25 =	sadd.s32 s3, s25;
	s28 =	sand.u32 $0x1FFFFFF0, s28;
	s29 =	spop (v2sf)  }
0x1d7: {  	(v2sf) =	vpush v0, $0xA;
	[tilespmem:s31], [sflag:$0x1] =	stream.linear.gather [hbm4b:s25+s2], $0x80, $0x38;
	[tilespmem:$0x10400] =	vst v63  }
0x1d8: {  	s26 =	sadd.s32 s3, s28;
	s30 =	sand.u32 $0x1FFFFFF0, s29;
	s31 =	spop (v2sf)  }
0x1d9: {  	(v2sf) =	vpush v0, $0xB;
	[tilespmem:s23], [sflag:$0x1] =	stream.linear.gather [hbm4b:s26+s2], $0x80, $0x38;
	[tilespmem:$0x10400] =	vst v63  }
0x1da: {  	s29 =	sadd.s32 s3, s30;
	s30 =	sand.u32 $0x1FFFFFF0, s31;
	s31 =	spop (v2sf)  }
0x1db: {  	(v2sf) =	vpush v0, $0xC;
	[tilespmem:s24], [sflag:$0x1] =	stream.linear.gather [hbm4b:s29+s2], $0x80, $0x38;
	[tilespmem:$0x10400] =	vst v63  }
0x1dc: {  	s25 =	sadd.s32 s3, s30;
	s26 =	sand.u32 $0x1FFFFFF0, s31;
	s28 =	spop (v2sf)  }
0x1dd: {  	(v2sf) =	vpush v0, $0xD;
	[tilespmem:s20], [sflag:$0x1] =	stream.linear.gather [hbm4b:s25+s2], $0x80, $0x38;
	[tilespmem:$0x10400] =	vst v63  }
0x1de: {  	s30 =	sand.u32 $0x1FFFFFF0, s28;
	s31 =	spop (v2sf);
	s29 =	sadd.s32 s3, s26  }
0x1df: {  	(v2sf) =	vpush v0, $0xE;
	[tilespmem:s21], [sflag:$0x1] =	stream.linear.gather [hbm4b:s29+s2], $0x80, $0x38;
	[tilespmem:$0x10400] =	vst v63  }
0x1e0: {  	s23 =	sand.u32 $0x1FFFFFF0, s31;
	s24 =	spop (v2sf);
	s21 =	sadd.s32 s3, s30  }
0x1e1: {  	(v2sf) =	vpush v0, $0xF;
	[tilespmem:s22], [sflag:$0x1] =	stream.linear.gather [hbm4b:s21+s2], $0x80, $0x38;
	[tilespmem:$0x10400] =	vst v63  }
0x1e2: {  	s26 =	sand.u32 $0x1FFFFFF0, s24;
	s28 =	spop (v2sf);
	s25 =	sadd.s32 s3, s23  }
0x1e3: {  	[tilespmem:s0], [sflag:$0x1] =	stream.linear.gather [hbm4b:s25+s2], $0x80, $0x38;
	[tilespmem:$0x10400] =	vst v63  }
0x1e4: {  	s29 =	sadd.s32 s3, s26;
	s30 =	sand.u32 $0x1FFFFFF0, s28;
	s31 =	spop (v2sf)  }
0x1e5: {  	[tilespmem:s1], [sflag:$0x1] =	stream.linear.gather [hbm4b:s29+s2], $0x80, $0x38;
	[tilespmem:$0x10400] =	vst v63  }
0x1e6: {  	s22 =	sadd.s32 s3, s30;
	s23 =	sand.u32 $0x1FFFFFF0, s31;
	s24 =	spop (v2sf)  }
0x1e7: {  	[tilespmem:s10], [sflag:$0x1] =	stream.linear.gather [hbm4b:s22+s2], $0x80, $0x38;
	[tilespmem:$0x10400] =	vst v63  }
0x1e8: {  	s25 =	sadd.s32 s3, s23;
	s26 =	sand.u32 $0x1FFFFFF0, s24;
	s28 =	spop (v2sf)  }
0x1e9: {  	[tilespmem:s19], [sflag:$0x1] =	stream.linear.gather [hbm4b:s25+s2], $0x80, $0x38;
	[tilespmem:$0x10400] =	vst v63  }
0x1ea: {  	s29 =	sadd.s32 s3, s26;
	s30 =	sand.u32 $0x1FFFFFF0, s28;
	s31 =	spop (v2sf)  }
0x1eb: {  	[tilespmem:s18], [sflag:$0x1] =	stream.linear.gather [hbm4b:s29+s2], $0x80, $0x38;
	[tilespmem:$0x10400] =	vst v63  }
0x1ec: {  	s1 =	sadd.s32 s3, s30;
	s10 =	sand.u32 $0x1FFFFFF0, s31;
	s18 =	spop (v2sf)  }
0x1ed: {  	[tilespmem:s17], [sflag:$0x1] =	stream.linear.gather [hbm4b:s1+s2], $0x80, $0x38;
	[tilespmem:$0x10400] =	vst v63  }
0x1ee: {  	s19 =	sadd.s32 s3, s10;
	s20 =	sand.u32 $0x1FFFFFF0, s18;
	s21 =	spop (v2sf)  }
0x1ef: {  	[tilespmem:s16], [sflag:$0x1] =	stream.linear.gather [hbm4b:s19+s2], $0x80, $0x38;
	[tilespmem:$0x10400] =	vst v63  }
0x1f0: {  	s22 =	sadd.s32 s3, s20;
	s23 =	sand.u32 $0x1FFFFFF0, s21;
	s24 =	spop (v2sf)  }
0x1f1: {  	[tilespmem:s15], [sflag:$0x1] =	stream.linear.gather [hbm4b:s22+s2], $0x80, $0x38;
	[tilespmem:$0x10400] =	vst v63  }
0x1f2: {  	s25 =	simm.s32 $0x1300;
	s1 =	sadd.s32 s3, s23;
	s10 =	sand.u32 $0x1FFFFFF0, s24  }
0x1f3: {  	[tilespmem:s25], [sflag:$0x1] =	stream.linear.gather [hbm4b:s1+s2], $0x80, $0x38;
	[tilespmem:$0x10400] =	vst v63  }
0x1f4: {  	s26 =	simm.s32 $0x1380;
	s28 =	sadd.s32 s3, s10  }
0x1f5: {  	[tilespmem:s26], [sflag:$0x1] =	stream.linear.gather [hbm4b:s28+s2], $0x80, $0x38;
	[tilespmem:$0x10400] =	vst v63  }
0x1f6: {  	v62 =	vld [tilespmem:s14+$0x0];
	_ =	sdelay $0x4  }
0x1f7: {  	v0 =	vshll.u32 v62, $0x4  }
0x1f8: {  	(v2sf) =	vpush v0, $0x0  }
0x1f9: {  	(v2sf) =	vpush v0, $0x1  }
0x1fa: {  	(v2sf) =	vpush v0, $0x2;
	_ =	sdelay $0x1  }
0x1fb: {  	(v2sf) =	vpush v0, $0x3;
	_ =	sdelay $0x1  }
0x1fc: {  	(v2sf) =	vpush v0, $0x4;
	_ =	sdelay $0x1  }
0x1fd: {  	(v2sf) =	vpush v0, $0x5;
	_ =	sdelay $0x1  }
0x1fe: {  	(v2sf) =	vpush v0, $0x6  }
0x1ff: {  	s0 =	simm.s32 $0x1700;
	s18 =	simm.s32 $0x1900  }
0x200: {  	s17 =	simm.s32 $0x1980;
	s20 =	simm.s32 $0x1580;
	s21 =	simm.s32 $0x1600;
	(v2sf) =	vpush v0, $0x7  }
0x201: {  	s23 =	simm.s32 $0x1480;
	s24 =	simm.s32 $0x1500;
	s16 =	simm.s32 $0x1A00  }
0x202: {  	s19 =	simm.s32 $0x1880;
	s10 =	simm.s32 $0x1800;
	s15 =	simm.s32 $0x1A80;
	(v2sf) =	vpush v0, $0x8  }
0x203: {  	s22 =	simm.s32 $0x1680;
	s1 =	simm.s32 $0x1780;
	s29 =	spop (v2sf)  }
0x204: {  	s26 =	simm.s32 $0x1400;
	s25 =	sand.u32 $0x1FFFFFF0, s29;
	s30 =	spop (v2sf);
	(v2sf) =	vpush v0, $0x9  }
0x205: {  	s25 =	sadd.s32 s3, s25;
	s28 =	sand.u32 $0x1FFFFFF0, s30;
	s31 =	spop (v2sf)  }
0x206: {  	(v2sf) =	vpush v0, $0xA;
	[tilespmem:s26], [sflag:$0x1] =	stream.linear.gather [hbm4b:s25+s2], $0x80, $0x38;
	[tilespmem:$0x10400] =	vst v63  }
0x207: {  	s26 =	sadd.s32 s3, s28;
	s30 =	sand.u32 $0x1FFFFFF0, s31;
	s31 =	spop (v2sf)  }
0x208: {  	(v2sf) =	vpush v0, $0xB;
	[tilespmem:s23], [sflag:$0x1] =	stream.linear.gather [hbm4b:s26+s2], $0x80, $0x38;
	[tilespmem:$0x10400] =	vst v63  }
0x209: {  	s29 =	sadd.s32 s3, s30;
	s30 =	sand.u32 $0x1FFFFFF0, s31;
	s31 =	spop (v2sf)  }
0x20a: {  	(v2sf) =	vpush v0, $0xC;
	[tilespmem:s24], [sflag:$0x1] =	stream.linear.gather [hbm4b:s29+s2], $0x80, $0x38;
	[tilespmem:$0x10400] =	vst v63  }
0x20b: {  	s25 =	sadd.s32 s3, s30;
	s26 =	sand.u32 $0x1FFFFFF0, s31;
	s28 =	spop (v2sf)  }
0x20c: {  	(v2sf) =	vpush v0, $0xD;
	[tilespmem:s20], [sflag:$0x1] =	stream.linear.gather [hbm4b:s25+s2], $0x80, $0x38;
	[tilespmem:$0x10400] =	vst v63  }
0x20d: {  	s30 =	sand.u32 $0x1FFFFFF0, s28;
	s31 =	spop (v2sf);
	s29 =	sadd.s32 s3, s26  }
0x20e: {  	(v2sf) =	vpush v0, $0xE;
	[tilespmem:s21], [sflag:$0x1] =	stream.linear.gather [hbm4b:s29+s2], $0x80, $0x38;
	[tilespmem:$0x10400] =	vst v63  }
0x20f: {  	s23 =	sand.u32 $0x1FFFFFF0, s31;
	s24 =	spop (v2sf);
	s21 =	sadd.s32 s3, s30  }
0x210: {  	(v2sf) =	vpush v0, $0xF;
	[tilespmem:s22], [sflag:$0x1] =	stream.linear.gather [hbm4b:s21+s2], $0x80, $0x38;
	[tilespmem:$0x10400] =	vst v63  }
0x211: {  	s26 =	sand.u32 $0x1FFFFFF0, s24;
	s28 =	spop (v2sf);
	s25 =	sadd.s32 s3, s23  }
0x212: {  	[tilespmem:s0], [sflag:$0x1] =	stream.linear.gather [hbm4b:s25+s2], $0x80, $0x38;
	[tilespmem:$0x10400] =	vst v63  }
0x213: {  	s29 =	sadd.s32 s3, s26;
	s30 =	sand.u32 $0x1FFFFFF0, s28;
	s31 =	spop (v2sf)  }
0x214: {  	[tilespmem:s1], [sflag:$0x1] =	stream.linear.gather [hbm4b:s29+s2], $0x80, $0x38;
	[tilespmem:$0x10400] =	vst v63  }
0x215: {  	s1 =	sadd.s32 s3, s30;
	s20 =	sand.u32 $0x1FFFFFF0, s31;
	s21 =	spop (v2sf)  }
0x216: {  	[tilespmem:s10], [sflag:$0x1] =	stream.linear.gather [hbm4b:s1+s2], $0x80, $0x38;
	[tilespmem:$0x10400] =	vst v63  }
0x217: {  	s22 =	sadd.s32 s3, s20;
	s23 =	sand.u32 $0x1FFFFFF0, s21;
	s24 =	spop (v2sf)  }
0x218: {  	[tilespmem:s19], [sflag:$0x1] =	stream.linear.gather [hbm4b:s22+s2], $0x80, $0x38;
	[tilespmem:$0x10400] =	vst v63  }
0x219: {  	s25 =	sadd.s32 s3, s23;
	s26 =	sand.u32 $0x1FFFFFF0, s24;
	s28 =	spop (v2sf)  }
0x21a: {  	[tilespmem:s18], [sflag:$0x1] =	stream.linear.gather [hbm4b:s25+s2], $0x80, $0x38;
	[tilespmem:$0x10400] =	vst v63  }
0x21b: {  	s29 =	sadd.s32 s3, s26;
	s30 =	sand.u32 $0x1FFFFFF0, s28;
	s31 =	spop (v2sf)  }
0x21c: {  	[tilespmem:s17], [sflag:$0x1] =	stream.linear.gather [hbm4b:s29+s2], $0x80, $0x38;
	[tilespmem:$0x10400] =	vst v63  }
0x21d: {  	s19 =	sand.u32 $0x1FFFFFF0, s31;
	s20 =	spop (v2sf);
	s18 =	sadd.s32 s3, s30  }
0x21e: {  	[tilespmem:s16], [sflag:$0x1] =	stream.linear.gather [hbm4b:s18+s2], $0x80, $0x38;
	[tilespmem:$0x10400] =	vst v63  }
0x21f: {  	s21 =	sadd.s32 s3, s19;
	s22 =	sand.u32 $0x1FFFFFF0, s20;
	s23 =	spop (v2sf)  }
0x220: {  	[tilespmem:s15], [sflag:$0x1] =	stream.linear.gather [hbm4b:s21+s2], $0x80, $0x38;
	[tilespmem:$0x10400] =	vst v63  }
0x221: {  	s24 =	simm.s32 $0x1B00;
	s1 =	sadd.s32 s3, s22;
	s10 =	sand.u32 $0x1FFFFFF0, s23  }
0x222: {  	[tilespmem:s24], [sflag:$0x1] =	stream.linear.gather [hbm4b:s1+s2], $0x80, $0x38;
	[tilespmem:$0x10400] =	vst v63  }
0x223: {  	s25 =	simm.s32 $0x1B80;
	s26 =	sadd.s32 s3, s10  }
0x224: {  	[tilespmem:s25], [sflag:$0x1] =	stream.linear.gather [hbm4b:s26+s2], $0x80, $0x38;
	[tilespmem:$0x10400] =	vst v63  }
0x225: {  	v63 =	vld [tilespmem:s14+$0x10];
	_ =	sdelay $0x4  }
0x226: {  	v0 =	vshll.u32 v63, $0x4  }
0x227: {  	(v2sf) =	vpush v0, $0x0  }
0x228: {  	(v2sf) =	vpush v0, $0x1  }
0x229: {  	(v2sf) =	vpush v0, $0x2;
	_ =	sdelay $0x1  }
0x22a: {  	(v2sf) =	vpush v0, $0x3  }
0x22b: {  	(v2sf) =	vpush v0, $0x4;
	_ =	sdelay $0x1  }
0x22c: {  	(v2sf) =	vpush v0, $0x5;
	_ =	sdelay $0x1  }
0x22d: {  	(v2sf) =	vpush v0, $0x6;
	_ =	sdelay $0x1  }
0x22e: {  	(v2sf) =	vpush v0, $0x7  }
0x22f: {  	s0 =	simm.s32 $0x2080;
	s19 =	simm.s32 $0x1D80  }
0x230: {  	s20 =	simm.s32 $0x1E00;
	s22 =	simm.s32 $0x1C80;
	s23 =	simm.s32 $0x1D00;
	(v2sf) =	vpush v0, $0x8  }
0x231: {  	s10 =	simm.s32 $0x1F80;
	s17 =	simm.s32 $0x2280;
	s29 =	simm.s32 $0x1C00  }
0x232: {  	s18 =	simm.s32 $0x2200;
	s16 =	simm.s32 $0x2000;
	s28 =	spop (v2sf);
	(v2sf) =	vpush v0, $0x9  }
0x233: {  	s15 =	simm.s32 $0x0;
	s24 =	sand.u32 $0x1FFFFFF0, s28;
	s30 =	spop (v2sf)  }
0x234: {  	s21 =	simm.s32 $0x1E80;
	s24 =	sadd.s32 s3, s24;
	s31 =	spop (v2sf)  }
0x235: {  	(v2sf) =	vpush v0, $0xA;
	[tilespmem:s29], [sflag:$0x1] =	stream.linear.gather [hbm4b:s24+s2], $0x80, $0x38;
	[tilespmem:$0x10400] =	vst v63  }
0x236: {  	s1 =	simm.s32 $0x1F00;
	s26 =	sand.u32 $0x1FFFFFF0, s30;
	s28 =	spop (v2sf)  }
0x237: {  	(v2sf) =	vpush v0, $0xB;
	s25 =	sadd.s32 s3, s26;
	s26 =	sand.u32 $0x1FFFFFF0, s31;
	s31 =	spop (v2sf)  }
0x238: {  	[tilespmem:s22], [sflag:$0x1] =	stream.linear.gather [hbm4b:s25+s2], $0x80, $0x38;
	[tilespmem:$0x10400] =	vst v63  }
0x239: {  	s29 =	sadd.s32 s3, s26;
	s30 =	sand.u32 $0x1FFFFFF0, s28;
	s28 =	spop (v2sf)  }
0x23a: {  	(v2sf) =	vpush v0, $0xC;
	[tilespmem:s23], [sflag:$0x1] =	stream.linear.gather [hbm4b:s29+s2], $0x80, $0x38;
	[tilespmem:$0x10400] =	vst v63  }
0x23b: {  	s24 =	sadd.s32 s3, s30;
	s26 =	sand.u32 $0x1FFFFFF0, s31;
	s31 =	spop (v2sf)  }
0x23c: {  	(v2sf) =	vpush v0, $0xD;
	[tilespmem:s19], [sflag:$0x1] =	stream.linear.gather [hbm4b:s24+s2], $0x80, $0x38;
	[tilespmem:$0x10400] =	vst v63  }
0x23d: {  	s30 =	sand.u32 $0x1FFFFFF0, s28;
	s29 =	sadd.s32 s3, s26;
	s24 =	spop (v2sf)  }
0x23e: {  	(v2sf) =	vpush v0, $0xE;
	[tilespmem:s20], [sflag:$0x1] =	stream.linear.gather [hbm4b:s29+s2], $0x80, $0x38;
	[tilespmem:$0x10400] =	vst v63  }
0x23f: {  	s14 =	simm.s32 $0x8000;
	s22 =	sadd.s32 s3, s30;
	s28 =	spop (v2sf)  }
0x240: {  	[tilespmem:s21], [sflag:$0x1] =	stream.linear.gather [hbm4b:s22+s2], $0x80, $0x38;
	[tilespmem:$0x10400] =	vst v63  }
0x241: {  	s23 =	sand.u32 $0x1FFFFFF0, s31;
	s26 =	sand.u32 $0x1FFFFFF0, s24;
	s31 =	spop (v2sf);
	(v2sf) =	vpush v0, $0xF  }
0x242: {  	s25 =	sadd.s32 s3, s23;
	s24 =	simm.s32 $0x2100;
	s29 =	sadd.s32 s3, s26  }
0x243: {  	[tilespmem:s1], [sflag:$0x1] =	stream.linear.gather [hbm4b:s25+s2], $0x80, $0x38;
	[tilespmem:$0x10400] =	vst v63  }
0x244: {  	s30 =	sand.u32 $0x1FFFFFF0, s28;
	s28 =	simm.s32 $0x2180;
	s20 =	spop (v2sf)  }
0x245: {  	[tilespmem:s10], [sflag:$0x1] =	stream.linear.gather [hbm4b:s29+s2], $0x80, $0x38;
	[tilespmem:$0x10400] =	vst v63  }
0x246: {  	s19 =	sand.u32 $0x1FFFFFF0, s31;
	s10 =	sadd.s32 s3, s30;
	s23 =	spop (v2sf)  }
0x247: {  	s21 =	sadd.s32 s3, s19;
	s22 =	sand.u32 $0x1FFFFFF0, s20;
	s26 =	sand.u32 $0x1FFFFFF0, s23  }
0x248: {  	[tilespmem:s16], [sflag:$0x1] =	stream.linear.gather [hbm4b:s10+s2], $0x80, $0x38;
	[tilespmem:$0x10400] =	vst v63  }
0x249: {  	s25 =	sadd.s32 s3, s22;
	s29 =	spop (v2sf);
	s10 =	sadd.s32 s3, s26  }
0x24a: {  	[tilespmem:s0], [sflag:$0x1] =	stream.linear.gather [hbm4b:s21+s2], $0x80, $0x38;
	[tilespmem:$0x10400] =	vst v63  }
0x24b: {  	s16 =	simm.s32 $0x260;
	s30 =	sand.u32 $0x1FFFFFF0, s29;
	s31 =	spop (v2sf)  }
0x24c: {  	[tilespmem:s24], [sflag:$0x1] =	stream.linear.gather [hbm4b:s25+s2], $0x80, $0x38;
	[tilespmem:$0x10400] =	vst v63  }
0x24d: {  	s19 =	sand.u32 $0x1FFFFFF0, s31;
	s20 =	spop (v2sf);
	s21 =	sadd.s32 s3, s30  }
0x24e: {  	[tilespmem:s28], [sflag:$0x1] =	stream.linear.gather [hbm4b:s10+s2], $0x80, $0x38;
	[tilespmem:$0x10400] =	vst v63  }
.LBB2_4:
0x24f: {  	[tilespmem:s18], [sflag:$0x1] =	stream.linear.gather [hbm4b:s21+s2], $0x80, $0x38;
	[tilespmem:$0x10400] =	vst v63  }
0x250: {  	s0 =	sadd.s32 s3, s19;
	s1 =	sand.u32 $0x1FFFFFF0, s20;
	s10 =	spop (v2sf)  }
0x251: {  	[tilespmem:s17], [sflag:$0x1] =	stream.linear.gather [hbm4b:s0+s2], $0x80, $0x38;
	[tilespmem:$0x10400] =	vst v63  }
0x252: {  	s1 =	sadd.s32 s3, s1;
	s0 =	sadd.s32 $0x2300, s15;
	s10 =	sand.u32 $0x1FFFFFF0, s10  }
0x253: {  	[tilespmem:s0], [sflag:$0x1] =	stream.linear.gather [hbm4b:s1+s2], $0x80, $0x38;
	[tilespmem:$0x10400] =	vst v63  }
0x254: {  	p0 =	sne.s32 s14, $0x38000;
	s0 =	sadd.s32 $0x2380, s15;
	s1 =	sadd.s32 s3, s10  }
0x255: {  	[tilespmem:s0], [sflag:$0x1] =	stream.linear.gather [hbm4b:s1+s2], $0x80, $0x38;
	[tilespmem:$0x10400] =	vst v63  }
0x256: {  	s0 =	smov.u32 s14;
	s14 =	sadd.s32 $0x8000, s14;
	v0 =	vld [tilespmem:s16+$0xFFFFFFE0];
	_ =	sdelay $0x4  }
0x257: {  	v0 =	vshll.u32 v0, $0x4  }
0x258: {  	(v2sf) =	vpush v0, $0x1  }
0x259: {  	(v2sf) =	vpush v0, $0x0  }
0x25a: {  	(v2sf) =	vpush v0, $0x2  }
0x25b: {  	(v2sf) =	vpush v0, $0x3  }
0x25c: {  	(v2sf) =	vpush v0, $0x4;
	_ =	sdelay $0x1  }
0x25d: {  	(v2sf) =	vpush v0, $0x5;
	_ =	sdelay $0x3  }
0x25e: {  	(v2sf) =	vpush v0, $0x6;
	_ =	sdelay $0x1  }
0x25f: {  	s15 =	sshra.s32 s0, $0x2  }
0x260: {  	s18 =	sadd.s32 $0xA00, s15;
	s17 =	sadd.s32 $0xA80, s15  }
0x261: {  	s0 =	sadd.s32 $0x400, s15;
	s1 =	sadd.s32 $0x480, s15;
	s19 =	sadd.s32 $0x980, s15;
	(v2sf) =	vpush v0, $0x7  }
0x262: {  	s21 =	sadd.s32 $0x880, s15;
	s20 =	sadd.s32 $0x900, s15;
	s10 =	spop (v2sf)  }
0x263: {  	s23 =	sadd.s32 $0x500, s15;
	s10 =	sand.u32 $0x1FFFFFF0, s10;
	s22 =	spop (v2sf);
	(v2sf) =	vpush v0, $0x8  }
0x264: {  	s24 =	sand.u32 $0x1FFFFFF0, s22;
	s22 =	sadd.s32 $0x800, s15;
	s25 =	spop (v2sf)  }
0x265: {  	s24 =	sadd.s32 s3, s24;
	s25 =	sand.u32 $0x1FFFFFF0, s25;
	s26 =	spop (v2sf);
	(v2sf) =	vpush v0, $0x9  }
0x266: {  	s28 =	sadd.s32 $0x780, s15;
	s26 =	sand.u32 $0x1FFFFFF0, s26;
	s29 =	spop (v2sf)  }
0x267: {  	[tilespmem:s0], [sflag:$0x1] =	stream.linear.gather [hbm4b:s24+s2], $0x80, $0x38;
	(v2sf) =	vpush v0, $0xA;
	[tilespmem:$0x10400] =	vst v63  }
0x268: {  	s0 =	sadd.s32 s3, s10;
	s10 =	sand.u32 $0x1FFFFFF0, s29;
	s24 =	spop (v2sf)  }
0x269: {  	[tilespmem:s1], [sflag:$0x1] =	stream.linear.gather [hbm4b:s0+s2], $0x80, $0x38;
	(v2sf) =	vpush v0, $0xB;
	[tilespmem:$0x10400] =	vst v63  }
0x26a: {  	s0 =	sadd.s32 s3, s25;
	s1 =	sadd.s32 $0x580, s15;
	s24 =	sand.u32 $0x1FFFFFF0, s24  }
0x26b: {  	[tilespmem:s23], [sflag:$0x1] =	stream.linear.gather [hbm4b:s0+s2], $0x80, $0x38;
	(v2sf) =	vpush v0, $0xC;
	[tilespmem:$0x10400] =	vst v63  }
0x26c: {  	s0 =	sadd.s32 s3, s26;
	s23 =	sadd.s32 $0x600, s15;
	s25 =	spop (v2sf)  }
0x26d: {  	[tilespmem:s1], [sflag:$0x1] =	stream.linear.gather [hbm4b:s0+s2], $0x80, $0x38;
	(v2sf) =	vpush v0, $0xD;
	[tilespmem:$0x10400] =	vst v63  }
0x26e: {  	s0 =	sadd.s32 s3, s10;
	s1 =	sadd.s32 $0x680, s15;
	s10 =	sand.u32 $0x1FFFFFF0, s25  }
0x26f: {  	[tilespmem:s23], [sflag:$0x1] =	stream.linear.gather [hbm4b:s0+s2], $0x80, $0x38;
	(v2sf) =	vpush v0, $0xE;
	[tilespmem:$0x10400] =	vst v63  }
0x270: {  	s0 =	sadd.s32 s3, s24;
	s23 =	sadd.s32 $0x700, s15;
	s24 =	spop (v2sf)  }
0x271: {  	[tilespmem:s1], [sflag:$0x1] =	stream.linear.gather [hbm4b:s0+s2], $0x80, $0x38;
	(v2sf) =	vpush v0, $0xF;
	[tilespmem:$0x10400] =	vst v63  }
0x272: {  	s0 =	sadd.s32 s3, s10;
	s1 =	sand.u32 $0x1FFFFFF0, s24;
	s10 =	spop (v2sf)  }
0x273: {  	[tilespmem:s23], [sflag:$0x1] =	stream.linear.gather [hbm4b:s0+s2], $0x80, $0x38;
	[tilespmem:$0x10400] =	vst v63  }
0x274: {  	s0 =	sadd.s32 s3, s1;
	s1 =	sand.u32 $0x1FFFFFF0, s10;
	s10 =	spop (v2sf)  }
0x275: {  	[tilespmem:s28], [sflag:$0x1] =	stream.linear.gather [hbm4b:s0+s2], $0x80, $0x38;
	[tilespmem:$0x10400] =	vst v63  }
0x276: {  	s0 =	sadd.s32 s3, s1;
	s1 =	sand.u32 $0x1FFFFFF0, s10;
	s10 =	spop (v2sf)  }
0x277: {  	[tilespmem:s22], [sflag:$0x1] =	stream.linear.gather [hbm4b:s0+s2], $0x80, $0x38;
	[tilespmem:$0x10400] =	vst v63  }
0x278: {  	s0 =	sadd.s32 s3, s1;
	s1 =	sand.u32 $0x1FFFFFF0, s10;
	s10 =	spop (v2sf)  }
0x279: {  	[tilespmem:s21], [sflag:$0x1] =	stream.linear.gather [hbm4b:s0+s2], $0x80, $0x38;
	[tilespmem:$0x10400] =	vst v63  }
0x27a: {  	s0 =	sadd.s32 s3, s1;
	s1 =	sand.u32 $0x1FFFFFF0, s10;
	s10 =	spop (v2sf)  }
0x27b: {  	[tilespmem:s20], [sflag:$0x1] =	stream.linear.gather [hbm4b:s0+s2], $0x80, $0x38;
	[tilespmem:$0x10400] =	vst v63  }
0x27c: {  	s0 =	sadd.s32 s3, s1;
	s1 =	sand.u32 $0x1FFFFFF0, s10;
	s10 =	spop (v2sf)  }
0x27d: {  	[tilespmem:s19], [sflag:$0x1] =	stream.linear.gather [hbm4b:s0+s2], $0x80, $0x38;
	[tilespmem:$0x10400] =	vst v63  }
0x27e: {  	s0 =	sadd.s32 s3, s1;
	s1 =	sand.u32 $0x1FFFFFF0, s10;
	s10 =	spop (v2sf)  }
0x27f: {  	[tilespmem:s18], [sflag:$0x1] =	stream.linear.gather [hbm4b:s0+s2], $0x80, $0x38;
	[tilespmem:$0x10400] =	vst v63  }
0x280: {  	s0 =	sadd.s32 s3, s1;
	s1 =	sand.u32 $0x1FFFFFF0, s10;
	s10 =	spop (v2sf)  }
0x281: {  	[tilespmem:s17], [sflag:$0x1] =	stream.linear.gather [hbm4b:s0+s2], $0x80, $0x38;
	[tilespmem:$0x10400] =	vst v63  }
0x282: {  	s1 =	sadd.s32 s3, s1;
	s0 =	sadd.s32 $0xB00, s15;
	s10 =	sand.u32 $0x1FFFFFF0, s10  }
0x283: {  	[tilespmem:s0], [sflag:$0x1] =	stream.linear.gather [hbm4b:s1+s2], $0x80, $0x38;
	[tilespmem:$0x10400] =	vst v63  }
0x284: {  	s0 =	sadd.s32 $0xB80, s15;
	s1 =	sadd.s32 s3, s10  }
0x285: {  	[tilespmem:s0], [sflag:$0x1] =	stream.linear.gather [hbm4b:s1+s2], $0x80, $0x38;
	[tilespmem:$0x10400] =	vst v63  }
0x286: {  	v0 =	vld [tilespmem:s16+$0xFFFFFFF0];
	_ =	sdelay $0x4  }
0x287: {  	v0 =	vshll.u32 v0, $0x4  }
0x288: {  	(v2sf) =	vpush v0, $0x0  }
0x289: {  	(v2sf) =	vpush v0, $0x1  }
0x28a: {  	(v2sf) =	vpush v0, $0x2;
	_ =	sdelay $0x1  }
0x28b: {  	(v2sf) =	vpush v0, $0x3;
	_ =	sdelay $0x1  }
0x28c: {  	(v2sf) =	vpush v0, $0x4;
	_ =	sdelay $0x1  }
0x28d: {  	(v2sf) =	vpush v0, $0x5;
	_ =	sdelay $0x1  }
0x28e: {  	(v2sf) =	vpush v0, $0x6  }
0x28f: {  	s18 =	sadd.s32 $0x1200, s15;
	s17 =	sadd.s32 $0x1280, s15  }
0x290: {  	s21 =	sadd.s32 $0x1080, s15;
	s20 =	sadd.s32 $0x1100, s15;
	s19 =	sadd.s32 $0x1180, s15;
	(v2sf) =	vpush v0, $0x7  }
0x291: {  	s24 =	sadd.s32 $0xF00, s15;
	s23 =	sadd.s32 $0xF80, s15;
	s22 =	sadd.s32 $0x1000, s15  }
0x292: {  	s10 =	sadd.s32 $0xE80, s15;
	s0 =	sadd.s32 $0xD80, s15;
	s1 =	sadd.s32 $0xE00, s15;
	(v2sf) =	vpush v0, $0x8  }
0x293: {  	s26 =	sadd.s32 $0xD00, s15;
	s25 =	sadd.s32 $0xC80, s15;
	s28 =	spop (v2sf)  }
0x294: {  	s29 =	sadd.s32 $0xC00, s15;
	s28 =	sand.u32 $0x1FFFFFF0, s28;
	s30 =	spop (v2sf);
	(v2sf) =	vpush v0, $0x9  }
0x295: {  	s28 =	sadd.s32 s3, s28;
	s30 =	sand.u32 $0x1FFFFFF0, s30;
	s31 =	spop (v2sf)  }
0x296: {  	[tilespmem:s29], [sflag:$0x1] =	stream.linear.gather [hbm4b:s28+s2], $0x80, $0x38;
	(v2sf) =	vpush v0, $0xA;
	[tilespmem:$0x10400] =	vst v63  }
0x297: {  	s28 =	sadd.s32 s3, s30;
	s29 =	sand.u32 $0x1FFFFFF0, s31;
	s30 =	spop (v2sf)  }
0x298: {  	[tilespmem:s25], [sflag:$0x1] =	stream.linear.gather [hbm4b:s28+s2], $0x80, $0x38;
	(v2sf) =	vpush v0, $0xB;
	[tilespmem:$0x10400] =	vst v63  }
0x299: {  	s25 =	sadd.s32 s3, s29;
	s28 =	sand.u32 $0x1FFFFFF0, s30;
	s29 =	spop (v2sf)  }
0x29a: {  	[tilespmem:s26], [sflag:$0x1] =	stream.linear.gather [hbm4b:s25+s2], $0x80, $0x38;
	(v2sf) =	vpush v0, $0xC;
	[tilespmem:$0x10400] =	vst v63  }
0x29b: {  	s25 =	sadd.s32 s3, s28;
	s26 =	sand.u32 $0x1FFFFFF0, s29;
	s28 =	spop (v2sf)  }
0x29c: {  	[tilespmem:s0], [sflag:$0x1] =	stream.linear.gather [hbm4b:s25+s2], $0x80, $0x38;
	(v2sf) =	vpush v0, $0xD;
	[tilespmem:$0x10400] =	vst v63  }
0x29d: {  	s0 =	sadd.s32 s3, s26;
	s25 =	sand.u32 $0x1FFFFFF0, s28;
	s26 =	spop (v2sf)  }
0x29e: {  	[tilespmem:s1], [sflag:$0x1] =	stream.linear.gather [hbm4b:s0+s2], $0x80, $0x38;
	(v2sf) =	vpush v0, $0xE;
	[tilespmem:$0x10400] =	vst v63  }
0x29f: {  	s0 =	sadd.s32 s3, s25;
	s1 =	sand.u32 $0x1FFFFFF0, s26;
	s25 =	spop (v2sf)  }
0x2a0: {  	[tilespmem:s10], [sflag:$0x1] =	stream.linear.gather [hbm4b:s0+s2], $0x80, $0x38;
	(v2sf) =	vpush v0, $0xF;
	[tilespmem:$0x10400] =	vst v63  }
0x2a1: {  	s0 =	sadd.s32 s3, s1;
	s1 =	sand.u32 $0x1FFFFFF0, s25;
	s10 =	spop (v2sf)  }
0x2a2: {  	[tilespmem:s24], [sflag:$0x1] =	stream.linear.gather [hbm4b:s0+s2], $0x80, $0x38;
	[tilespmem:$0x10400] =	vst v63  }
0x2a3: {  	s0 =	sadd.s32 s3, s1;
	s1 =	sand.u32 $0x1FFFFFF0, s10;
	s10 =	spop (v2sf)  }
0x2a4: {  	[tilespmem:s23], [sflag:$0x1] =	stream.linear.gather [hbm4b:s0+s2], $0x80, $0x38;
	[tilespmem:$0x10400] =	vst v63  }
0x2a5: {  	s0 =	sadd.s32 s3, s1;
	s1 =	sand.u32 $0x1FFFFFF0, s10;
	s10 =	spop (v2sf)  }
0x2a6: {  	[tilespmem:s22], [sflag:$0x1] =	stream.linear.gather [hbm4b:s0+s2], $0x80, $0x38;
	[tilespmem:$0x10400] =	vst v63  }
0x2a7: {  	s0 =	sadd.s32 s3, s1;
	s1 =	sand.u32 $0x1FFFFFF0, s10;
	s10 =	spop (v2sf)  }
0x2a8: {  	[tilespmem:s21], [sflag:$0x1] =	stream.linear.gather [hbm4b:s0+s2], $0x80, $0x38;
	[tilespmem:$0x10400] =	vst v63  }
0x2a9: {  	s0 =	sadd.s32 s3, s1;
	s1 =	sand.u32 $0x1FFFFFF0, s10;
	s10 =	spop (v2sf)  }
0x2aa: {  	[tilespmem:s20], [sflag:$0x1] =	stream.linear.gather [hbm4b:s0+s2], $0x80, $0x38;
	[tilespmem:$0x10400] =	vst v63  }
0x2ab: {  	s0 =	sadd.s32 s3, s1;
	s1 =	sand.u32 $0x1FFFFFF0, s10;
	s10 =	spop (v2sf)  }
0x2ac: {  	[tilespmem:s19], [sflag:$0x1] =	stream.linear.gather [hbm4b:s0+s2], $0x80, $0x38;
	[tilespmem:$0x10400] =	vst v63  }
0x2ad: {  	s0 =	sadd.s32 s3, s1;
	s1 =	sand.u32 $0x1FFFFFF0, s10;
	s10 =	spop (v2sf)  }
0x2ae: {  	[tilespmem:s18], [sflag:$0x1] =	stream.linear.gather [hbm4b:s0+s2], $0x80, $0x38;
	[tilespmem:$0x10400] =	vst v63  }
0x2af: {  	s0 =	sadd.s32 s3, s1;
	s1 =	sand.u32 $0x1FFFFFF0, s10;
	s10 =	spop (v2sf)  }
0x2b0: {  	[tilespmem:s17], [sflag:$0x1] =	stream.linear.gather [hbm4b:s0+s2], $0x80, $0x38;
	[tilespmem:$0x10400] =	vst v63  }
0x2b1: {  	s1 =	sadd.s32 s3, s1;
	s0 =	sadd.s32 $0x1300, s15;
	s10 =	sand.u32 $0x1FFFFFF0, s10  }
0x2b2: {  	[tilespmem:s0], [sflag:$0x1] =	stream.linear.gather [hbm4b:s1+s2], $0x80, $0x38;
	[tilespmem:$0x10400] =	vst v63  }
0x2b3: {  	s0 =	sadd.s32 $0x1380, s15;
	s1 =	sadd.s32 s3, s10  }
0x2b4: {  	[tilespmem:s0], [sflag:$0x1] =	stream.linear.gather [hbm4b:s1+s2], $0x80, $0x38;
	[tilespmem:$0x10400] =	vst v63  }
0x2b5: {  	v0 =	vld [tilespmem:s16+$0x0];
	_ =	sdelay $0x4  }
0x2b6: {  	v0 =	vshll.u32 v0, $0x4  }
0x2b7: {  	(v2sf) =	vpush v0, $0x0  }
0x2b8: {  	(v2sf) =	vpush v0, $0x1  }
0x2b9: {  	(v2sf) =	vpush v0, $0x2;
	_ =	sdelay $0x1  }
0x2ba: {  	(v2sf) =	vpush v0, $0x3;
	_ =	sdelay $0x1  }
0x2bb: {  	(v2sf) =	vpush v0, $0x4;
	_ =	sdelay $0x1  }
0x2bc: {  	(v2sf) =	vpush v0, $0x5;
	_ =	sdelay $0x1  }
0x2bd: {  	(v2sf) =	vpush v0, $0x6  }
0x2be: {  	s18 =	sadd.s32 $0x1A00, s15;
	s17 =	sadd.s32 $0x1A80, s15  }
0x2bf: {  	s21 =	sadd.s32 $0x1880, s15;
	s20 =	sadd.s32 $0x1900, s15;
	s19 =	sadd.s32 $0x1980, s15;
	(v2sf) =	vpush v0, $0x7  }
0x2c0: {  	s24 =	sadd.s32 $0x1700, s15;
	s23 =	sadd.s32 $0x1780, s15;
	s22 =	sadd.s32 $0x1800, s15  }
0x2c1: {  	s10 =	sadd.s32 $0x1680, s15;
	s0 =	sadd.s32 $0x1580, s15;
	s1 =	sadd.s32 $0x1600, s15;
	(v2sf) =	vpush v0, $0x8  }
0x2c2: {  	s26 =	sadd.s32 $0x1500, s15;
	s25 =	sadd.s32 $0x1480, s15;
	s28 =	spop (v2sf)  }
0x2c3: {  	s29 =	sadd.s32 $0x1400, s15;
	s28 =	sand.u32 $0x1FFFFFF0, s28;
	s30 =	spop (v2sf);
	(v2sf) =	vpush v0, $0x9  }
0x2c4: {  	s28 =	sadd.s32 s3, s28;
	s30 =	sand.u32 $0x1FFFFFF0, s30;
	s31 =	spop (v2sf)  }
0x2c5: {  	[tilespmem:s29], [sflag:$0x1] =	stream.linear.gather [hbm4b:s28+s2], $0x80, $0x38;
	(v2sf) =	vpush v0, $0xA;
	[tilespmem:$0x10400] =	vst v63  }
0x2c6: {  	s28 =	sadd.s32 s3, s30;
	s29 =	sand.u32 $0x1FFFFFF0, s31;
	s30 =	spop (v2sf)  }
0x2c7: {  	[tilespmem:s25], [sflag:$0x1] =	stream.linear.gather [hbm4b:s28+s2], $0x80, $0x38;
	(v2sf) =	vpush v0, $0xB;
	[tilespmem:$0x10400] =	vst v63  }
0x2c8: {  	s25 =	sadd.s32 s3, s29;
	s28 =	sand.u32 $0x1FFFFFF0, s30;
	s29 =	spop (v2sf)  }
0x2c9: {  	[tilespmem:s26], [sflag:$0x1] =	stream.linear.gather [hbm4b:s25+s2], $0x80, $0x38;
	(v2sf) =	vpush v0, $0xC;
	[tilespmem:$0x10400] =	vst v63  }
0x2ca: {  	s25 =	sadd.s32 s3, s28;
	s26 =	sand.u32 $0x1FFFFFF0, s29;
	s28 =	spop (v2sf)  }
0x2cb: {  	[tilespmem:s0], [sflag:$0x1] =	stream.linear.gather [hbm4b:s25+s2], $0x80, $0x38;
	(v2sf) =	vpush v0, $0xD;
	[tilespmem:$0x10400] =	vst v63  }
0x2cc: {  	s0 =	sadd.s32 s3, s26;
	s25 =	sand.u32 $0x1FFFFFF0, s28;
	s26 =	spop (v2sf)  }
0x2cd: {  	[tilespmem:s1], [sflag:$0x1] =	stream.linear.gather [hbm4b:s0+s2], $0x80, $0x38;
	(v2sf) =	vpush v0, $0xE;
	[tilespmem:$0x10400] =	vst v63  }
0x2ce: {  	s0 =	sadd.s32 s3, s25;
	s1 =	sand.u32 $0x1FFFFFF0, s26;
	s25 =	spop (v2sf)  }
0x2cf: {  	[tilespmem:s10], [sflag:$0x1] =	stream.linear.gather [hbm4b:s0+s2], $0x80, $0x38;
	(v2sf) =	vpush v0, $0xF;
	[tilespmem:$0x10400] =	vst v63  }
0x2d0: {  	s0 =	sadd.s32 s3, s1;
	s1 =	sand.u32 $0x1FFFFFF0, s25;
	s10 =	spop (v2sf)  }
0x2d1: {  	[tilespmem:s24], [sflag:$0x1] =	stream.linear.gather [hbm4b:s0+s2], $0x80, $0x38;
	[tilespmem:$0x10400] =	vst v63  }
0x2d2: {  	s0 =	sadd.s32 s3, s1;
	s1 =	sand.u32 $0x1FFFFFF0, s10;
	s10 =	spop (v2sf)  }
0x2d3: {  	[tilespmem:s23], [sflag:$0x1] =	stream.linear.gather [hbm4b:s0+s2], $0x80, $0x38;
	[tilespmem:$0x10400] =	vst v63  }
0x2d4: {  	s0 =	sadd.s32 s3, s1;
	s1 =	sand.u32 $0x1FFFFFF0, s10;
	s10 =	spop (v2sf)  }
0x2d5: {  	[tilespmem:s22], [sflag:$0x1] =	stream.linear.gather [hbm4b:s0+s2], $0x80, $0x38;
	[tilespmem:$0x10400] =	vst v63  }
0x2d6: {  	s0 =	sadd.s32 s3, s1;
	s1 =	sand.u32 $0x1FFFFFF0, s10;
	s10 =	spop (v2sf)  }
0x2d7: {  	[tilespmem:s21], [sflag:$0x1] =	stream.linear.gather [hbm4b:s0+s2], $0x80, $0x38;
	[tilespmem:$0x10400] =	vst v63  }
0x2d8: {  	s0 =	sadd.s32 s3, s1;
	s1 =	sand.u32 $0x1FFFFFF0, s10;
	s10 =	spop (v2sf)  }
0x2d9: {  	[tilespmem:s20], [sflag:$0x1] =	stream.linear.gather [hbm4b:s0+s2], $0x80, $0x38;
	[tilespmem:$0x10400] =	vst v63  }
0x2da: {  	s0 =	sadd.s32 s3, s1;
	s1 =	sand.u32 $0x1FFFFFF0, s10;
	s10 =	spop (v2sf)  }
0x2db: {  	[tilespmem:s19], [sflag:$0x1] =	stream.linear.gather [hbm4b:s0+s2], $0x80, $0x38;
	[tilespmem:$0x10400] =	vst v63  }
0x2dc: {  	s0 =	sadd.s32 s3, s1;
	s1 =	sand.u32 $0x1FFFFFF0, s10;
	s10 =	spop (v2sf)  }
0x2dd: {  	[tilespmem:s18], [sflag:$0x1] =	stream.linear.gather [hbm4b:s0+s2], $0x80, $0x38;
	[tilespmem:$0x10400] =	vst v63  }
0x2de: {  	s0 =	sadd.s32 s3, s1;
	s1 =	sand.u32 $0x1FFFFFF0, s10;
	s10 =	spop (v2sf)  }
0x2df: {  	[tilespmem:s17], [sflag:$0x1] =	stream.linear.gather [hbm4b:s0+s2], $0x80, $0x38;
	[tilespmem:$0x10400] =	vst v63  }
0x2e0: {  	s1 =	sadd.s32 s3, s1;
	s0 =	sadd.s32 $0x1B00, s15;
	s10 =	sand.u32 $0x1FFFFFF0, s10  }
0x2e1: {  	[tilespmem:s0], [sflag:$0x1] =	stream.linear.gather [hbm4b:s1+s2], $0x80, $0x38;
	[tilespmem:$0x10400] =	vst v63  }
0x2e2: {  	s0 =	sadd.s32 $0x1B80, s15;
	s1 =	sadd.s32 s3, s10  }
0x2e3: {  	[tilespmem:s0], [sflag:$0x1] =	stream.linear.gather [hbm4b:s1+s2], $0x80, $0x38;
	[tilespmem:$0x10400] =	vst v63  }
0x2e4: {  	v0 =	vld [tilespmem:s16+$0x10];
	_ =	sdelay $0x4  }
0x2e5: {  	v0 =	vshll.u32 v0, $0x4  }
0x2e6: {  	(v2sf) =	vpush v0, $0x0  }
0x2e7: {  	(v2sf) =	vpush v0, $0x1  }
0x2e8: {  	(v2sf) =	vpush v0, $0x2;
	_ =	sdelay $0x1  }
0x2e9: {  	(v2sf) =	vpush v0, $0x3;
	_ =	sdelay $0x1  }
0x2ea: {  	(v2sf) =	vpush v0, $0x4;
	_ =	sdelay $0x1  }
0x2eb: {  	(v2sf) =	vpush v0, $0x5;
	_ =	sdelay $0x1  }
0x2ec: {  	(v2sf) =	vpush v0, $0x6  }
0x2ed: {  	s18 =	sadd.s32 $0x2200, s15;
	s17 =	sadd.s32 $0x2280, s15;
	s16 =	sadd.s32 $0x40, s16  }
0x2ee: {  	s21 =	sadd.s32 $0x2080, s15;
	s20 =	sadd.s32 $0x2100, s15;
	s19 =	sadd.s32 $0x2180, s15;
	(v2sf) =	vpush v0, $0x7  }
0x2ef: {  	s24 =	sadd.s32 $0x1F00, s15;
	s23 =	sadd.s32 $0x1F80, s15;
	s22 =	sadd.s32 $0x2000, s15  }
0x2f0: {  	s10 =	sadd.s32 $0x1E80, s15;
	s0 =	sadd.s32 $0x1D80, s15;
	s1 =	sadd.s32 $0x1E00, s15;
	(v2sf) =	vpush v0, $0x8  }
0x2f1: {  	s26 =	sadd.s32 $0x1D00, s15;
	s25 =	sadd.s32 $0x1C80, s15;
	s28 =	spop (v2sf)  }
0x2f2: {  	s29 =	sadd.s32 $0x1C00, s15;
	s28 =	sand.u32 $0x1FFFFFF0, s28;
	s30 =	spop (v2sf);
	(v2sf) =	vpush v0, $0x9  }
0x2f3: {  	s28 =	sadd.s32 s3, s28;
	s30 =	sand.u32 $0x1FFFFFF0, s30;
	s31 =	spop (v2sf)  }
0x2f4: {  	[tilespmem:s29], [sflag:$0x1] =	stream.linear.gather [hbm4b:s28+s2], $0x80, $0x38;
	(v2sf) =	vpush v0, $0xA;
	[tilespmem:$0x10400] =	vst v63  }
0x2f5: {  	s28 =	sadd.s32 s3, s30;
	s29 =	sand.u32 $0x1FFFFFF0, s31;
	s30 =	spop (v2sf)  }
0x2f6: {  	[tilespmem:s25], [sflag:$0x1] =	stream.linear.gather [hbm4b:s28+s2], $0x80, $0x38;
	(v2sf) =	vpush v0, $0xB;
	[tilespmem:$0x10400] =	vst v63  }
0x2f7: {  	s25 =	sadd.s32 s3, s29;
	s28 =	sand.u32 $0x1FFFFFF0, s30;
	s29 =	spop (v2sf)  }
0x2f8: {  	[tilespmem:s26], [sflag:$0x1] =	stream.linear.gather [hbm4b:s25+s2], $0x80, $0x38;
	(v2sf) =	vpush v0, $0xC;
	[tilespmem:$0x10400] =	vst v63  }
0x2f9: {  	s25 =	sadd.s32 s3, s28;
	s26 =	sand.u32 $0x1FFFFFF0, s29;
	s28 =	spop (v2sf)  }
0x2fa: {  	[tilespmem:s0], [sflag:$0x1] =	stream.linear.gather [hbm4b:s25+s2], $0x80, $0x38;
	(v2sf) =	vpush v0, $0xD;
	[tilespmem:$0x10400] =	vst v63  }
0x2fb: {  	s0 =	sadd.s32 s3, s26;
	s25 =	sand.u32 $0x1FFFFFF0, s28;
	s26 =	spop (v2sf)  }
0x2fc: {  	[tilespmem:s1], [sflag:$0x1] =	stream.linear.gather [hbm4b:s0+s2], $0x80, $0x38;
	(v2sf) =	vpush v0, $0xE;
	[tilespmem:$0x10400] =	vst v63  }
0x2fd: {  	s0 =	sadd.s32 s3, s25;
	s1 =	sand.u32 $0x1FFFFFF0, s26;
	s25 =	spop (v2sf)  }
0x2fe: {  	[tilespmem:s10], [sflag:$0x1] =	stream.linear.gather [hbm4b:s0+s2], $0x80, $0x38;
	(v2sf) =	vpush v0, $0xF;
	[tilespmem:$0x10400] =	vst v63  }
0x2ff: {  	s0 =	sadd.s32 s3, s1;
	s1 =	sand.u32 $0x1FFFFFF0, s25;
	s10 =	spop (v2sf)  }
0x300: {  	[tilespmem:s24], [sflag:$0x1] =	stream.linear.gather [hbm4b:s0+s2], $0x80, $0x38;
	[tilespmem:$0x10400] =	vst v63  }
0x301: {  	s0 =	sadd.s32 s3, s1;
	s1 =	sand.u32 $0x1FFFFFF0, s10;
	s10 =	spop (v2sf)  }
0x302: {  	[tilespmem:s23], [sflag:$0x1] =	stream.linear.gather [hbm4b:s0+s2], $0x80, $0x38;
	[tilespmem:$0x10400] =	vst v63  }
0x303: {  	s0 =	sadd.s32 s3, s1;
	s1 =	sand.u32 $0x1FFFFFF0, s10;
	s10 =	spop (v2sf)  }
0x304: {  	[tilespmem:s22], [sflag:$0x1] =	stream.linear.gather [hbm4b:s0+s2], $0x80, $0x38;
	[tilespmem:$0x10400] =	vst v63  }
0x305: {  	s0 =	sadd.s32 s3, s1;
	s1 =	sand.u32 $0x1FFFFFF0, s10;
	s10 =	spop (v2sf)  }
0x306: {  	[tilespmem:s21], [sflag:$0x1] =	stream.linear.gather [hbm4b:s0+s2], $0x80, $0x38;
	[tilespmem:$0x10400] =	vst v63  }
0x307: {  	s0 =	sadd.s32 s3, s1  }
.Ltmp1:
0x308: {  	s1 =	sand.u32 $0x1FFFFFF0, s10;
	s10 =	spop (v2sf);
	(pc) =	sbr.rel @p0 .LBB2_4-.Ltmp1, $4  }
0x309: {  	[tilespmem:s20], [sflag:$0x1] =	stream.linear.gather [hbm4b:s0+s2], $0x80, $0x38;
	[tilespmem:$0x10400] =	vst v63  }
0x30a: {  	s0 =	sadd.s32 s3, s1;
	s1 =	sand.u32 $0x1FFFFFF0, s10;
	s10 =	spop (v2sf)  }
0x30b: {  	[tilespmem:s19], [sflag:$0x1] =	stream.linear.gather [hbm4b:s0+s2], $0x80, $0x38;
	[tilespmem:$0x10400] =	vst v63  }
0x30c: {  	s21 =	sadd.s32 s3, s1;
	s19 =	sand.u32 $0x1FFFFFF0, s10;
	s20 =	spop (v2sf)  }
0x30d: {  	[tilespmem:s18], [sflag:$0x1] =	stream.linear.gather [hbm4b:s21+s2], $0x80, $0x38;
	[tilespmem:$0x10400] =	vst v63  }
0x30e: {  	s0 =	sadd.s32 s3, s19;
	s1 =	sand.u32 $0x1FFFFFF0, s20;
	s10 =	spop (v2sf)  }
0x30f: {  	[tilespmem:s17], [sflag:$0x1] =	stream.linear.gather [hbm4b:s0+s2], $0x80, $0x38;
	[tilespmem:$0x10400] =	vst v63  }
0x310: {  	s29 =	sadd.s32 $0x2300, s15;
	s1 =	sadd.s32 s3, s1;
	s10 =	sand.u32 $0x1FFFFFF0, s10  }
0x311: {  	[tilespmem:s29], [sflag:$0x1] =	stream.linear.gather [hbm4b:s1+s2], $0x80, $0x38;
	[tilespmem:$0x10400] =	vst v63  }
0x312: {  	s30 =	sadd.s32 $0x2380, s15;
	s31 =	sadd.s32 s3, s10  }
0x313: {  	[tilespmem:s30], [sflag:$0x1] =	stream.linear.gather [hbm4b:s31+s2], $0x80, $0x38;
	[tilespmem:$0x10400] =	vst v63  }
0x314: {  	s13 =	sadd.s32 $0x1, s13;
	_ =	swait.ge [sflag:s11], $0x10000  }
0x315: {  	p0 =	sne.s32 s13, s8;
	[sflag:s11] =	ssyncset.done $0x0  }
.Ltmp2:
0x316: {  	[sflag:s11] =	ssyncadd.s32 $0xFFFF0000;
	(pc) =	sbr.rel @p0 .LBB2_1-.Ltmp2, $4  }
0x317: {  	[hbm4b:s7+s2] =	stream.linear.scatter [tilespmem:s12], [sflag:$0x2], $0x10000, $0x38;
	[tilespmem:$0x10400] =	vst v63  }
0x318: {  	_ =	swait.ge [sflag:s9], $0x10000  }
0x319: {  	[sflag:s9] =	ssyncset.done $0x0  }
0x31a: {  	[sflag:s9] =	ssyncadd.s32 $0xFFFF0000  }
0x31b: {  	_ =	sfence.sel $0x180000  }
0x31c: {  	[bflag:$0x0] =	sbarrier.arrive $0xFFFF  }
0x31d: {  	_ =	strace $0x90000047  }
0x31e: {  	s0 =	stileid.u32;
	[bflag:$0x2] =	sbarrier.arrive $0xFFFF  }
0x31f: {  	p0 =	sne.s32 s0, $0x0;
	s0 =	rddreg [dreg:$0x3]  }
0x320: {  	s0 =	sadd.s32 @!p0 $0x100000, s0  }
0x321: {  	[sflag:s0] =	ssyncadd.tile.s32 @!p0 $0x1;
	_ =	shalt  }
.Lfunc_end2:
_tile_overlayer_lowered:
.L_overlay_start_2:
0x322: {  	(tag) =	ssettag $0x2  }
0x323: {  	s0 =	rddreg [dreg:$0x0];
	s2 =	stileid.u32  }
0x324: {  	s1 =	rddreg [dreg:$0x1];
	p0 =	sne.s32 s2, $0x0  }
0x325: {  	s3 =	rddreg [dreg:$0x2];
	[bflag:$0x3] =	sbarrier.arrive $0xFFFF;
	s2 =	simm.s32 @!p0 $0x1C02  }
0x326: {  	[timem:s3], [sflag:s2] =	dma.local @!p0 [hbm:s0], s1  }
0x327: {  	s0 =	simm.s32 @!p0 $0x2  }
0x328: {  	_ =	swait.ge @!p0 [sflag:s0], s1  }
0x329: {  	s1 =	ssub.s32 @!p0 $0x0, s1;
	[sflag:s0] =	ssyncset.done @!p0 $0x0  }
0x32a: {  	[sflag:s0] =	ssyncadd.s32 @!p0 s1  }
0x32b: {  	[bflag:$0x3] =	sbarrier.arrive $0xFFFF  }
0x32c: {  	_ =	shalt  }

</sc_bundles>
